<compile_context>
chip_gen: v7x
topology: tpu7x:2x2x1
jax: 0.10.2.dev20260603
libtpu: 0.0.44.dev20260713+nightly
codegen_flags: <defaults>
</compile_context>

<pallas_src>
import functools
import jax
import jax.numpy as jnp
import numpy as np
from jax.experimental import pallas as pl
from jax.experimental.pallas import tpu as pltpu
from jax.experimental.pallas import tpu_sc as plsc

N_HEADS = 16
TOPK = 8
C = N_HEADS * TOPK
HP = jax.lax.Precision.HIGHEST


def _sim_kernel(te_ref, ie_ref, tW_ref, tb_ref, iW_ref, ib_ref,
                gg_ref, gb_ref, mk_ref, sim_ref):
    g = jax.lax.dot_general(te_ref[:], tW_ref[:], (((1,), (1,)), ((), ())),
                            precision=HP, preferred_element_type=jnp.float32)
    g = g + jax.lax.dot_general(ie_ref[:], iW_ref[:], (((1,), (1,)), ((), ())),
                                precision=HP, preferred_element_type=jnp.float32)
    g = g + tb_ref[:] + ib_ref[:]
    mu = jnp.mean(g, axis=1, keepdims=True)
    var = jnp.mean(jnp.square(g - mu), axis=1, keepdims=True)
    guide = (g - mu) * jax.lax.rsqrt(var + 1e-5) * gg_ref[:] + gb_ref[:]
    gnorm = jnp.sqrt(jnp.sum(guide * guide, axis=1, keepdims=True))
    gn = guide / jnp.maximum(gnorm, 1e-8)
    mk = mk_ref[:]
    knorm = jnp.sqrt(jnp.sum(mk * mk, axis=1, keepdims=True))
    kn = mk / jnp.maximum(knorm, 1e-8)
    sim_ref[:] = jax.lax.dot_general(gn, kn, (((1,), (1,)), ((), ())),
                                     precision=HP,
                                     preferred_element_type=jnp.float32)


def _make_sc_retrieve(B, M, D):
    nchunk = M // 16
    mesh = plsc.VectorSubcoreMesh(core_axis_name="c", subcore_axis_name="s")

    @functools.partial(
        pl.kernel, mesh=mesh,
        out_type=jax.ShapeDtypeStruct((B * TOPK, D), jnp.float32),
        scratch_types=[
            pltpu.VMEM((M,), jnp.float32),
            pltpu.VMEM((16,), jnp.int32),
            pltpu.VMEM((16, D), jnp.float32),
            pltpu.SemaphoreType.DMA,
        ],
    )
    def sc_retrieve(sim_hbm, mv_hbm, out_hbm, sim_v, idx_v, rows_v, sem):
        cid = jax.lax.axis_index("c")
        sid = jax.lax.axis_index("s")

        @pl.when((sid == 0) & (cid < B))
        def _():
            pltpu.sync_copy(sim_hbm.at[cid], sim_v)
            chunks = [sim_v[pl.ds(j * 16, 16)] for j in range(nchunk)]
            iota = jax.lax.iota(jnp.int32, 16)
            idxvec = jnp.zeros((16,), jnp.int32)
            neg = jnp.float32(-jnp.inf)
            for t in range(TOPK):
                vm = chunks[0]
                for j in range(1, nchunk):
                    vm = jnp.maximum(vm, chunks[j])
                for sh in (1, 2, 4, 8):
                    vm = jnp.maximum(vm, vm[iota ^ sh])
                cand = jnp.full((16,), jnp.int32(M), jnp.int32)
                for j in range(nchunk):
                    cj = jnp.where(chunks[j] == vm, iota + j * 16,
                                   jnp.int32(M))
                    cand = jnp.minimum(cand, cj)
                for sh in (1, 2, 4, 8):
                    cand = jnp.minimum(cand, cand[iota ^ sh])
                idxvec = jnp.where(iota == t, cand, idxvec)
                for j in range(nchunk):
                    chunks[j] = jnp.where(iota + j * 16 == cand, neg,
                                          chunks[j])
            idx_v[...] = idxvec
            pltpu.async_copy(mv_hbm.at[idx_v], rows_v, sem).wait()
            pltpu.sync_copy(rows_v.at[pl.ds(0, TOPK)],
                            out_hbm.at[pl.ds(cid * TOPK, TOPK)])

    return sc_retrieve


def _main_kernel(mt_ref, kb_ref, vb_ref, qb_ref, kW_ref, vW_ref, qW_ref,
                 oW_ref, x_ref, ob_ref, ng_ref, nb_ref,
                 out_ref, w1_s, b1_s, w2_s, kW_v, vW_v, qW_v, oW_v,
                 sem_k, sem_v, sem_q, sem_o):
    b = pl.program_id(0)
    s = pl.program_id(1)
    D = qW_v.shape[0]
    dh = D // N_HEADS
    B = w1_s.shape[0]

    @pl.when((b == 0) & (s == 0))
    def _fold():
        cp_k = pltpu.make_async_copy(kW_ref, kW_v, sem_k)
        cp_v = pltpu.make_async_copy(vW_ref, vW_v, sem_v)
        cp_q = pltpu.make_async_copy(qW_ref, qW_v, sem_q)
        cp_o = pltpu.make_async_copy(oW_ref, oW_v, sem_o)
        cp_k.start()
        cp_v.start()
        cp_q.start()
        cp_o.start()
        mt = mt_ref[:]
        cp_k.wait()
        K = jax.lax.dot_general(mt, kW_v[:], (((1,), (1,)), ((), ())),
                                preferred_element_type=jnp.float32) + kb_ref[:]
        cp_v.wait()
        V = jax.lax.dot_general(mt, vW_v[:], (((1,), (1,)), ((), ())),
                                preferred_element_type=jnp.float32) + vb_ref[:]
        cp_q.wait()
        cp_o.wait()
        scale = 1.0 / np.sqrt(dh)
        hc = jax.lax.broadcasted_iota(jnp.int32, (C, D), 0) // TOPK
        hd = jax.lax.broadcasted_iota(jnp.int32, (C, D), 1) // dh
        Mmask = (hc == hd).astype(jnp.float32)
        ci = jax.lax.broadcasted_iota(jnp.int32, (C, TOPK * B), 0)
        rj = jax.lax.broadcasted_iota(jnp.int32, (C, TOPK * B), 1)
        for bb in range(B):
            P = (rj == bb * TOPK + ci % TOPK).astype(jnp.float32)
            KbM = jnp.dot(P, K, preferred_element_type=jnp.float32) * Mmask
            VbM = jnp.dot(P, V, preferred_element_type=jnp.float32) * Mmask
            w1_s[bb] = scale * jax.lax.dot_general(
                qW_v[:], KbM, (((0,), (1,)), ((), ())),
                preferred_element_type=jnp.float32)
            b1_s[bb] = scale * jax.lax.dot_general(
                qb_ref[:], KbM, (((1,), (1,)), ((), ())),
                preferred_element_type=jnp.float32)
            w2_s[bb] = jax.lax.dot_general(
                VbM, oW_v[:], (((1,), (1,)), ((), ())),
                preferred_element_type=jnp.float32)

    xt = x_ref[0]
    l = (jnp.dot(xt, w1_s[b], preferred_element_type=jnp.float32) + b1_s[b])
    mx = jnp.max(l, axis=1, keepdims=True)
    e = jnp.exp(l - mx)
    gi = jax.lax.broadcasted_iota(jnp.int32, (C, C), 0) // TOPK
    gj = jax.lax.broadcasted_iota(jnp.int32, (C, C), 1) // TOPK
    G = (gi == gj).astype(jnp.float32)
    sums = jnp.dot(e, G, preferred_element_type=jnp.float32)
    p = e / sums
    y = jnp.dot(p, w2_s[b], preferred_element_type=jnp.float32) + ob_ref[:]
    r = xt + y
    mu = jnp.mean(r, axis=1, keepdims=True)
    var = jnp.mean(jnp.square(r - mu), axis=1, keepdims=True)
    out_ref[0] = (r - mu) * jax.lax.rsqrt(var + 1e-5) * ng_ref[:] + nb_ref[:]


def kernel(x, mem_keys, mem_values, text_emb, image_emb, text_W, text_b,
           img_W, img_b, gn_g, gn_b, qW, qb, kW, kb, vW, vb, oW, ob, n_g, n_b):
    B, S, D = x.shape
    M = mem_keys.shape[0]
    tb = text_b.reshape(1, -1)
    ib = img_b.reshape(1, -1)
    gg = gn_g.reshape(1, -1)
    gb = gn_b.reshape(1, -1)
    qb2 = qb.reshape(1, -1)
    kb2 = kb.reshape(1, -1)
    vb2 = vb.reshape(1, -1)
    ob2 = ob.reshape(1, -1)
    ng2 = n_g.reshape(1, -1)
    nb2 = n_b.reshape(1, -1)

    sim = pl.pallas_call(
        _sim_kernel,
        out_shape=jax.ShapeDtypeStruct((B, M), jnp.float32),
    )(text_emb, image_emb, text_W, tb, img_W, ib, gg, gb, mem_keys)

    mt = _make_sc_retrieve(B, M, D)(sim, mem_values)

    TS = 512
    full = lambda *shape: pl.BlockSpec(shape, lambda b, s: (0,) * len(shape))
    hbm = lambda: pl.BlockSpec(memory_space=pltpu.MemorySpace.HBM)
    out = pl.pallas_call(
        _main_kernel,
        grid=(B, S // TS),
        in_specs=[
            full(B * TOPK, D), full(1, D), full(1, D), full(1, D),
            hbm(), hbm(), hbm(), hbm(),
            pl.BlockSpec((1, TS, D), lambda b, s: (b, s, 0)),
            full(1, D), full(1, D), full(1, D),
        ],
        out_specs=pl.BlockSpec((1, TS, D), lambda b, s: (b, s, 0)),
        out_shape=jax.ShapeDtypeStruct((B, S, D), jnp.float32),
        scratch_shapes=[
            pltpu.VMEM((B, D, C), jnp.float32),
            pltpu.VMEM((B, 1, C), jnp.float32),
            pltpu.VMEM((B, C, D), jnp.float32),
            pltpu.VMEM((D, D), jnp.float32),
            pltpu.VMEM((D, D), jnp.float32),
            pltpu.VMEM((D, D), jnp.float32),
            pltpu.VMEM((D, D), jnp.float32),
            pltpu.SemaphoreType.DMA,
            pltpu.SemaphoreType.DMA,
            pltpu.SemaphoreType.DMA,
            pltpu.SemaphoreType.DMA,
        ],
    )(mt, kb2, vb2, qb2, kW, vW, qW, oW, x, ob2, ng2, nb2)
    return out

# --- scband reference (transcript-rebuilt; emitter-appended) ---
"""Pipeline reference for scband-semantic-pack-3126736191705 (READ-ONLY COPY).

The authoritative reference and input builder live on the scoring server;
editing this copy changes nothing except your own understanding.
"""

import jax, jax.numpy as jnp
import numpy as np

N_HEADS = 16
TOPK = 8

def _ln(x, g, b, eps=1e-5):
    m = jnp.mean(x, axis=-1, keepdims=True)
    v = jnp.var(x, axis=-1, keepdims=True)
    return (x - m) / jnp.sqrt(v + eps) * g + b

def _lin_init(k, i, o):
    k1, k2 = jax.random.split(k)
    w = jax.random.normal(k1, (o, i), dtype=jnp.float32) / np.sqrt(i)
    b = jnp.zeros((o,), dtype=jnp.float32)
    return w, b

def setup_inputs(seed: int = 0) -> dict:
    key = jax.random.key(seed)
    ks = jax.random.split(key, 16)
    B, S, D = 2, 2048, 1024
    M, TD, ID = 256, 768, 1024
    d = {}
    d['x'] = jax.random.normal(ks[0], (B, S, D), dtype=jnp.float32)
    d['mem_keys'] = jax.random.normal(ks[1], (M, D), dtype=jnp.float32)
    d['mem_values'] = jax.random.normal(ks[2], (M, D), dtype=jnp.float32)
    d['text_emb'] = jax.random.normal(ks[3], (B, TD), dtype=jnp.float32)
    d['image_emb'] = jax.random.normal(ks[4], (B, ID), dtype=jnp.float32)
    d['text_W'], d['text_b'] = _lin_init(ks[5], TD, D)
    d['img_W'], d['img_b'] = _lin_init(ks[6], ID, D)
    d['gn_g'] = jnp.ones((D,), dtype=jnp.float32)
    d['gn_b'] = jnp.zeros((D,), dtype=jnp.float32)
    d['qW'], d['qb'] = _lin_init(ks[7], D, D)
    d['kW'], d['kb'] = _lin_init(ks[8], D, D)
    d['vW'], d['vb'] = _lin_init(ks[9], D, D)
    d['oW'], d['ob'] = _lin_init(ks[10], D, D)
    d['n_g'] = jnp.ones((D,), dtype=jnp.float32)
    d['n_b'] = jnp.zeros((D,), dtype=jnp.float32)
    return d

def reference(x, mem_keys, mem_values, text_emb, image_emb, text_W, text_b, img_W, img_b, gn_g, gn_b, qW, qb, kW, kb, vW, vb, oW, ob, n_g, n_b):
    B, S, D = x.shape
    dh = D // N_HEADS
    # guidance query
    guide = _ln(text_emb @ text_W.T + text_b + image_emb @ img_W.T + img_b, gn_g, gn_b)
    # cosine-similarity retrieval (topk over memory bank, per batch element)
    gn = guide / jnp.clip(jnp.linalg.norm(guide, axis=-1, keepdims=True), 1e-8)
    kn = mem_keys / jnp.clip(jnp.linalg.norm(mem_keys, axis=-1, keepdims=True), 1e-8)
    sim = gn @ kn.T  # [B, M]
    _, idx = jax.lax.top_k(sim, TOPK)  # [B, TOPK]
    mem_tokens = jnp.take(mem_values, idx, axis=0)  # [B, TOPK, D]
    def split_heads(t):
        return t.reshape(t.shape[0], t.shape[1], N_HEADS, dh).transpose(0, 2, 1, 3)
    Q = split_heads(x @ qW.T + qb)
    K = split_heads(mem_tokens @ kW.T + kb)
    V = split_heads(mem_tokens @ vW.T + vb)
    scale = np.sqrt(dh)
    attn = jax.nn.softmax((Q @ K.transpose(0, 1, 3, 2)) / scale, axis=-1)
    out = (attn @ V).transpose(0, 2, 1, 3).reshape(B, S, D)
    out = out @ oW.T + ob
    return _ln(x + out, n_g, n_b)

if __name__ == "__main__":
    import jax
    _d = setup_inputs()
    print(jax.jit(kernel)(*tuple(_d.values())))

</pallas_src>

<mosaic_0001>
#map = affine_map<(d0, d1) -> (0, 0)>
module attributes {stable_mosaic.version = 14 : i64} {
  func.func @sc_retrieve(%arg0: i32, %arg1: i32, %arg2: memref<2x256xf32, #tpu.memory_space<hbm>>, %arg3: memref<256x1024xf32, #tpu.memory_space<hbm>>, %arg4: memref<16x1024xf32, #tpu.memory_space<hbm>>, %arg5: memref<256xf32, #tpu.memory_space<vmem>>, %arg6: memref<16xi32, #tpu.memory_space<vmem>>, %arg7: memref<16x1024xf32, #tpu.memory_space<vmem>>, %arg8: memref<!tpu.dma_semaphore, #tpu.memory_space<semaphore_mem>>) attributes {dimension_semantics = [#tpu.dimension_semantics<core_parallel>, #tpu.dimension_semantics<subcore_parallel>], iteration_bounds = array<i64: 2, 16>, scalar_prefetch = 0 : i64, scratch_operands = 4 : i64, tpu.core_type = #tpu.core_type<sc_vector_subcore>, window_params = [{transform_indices = #map}, {transform_indices = #map}, {transform_indices = #map}]} {
    %eq3A = arith.constant 0 : i32
    %eq3A_0 = arith.cmpi eq, %arg1, %eq3A : i32
    %lt3A = arith.constant 2 : i32
    %lt3A_1 = arith.cmpi slt, %arg0, %lt3A : i32
    %and3A = arith.andi %eq3A_0, %lt3A_1 : i1
    %convert_element_type3A = arith.extui %and3A : i1 to i32
    %cond3A = arith.constant 0 : i32
    %cond3A_2 = arith.cmpi ne, %convert_element_type3A, %cond3A : i32
    scf.if %cond3A_2 {
      "tpu.region"() ({
        %run_scoped3A = tpu.sem_alloc : memref<!tpu.dma_semaphore, #tpu.memory_space<semaphore_mem>>
        %dma_start3A_3036 = arith.constant 0 : i32
        %dma_start3A_3037 = tpu.memref_slice %arg2[%arg0, %dma_start3A_3036] : memref<2x256xf32, #tpu.memory_space<hbm>> -> memref<1x256xf32, #tpu.memory_space<hbm>>
        %dma_start3A_3038 = tpu.memref_squeeze %dma_start3A_3037 : memref<1x256xf32, #tpu.memory_space<hbm>> -> memref<256xf32, #tpu.memory_space<hbm>>
        %dma_start3A_3039 = arith.constant 0 : i32
        %dma_start3A_3040 = tpu.memref_slice %arg2[%arg0, %dma_start3A_3039] : memref<2x256xf32, #tpu.memory_space<hbm>> -> memref<1x256xf32, #tpu.memory_space<hbm>>
        %dma_start3A_3041 = tpu.memref_squeeze %dma_start3A_3040 : memref<1x256xf32, #tpu.memory_space<hbm>> -> memref<256xf32, #tpu.memory_space<hbm>>
        tpu.enqueue_dma source(%dma_start3A_3041 : memref<256xf32, #tpu.memory_space<hbm>>) target(%arg5 : memref<256xf32, #tpu.memory_space<vmem>>) target_semaphore(%run_scoped3A : memref<!tpu.dma_semaphore, #tpu.memory_space<semaphore_mem>>)
        %dma_wait3A_3042 = arith.constant 0 : i32
        %dma_wait3A_3043 = tpu.memref_slice %arg2[%arg0, %dma_wait3A_3042] : memref<2x256xf32, #tpu.memory_space<hbm>> -> memref<1x256xf32, #tpu.memory_space<hbm>>
        %dma_wait3A_3044 = tpu.memref_squeeze %dma_wait3A_3043 : memref<1x256xf32, #tpu.memory_space<hbm>> -> memref<256xf32, #tpu.memory_space<hbm>>
        %dma_wait3A_3045 = arith.constant 0 : i32
        %dma_wait3A_3046 = tpu.memref_slice %arg2[%arg0, %dma_wait3A_3045] : memref<2x256xf32, #tpu.memory_space<hbm>> -> memref<1x256xf32, #tpu.memory_space<hbm>>
        %dma_wait3A_3047 = tpu.memref_squeeze %dma_wait3A_3046 : memref<1x256xf32, #tpu.memory_space<hbm>> -> memref<256xf32, #tpu.memory_space<hbm>>
        tpu.wait_dma2 semaphore(%run_scoped3A : memref<!tpu.dma_semaphore, #tpu.memory_space<semaphore_mem>>) src(%dma_wait3A_3047 : memref<256xf32, #tpu.memory_space<hbm>>) dst(%arg5 : memref<256xf32, #tpu.memory_space<vmem>>)
        tpu.yield
      }) : () -> ()
      %get3A = arith.constant 0 : index
      %get3A_3 = tpu.vector_load %arg5[%get3A] {strides = array<i32>} : memref<256xf32, #tpu.memory_space<vmem>>, vector<16xf32>,
      %get3A_4 = vector.shape_cast %get3A_3 : vector<16xf32> to vector<16xf32>
      %get3A_5 = arith.constant 16 : index
      %get3A_6 = tpu.vector_load %arg5[%get3A_5] {strides = array<i32>} : memref<256xf32, #tpu.memory_space<vmem>>, vector<16xf32>,
      %get3A_7 = vector.shape_cast %get3A_6 : vector<16xf32> to vector<16xf32>
      %get3A_8 = arith.constant 32 : index
      %get3A_9 = tpu.vector_load %arg5[%get3A_8] {strides = array<i32>} : memref<256xf32, #tpu.memory_space<vmem>>, vector<16xf32>,
      %get3A_10 = vector.shape_cast %get3A_9 : vector<16xf32> to vector<16xf32>
      %get3A_11 = arith.constant 48 : index
      %get3A_12 = tpu.vector_load %arg5[%get3A_11] {strides = array<i32>} : memref<256xf32, #tpu.memory_space<vmem>>, vector<16xf32>,
      %get3A_13 = vector.shape_cast %get3A_12 : vector<16xf32> to vector<16xf32>
      %get3A_14 = arith.constant 64 : index
      %get3A_15 = tpu.vector_load %arg5[%get3A_14] {strides = array<i32>} : memref<256xf32, #tpu.memory_space<vmem>>, vector<16xf32>,
      %get3A_16 = vector.shape_cast %get3A_15 : vector<16xf32> to vector<16xf32>
      %get3A_17 = arith.constant 80 : index
      %get3A_18 = tpu.vector_load %arg5[%get3A_17] {strides = array<i32>} : memref<256xf32, #tpu.memory_space<vmem>>, vector<16xf32>,
      %get3A_19 = vector.shape_cast %get3A_18 : vector<16xf32> to vector<16xf32>
      %get3A_20 = arith.constant 96 : index
      %get3A_21 = tpu.vector_load %arg5[%get3A_20] {strides = array<i32>} : memref<256xf32, #tpu.memory_space<vmem>>, vector<16xf32>,
      %get3A_22 = vector.shape_cast %get3A_21 : vector<16xf32> to vector<16xf32>
      %get3A_23 = arith.constant 112 : index
      %get3A_24 = tpu.vector_load %arg5[%get3A_23] {strides = array<i32>} : memref<256xf32, #tpu.memory_space<vmem>>, vector<16xf32>,
      %get3A_25 = vector.shape_cast %get3A_24 : vector<16xf32> to vector<16xf32>
      %get3A_26 = arith.constant 128 : index
      %get3A_27 = tpu.vector_load %arg5[%get3A_26] {strides = array<i32>} : memref<256xf32, #tpu.memory_space<vmem>>, vector<16xf32>,
      %get3A_28 = vector.shape_cast %get3A_27 : vector<16xf32> to vector<16xf32>
      %get3A_29 = arith.constant 144 : index
      %get3A_30 = tpu.vector_load %arg5[%get3A_29] {strides = array<i32>} : memref<256xf32, #tpu.memory_space<vmem>>, vector<16xf32>,
      %get3A_31 = vector.shape_cast %get3A_30 : vector<16xf32> to vector<16xf32>
      %get3A_32 = arith.constant 160 : index
      %get3A_33 = tpu.vector_load %arg5[%get3A_32] {strides = array<i32>} : memref<256xf32, #tpu.memory_space<vmem>>, vector<16xf32>,
      %get3A_34 = vector.shape_cast %get3A_33 : vector<16xf32> to vector<16xf32>
      %get3A_35 = arith.constant 176 : index
      %get3A_36 = tpu.vector_load %arg5[%get3A_35] {strides = array<i32>} : memref<256xf32, #tpu.memory_space<vmem>>, vector<16xf32>,
      %get3A_37 = vector.shape_cast %get3A_36 : vector<16xf32> to vector<16xf32>
      %get3A_38 = arith.constant 192 : index
      %get3A_39 = tpu.vector_load %arg5[%get3A_38] {strides = array<i32>} : memref<256xf32, #tpu.memory_space<vmem>>, vector<16xf32>,
      %get3A_40 = vector.shape_cast %get3A_39 : vector<16xf32> to vector<16xf32>
      %get3A_41 = arith.constant 208 : index
      %get3A_42 = tpu.vector_load %arg5[%get3A_41] {strides = array<i32>} : memref<256xf32, #tpu.memory_space<vmem>>, vector<16xf32>,
      %get3A_43 = vector.shape_cast %get3A_42 : vector<16xf32> to vector<16xf32>
      %get3A_44 = arith.constant 224 : index
      %get3A_45 = tpu.vector_load %arg5[%get3A_44] {strides = array<i32>} : memref<256xf32, #tpu.memory_space<vmem>>, vector<16xf32>,
      %get3A_46 = vector.shape_cast %get3A_45 : vector<16xf32> to vector<16xf32>
      %get3A_47 = arith.constant 240 : index
      %get3A_48 = tpu.vector_load %arg5[%get3A_47] {strides = array<i32>} : memref<256xf32, #tpu.memory_space<vmem>>, vector<16xf32>,
      %get3A_49 = vector.shape_cast %get3A_48 : vector<16xf32> to vector<16xf32>
      %iota3A = tpu.iota {dimensions = array<i32: 0>} : vector<16xi32>
      %broadcast_in_dim3A = arith.constant 0 : i32
      %broadcast_in_dim3A_50 = vector.broadcast %broadcast_in_dim3A : i32 to vector<16xi32>
      %max3A = arith.maximumf %get3A_4, %get3A_7 : vector<16xf32>
      %max3A_51 = arith.maximumf %max3A, %get3A_10 : vector<16xf32>
      %max3A_52 = arith.maximumf %max3A_51, %get3A_13 : vector<16xf32>
      %max3A_53 = arith.maximumf %max3A_52, %get3A_16 : vector<16xf32>
      %max3A_54 = arith.maximumf %max3A_53, %get3A_19 : vector<16xf32>
      %max3A_55 = arith.maximumf %max3A_54, %get3A_22 : vector<16xf32>
      %max3A_56 = arith.maximumf %max3A_55, %get3A_25 : vector<16xf32>
      %max3A_57 = arith.maximumf %max3A_56, %get3A_28 : vector<16xf32>
      %max3A_58 = arith.maximumf %max3A_57, %get3A_31 : vector<16xf32>
      %max3A_59 = arith.maximumf %max3A_58, %get3A_34 : vector<16xf32>
      %max3A_60 = arith.maximumf %max3A_59, %get3A_37 : vector<16xf32>
      %max3A_61 = arith.maximumf %max3A_60, %get3A_40 : vector<16xf32>
      %max3A_62 = arith.maximumf %max3A_61, %get3A_43 : vector<16xf32>
      %max3A_63 = arith.maximumf %max3A_62, %get3A_46 : vector<16xf32>
      %max3A_64 = arith.maximumf %max3A_63, %get3A_49 : vector<16xf32>
      %xor3A = arith.constant 1 : i32
      %xor3A_65 = vector.broadcast %xor3A : i32 to vector<16xi32>
      %xor3A_66 = arith.xori %iota3A, %xor3A_65 : vector<16xi32>
      %lt3A_67 = arith.constant 0 : i32
      %lt3A_68 = vector.broadcast %lt3A_67 : i32 to vector<16xi32>
      %lt3A_69 = arith.cmpi slt, %xor3A_66, %lt3A_68 : vector<16xi32>
      %add3A = arith.constant 16 : i32
      %add3A_70 = vector.broadcast %add3A : i32 to vector<16xi32>
      %add3A_71 = arith.addi %xor3A_66, %add3A_70 : vector<16xi32>
      %select_n3A = arith.select %lt3A_69, %add3A_71, %xor3A_66 : vector<16xi1>, vector<16xi32>
      %broadcast_in_dim3A_72 = vector.shape_cast %select_n3A : vector<16xi32> to vector<16x1xi32>
      %gather3A = vector.shape_cast %broadcast_in_dim3A_72 : vector<16x1xi32> to vector<16xi32>
      %gather3A_73 = tpu.dynamic_gather %max3A_64[%gather3A] in [0] : vector<16xf32>, vector<16xi32> -> vector<16xf32>
      %max3A_74 = arith.maximumf %max3A_64, %gather3A_73 : vector<16xf32>
      %xor3A_75 = arith.constant 2 : i32
      %xor3A_76 = vector.broadcast %xor3A_75 : i32 to vector<16xi32>
      %xor3A_77 = arith.xori %iota3A, %xor3A_76 : vector<16xi32>
      %lt3A_78 = arith.constant 0 : i32
      %lt3A_79 = vector.broadcast %lt3A_78 : i32 to vector<16xi32>
      %lt3A_80 = arith.cmpi slt, %xor3A_77, %lt3A_79 : vector<16xi32>
      %add3A_81 = arith.constant 16 : i32
      %add3A_82 = vector.broadcast %add3A_81 : i32 to vector<16xi32>
      %add3A_83 = arith.addi %xor3A_77, %add3A_82 : vector<16xi32>
      %select_n3A_84 = arith.select %lt3A_80, %add3A_83, %xor3A_77 : vector<16xi1>, vector<16xi32>
      %broadcast_in_dim3A_85 = vector.shape_cast %select_n3A_84 : vector<16xi32> to vector<16x1xi32>
      %gather3A_86 = vector.shape_cast %broadcast_in_dim3A_85 : vector<16x1xi32> to vector<16xi32>
      %gather3A_87 = tpu.dynamic_gather %max3A_74[%gather3A_86] in [0] : vector<16xf32>, vector<16xi32> -> vector<16xf32>
      %max3A_88 = arith.maximumf %max3A_74, %gather3A_87 : vector<16xf32>
      %xor3A_89 = arith.constant 4 : i32
      %xor3A_90 = vector.broadcast %xor3A_89 : i32 to vector<16xi32>
      %xor3A_91 = arith.xori %iota3A, %xor3A_90 : vector<16xi32>
      %lt3A_92 = arith.constant 0 : i32
      %lt3A_93 = vector.broadcast %lt3A_92 : i32 to vector<16xi32>
      %lt3A_94 = arith.cmpi slt, %xor3A_91, %lt3A_93 : vector<16xi32>
      %add3A_95 = arith.constant 16 : i32
      %add3A_96 = vector.broadcast %add3A_95 : i32 to vector<16xi32>
      %add3A_97 = arith.addi %xor3A_91, %add3A_96 : vector<16xi32>
      %select_n3A_98 = arith.select %lt3A_94, %add3A_97, %xor3A_91 : vector<16xi1>, vector<16xi32>
      %broadcast_in_dim3A_99 = vector.shape_cast %select_n3A_98 : vector<16xi32> to vector<16x1xi32>
      %gather3A_100 = vector.shape_cast %broadcast_in_dim3A_99 : vector<16x1xi32> to vector<16xi32>
      %gather3A_101 = tpu.dynamic_gather %max3A_88[%gather3A_100] in [0] : vector<16xf32>, vector<16xi32> -> vector<16xf32>
      %max3A_102 = arith.maximumf %max3A_88, %gather3A_101 : vector<16xf32>
      %xor3A_103 = arith.constant 8 : i32
      %xor3A_104 = vector.broadcast %xor3A_103 : i32 to vector<16xi32>
      %xor3A_105 = arith.xori %iota3A, %xor3A_104 : vector<16xi32>
      %lt3A_106 = arith.constant 0 : i32
      %lt3A_107 = vector.broadcast %lt3A_106 : i32 to vector<16xi32>
      %lt3A_108 = arith.cmpi slt, %xor3A_105, %lt3A_107 : vector<16xi32>
      %add3A_109 = arith.constant 16 : i32
      %add3A_110 = vector.broadcast %add3A_109 : i32 to vector<16xi32>
      %add3A_111 = arith.addi %xor3A_105, %add3A_110 : vector<16xi32>
      %select_n3A_112 = arith.select %lt3A_108, %add3A_111, %xor3A_105 : vector<16xi1>, vector<16xi32>
      %broadcast_in_dim3A_113 = vector.shape_cast %select_n3A_112 : vector<16xi32> to vector<16x1xi32>
      %gather3A_114 = vector.shape_cast %broadcast_in_dim3A_113 : vector<16x1xi32> to vector<16xi32>
      %gather3A_115 = tpu.dynamic_gather %max3A_102[%gather3A_114] in [0] : vector<16xf32>, vector<16xi32> -> vector<16xf32>
      %max3A_116 = arith.maximumf %max3A_102, %gather3A_115 : vector<16xf32>
      %broadcast_in_dim3A_117 = arith.constant 256 : i32
      %broadcast_in_dim3A_118 = vector.broadcast %broadcast_in_dim3A_117 : i32 to vector<16xi32>
      %eq3A_119 = arith.cmpf oeq, %get3A_4, %max3A_116 : vector<16xf32>
      %add3A_120 = arith.constant 0 : i32
      %add3A_121 = vector.broadcast %add3A_120 : i32 to vector<16xi32>
      %add3A_122 = arith.addi %iota3A, %add3A_121 : vector<16xi32>
      %jit3A = arith.constant 256 : i32
      %broadcast_in_dim3A_123 = vector.broadcast %jit3A : i32 to vector<16xi32>
      %select_n3A_124 = arith.select %eq3A_119, %add3A_122, %broadcast_in_dim3A_123 : vector<16xi1>, vector<16xi32>
      %min3A = arith.minsi %broadcast_in_dim3A_118, %select_n3A_124 : vector<16xi32>
      %eq3A_125 = arith.cmpf oeq, %get3A_7, %max3A_116 : vector<16xf32>
      %add3A_126 = arith.constant 16 : i32
      %add3A_127 = vector.broadcast %add3A_126 : i32 to vector<16xi32>
      %add3A_128 = arith.addi %iota3A, %add3A_127 : vector<16xi32>
      %jit3A_129 = arith.constant 256 : i32
      %broadcast_in_dim3A_130 = vector.broadcast %jit3A_129 : i32 to vector<16xi32>
      %select_n3A_131 = arith.select %eq3A_125, %add3A_128, %broadcast_in_dim3A_130 : vector<16xi1>, vector<16xi32>
      %min3A_132 = arith.minsi %min3A, %select_n3A_131 : vector<16xi32>
      %eq3A_133 = arith.cmpf oeq, %get3A_10, %max3A_116 : vector<16xf32>
      %add3A_134 = arith.constant 32 : i32
      %add3A_135 = vector.broadcast %add3A_134 : i32 to vector<16xi32>
      %add3A_136 = arith.addi %iota3A, %add3A_135 : vector<16xi32>
      %jit3A_137 = arith.constant 256 : i32
      %broadcast_in_dim3A_138 = vector.broadcast %jit3A_137 : i32 to vector<16xi32>
      %select_n3A_139 = arith.select %eq3A_133, %add3A_136, %broadcast_in_dim3A_138 : vector<16xi1>, vector<16xi32>
      %min3A_140 = arith.minsi %min3A_132, %select_n3A_139 : vector<16xi32>
      %eq3A_141 = arith.cmpf oeq, %get3A_13, %max3A_116 : vector<16xf32>
      %add3A_142 = arith.constant 48 : i32
      %add3A_143 = vector.broadcast %add3A_142 : i32 to vector<16xi32>
      %add3A_144 = arith.addi %iota3A, %add3A_143 : vector<16xi32>
      %jit3A_145 = arith.constant 256 : i32
      %broadcast_in_dim3A_146 = vector.broadcast %jit3A_145 : i32 to vector<16xi32>
      %select_n3A_147 = arith.select %eq3A_141, %add3A_144, %broadcast_in_dim3A_146 : vector<16xi1>, vector<16xi32>
      %min3A_148 = arith.minsi %min3A_140, %select_n3A_147 : vector<16xi32>
      %eq3A_149 = arith.cmpf oeq, %get3A_16, %max3A_116 : vector<16xf32>
      %add3A_150 = arith.constant 64 : i32
      %add3A_151 = vector.broadcast %add3A_150 : i32 to vector<16xi32>
      %add3A_152 = arith.addi %iota3A, %add3A_151 : vector<16xi32>
      %jit3A_153 = arith.constant 256 : i32
      %broadcast_in_dim3A_154 = vector.broadcast %jit3A_153 : i32 to vector<16xi32>
      %select_n3A_155 = arith.select %eq3A_149, %add3A_152, %broadcast_in_dim3A_154 : vector<16xi1>, vector<16xi32>
      %min3A_156 = arith.minsi %min3A_148, %select_n3A_155 : vector<16xi32>
      %eq3A_157 = arith.cmpf oeq, %get3A_19, %max3A_116 : vector<16xf32>
      %add3A_158 = arith.constant 80 : i32
      %add3A_159 = vector.broadcast %add3A_158 : i32 to vector<16xi32>
      %add3A_160 = arith.addi %iota3A, %add3A_159 : vector<16xi32>
      %jit3A_161 = arith.constant 256 : i32
      %broadcast_in_dim3A_162 = vector.broadcast %jit3A_161 : i32 to vector<16xi32>
      %select_n3A_163 = arith.select %eq3A_157, %add3A_160, %broadcast_in_dim3A_162 : vector<16xi1>, vector<16xi32>
      %min3A_164 = arith.minsi %min3A_156, %select_n3A_163 : vector<16xi32>
      %eq3A_165 = arith.cmpf oeq, %get3A_22, %max3A_116 : vector<16xf32>
      %add3A_166 = arith.constant 96 : i32
      %add3A_167 = vector.broadcast %add3A_166 : i32 to vector<16xi32>
      %add3A_168 = arith.addi %iota3A, %add3A_167 : vector<16xi32>
      %jit3A_169 = arith.constant 256 : i32
      %broadcast_in_dim3A_170 = vector.broadcast %jit3A_169 : i32 to vector<16xi32>
      %select_n3A_171 = arith.select %eq3A_165, %add3A_168, %broadcast_in_dim3A_170 : vector<16xi1>, vector<16xi32>
      %min3A_172 = arith.minsi %min3A_164, %select_n3A_171 : vector<16xi32>
      %eq3A_173 = arith.cmpf oeq, %get3A_25, %max3A_116 : vector<16xf32>
      %add3A_174 = arith.constant 112 : i32
      %add3A_175 = vector.broadcast %add3A_174 : i32 to vector<16xi32>
      %add3A_176 = arith.addi %iota3A, %add3A_175 : vector<16xi32>
      %jit3A_177 = arith.constant 256 : i32
      %broadcast_in_dim3A_178 = vector.broadcast %jit3A_177 : i32 to vector<16xi32>
      %select_n3A_179 = arith.select %eq3A_173, %add3A_176, %broadcast_in_dim3A_178 : vector<16xi1>, vector<16xi32>
      %min3A_180 = arith.minsi %min3A_172, %select_n3A_179 : vector<16xi32>
      %eq3A_181 = arith.cmpf oeq, %get3A_28, %max3A_116 : vector<16xf32>
      %add3A_182 = arith.constant 128 : i32
      %add3A_183 = vector.broadcast %add3A_182 : i32 to vector<16xi32>
      %add3A_184 = arith.addi %iota3A, %add3A_183 : vector<16xi32>
      %jit3A_185 = arith.constant 256 : i32
      %broadcast_in_dim3A_186 = vector.broadcast %jit3A_185 : i32 to vector<16xi32>
      %select_n3A_187 = arith.select %eq3A_181, %add3A_184, %broadcast_in_dim3A_186 : vector<16xi1>, vector<16xi32>
      %min3A_188 = arith.minsi %min3A_180, %select_n3A_187 : vector<16xi32>
      %eq3A_189 = arith.cmpf oeq, %get3A_31, %max3A_116 : vector<16xf32>
      %add3A_190 = arith.constant 144 : i32
      %add3A_191 = vector.broadcast %add3A_190 : i32 to vector<16xi32>
      %add3A_192 = arith.addi %iota3A, %add3A_191 : vector<16xi32>
      %jit3A_193 = arith.constant 256 : i32
      %broadcast_in_dim3A_194 = vector.broadcast %jit3A_193 : i32 to vector<16xi32>
      %select_n3A_195 = arith.select %eq3A_189, %add3A_192, %broadcast_in_dim3A_194 : vector<16xi1>, vector<16xi32>
      %min3A_196 = arith.minsi %min3A_188, %select_n3A_195 : vector<16xi32>
      %eq3A_197 = arith.cmpf oeq, %get3A_34, %max3A_116 : vector<16xf32>
      %add3A_198 = arith.constant 160 : i32
      %add3A_199 = vector.broadcast %add3A_198 : i32 to vector<16xi32>
      %add3A_200 = arith.addi %iota3A, %add3A_199 : vector<16xi32>
      %jit3A_201 = arith.constant 256 : i32
      %broadcast_in_dim3A_202 = vector.broadcast %jit3A_201 : i32 to vector<16xi32>
      %select_n3A_203 = arith.select %eq3A_197, %add3A_200, %broadcast_in_dim3A_202 : vector<16xi1>, vector<16xi32>
      %min3A_204 = arith.minsi %min3A_196, %select_n3A_203 : vector<16xi32>
      %eq3A_205 = arith.cmpf oeq, %get3A_37, %max3A_116 : vector<16xf32>
      %add3A_206 = arith.constant 176 : i32
      %add3A_207 = vector.broadcast %add3A_206 : i32 to vector<16xi32>
      %add3A_208 = arith.addi %iota3A, %add3A_207 : vector<16xi32>
      %jit3A_209 = arith.constant 256 : i32
      %broadcast_in_dim3A_210 = vector.broadcast %jit3A_209 : i32 to vector<16xi32>
      %select_n3A_211 = arith.select %eq3A_205, %add3A_208, %broadcast_in_dim3A_210 : vector<16xi1>, vector<16xi32>
      %min3A_212 = arith.minsi %min3A_204, %select_n3A_211 : vector<16xi32>
      %eq3A_213 = arith.cmpf oeq, %get3A_40, %max3A_116 : vector<16xf32>
      %add3A_214 = arith.constant 192 : i32
      %add3A_215 = vector.broadcast %add3A_214 : i32 to vector<16xi32>
      %add3A_216 = arith.addi %iota3A, %add3A_215 : vector<16xi32>
      %jit3A_217 = arith.constant 256 : i32
      %broadcast_in_dim3A_218 = vector.broadcast %jit3A_217 : i32 to vector<16xi32>
      %select_n3A_219 = arith.select %eq3A_213, %add3A_216, %broadcast_in_dim3A_218 : vector<16xi1>, vector<16xi32>
      %min3A_220 = arith.minsi %min3A_212, %select_n3A_219 : vector<16xi32>
      %eq3A_221 = arith.cmpf oeq, %get3A_43, %max3A_116 : vector<16xf32>
      %add3A_222 = arith.constant 208 : i32
      %add3A_223 = vector.broadcast %add3A_222 : i32 to vector<16xi32>
      %add3A_224 = arith.addi %iota3A, %add3A_223 : vector<16xi32>
      %jit3A_225 = arith.constant 256 : i32
      %broadcast_in_dim3A_226 = vector.broadcast %jit3A_225 : i32 to vector<16xi32>
      %select_n3A_227 = arith.select %eq3A_221, %add3A_224, %broadcast_in_dim3A_226 : vector<16xi1>, vector<16xi32>
      %min3A_228 = arith.minsi %min3A_220, %select_n3A_227 : vector<16xi32>
      %eq3A_229 = arith.cmpf oeq, %get3A_46, %max3A_116 : vector<16xf32>
      %add3A_230 = arith.constant 224 : i32
      %add3A_231 = vector.broadcast %add3A_230 : i32 to vector<16xi32>
      %add3A_232 = arith.addi %iota3A, %add3A_231 : vector<16xi32>
      %jit3A_233 = arith.constant 256 : i32
      %broadcast_in_dim3A_234 = vector.broadcast %jit3A_233 : i32 to vector<16xi32>
      %select_n3A_235 = arith.select %eq3A_229, %add3A_232, %broadcast_in_dim3A_234 : vector<16xi1>, vector<16xi32>
      %min3A_236 = arith.minsi %min3A_228, %select_n3A_235 : vector<16xi32>
      %eq3A_237 = arith.cmpf oeq, %get3A_49, %max3A_116 : vector<16xf32>
      %add3A_238 = arith.constant 240 : i32
      %add3A_239 = vector.broadcast %add3A_238 : i32 to vector<16xi32>
      %add3A_240 = arith.addi %iota3A, %add3A_239 : vector<16xi32>
      %jit3A_241 = arith.constant 256 : i32
      %broadcast_in_dim3A_242 = vector.broadcast %jit3A_241 : i32 to vector<16xi32>
      %select_n3A_243 = arith.select %eq3A_237, %add3A_240, %broadcast_in_dim3A_242 : vector<16xi1>, vector<16xi32>
      %min3A_244 = arith.minsi %min3A_236, %select_n3A_243 : vector<16xi32>
      %xor3A_245 = arith.constant 1 : i32
      %xor3A_246 = vector.broadcast %xor3A_245 : i32 to vector<16xi32>
      %xor3A_247 = arith.xori %iota3A, %xor3A_246 : vector<16xi32>
      %lt3A_248 = arith.constant 0 : i32
      %lt3A_249 = vector.broadcast %lt3A_248 : i32 to vector<16xi32>
      %lt3A_250 = arith.cmpi slt, %xor3A_247, %lt3A_249 : vector<16xi32>
      %add3A_251 = arith.constant 16 : i32
      %add3A_252 = vector.broadcast %add3A_251 : i32 to vector<16xi32>
      %add3A_253 = arith.addi %xor3A_247, %add3A_252 : vector<16xi32>
      %select_n3A_254 = arith.select %lt3A_250, %add3A_253, %xor3A_247 : vector<16xi1>, vector<16xi32>
      %broadcast_in_dim3A_255 = vector.shape_cast %select_n3A_254 : vector<16xi32> to vector<16x1xi32>
      %gather3A_256 = vector.shape_cast %broadcast_in_dim3A_255 : vector<16x1xi32> to vector<16xi32>
      %gather3A_257 = tpu.dynamic_gather %min3A_244[%gather3A_256] in [0] : vector<16xi32>, vector<16xi32> -> vector<16xi32>
      %min3A_258 = arith.minsi %min3A_244, %gather3A_257 : vector<16xi32>
      %xor3A_259 = arith.constant 2 : i32
      %xor3A_260 = vector.broadcast %xor3A_259 : i32 to vector<16xi32>
      %xor3A_261 = arith.xori %iota3A, %xor3A_260 : vector<16xi32>
      %lt3A_262 = arith.constant 0 : i32
      %lt3A_263 = vector.broadcast %lt3A_262 : i32 to vector<16xi32>
      %lt3A_264 = arith.cmpi slt, %xor3A_261, %lt3A_263 : vector<16xi32>
      %add3A_265 = arith.constant 16 : i32
      %add3A_266 = vector.broadcast %add3A_265 : i32 to vector<16xi32>
      %add3A_267 = arith.addi %xor3A_261, %add3A_266 : vector<16xi32>
      %select_n3A_268 = arith.select %lt3A_264, %add3A_267, %xor3A_261 : vector<16xi1>, vector<16xi32>
      %broadcast_in_dim3A_269 = vector.shape_cast %select_n3A_268 : vector<16xi32> to vector<16x1xi32>
      %gather3A_270 = vector.shape_cast %broadcast_in_dim3A_269 : vector<16x1xi32> to vector<16xi32>
      %gather3A_271 = tpu.dynamic_gather %min3A_258[%gather3A_270] in [0] : vector<16xi32>, vector<16xi32> -> vector<16xi32>
      %min3A_272 = arith.minsi %min3A_258, %gather3A_271 : vector<16xi32>
      %xor3A_273 = arith.constant 4 : i32
      %xor3A_274 = vector.broadcast %xor3A_273 : i32 to vector<16xi32>
      %xor3A_275 = arith.xori %iota3A, %xor3A_274 : vector<16xi32>
      %lt3A_276 = arith.constant 0 : i32
      %lt3A_277 = vector.broadcast %lt3A_276 : i32 to vector<16xi32>
      %lt3A_278 = arith.cmpi slt, %xor3A_275, %lt3A_277 : vector<16xi32>
      %add3A_279 = arith.constant 16 : i32
      %add3A_280 = vector.broadcast %add3A_279 : i32 to vector<16xi32>
      %add3A_281 = arith.addi %xor3A_275, %add3A_280 : vector<16xi32>
      %select_n3A_282 = arith.select %lt3A_278, %add3A_281, %xor3A_275 : vector<16xi1>, vector<16xi32>
      %broadcast_in_dim3A_283 = vector.shape_cast %select_n3A_282 : vector<16xi32> to vector<16x1xi32>
      %gather3A_284 = vector.shape_cast %broadcast_in_dim3A_283 : vector<16x1xi32> to vector<16xi32>
      %gather3A_285 = tpu.dynamic_gather %min3A_272[%gather3A_284] in [0] : vector<16xi32>, vector<16xi32> -> vector<16xi32>
      %min3A_286 = arith.minsi %min3A_272, %gather3A_285 : vector<16xi32>
      %xor3A_287 = arith.constant 8 : i32
      %xor3A_288 = vector.broadcast %xor3A_287 : i32 to vector<16xi32>
      %xor3A_289 = arith.xori %iota3A, %xor3A_288 : vector<16xi32>
      %lt3A_290 = arith.constant 0 : i32
      %lt3A_291 = vector.broadcast %lt3A_290 : i32 to vector<16xi32>
      %lt3A_292 = arith.cmpi slt, %xor3A_289, %lt3A_291 : vector<16xi32>
      %add3A_293 = arith.constant 16 : i32
      %add3A_294 = vector.broadcast %add3A_293 : i32 to vector<16xi32>
      %add3A_295 = arith.addi %xor3A_289, %add3A_294 : vector<16xi32>
      %select_n3A_296 = arith.select %lt3A_292, %add3A_295, %xor3A_289 : vector<16xi1>, vector<16xi32>
      %broadcast_in_dim3A_297 = vector.shape_cast %select_n3A_296 : vector<16xi32> to vector<16x1xi32>
      %gather3A_298 = vector.shape_cast %broadcast_in_dim3A_297 : vector<16x1xi32> to vector<16xi32>
      %gather3A_299 = tpu.dynamic_gather %min3A_286[%gather3A_298] in [0] : vector<16xi32>, vector<16xi32> -> vector<16xi32>
      %min3A_300 = arith.minsi %min3A_286, %gather3A_299 : vector<16xi32>
      %eq3A_301 = arith.constant 0 : i32
      %eq3A_302 = vector.broadcast %eq3A_301 : i32 to vector<16xi32>
      %eq3A_303 = arith.cmpi eq, %iota3A, %eq3A_302 : vector<16xi32>
      %select_n3A_304 = arith.select %eq3A_303, %min3A_300, %broadcast_in_dim3A_50 : vector<16xi1>, vector<16xi32>
      %add3A_305 = arith.constant 0 : i32
      %add3A_306 = vector.broadcast %add3A_305 : i32 to vector<16xi32>
      %add3A_307 = arith.addi %iota3A, %add3A_306 : vector<16xi32>
      %eq3A_308 = arith.cmpi eq, %add3A_307, %min3A_300 : vector<16xi32>
      %jit3A_309 = arith.constant 0xFF800000 : f32
      %broadcast_in_dim3A_310 = vector.broadcast %jit3A_309 : f32 to vector<16xf32>
      %select_n3A_311 = arith.select %eq3A_308, %broadcast_in_dim3A_310, %get3A_4 : vector<16xi1>, vector<16xf32>
      %add3A_312 = arith.constant 16 : i32
      %add3A_313 = vector.broadcast %add3A_312 : i32 to vector<16xi32>
      %add3A_314 = arith.addi %iota3A, %add3A_313 : vector<16xi32>
      %eq3A_315 = arith.cmpi eq, %add3A_314, %min3A_300 : vector<16xi32>
      %jit3A_316 = arith.constant 0xFF800000 : f32
      %broadcast_in_dim3A_317 = vector.broadcast %jit3A_316 : f32 to vector<16xf32>
      %select_n3A_318 = arith.select %eq3A_315, %broadcast_in_dim3A_317, %get3A_7 : vector<16xi1>, vector<16xf32>
      %add3A_319 = arith.constant 32 : i32
      %add3A_320 = vector.broadcast %add3A_319 : i32 to vector<16xi32>
      %add3A_321 = arith.addi %iota3A, %add3A_320 : vector<16xi32>
      %eq3A_322 = arith.cmpi eq, %add3A_321, %min3A_300 : vector<16xi32>
      %jit3A_323 = arith.constant 0xFF800000 : f32
      %broadcast_in_dim3A_324 = vector.broadcast %jit3A_323 : f32 to vector<16xf32>
      %select_n3A_325 = arith.select %eq3A_322, %broadcast_in_dim3A_324, %get3A_10 : vector<16xi1>, vector<16xf32>
      %add3A_326 = arith.constant 48 : i32
      %add3A_327 = vector.broadcast %add3A_326 : i32 to vector<16xi32>
      %add3A_328 = arith.addi %iota3A, %add3A_327 : vector<16xi32>
      %eq3A_329 = arith.cmpi eq, %add3A_328, %min3A_300 : vector<16xi32>
      %jit3A_330 = arith.constant 0xFF800000 : f32
      %broadcast_in_dim3A_331 = vector.broadcast %jit3A_330 : f32 to vector<16xf32>
      %select_n3A_332 = arith.select %eq3A_329, %broadcast_in_dim3A_331, %get3A_13 : vector<16xi1>, vector<16xf32>
      %add3A_333 = arith.constant 64 : i32
      %add3A_334 = vector.broadcast %add3A_333 : i32 to vector<16xi32>
      %add3A_335 = arith.addi %iota3A, %add3A_334 : vector<16xi32>
      %eq3A_336 = arith.cmpi eq, %add3A_335, %min3A_300 : vector<16xi32>
      %jit3A_337 = arith.constant 0xFF800000 : f32
      %broadcast_in_dim3A_338 = vector.broadcast %jit3A_337 : f32 to vector<16xf32>
      %select_n3A_339 = arith.select %eq3A_336, %broadcast_in_dim3A_338, %get3A_16 : vector<16xi1>, vector<16xf32>
      %add3A_340 = arith.constant 80 : i32
      %add3A_341 = vector.broadcast %add3A_340 : i32 to vector<16xi32>
      %add3A_342 = arith.addi %iota3A, %add3A_341 : vector<16xi32>
      %eq3A_343 = arith.cmpi eq, %add3A_342, %min3A_300 : vector<16xi32>
      %jit3A_344 = arith.constant 0xFF800000 : f32
      %broadcast_in_dim3A_345 = vector.broadcast %jit3A_344 : f32 to vector<16xf32>
      %select_n3A_346 = arith.select %eq3A_343, %broadcast_in_dim3A_345, %get3A_19 : vector<16xi1>, vector<16xf32>
      %add3A_347 = arith.constant 96 : i32
      %add3A_348 = vector.broadcast %add3A_347 : i32 to vector<16xi32>
      %add3A_349 = arith.addi %iota3A, %add3A_348 : vector<16xi32>
      %eq3A_350 = arith.cmpi eq, %add3A_349, %min3A_300 : vector<16xi32>
      %jit3A_351 = arith.constant 0xFF800000 : f32
      %broadcast_in_dim3A_352 = vector.broadcast %jit3A_351 : f32 to vector<16xf32>
      %select_n3A_353 = arith.select %eq3A_350, %broadcast_in_dim3A_352, %get3A_22 : vector<16xi1>, vector<16xf32>
      %add3A_354 = arith.constant 112 : i32
      %add3A_355 = vector.broadcast %add3A_354 : i32 to vector<16xi32>
      %add3A_356 = arith.addi %iota3A, %add3A_355 : vector<16xi32>
      %eq3A_357 = arith.cmpi eq, %add3A_356, %min3A_300 : vector<16xi32>
      %jit3A_358 = arith.constant 0xFF800000 : f32
      %broadcast_in_dim3A_359 = vector.broadcast %jit3A_358 : f32 to vector<16xf32>
      %select_n3A_360 = arith.select %eq3A_357, %broadcast_in_dim3A_359, %get3A_25 : vector<16xi1>, vector<16xf32>
      %add3A_361 = arith.constant 128 : i32
      %add3A_362 = vector.broadcast %add3A_361 : i32 to vector<16xi32>
      %add3A_363 = arith.addi %iota3A, %add3A_362 : vector<16xi32>
      %eq3A_364 = arith.cmpi eq, %add3A_363, %min3A_300 : vector<16xi32>
      %jit3A_365 = arith.constant 0xFF800000 : f32
      %broadcast_in_dim3A_366 = vector.broadcast %jit3A_365 : f32 to vector<16xf32>
      %select_n3A_367 = arith.select %eq3A_364, %broadcast_in_dim3A_366, %get3A_28 : vector<16xi1>, vector<16xf32>
      %add3A_368 = arith.constant 144 : i32
      %add3A_369 = vector.broadcast %add3A_368 : i32 to vector<16xi32>
      %add3A_370 = arith.addi %iota3A, %add3A_369 : vector<16xi32>
      %eq3A_371 = arith.cmpi eq, %add3A_370, %min3A_300 : vector<16xi32>
      %jit3A_372 = arith.constant 0xFF800000 : f32
      %broadcast_in_dim3A_373 = vector.broadcast %jit3A_372 : f32 to vector<16xf32>
      %select_n3A_374 = arith.select %eq3A_371, %broadcast_in_dim3A_373, %get3A_31 : vector<16xi1>, vector<16xf32>
      %add3A_375 = arith.constant 160 : i32
      %add3A_376 = vector.broadcast %add3A_375 : i32 to vector<16xi32>
      %add3A_377 = arith.addi %iota3A, %add3A_376 : vector<16xi32>
      %eq3A_378 = arith.cmpi eq, %add3A_377, %min3A_300 : vector<16xi32>
      %jit3A_379 = arith.constant 0xFF800000 : f32
      %broadcast_in_dim3A_380 = vector.broadcast %jit3A_379 : f32 to vector<16xf32>
      %select_n3A_381 = arith.select %eq3A_378, %broadcast_in_dim3A_380, %get3A_34 : vector<16xi1>, vector<16xf32>
      %add3A_382 = arith.constant 176 : i32
      %add3A_383 = vector.broadcast %add3A_382 : i32 to vector<16xi32>
      %add3A_384 = arith.addi %iota3A, %add3A_383 : vector<16xi32>
      %eq3A_385 = arith.cmpi eq, %add3A_384, %min3A_300 : vector<16xi32>
      %jit3A_386 = arith.constant 0xFF800000 : f32
      %broadcast_in_dim3A_387 = vector.broadcast %jit3A_386 : f32 to vector<16xf32>
      %select_n3A_388 = arith.select %eq3A_385, %broadcast_in_dim3A_387, %get3A_37 : vector<16xi1>, vector<16xf32>
      %add3A_389 = arith.constant 192 : i32
      %add3A_390 = vector.broadcast %add3A_389 : i32 to vector<16xi32>
      %add3A_391 = arith.addi %iota3A, %add3A_390 : vector<16xi32>
      %eq3A_392 = arith.cmpi eq, %add3A_391, %min3A_300 : vector<16xi32>
      %jit3A_393 = arith.constant 0xFF800000 : f32
      %broadcast_in_dim3A_394 = vector.broadcast %jit3A_393 : f32 to vector<16xf32>
      %select_n3A_395 = arith.select %eq3A_392, %broadcast_in_dim3A_394, %get3A_40 : vector<16xi1>, vector<16xf32>
      %add3A_396 = arith.constant 208 : i32
      %add3A_397 = vector.broadcast %add3A_396 : i32 to vector<16xi32>
      %add3A_398 = arith.addi %iota3A, %add3A_397 : vector<16xi32>
      %eq3A_399 = arith.cmpi eq, %add3A_398, %min3A_300 : vector<16xi32>
      %jit3A_400 = arith.constant 0xFF800000 : f32
      %broadcast_in_dim3A_401 = vector.broadcast %jit3A_400 : f32 to vector<16xf32>
      %select_n3A_402 = arith.select %eq3A_399, %broadcast_in_dim3A_401, %get3A_43 : vector<16xi1>, vector<16xf32>
      %add3A_403 = arith.constant 224 : i32
      %add3A_404 = vector.broadcast %add3A_403 : i32 to vector<16xi32>
      %add3A_405 = arith.addi %iota3A, %add3A_404 : vector<16xi32>
      %eq3A_406 = arith.cmpi eq, %add3A_405, %min3A_300 : vector<16xi32>
      %jit3A_407 = arith.constant 0xFF800000 : f32
      %broadcast_in_dim3A_408 = vector.broadcast %jit3A_407 : f32 to vector<16xf32>
      %select_n3A_409 = arith.select %eq3A_406, %broadcast_in_dim3A_408, %get3A_46 : vector<16xi1>, vector<16xf32>
      %add3A_410 = arith.constant 240 : i32
      %add3A_411 = vector.broadcast %add3A_410 : i32 to vector<16xi32>
      %add3A_412 = arith.addi %iota3A, %add3A_411 : vector<16xi32>
      %eq3A_413 = arith.cmpi eq, %add3A_412, %min3A_300 : vector<16xi32>
      %jit3A_414 = arith.constant 0xFF800000 : f32
      %broadcast_in_dim3A_415 = vector.broadcast %jit3A_414 : f32 to vector<16xf32>
      %select_n3A_416 = arith.select %eq3A_413, %broadcast_in_dim3A_415, %get3A_49 : vector<16xi1>, vector<16xf32>
      %max3A_417 = arith.maximumf %select_n3A_311, %select_n3A_318 : vector<16xf32>
      %max3A_418 = arith.maximumf %max3A_417, %select_n3A_325 : vector<16xf32>
      %max3A_419 = arith.maximumf %max3A_418, %select_n3A_332 : vector<16xf32>
      %max3A_420 = arith.maximumf %max3A_419, %select_n3A_339 : vector<16xf32>
      %max3A_421 = arith.maximumf %max3A_420, %select_n3A_346 : vector<16xf32>
      %max3A_422 = arith.maximumf %max3A_421, %select_n3A_353 : vector<16xf32>
      %max3A_423 = arith.maximumf %max3A_422, %select_n3A_360 : vector<16xf32>
      %max3A_424 = arith.maximumf %max3A_423, %select_n3A_367 : vector<16xf32>
      %max3A_425 = arith.maximumf %max3A_424, %select_n3A_374 : vector<16xf32>
      %max3A_426 = arith.maximumf %max3A_425, %select_n3A_381 : vector<16xf32>
      %max3A_427 = arith.maximumf %max3A_426, %select_n3A_388 : vector<16xf32>
      %max3A_428 = arith.maximumf %max3A_427, %select_n3A_395 : vector<16xf32>
      %max3A_429 = arith.maximumf %max3A_428, %select_n3A_402 : vector<16xf32>
      %max3A_430 = arith.maximumf %max3A_429, %select_n3A_409 : vector<16xf32>
      %max3A_431 = arith.maximumf %max3A_430, %select_n3A_416 : vector<16xf32>
      %xor3A_432 = arith.constant 1 : i32
      %xor3A_433 = vector.broadcast %xor3A_432 : i32 to vector<16xi32>
      %xor3A_434 = arith.xori %iota3A, %xor3A_433 : vector<16xi32>
      %lt3A_435 = arith.constant 0 : i32
      %lt3A_436 = vector.broadcast %lt3A_435 : i32 to vector<16xi32>
      %lt3A_437 = arith.cmpi slt, %xor3A_434, %lt3A_436 : vector<16xi32>
      %add3A_438 = arith.constant 16 : i32
      %add3A_439 = vector.broadcast %add3A_438 : i32 to vector<16xi32>
      %add3A_440 = arith.addi %xor3A_434, %add3A_439 : vector<16xi32>
      %select_n3A_441 = arith.select %lt3A_437, %add3A_440, %xor3A_434 : vector<16xi1>, vector<16xi32>
      %broadcast_in_dim3A_442 = vector.shape_cast %select_n3A_441 : vector<16xi32> to vector<16x1xi32>
      %gather3A_443 = vector.shape_cast %broadcast_in_dim3A_442 : vector<16x1xi32> to vector<16xi32>
      %gather3A_444 = tpu.dynamic_gather %max3A_431[%gather3A_443] in [0] : vector<16xf32>, vector<16xi32> -> vector<16xf32>
      %max3A_445 = arith.maximumf %max3A_431, %gather3A_444 : vector<16xf32>
      %xor3A_446 = arith.constant 2 : i32
      %xor3A_447 = vector.broadcast %xor3A_446 : i32 to vector<16xi32>
      %xor3A_448 = arith.xori %iota3A, %xor3A_447 : vector<16xi32>
      %lt3A_449 = arith.constant 0 : i32
      %lt3A_450 = vector.broadcast %lt3A_449 : i32 to vector<16xi32>
      %lt3A_451 = arith.cmpi slt, %xor3A_448, %lt3A_450 : vector<16xi32>
      %add3A_452 = arith.constant 16 : i32
      %add3A_453 = vector.broadcast %add3A_452 : i32 to vector<16xi32>
      %add3A_454 = arith.addi %xor3A_448, %add3A_453 : vector<16xi32>
      %select_n3A_455 = arith.select %lt3A_451, %add3A_454, %xor3A_448 : vector<16xi1>, vector<16xi32>
      %broadcast_in_dim3A_456 = vector.shape_cast %select_n3A_455 : vector<16xi32> to vector<16x1xi32>
      %gather3A_457 = vector.shape_cast %broadcast_in_dim3A_456 : vector<16x1xi32> to vector<16xi32>
      %gather3A_458 = tpu.dynamic_gather %max3A_445[%gather3A_457] in [0] : vector<16xf32>, vector<16xi32> -> vector<16xf32>
      %max3A_459 = arith.maximumf %max3A_445, %gather3A_458 : vector<16xf32>
      %xor3A_460 = arith.constant 4 : i32
      %xor3A_461 = vector.broadcast %xor3A_460 : i32 to vector<16xi32>
      %xor3A_462 = arith.xori %iota3A, %xor3A_461 : vector<16xi32>
      %lt3A_463 = arith.constant 0 : i32
      %lt3A_464 = vector.broadcast %lt3A_463 : i32 to vector<16xi32>
      %lt3A_465 = arith.cmpi slt, %xor3A_462, %lt3A_464 : vector<16xi32>
      %add3A_466 = arith.constant 16 : i32
      %add3A_467 = vector.broadcast %add3A_466 : i32 to vector<16xi32>
      %add3A_468 = arith.addi %xor3A_462, %add3A_467 : vector<16xi32>
      %select_n3A_469 = arith.select %lt3A_465, %add3A_468, %xor3A_462 : vector<16xi1>, vector<16xi32>
      %broadcast_in_dim3A_470 = vector.shape_cast %select_n3A_469 : vector<16xi32> to vector<16x1xi32>
      %gather3A_471 = vector.shape_cast %broadcast_in_dim3A_470 : vector<16x1xi32> to vector<16xi32>
      %gather3A_472 = tpu.dynamic_gather %max3A_459[%gather3A_471] in [0] : vector<16xf32>, vector<16xi32> -> vector<16xf32>
      %max3A_473 = arith.maximumf %max3A_459, %gather3A_472 : vector<16xf32>
      %xor3A_474 = arith.constant 8 : i32
      %xor3A_475 = vector.broadcast %xor3A_474 : i32 to vector<16xi32>
      %xor3A_476 = arith.xori %iota3A, %xor3A_475 : vector<16xi32>
      %lt3A_477 = arith.constant 0 : i32
      %lt3A_478 = vector.broadcast %lt3A_477 : i32 to vector<16xi32>
      %lt3A_479 = arith.cmpi slt, %xor3A_476, %lt3A_478 : vector<16xi32>
      %add3A_480 = arith.constant 16 : i32
      %add3A_481 = vector.broadcast %add3A_480 : i32 to vector<16xi32>
      %add3A_482 = arith.addi %xor3A_476, %add3A_481 : vector<16xi32>
      %select_n3A_483 = arith.select %lt3A_479, %add3A_482, %xor3A_476 : vector<16xi1>, vector<16xi32>
      %broadcast_in_dim3A_484 = vector.shape_cast %select_n3A_483 : vector<16xi32> to vector<16x1xi32>
      %gather3A_485 = vector.shape_cast %broadcast_in_dim3A_484 : vector<16x1xi32> to vector<16xi32>
      %gather3A_486 = tpu.dynamic_gather %max3A_473[%gather3A_485] in [0] : vector<16xf32>, vector<16xi32> -> vector<16xf32>
      %max3A_487 = arith.maximumf %max3A_473, %gather3A_486 : vector<16xf32>
      %broadcast_in_dim3A_488 = arith.constant 256 : i32
      %broadcast_in_dim3A_489 = vector.broadcast %broadcast_in_dim3A_488 : i32 to vector<16xi32>
      %eq3A_490 = arith.cmpf oeq, %select_n3A_311, %max3A_487 : vector<16xf32>
      %add3A_491 = arith.constant 0 : i32
      %add3A_492 = vector.broadcast %add3A_491 : i32 to vector<16xi32>
      %add3A_493 = arith.addi %iota3A, %add3A_492 : vector<16xi32>
      %jit3A_494 = arith.constant 256 : i32
      %broadcast_in_dim3A_495 = vector.broadcast %jit3A_494 : i32 to vector<16xi32>
      %select_n3A_496 = arith.select %eq3A_490, %add3A_493, %broadcast_in_dim3A_495 : vector<16xi1>, vector<16xi32>
      %min3A_497 = arith.minsi %broadcast_in_dim3A_489, %select_n3A_496 : vector<16xi32>
      %eq3A_498 = arith.cmpf oeq, %select_n3A_318, %max3A_487 : vector<16xf32>
      %add3A_499 = arith.constant 16 : i32
      %add3A_500 = vector.broadcast %add3A_499 : i32 to vector<16xi32>
      %add3A_501 = arith.addi %iota3A, %add3A_500 : vector<16xi32>
      %jit3A_502 = arith.constant 256 : i32
      %broadcast_in_dim3A_503 = vector.broadcast %jit3A_502 : i32 to vector<16xi32>
      %select_n3A_504 = arith.select %eq3A_498, %add3A_501, %broadcast_in_dim3A_503 : vector<16xi1>, vector<16xi32>
      %min3A_505 = arith.minsi %min3A_497, %select_n3A_504 : vector<16xi32>
      %eq3A_506 = arith.cmpf oeq, %select_n3A_325, %max3A_487 : vector<16xf32>
      %add3A_507 = arith.constant 32 : i32
      %add3A_508 = vector.broadcast %add3A_507 : i32 to vector<16xi32>
      %add3A_509 = arith.addi %iota3A, %add3A_508 : vector<16xi32>
      %jit3A_510 = arith.constant 256 : i32
      %broadcast_in_dim3A_511 = vector.broadcast %jit3A_510 : i32 to vector<16xi32>
      %select_n3A_512 = arith.select %eq3A_506, %add3A_509, %broadcast_in_dim3A_511 : vector<16xi1>, vector<16xi32>
      %min3A_513 = arith.minsi %min3A_505, %select_n3A_512 : vector<16xi32>
      %eq3A_514 = arith.cmpf oeq, %select_n3A_332, %max3A_487 : vector<16xf32>
      %add3A_515 = arith.constant 48 : i32
      %add3A_516 = vector.broadcast %add3A_515 : i32 to vector<16xi32>
      %add3A_517 = arith.addi %iota3A, %add3A_516 : vector<16xi32>
      %jit3A_518 = arith.constant 256 : i32
      %broadcast_in_dim3A_519 = vector.broadcast %jit3A_518 : i32 to vector<16xi32>
      %select_n3A_520 = arith.select %eq3A_514, %add3A_517, %broadcast_in_dim3A_519 : vector<16xi1>, vector<16xi32>
      %min3A_521 = arith.minsi %min3A_513, %select_n3A_520 : vector<16xi32>
      %eq3A_522 = arith.cmpf oeq, %select_n3A_339, %max3A_487 : vector<16xf32>
      %add3A_523 = arith.constant 64 : i32
      %add3A_524 = vector.broadcast %add3A_523 : i32 to vector<16xi32>
      %add3A_525 = arith.addi %iota3A, %add3A_524 : vector<16xi32>
      %jit3A_526 = arith.constant 256 : i32
      %broadcast_in_dim3A_527 = vector.broadcast %jit3A_526 : i32 to vector<16xi32>
      %select_n3A_528 = arith.select %eq3A_522, %add3A_525, %broadcast_in_dim3A_527 : vector<16xi1>, vector<16xi32>
      %min3A_529 = arith.minsi %min3A_521, %select_n3A_528 : vector<16xi32>
      %eq3A_530 = arith.cmpf oeq, %select_n3A_346, %max3A_487 : vector<16xf32>
      %add3A_531 = arith.constant 80 : i32
      %add3A_532 = vector.broadcast %add3A_531 : i32 to vector<16xi32>
      %add3A_533 = arith.addi %iota3A, %add3A_532 : vector<16xi32>
      %jit3A_534 = arith.constant 256 : i32
      %broadcast_in_dim3A_535 = vector.broadcast %jit3A_534 : i32 to vector<16xi32>
      %select_n3A_536 = arith.select %eq3A_530, %add3A_533, %broadcast_in_dim3A_535 : vector<16xi1>, vector<16xi32>
      %min3A_537 = arith.minsi %min3A_529, %select_n3A_536 : vector<16xi32>
      %eq3A_538 = arith.cmpf oeq, %select_n3A_353, %max3A_487 : vector<16xf32>
      %add3A_539 = arith.constant 96 : i32
      %add3A_540 = vector.broadcast %add3A_539 : i32 to vector<16xi32>
      %add3A_541 = arith.addi %iota3A, %add3A_540 : vector<16xi32>
      %jit3A_542 = arith.constant 256 : i32
      %broadcast_in_dim3A_543 = vector.broadcast %jit3A_542 : i32 to vector<16xi32>
      %select_n3A_544 = arith.select %eq3A_538, %add3A_541, %broadcast_in_dim3A_543 : vector<16xi1>, vector<16xi32>
      %min3A_545 = arith.minsi %min3A_537, %select_n3A_544 : vector<16xi32>
      %eq3A_546 = arith.cmpf oeq, %select_n3A_360, %max3A_487 : vector<16xf32>
      %add3A_547 = arith.constant 112 : i32
      %add3A_548 = vector.broadcast %add3A_547 : i32 to vector<16xi32>
      %add3A_549 = arith.addi %iota3A, %add3A_548 : vector<16xi32>
      %jit3A_550 = arith.constant 256 : i32
      %broadcast_in_dim3A_551 = vector.broadcast %jit3A_550 : i32 to vector<16xi32>
      %select_n3A_552 = arith.select %eq3A_546, %add3A_549, %broadcast_in_dim3A_551 : vector<16xi1>, vector<16xi32>
      %min3A_553 = arith.minsi %min3A_545, %select_n3A_552 : vector<16xi32>
      %eq3A_554 = arith.cmpf oeq, %select_n3A_367, %max3A_487 : vector<16xf32>
      %add3A_555 = arith.constant 128 : i32
      %add3A_556 = vector.broadcast %add3A_555 : i32 to vector<16xi32>
      %add3A_557 = arith.addi %iota3A, %add3A_556 : vector<16xi32>
      %jit3A_558 = arith.constant 256 : i32
      %broadcast_in_dim3A_559 = vector.broadcast %jit3A_558 : i32 to vector<16xi32>
      %select_n3A_560 = arith.select %eq3A_554, %add3A_557, %broadcast_in_dim3A_559 : vector<16xi1>, vector<16xi32>
      %min3A_561 = arith.minsi %min3A_553, %select_n3A_560 : vector<16xi32>
      %eq3A_562 = arith.cmpf oeq, %select_n3A_374, %max3A_487 : vector<16xf32>
      %add3A_563 = arith.constant 144 : i32
      %add3A_564 = vector.broadcast %add3A_563 : i32 to vector<16xi32>
      %add3A_565 = arith.addi %iota3A, %add3A_564 : vector<16xi32>
      %jit3A_566 = arith.constant 256 : i32
      %broadcast_in_dim3A_567 = vector.broadcast %jit3A_566 : i32 to vector<16xi32>
      %select_n3A_568 = arith.select %eq3A_562, %add3A_565, %broadcast_in_dim3A_567 : vector<16xi1>, vector<16xi32>
      %min3A_569 = arith.minsi %min3A_561, %select_n3A_568 : vector<16xi32>
      %eq3A_570 = arith.cmpf oeq, %select_n3A_381, %max3A_487 : vector<16xf32>
      %add3A_571 = arith.constant 160 : i32
      %add3A_572 = vector.broadcast %add3A_571 : i32 to vector<16xi32>
      %add3A_573 = arith.addi %iota3A, %add3A_572 : vector<16xi32>
      %jit3A_574 = arith.constant 256 : i32
      %broadcast_in_dim3A_575 = vector.broadcast %jit3A_574 : i32 to vector<16xi32>
      %select_n3A_576 = arith.select %eq3A_570, %add3A_573, %broadcast_in_dim3A_575 : vector<16xi1>, vector<16xi32>
      %min3A_577 = arith.minsi %min3A_569, %select_n3A_576 : vector<16xi32>
      %eq3A_578 = arith.cmpf oeq, %select_n3A_388, %max3A_487 : vector<16xf32>
      %add3A_579 = arith.constant 176 : i32
      %add3A_580 = vector.broadcast %add3A_579 : i32 to vector<16xi32>
      %add3A_581 = arith.addi %iota3A, %add3A_580 : vector<16xi32>
      %jit3A_582 = arith.constant 256 : i32
      %broadcast_in_dim3A_583 = vector.broadcast %jit3A_582 : i32 to vector<16xi32>
      %select_n3A_584 = arith.select %eq3A_578, %add3A_581, %broadcast_in_dim3A_583 : vector<16xi1>, vector<16xi32>
      %min3A_585 = arith.minsi %min3A_577, %select_n3A_584 : vector<16xi32>
      %eq3A_586 = arith.cmpf oeq, %select_n3A_395, %max3A_487 : vector<16xf32>
      %add3A_587 = arith.constant 192 : i32
      %add3A_588 = vector.broadcast %add3A_587 : i32 to vector<16xi32>
      %add3A_589 = arith.addi %iota3A, %add3A_588 : vector<16xi32>
      %jit3A_590 = arith.constant 256 : i32
      %broadcast_in_dim3A_591 = vector.broadcast %jit3A_590 : i32 to vector<16xi32>
      %select_n3A_592 = arith.select %eq3A_586, %add3A_589, %broadcast_in_dim3A_591 : vector<16xi1>, vector<16xi32>
      %min3A_593 = arith.minsi %min3A_585, %select_n3A_592 : vector<16xi32>
      %eq3A_594 = arith.cmpf oeq, %select_n3A_402, %max3A_487 : vector<16xf32>
      %add3A_595 = arith.constant 208 : i32
      %add3A_596 = vector.broadcast %add3A_595 : i32 to vector<16xi32>
      %add3A_597 = arith.addi %iota3A, %add3A_596 : vector<16xi32>
      %jit3A_598 = arith.constant 256 : i32
      %broadcast_in_dim3A_599 = vector.broadcast %jit3A_598 : i32 to vector<16xi32>
      %select_n3A_600 = arith.select %eq3A_594, %add3A_597, %broadcast_in_dim3A_599 : vector<16xi1>, vector<16xi32>
      %min3A_601 = arith.minsi %min3A_593, %select_n3A_600 : vector<16xi32>
      %eq3A_602 = arith.cmpf oeq, %select_n3A_409, %max3A_487 : vector<16xf32>
      %add3A_603 = arith.constant 224 : i32
      %add3A_604 = vector.broadcast %add3A_603 : i32 to vector<16xi32>
      %add3A_605 = arith.addi %iota3A, %add3A_604 : vector<16xi32>
      %jit3A_606 = arith.constant 256 : i32
      %broadcast_in_dim3A_607 = vector.broadcast %jit3A_606 : i32 to vector<16xi32>
      %select_n3A_608 = arith.select %eq3A_602, %add3A_605, %broadcast_in_dim3A_607 : vector<16xi1>, vector<16xi32>
      %min3A_609 = arith.minsi %min3A_601, %select_n3A_608 : vector<16xi32>
      %eq3A_610 = arith.cmpf oeq, %select_n3A_416, %max3A_487 : vector<16xf32>
      %add3A_611 = arith.constant 240 : i32
      %add3A_612 = vector.broadcast %add3A_611 : i32 to vector<16xi32>
      %add3A_613 = arith.addi %iota3A, %add3A_612 : vector<16xi32>
      %jit3A_614 = arith.constant 256 : i32
      %broadcast_in_dim3A_615 = vector.broadcast %jit3A_614 : i32 to vector<16xi32>
      %select_n3A_616 = arith.select %eq3A_610, %add3A_613, %broadcast_in_dim3A_615 : vector<16xi1>, vector<16xi32>
      %min3A_617 = arith.minsi %min3A_609, %select_n3A_616 : vector<16xi32>
      %xor3A_618 = arith.constant 1 : i32
      %xor3A_619 = vector.broadcast %xor3A_618 : i32 to vector<16xi32>
      %xor3A_620 = arith.xori %iota3A, %xor3A_619 : vector<16xi32>
      %lt3A_621 = arith.constant 0 : i32
      %lt3A_622 = vector.broadcast %lt3A_621 : i32 to vector<16xi32>
      %lt3A_623 = arith.cmpi slt, %xor3A_620, %lt3A_622 : vector<16xi32>
      %add3A_624 = arith.constant 16 : i32
      %add3A_625 = vector.broadcast %add3A_624 : i32 to vector<16xi32>
      %add3A_626 = arith.addi %xor3A_620, %add3A_625 : vector<16xi32>
      %select_n3A_627 = arith.select %lt3A_623, %add3A_626, %xor3A_620 : vector<16xi1>, vector<16xi32>
      %broadcast_in_dim3A_628 = vector.shape_cast %select_n3A_627 : vector<16xi32> to vector<16x1xi32>
      %gather3A_629 = vector.shape_cast %broadcast_in_dim3A_628 : vector<16x1xi32> to vector<16xi32>
      %gather3A_630 = tpu.dynamic_gather %min3A_617[%gather3A_629] in [0] : vector<16xi32>, vector<16xi32> -> vector<16xi32>
      %min3A_631 = arith.minsi %min3A_617, %gather3A_630 : vector<16xi32>
      %xor3A_632 = arith.constant 2 : i32
      %xor3A_633 = vector.broadcast %xor3A_632 : i32 to vector<16xi32>
      %xor3A_634 = arith.xori %iota3A, %xor3A_633 : vector<16xi32>
      %lt3A_635 = arith.constant 0 : i32
      %lt3A_636 = vector.broadcast %lt3A_635 : i32 to vector<16xi32>
      %lt3A_637 = arith.cmpi slt, %xor3A_634, %lt3A_636 : vector<16xi32>
      %add3A_638 = arith.constant 16 : i32
      %add3A_639 = vector.broadcast %add3A_638 : i32 to vector<16xi32>
      %add3A_640 = arith.addi %xor3A_634, %add3A_639 : vector<16xi32>
      %select_n3A_641 = arith.select %lt3A_637, %add3A_640, %xor3A_634 : vector<16xi1>, vector<16xi32>
      %broadcast_in_dim3A_642 = vector.shape_cast %select_n3A_641 : vector<16xi32> to vector<16x1xi32>
      %gather3A_643 = vector.shape_cast %broadcast_in_dim3A_642 : vector<16x1xi32> to vector<16xi32>
      %gather3A_644 = tpu.dynamic_gather %min3A_631[%gather3A_643] in [0] : vector<16xi32>, vector<16xi32> -> vector<16xi32>
      %min3A_645 = arith.minsi %min3A_631, %gather3A_644 : vector<16xi32>
      %xor3A_646 = arith.constant 4 : i32
      %xor3A_647 = vector.broadcast %xor3A_646 : i32 to vector<16xi32>
      %xor3A_648 = arith.xori %iota3A, %xor3A_647 : vector<16xi32>
      %lt3A_649 = arith.constant 0 : i32
      %lt3A_650 = vector.broadcast %lt3A_649 : i32 to vector<16xi32>
      %lt3A_651 = arith.cmpi slt, %xor3A_648, %lt3A_650 : vector<16xi32>
      %add3A_652 = arith.constant 16 : i32
      %add3A_653 = vector.broadcast %add3A_652 : i32 to vector<16xi32>
      %add3A_654 = arith.addi %xor3A_648, %add3A_653 : vector<16xi32>
      %select_n3A_655 = arith.select %lt3A_651, %add3A_654, %xor3A_648 : vector<16xi1>, vector<16xi32>
      %broadcast_in_dim3A_656 = vector.shape_cast %select_n3A_655 : vector<16xi32> to vector<16x1xi32>
      %gather3A_657 = vector.shape_cast %broadcast_in_dim3A_656 : vector<16x1xi32> to vector<16xi32>
      %gather3A_658 = tpu.dynamic_gather %min3A_645[%gather3A_657] in [0] : vector<16xi32>, vector<16xi32> -> vector<16xi32>
      %min3A_659 = arith.minsi %min3A_645, %gather3A_658 : vector<16xi32>
      %xor3A_660 = arith.constant 8 : i32
      %xor3A_661 = vector.broadcast %xor3A_660 : i32 to vector<16xi32>
      %xor3A_662 = arith.xori %iota3A, %xor3A_661 : vector<16xi32>
      %lt3A_663 = arith.constant 0 : i32
      %lt3A_664 = vector.broadcast %lt3A_663 : i32 to vector<16xi32>
      %lt3A_665 = arith.cmpi slt, %xor3A_662, %lt3A_664 : vector<16xi32>
      %add3A_666 = arith.constant 16 : i32
      %add3A_667 = vector.broadcast %add3A_666 : i32 to vector<16xi32>
      %add3A_668 = arith.addi %xor3A_662, %add3A_667 : vector<16xi32>
      %select_n3A_669 = arith.select %lt3A_665, %add3A_668, %xor3A_662 : vector<16xi1>, vector<16xi32>
      %broadcast_in_dim3A_670 = vector.shape_cast %select_n3A_669 : vector<16xi32> to vector<16x1xi32>
      %gather3A_671 = vector.shape_cast %broadcast_in_dim3A_670 : vector<16x1xi32> to vector<16xi32>
      %gather3A_672 = tpu.dynamic_gather %min3A_659[%gather3A_671] in [0] : vector<16xi32>, vector<16xi32> -> vector<16xi32>
      %min3A_673 = arith.minsi %min3A_659, %gather3A_672 : vector<16xi32>
      %eq3A_674 = arith.constant 1 : i32
      %eq3A_675 = vector.broadcast %eq3A_674 : i32 to vector<16xi32>
      %eq3A_676 = arith.cmpi eq, %iota3A, %eq3A_675 : vector<16xi32>
      %select_n3A_677 = arith.select %eq3A_676, %min3A_673, %select_n3A_304 : vector<16xi1>, vector<16xi32>
      %add3A_678 = arith.constant 0 : i32
      %add3A_679 = vector.broadcast %add3A_678 : i32 to vector<16xi32>
      %add3A_680 = arith.addi %iota3A, %add3A_679 : vector<16xi32>
      %eq3A_681 = arith.cmpi eq, %add3A_680, %min3A_673 : vector<16xi32>
      %jit3A_682 = arith.constant 0xFF800000 : f32
      %broadcast_in_dim3A_683 = vector.broadcast %jit3A_682 : f32 to vector<16xf32>
      %select_n3A_684 = arith.select %eq3A_681, %broadcast_in_dim3A_683, %select_n3A_311 : vector<16xi1>, vector<16xf32>
      %add3A_685 = arith.constant 16 : i32
      %add3A_686 = vector.broadcast %add3A_685 : i32 to vector<16xi32>
      %add3A_687 = arith.addi %iota3A, %add3A_686 : vector<16xi32>
      %eq3A_688 = arith.cmpi eq, %add3A_687, %min3A_673 : vector<16xi32>
      %jit3A_689 = arith.constant 0xFF800000 : f32
      %broadcast_in_dim3A_690 = vector.broadcast %jit3A_689 : f32 to vector<16xf32>
      %select_n3A_691 = arith.select %eq3A_688, %broadcast_in_dim3A_690, %select_n3A_318 : vector<16xi1>, vector<16xf32>
      %add3A_692 = arith.constant 32 : i32
      %add3A_693 = vector.broadcast %add3A_692 : i32 to vector<16xi32>
      %add3A_694 = arith.addi %iota3A, %add3A_693 : vector<16xi32>
      %eq3A_695 = arith.cmpi eq, %add3A_694, %min3A_673 : vector<16xi32>
      %jit3A_696 = arith.constant 0xFF800000 : f32
      %broadcast_in_dim3A_697 = vector.broadcast %jit3A_696 : f32 to vector<16xf32>
      %select_n3A_698 = arith.select %eq3A_695, %broadcast_in_dim3A_697, %select_n3A_325 : vector<16xi1>, vector<16xf32>
      %add3A_699 = arith.constant 48 : i32
      %add3A_700 = vector.broadcast %add3A_699 : i32 to vector<16xi32>
      %add3A_701 = arith.addi %iota3A, %add3A_700 : vector<16xi32>
      %eq3A_702 = arith.cmpi eq, %add3A_701, %min3A_673 : vector<16xi32>
      %jit3A_703 = arith.constant 0xFF800000 : f32
      %broadcast_in_dim3A_704 = vector.broadcast %jit3A_703 : f32 to vector<16xf32>
      %select_n3A_705 = arith.select %eq3A_702, %broadcast_in_dim3A_704, %select_n3A_332 : vector<16xi1>, vector<16xf32>
      %add3A_706 = arith.constant 64 : i32
      %add3A_707 = vector.broadcast %add3A_706 : i32 to vector<16xi32>
      %add3A_708 = arith.addi %iota3A, %add3A_707 : vector<16xi32>
      %eq3A_709 = arith.cmpi eq, %add3A_708, %min3A_673 : vector<16xi32>
      %jit3A_710 = arith.constant 0xFF800000 : f32
      %broadcast_in_dim3A_711 = vector.broadcast %jit3A_710 : f32 to vector<16xf32>
      %select_n3A_712 = arith.select %eq3A_709, %broadcast_in_dim3A_711, %select_n3A_339 : vector<16xi1>, vector<16xf32>
      %add3A_713 = arith.constant 80 : i32
      %add3A_714 = vector.broadcast %add3A_713 : i32 to vector<16xi32>
      %add3A_715 = arith.addi %iota3A, %add3A_714 : vector<16xi32>
      %eq3A_716 = arith.cmpi eq, %add3A_715, %min3A_673 : vector<16xi32>
      %jit3A_717 = arith.constant 0xFF800000 : f32
      %broadcast_in_dim3A_718 = vector.broadcast %jit3A_717 : f32 to vector<16xf32>
      %select_n3A_719 = arith.select %eq3A_716, %broadcast_in_dim3A_718, %select_n3A_346 : vector<16xi1>, vector<16xf32>
      %add3A_720 = arith.constant 96 : i32
      %add3A_721 = vector.broadcast %add3A_720 : i32 to vector<16xi32>
      %add3A_722 = arith.addi %iota3A, %add3A_721 : vector<16xi32>
      %eq3A_723 = arith.cmpi eq, %add3A_722, %min3A_673 : vector<16xi32>
      %jit3A_724 = arith.constant 0xFF800000 : f32
      %broadcast_in_dim3A_725 = vector.broadcast %jit3A_724 : f32 to vector<16xf32>
      %select_n3A_726 = arith.select %eq3A_723, %broadcast_in_dim3A_725, %select_n3A_353 : vector<16xi1>, vector<16xf32>
      %add3A_727 = arith.constant 112 : i32
      %add3A_728 = vector.broadcast %add3A_727 : i32 to vector<16xi32>
      %add3A_729 = arith.addi %iota3A, %add3A_728 : vector<16xi32>
      %eq3A_730 = arith.cmpi eq, %add3A_729, %min3A_673 : vector<16xi32>
      %jit3A_731 = arith.constant 0xFF800000 : f32
      %broadcast_in_dim3A_732 = vector.broadcast %jit3A_731 : f32 to vector<16xf32>
      %select_n3A_733 = arith.select %eq3A_730, %broadcast_in_dim3A_732, %select_n3A_360 : vector<16xi1>, vector<16xf32>
      %add3A_734 = arith.constant 128 : i32
      %add3A_735 = vector.broadcast %add3A_734 : i32 to vector<16xi32>
      %add3A_736 = arith.addi %iota3A, %add3A_735 : vector<16xi32>
      %eq3A_737 = arith.cmpi eq, %add3A_736, %min3A_673 : vector<16xi32>
      %jit3A_738 = arith.constant 0xFF800000 : f32
      %broadcast_in_dim3A_739 = vector.broadcast %jit3A_738 : f32 to vector<16xf32>
      %select_n3A_740 = arith.select %eq3A_737, %broadcast_in_dim3A_739, %select_n3A_367 : vector<16xi1>, vector<16xf32>
      %add3A_741 = arith.constant 144 : i32
      %add3A_742 = vector.broadcast %add3A_741 : i32 to vector<16xi32>
      %add3A_743 = arith.addi %iota3A, %add3A_742 : vector<16xi32>
      %eq3A_744 = arith.cmpi eq, %add3A_743, %min3A_673 : vector<16xi32>
      %jit3A_745 = arith.constant 0xFF800000 : f32
      %broadcast_in_dim3A_746 = vector.broadcast %jit3A_745 : f32 to vector<16xf32>
      %select_n3A_747 = arith.select %eq3A_744, %broadcast_in_dim3A_746, %select_n3A_374 : vector<16xi1>, vector<16xf32>
      %add3A_748 = arith.constant 160 : i32
      %add3A_749 = vector.broadcast %add3A_748 : i32 to vector<16xi32>
      %add3A_750 = arith.addi %iota3A, %add3A_749 : vector<16xi32>
      %eq3A_751 = arith.cmpi eq, %add3A_750, %min3A_673 : vector<16xi32>
      %jit3A_752 = arith.constant 0xFF800000 : f32
      %broadcast_in_dim3A_753 = vector.broadcast %jit3A_752 : f32 to vector<16xf32>
      %select_n3A_754 = arith.select %eq3A_751, %broadcast_in_dim3A_753, %select_n3A_381 : vector<16xi1>, vector<16xf32>
      %add3A_755 = arith.constant 176 : i32
      %add3A_756 = vector.broadcast %add3A_755 : i32 to vector<16xi32>
      %add3A_757 = arith.addi %iota3A, %add3A_756 : vector<16xi32>
      %eq3A_758 = arith.cmpi eq, %add3A_757, %min3A_673 : vector<16xi32>
      %jit3A_759 = arith.constant 0xFF800000 : f32
      %broadcast_in_dim3A_760 = vector.broadcast %jit3A_759 : f32 to vector<16xf32>
      %select_n3A_761 = arith.select %eq3A_758, %broadcast_in_dim3A_760, %select_n3A_388 : vector<16xi1>, vector<16xf32>
      %add3A_762 = arith.constant 192 : i32
      %add3A_763 = vector.broadcast %add3A_762 : i32 to vector<16xi32>
      %add3A_764 = arith.addi %iota3A, %add3A_763 : vector<16xi32>
      %eq3A_765 = arith.cmpi eq, %add3A_764, %min3A_673 : vector<16xi32>
      %jit3A_766 = arith.constant 0xFF800000 : f32
      %broadcast_in_dim3A_767 = vector.broadcast %jit3A_766 : f32 to vector<16xf32>
      %select_n3A_768 = arith.select %eq3A_765, %broadcast_in_dim3A_767, %select_n3A_395 : vector<16xi1>, vector<16xf32>
      %add3A_769 = arith.constant 208 : i32
      %add3A_770 = vector.broadcast %add3A_769 : i32 to vector<16xi32>
      %add3A_771 = arith.addi %iota3A, %add3A_770 : vector<16xi32>
      %eq3A_772 = arith.cmpi eq, %add3A_771, %min3A_673 : vector<16xi32>
      %jit3A_773 = arith.constant 0xFF800000 : f32
      %broadcast_in_dim3A_774 = vector.broadcast %jit3A_773 : f32 to vector<16xf32>
      %select_n3A_775 = arith.select %eq3A_772, %broadcast_in_dim3A_774, %select_n3A_402 : vector<16xi1>, vector<16xf32>
      %add3A_776 = arith.constant 224 : i32
      %add3A_777 = vector.broadcast %add3A_776 : i32 to vector<16xi32>
      %add3A_778 = arith.addi %iota3A, %add3A_777 : vector<16xi32>
      %eq3A_779 = arith.cmpi eq, %add3A_778, %min3A_673 : vector<16xi32>
      %jit3A_780 = arith.constant 0xFF800000 : f32
      %broadcast_in_dim3A_781 = vector.broadcast %jit3A_780 : f32 to vector<16xf32>
      %select_n3A_782 = arith.select %eq3A_779, %broadcast_in_dim3A_781, %select_n3A_409 : vector<16xi1>, vector<16xf32>
      %add3A_783 = arith.constant 240 : i32
      %add3A_784 = vector.broadcast %add3A_783 : i32 to vector<16xi32>
      %add3A_785 = arith.addi %iota3A, %add3A_784 : vector<16xi32>
      %eq3A_786 = arith.cmpi eq, %add3A_785, %min3A_673 : vector<16xi32>
      %jit3A_787 = arith.constant 0xFF800000 : f32
      %broadcast_in_dim3A_788 = vector.broadcast %jit3A_787 : f32 to vector<16xf32>
      %select_n3A_789 = arith.select %eq3A_786, %broadcast_in_dim3A_788, %select_n3A_416 : vector<16xi1>, vector<16xf32>
      %max3A_790 = arith.maximumf %select_n3A_684, %select_n3A_691 : vector<16xf32>
      %max3A_791 = arith.maximumf %max3A_790, %select_n3A_698 : vector<16xf32>
      %max3A_792 = arith.maximumf %max3A_791, %select_n3A_705 : vector<16xf32>
      %max3A_793 = arith.maximumf %max3A_792, %select_n3A_712 : vector<16xf32>
      %max3A_794 = arith.maximumf %max3A_793, %select_n3A_719 : vector<16xf32>
      %max3A_795 = arith.maximumf %max3A_794, %select_n3A_726 : vector<16xf32>
      %max3A_796 = arith.maximumf %max3A_795, %select_n3A_733 : vector<16xf32>
      %max3A_797 = arith.maximumf %max3A_796, %select_n3A_740 : vector<16xf32>
      %max3A_798 = arith.maximumf %max3A_797, %select_n3A_747 : vector<16xf32>
      %max3A_799 = arith.maximumf %max3A_798, %select_n3A_754 : vector<16xf32>
      %max3A_800 = arith.maximumf %max3A_799, %select_n3A_761 : vector<16xf32>
      %max3A_801 = arith.maximumf %max3A_800, %select_n3A_768 : vector<16xf32>
      %max3A_802 = arith.maximumf %max3A_801, %select_n3A_775 : vector<16xf32>
      %max3A_803 = arith.maximumf %max3A_802, %select_n3A_782 : vector<16xf32>
      %max3A_804 = arith.maximumf %max3A_803, %select_n3A_789 : vector<16xf32>
      %xor3A_805 = arith.constant 1 : i32
      %xor3A_806 = vector.broadcast %xor3A_805 : i32 to vector<16xi32>
      %xor3A_807 = arith.xori %iota3A, %xor3A_806 : vector<16xi32>
      %lt3A_808 = arith.constant 0 : i32
      %lt3A_809 = vector.broadcast %lt3A_808 : i32 to vector<16xi32>
      %lt3A_810 = arith.cmpi slt, %xor3A_807, %lt3A_809 : vector<16xi32>
      %add3A_811 = arith.constant 16 : i32
      %add3A_812 = vector.broadcast %add3A_811 : i32 to vector<16xi32>
      %add3A_813 = arith.addi %xor3A_807, %add3A_812 : vector<16xi32>
      %select_n3A_814 = arith.select %lt3A_810, %add3A_813, %xor3A_807 : vector<16xi1>, vector<16xi32>
      %broadcast_in_dim3A_815 = vector.shape_cast %select_n3A_814 : vector<16xi32> to vector<16x1xi32>
      %gather3A_816 = vector.shape_cast %broadcast_in_dim3A_815 : vector<16x1xi32> to vector<16xi32>
      %gather3A_817 = tpu.dynamic_gather %max3A_804[%gather3A_816] in [0] : vector<16xf32>, vector<16xi32> -> vector<16xf32>
      %max3A_818 = arith.maximumf %max3A_804, %gather3A_817 : vector<16xf32>
      %xor3A_819 = arith.constant 2 : i32
      %xor3A_820 = vector.broadcast %xor3A_819 : i32 to vector<16xi32>
      %xor3A_821 = arith.xori %iota3A, %xor3A_820 : vector<16xi32>
      %lt3A_822 = arith.constant 0 : i32
      %lt3A_823 = vector.broadcast %lt3A_822 : i32 to vector<16xi32>
      %lt3A_824 = arith.cmpi slt, %xor3A_821, %lt3A_823 : vector<16xi32>
      %add3A_825 = arith.constant 16 : i32
      %add3A_826 = vector.broadcast %add3A_825 : i32 to vector<16xi32>
      %add3A_827 = arith.addi %xor3A_821, %add3A_826 : vector<16xi32>
      %select_n3A_828 = arith.select %lt3A_824, %add3A_827, %xor3A_821 : vector<16xi1>, vector<16xi32>
      %broadcast_in_dim3A_829 = vector.shape_cast %select_n3A_828 : vector<16xi32> to vector<16x1xi32>
      %gather3A_830 = vector.shape_cast %broadcast_in_dim3A_829 : vector<16x1xi32> to vector<16xi32>
      %gather3A_831 = tpu.dynamic_gather %max3A_818[%gather3A_830] in [0] : vector<16xf32>, vector<16xi32> -> vector<16xf32>
      %max3A_832 = arith.maximumf %max3A_818, %gather3A_831 : vector<16xf32>
      %xor3A_833 = arith.constant 4 : i32
      %xor3A_834 = vector.broadcast %xor3A_833 : i32 to vector<16xi32>
      %xor3A_835 = arith.xori %iota3A, %xor3A_834 : vector<16xi32>
      %lt3A_836 = arith.constant 0 : i32
      %lt3A_837 = vector.broadcast %lt3A_836 : i32 to vector<16xi32>
      %lt3A_838 = arith.cmpi slt, %xor3A_835, %lt3A_837 : vector<16xi32>
      %add3A_839 = arith.constant 16 : i32
      %add3A_840 = vector.broadcast %add3A_839 : i32 to vector<16xi32>
      %add3A_841 = arith.addi %xor3A_835, %add3A_840 : vector<16xi32>
      %select_n3A_842 = arith.select %lt3A_838, %add3A_841, %xor3A_835 : vector<16xi1>, vector<16xi32>
      %broadcast_in_dim3A_843 = vector.shape_cast %select_n3A_842 : vector<16xi32> to vector<16x1xi32>
      %gather3A_844 = vector.shape_cast %broadcast_in_dim3A_843 : vector<16x1xi32> to vector<16xi32>
      %gather3A_845 = tpu.dynamic_gather %max3A_832[%gather3A_844] in [0] : vector<16xf32>, vector<16xi32> -> vector<16xf32>
      %max3A_846 = arith.maximumf %max3A_832, %gather3A_845 : vector<16xf32>
      %xor3A_847 = arith.constant 8 : i32
      %xor3A_848 = vector.broadcast %xor3A_847 : i32 to vector<16xi32>
      %xor3A_849 = arith.xori %iota3A, %xor3A_848 : vector<16xi32>
      %lt3A_850 = arith.constant 0 : i32
      %lt3A_851 = vector.broadcast %lt3A_850 : i32 to vector<16xi32>
      %lt3A_852 = arith.cmpi slt, %xor3A_849, %lt3A_851 : vector<16xi32>
      %add3A_853 = arith.constant 16 : i32
      %add3A_854 = vector.broadcast %add3A_853 : i32 to vector<16xi32>
      %add3A_855 = arith.addi %xor3A_849, %add3A_854 : vector<16xi32>
      %select_n3A_856 = arith.select %lt3A_852, %add3A_855, %xor3A_849 : vector<16xi1>, vector<16xi32>
      %broadcast_in_dim3A_857 = vector.shape_cast %select_n3A_856 : vector<16xi32> to vector<16x1xi32>
      %gather3A_858 = vector.shape_cast %broadcast_in_dim3A_857 : vector<16x1xi32> to vector<16xi32>
      %gather3A_859 = tpu.dynamic_gather %max3A_846[%gather3A_858] in [0] : vector<16xf32>, vector<16xi32> -> vector<16xf32>
      %max3A_860 = arith.maximumf %max3A_846, %gather3A_859 : vector<16xf32>
      %broadcast_in_dim3A_861 = arith.constant 256 : i32
      %broadcast_in_dim3A_862 = vector.broadcast %broadcast_in_dim3A_861 : i32 to vector<16xi32>
      %eq3A_863 = arith.cmpf oeq, %select_n3A_684, %max3A_860 : vector<16xf32>
      %add3A_864 = arith.constant 0 : i32
      %add3A_865 = vector.broadcast %add3A_864 : i32 to vector<16xi32>
      %add3A_866 = arith.addi %iota3A, %add3A_865 : vector<16xi32>
      %jit3A_867 = arith.constant 256 : i32
      %broadcast_in_dim3A_868 = vector.broadcast %jit3A_867 : i32 to vector<16xi32>
      %select_n3A_869 = arith.select %eq3A_863, %add3A_866, %broadcast_in_dim3A_868 : vector<16xi1>, vector<16xi32>
      %min3A_870 = arith.minsi %broadcast_in_dim3A_862, %select_n3A_869 : vector<16xi32>
      %eq3A_871 = arith.cmpf oeq, %select_n3A_691, %max3A_860 : vector<16xf32>
      %add3A_872 = arith.constant 16 : i32
      %add3A_873 = vector.broadcast %add3A_872 : i32 to vector<16xi32>
      %add3A_874 = arith.addi %iota3A, %add3A_873 : vector<16xi32>
      %jit3A_875 = arith.constant 256 : i32
      %broadcast_in_dim3A_876 = vector.broadcast %jit3A_875 : i32 to vector<16xi32>
      %select_n3A_877 = arith.select %eq3A_871, %add3A_874, %broadcast_in_dim3A_876 : vector<16xi1>, vector<16xi32>
      %min3A_878 = arith.minsi %min3A_870, %select_n3A_877 : vector<16xi32>
      %eq3A_879 = arith.cmpf oeq, %select_n3A_698, %max3A_860 : vector<16xf32>
      %add3A_880 = arith.constant 32 : i32
      %add3A_881 = vector.broadcast %add3A_880 : i32 to vector<16xi32>
      %add3A_882 = arith.addi %iota3A, %add3A_881 : vector<16xi32>
      %jit3A_883 = arith.constant 256 : i32
      %broadcast_in_dim3A_884 = vector.broadcast %jit3A_883 : i32 to vector<16xi32>
      %select_n3A_885 = arith.select %eq3A_879, %add3A_882, %broadcast_in_dim3A_884 : vector<16xi1>, vector<16xi32>
      %min3A_886 = arith.minsi %min3A_878, %select_n3A_885 : vector<16xi32>
      %eq3A_887 = arith.cmpf oeq, %select_n3A_705, %max3A_860 : vector<16xf32>
      %add3A_888 = arith.constant 48 : i32
      %add3A_889 = vector.broadcast %add3A_888 : i32 to vector<16xi32>
      %add3A_890 = arith.addi %iota3A, %add3A_889 : vector<16xi32>
      %jit3A_891 = arith.constant 256 : i32
      %broadcast_in_dim3A_892 = vector.broadcast %jit3A_891 : i32 to vector<16xi32>
      %select_n3A_893 = arith.select %eq3A_887, %add3A_890, %broadcast_in_dim3A_892 : vector<16xi1>, vector<16xi32>
      %min3A_894 = arith.minsi %min3A_886, %select_n3A_893 : vector<16xi32>
      %eq3A_895 = arith.cmpf oeq, %select_n3A_712, %max3A_860 : vector<16xf32>
      %add3A_896 = arith.constant 64 : i32
      %add3A_897 = vector.broadcast %add3A_896 : i32 to vector<16xi32>
      %add3A_898 = arith.addi %iota3A, %add3A_897 : vector<16xi32>
      %jit3A_899 = arith.constant 256 : i32
      %broadcast_in_dim3A_900 = vector.broadcast %jit3A_899 : i32 to vector<16xi32>
      %select_n3A_901 = arith.select %eq3A_895, %add3A_898, %broadcast_in_dim3A_900 : vector<16xi1>, vector<16xi32>
      %min3A_902 = arith.minsi %min3A_894, %select_n3A_901 : vector<16xi32>
      %eq3A_903 = arith.cmpf oeq, %select_n3A_719, %max3A_860 : vector<16xf32>
      %add3A_904 = arith.constant 80 : i32
      %add3A_905 = vector.broadcast %add3A_904 : i32 to vector<16xi32>
      %add3A_906 = arith.addi %iota3A, %add3A_905 : vector<16xi32>
      %jit3A_907 = arith.constant 256 : i32
      %broadcast_in_dim3A_908 = vector.broadcast %jit3A_907 : i32 to vector<16xi32>
      %select_n3A_909 = arith.select %eq3A_903, %add3A_906, %broadcast_in_dim3A_908 : vector<16xi1>, vector<16xi32>
      %min3A_910 = arith.minsi %min3A_902, %select_n3A_909 : vector<16xi32>
      %eq3A_911 = arith.cmpf oeq, %select_n3A_726, %max3A_860 : vector<16xf32>
      %add3A_912 = arith.constant 96 : i32
      %add3A_913 = vector.broadcast %add3A_912 : i32 to vector<16xi32>
      %add3A_914 = arith.addi %iota3A, %add3A_913 : vector<16xi32>
      %jit3A_915 = arith.constant 256 : i32
      %broadcast_in_dim3A_916 = vector.broadcast %jit3A_915 : i32 to vector<16xi32>
      %select_n3A_917 = arith.select %eq3A_911, %add3A_914, %broadcast_in_dim3A_916 : vector<16xi1>, vector<16xi32>
      %min3A_918 = arith.minsi %min3A_910, %select_n3A_917 : vector<16xi32>
      %eq3A_919 = arith.cmpf oeq, %select_n3A_733, %max3A_860 : vector<16xf32>
      %add3A_920 = arith.constant 112 : i32
      %add3A_921 = vector.broadcast %add3A_920 : i32 to vector<16xi32>
      %add3A_922 = arith.addi %iota3A, %add3A_921 : vector<16xi32>
      %jit3A_923 = arith.constant 256 : i32
      %broadcast_in_dim3A_924 = vector.broadcast %jit3A_923 : i32 to vector<16xi32>
      %select_n3A_925 = arith.select %eq3A_919, %add3A_922, %broadcast_in_dim3A_924 : vector<16xi1>, vector<16xi32>
      %min3A_926 = arith.minsi %min3A_918, %select_n3A_925 : vector<16xi32>
      %eq3A_927 = arith.cmpf oeq, %select_n3A_740, %max3A_860 : vector<16xf32>
      %add3A_928 = arith.constant 128 : i32
      %add3A_929 = vector.broadcast %add3A_928 : i32 to vector<16xi32>
      %add3A_930 = arith.addi %iota3A, %add3A_929 : vector<16xi32>
      %jit3A_931 = arith.constant 256 : i32
      %broadcast_in_dim3A_932 = vector.broadcast %jit3A_931 : i32 to vector<16xi32>
      %select_n3A_933 = arith.select %eq3A_927, %add3A_930, %broadcast_in_dim3A_932 : vector<16xi1>, vector<16xi32>
      %min3A_934 = arith.minsi %min3A_926, %select_n3A_933 : vector<16xi32>
      %eq3A_935 = arith.cmpf oeq, %select_n3A_747, %max3A_860 : vector<16xf32>
      %add3A_936 = arith.constant 144 : i32
      %add3A_937 = vector.broadcast %add3A_936 : i32 to vector<16xi32>
      %add3A_938 = arith.addi %iota3A, %add3A_937 : vector<16xi32>
      %jit3A_939 = arith.constant 256 : i32
      %broadcast_in_dim3A_940 = vector.broadcast %jit3A_939 : i32 to vector<16xi32>
      %select_n3A_941 = arith.select %eq3A_935, %add3A_938, %broadcast_in_dim3A_940 : vector<16xi1>, vector<16xi32>
      %min3A_942 = arith.minsi %min3A_934, %select_n3A_941 : vector<16xi32>
      %eq3A_943 = arith.cmpf oeq, %select_n3A_754, %max3A_860 : vector<16xf32>
      %add3A_944 = arith.constant 160 : i32
      %add3A_945 = vector.broadcast %add3A_944 : i32 to vector<16xi32>
      %add3A_946 = arith.addi %iota3A, %add3A_945 : vector<16xi32>
      %jit3A_947 = arith.constant 256 : i32
      %broadcast_in_dim3A_948 = vector.broadcast %jit3A_947 : i32 to vector<16xi32>
      %select_n3A_949 = arith.select %eq3A_943, %add3A_946, %broadcast_in_dim3A_948 : vector<16xi1>, vector<16xi32>
      %min3A_950 = arith.minsi %min3A_942, %select_n3A_949 : vector<16xi32>
      %eq3A_951 = arith.cmpf oeq, %select_n3A_761, %max3A_860 : vector<16xf32>
      %add3A_952 = arith.constant 176 : i32
      %add3A_953 = vector.broadcast %add3A_952 : i32 to vector<16xi32>
      %add3A_954 = arith.addi %iota3A, %add3A_953 : vector<16xi32>
      %jit3A_955 = arith.constant 256 : i32
      %broadcast_in_dim3A_956 = vector.broadcast %jit3A_955 : i32 to vector<16xi32>
      %select_n3A_957 = arith.select %eq3A_951, %add3A_954, %broadcast_in_dim3A_956 : vector<16xi1>, vector<16xi32>
      %min3A_958 = arith.minsi %min3A_950, %select_n3A_957 : vector<16xi32>
      %eq3A_959 = arith.cmpf oeq, %select_n3A_768, %max3A_860 : vector<16xf32>
      %add3A_960 = arith.constant 192 : i32
      %add3A_961 = vector.broadcast %add3A_960 : i32 to vector<16xi32>
      %add3A_962 = arith.addi %iota3A, %add3A_961 : vector<16xi32>
      %jit3A_963 = arith.constant 256 : i32
      %broadcast_in_dim3A_964 = vector.broadcast %jit3A_963 : i32 to vector<16xi32>
      %select_n3A_965 = arith.select %eq3A_959, %add3A_962, %broadcast_in_dim3A_964 : vector<16xi1>, vector<16xi32>
      %min3A_966 = arith.minsi %min3A_958, %select_n3A_965 : vector<16xi32>
      %eq3A_967 = arith.cmpf oeq, %select_n3A_775, %max3A_860 : vector<16xf32>
      %add3A_968 = arith.constant 208 : i32
      %add3A_969 = vector.broadcast %add3A_968 : i32 to vector<16xi32>
      %add3A_970 = arith.addi %iota3A, %add3A_969 : vector<16xi32>
      %jit3A_971 = arith.constant 256 : i32
      %broadcast_in_dim3A_972 = vector.broadcast %jit3A_971 : i32 to vector<16xi32>
      %select_n3A_973 = arith.select %eq3A_967, %add3A_970, %broadcast_in_dim3A_972 : vector<16xi1>, vector<16xi32>
      %min3A_974 = arith.minsi %min3A_966, %select_n3A_973 : vector<16xi32>
      %eq3A_975 = arith.cmpf oeq, %select_n3A_782, %max3A_860 : vector<16xf32>
      %add3A_976 = arith.constant 224 : i32
      %add3A_977 = vector.broadcast %add3A_976 : i32 to vector<16xi32>
      %add3A_978 = arith.addi %iota3A, %add3A_977 : vector<16xi32>
      %jit3A_979 = arith.constant 256 : i32
      %broadcast_in_dim3A_980 = vector.broadcast %jit3A_979 : i32 to vector<16xi32>
      %select_n3A_981 = arith.select %eq3A_975, %add3A_978, %broadcast_in_dim3A_980 : vector<16xi1>, vector<16xi32>
      %min3A_982 = arith.minsi %min3A_974, %select_n3A_981 : vector<16xi32>
      %eq3A_983 = arith.cmpf oeq, %select_n3A_789, %max3A_860 : vector<16xf32>
      %add3A_984 = arith.constant 240 : i32
      %add3A_985 = vector.broadcast %add3A_984 : i32 to vector<16xi32>
      %add3A_986 = arith.addi %iota3A, %add3A_985 : vector<16xi32>
      %jit3A_987 = arith.constant 256 : i32
      %broadcast_in_dim3A_988 = vector.broadcast %jit3A_987 : i32 to vector<16xi32>
      %select_n3A_989 = arith.select %eq3A_983, %add3A_986, %broadcast_in_dim3A_988 : vector<16xi1>, vector<16xi32>
      %min3A_990 = arith.minsi %min3A_982, %select_n3A_989 : vector<16xi32>
      %xor3A_991 = arith.constant 1 : i32
      %xor3A_992 = vector.broadcast %xor3A_991 : i32 to vector<16xi32>
      %xor3A_993 = arith.xori %iota3A, %xor3A_992 : vector<16xi32>
      %lt3A_994 = arith.constant 0 : i32
      %lt3A_995 = vector.broadcast %lt3A_994 : i32 to vector<16xi32>
      %lt3A_996 = arith.cmpi slt, %xor3A_993, %lt3A_995 : vector<16xi32>
      %add3A_997 = arith.constant 16 : i32
      %add3A_998 = vector.broadcast %add3A_997 : i32 to vector<16xi32>
      %add3A_999 = arith.addi %xor3A_993, %add3A_998 : vector<16xi32>
      %select_n3A_1000 = arith.select %lt3A_996, %add3A_999, %xor3A_993 : vector<16xi1>, vector<16xi32>
      %broadcast_in_dim3A_1001 = vector.shape_cast %select_n3A_1000 : vector<16xi32> to vector<16x1xi32>
      %gather3A_1002 = vector.shape_cast %broadcast_in_dim3A_1001 : vector<16x1xi32> to vector<16xi32>
      %gather3A_1003 = tpu.dynamic_gather %min3A_990[%gather3A_1002] in [0] : vector<16xi32>, vector<16xi32> -> vector<16xi32>
      %min3A_1004 = arith.minsi %min3A_990, %gather3A_1003 : vector<16xi32>
      %xor3A_1005 = arith.constant 2 : i32
      %xor3A_1006 = vector.broadcast %xor3A_1005 : i32 to vector<16xi32>
      %xor3A_1007 = arith.xori %iota3A, %xor3A_1006 : vector<16xi32>
      %lt3A_1008 = arith.constant 0 : i32
      %lt3A_1009 = vector.broadcast %lt3A_1008 : i32 to vector<16xi32>
      %lt3A_1010 = arith.cmpi slt, %xor3A_1007, %lt3A_1009 : vector<16xi32>
      %add3A_1011 = arith.constant 16 : i32
      %add3A_1012 = vector.broadcast %add3A_1011 : i32 to vector<16xi32>
      %add3A_1013 = arith.addi %xor3A_1007, %add3A_1012 : vector<16xi32>
      %select_n3A_1014 = arith.select %lt3A_1010, %add3A_1013, %xor3A_1007 : vector<16xi1>, vector<16xi32>
      %broadcast_in_dim3A_1015 = vector.shape_cast %select_n3A_1014 : vector<16xi32> to vector<16x1xi32>
      %gather3A_1016 = vector.shape_cast %broadcast_in_dim3A_1015 : vector<16x1xi32> to vector<16xi32>
      %gather3A_1017 = tpu.dynamic_gather %min3A_1004[%gather3A_1016] in [0] : vector<16xi32>, vector<16xi32> -> vector<16xi32>
      %min3A_1018 = arith.minsi %min3A_1004, %gather3A_1017 : vector<16xi32>
      %xor3A_1019 = arith.constant 4 : i32
      %xor3A_1020 = vector.broadcast %xor3A_1019 : i32 to vector<16xi32>
      %xor3A_1021 = arith.xori %iota3A, %xor3A_1020 : vector<16xi32>
      %lt3A_1022 = arith.constant 0 : i32
      %lt3A_1023 = vector.broadcast %lt3A_1022 : i32 to vector<16xi32>
      %lt3A_1024 = arith.cmpi slt, %xor3A_1021, %lt3A_1023 : vector<16xi32>
      %add3A_1025 = arith.constant 16 : i32
      %add3A_1026 = vector.broadcast %add3A_1025 : i32 to vector<16xi32>
      %add3A_1027 = arith.addi %xor3A_1021, %add3A_1026 : vector<16xi32>
      %select_n3A_1028 = arith.select %lt3A_1024, %add3A_1027, %xor3A_1021 : vector<16xi1>, vector<16xi32>
      %broadcast_in_dim3A_1029 = vector.shape_cast %select_n3A_1028 : vector<16xi32> to vector<16x1xi32>
      %gather3A_1030 = vector.shape_cast %broadcast_in_dim3A_1029 : vector<16x1xi32> to vector<16xi32>
      %gather3A_1031 = tpu.dynamic_gather %min3A_1018[%gather3A_1030] in [0] : vector<16xi32>, vector<16xi32> -> vector<16xi32>
      %min3A_1032 = arith.minsi %min3A_1018, %gather3A_1031 : vector<16xi32>
      %xor3A_1033 = arith.constant 8 : i32
      %xor3A_1034 = vector.broadcast %xor3A_1033 : i32 to vector<16xi32>
      %xor3A_1035 = arith.xori %iota3A, %xor3A_1034 : vector<16xi32>
      %lt3A_1036 = arith.constant 0 : i32
      %lt3A_1037 = vector.broadcast %lt3A_1036 : i32 to vector<16xi32>
      %lt3A_1038 = arith.cmpi slt, %xor3A_1035, %lt3A_1037 : vector<16xi32>
      %add3A_1039 = arith.constant 16 : i32
      %add3A_1040 = vector.broadcast %add3A_1039 : i32 to vector<16xi32>
      %add3A_1041 = arith.addi %xor3A_1035, %add3A_1040 : vector<16xi32>
      %select_n3A_1042 = arith.select %lt3A_1038, %add3A_1041, %xor3A_1035 : vector<16xi1>, vector<16xi32>
      %broadcast_in_dim3A_1043 = vector.shape_cast %select_n3A_1042 : vector<16xi32> to vector<16x1xi32>
      %gather3A_1044 = vector.shape_cast %broadcast_in_dim3A_1043 : vector<16x1xi32> to vector<16xi32>
      %gather3A_1045 = tpu.dynamic_gather %min3A_1032[%gather3A_1044] in [0] : vector<16xi32>, vector<16xi32> -> vector<16xi32>
      %min3A_1046 = arith.minsi %min3A_1032, %gather3A_1045 : vector<16xi32>
      %eq3A_1047 = arith.constant 2 : i32
      %eq3A_1048 = vector.broadcast %eq3A_1047 : i32 to vector<16xi32>
      %eq3A_1049 = arith.cmpi eq, %iota3A, %eq3A_1048 : vector<16xi32>
      %select_n3A_1050 = arith.select %eq3A_1049, %min3A_1046, %select_n3A_677 : vector<16xi1>, vector<16xi32>
      %add3A_1051 = arith.constant 0 : i32
      %add3A_1052 = vector.broadcast %add3A_1051 : i32 to vector<16xi32>
      %add3A_1053 = arith.addi %iota3A, %add3A_1052 : vector<16xi32>
      %eq3A_1054 = arith.cmpi eq, %add3A_1053, %min3A_1046 : vector<16xi32>
      %jit3A_1055 = arith.constant 0xFF800000 : f32
      %broadcast_in_dim3A_1056 = vector.broadcast %jit3A_1055 : f32 to vector<16xf32>
      %select_n3A_1057 = arith.select %eq3A_1054, %broadcast_in_dim3A_1056, %select_n3A_684 : vector<16xi1>, vector<16xf32>
      %add3A_1058 = arith.constant 16 : i32
      %add3A_1059 = vector.broadcast %add3A_1058 : i32 to vector<16xi32>
      %add3A_1060 = arith.addi %iota3A, %add3A_1059 : vector<16xi32>
      %eq3A_1061 = arith.cmpi eq, %add3A_1060, %min3A_1046 : vector<16xi32>
      %jit3A_1062 = arith.constant 0xFF800000 : f32
      %broadcast_in_dim3A_1063 = vector.broadcast %jit3A_1062 : f32 to vector<16xf32>
      %select_n3A_1064 = arith.select %eq3A_1061, %broadcast_in_dim3A_1063, %select_n3A_691 : vector<16xi1>, vector<16xf32>
      %add3A_1065 = arith.constant 32 : i32
      %add3A_1066 = vector.broadcast %add3A_1065 : i32 to vector<16xi32>
      %add3A_1067 = arith.addi %iota3A, %add3A_1066 : vector<16xi32>
      %eq3A_1068 = arith.cmpi eq, %add3A_1067, %min3A_1046 : vector<16xi32>
      %jit3A_1069 = arith.constant 0xFF800000 : f32
      %broadcast_in_dim3A_1070 = vector.broadcast %jit3A_1069 : f32 to vector<16xf32>
      %select_n3A_1071 = arith.select %eq3A_1068, %broadcast_in_dim3A_1070, %select_n3A_698 : vector<16xi1>, vector<16xf32>
      %add3A_1072 = arith.constant 48 : i32
      %add3A_1073 = vector.broadcast %add3A_1072 : i32 to vector<16xi32>
      %add3A_1074 = arith.addi %iota3A, %add3A_1073 : vector<16xi32>
      %eq3A_1075 = arith.cmpi eq, %add3A_1074, %min3A_1046 : vector<16xi32>
      %jit3A_1076 = arith.constant 0xFF800000 : f32
      %broadcast_in_dim3A_1077 = vector.broadcast %jit3A_1076 : f32 to vector<16xf32>
      %select_n3A_1078 = arith.select %eq3A_1075, %broadcast_in_dim3A_1077, %select_n3A_705 : vector<16xi1>, vector<16xf32>
      %add3A_1079 = arith.constant 64 : i32
      %add3A_1080 = vector.broadcast %add3A_1079 : i32 to vector<16xi32>
      %add3A_1081 = arith.addi %iota3A, %add3A_1080 : vector<16xi32>
      %eq3A_1082 = arith.cmpi eq, %add3A_1081, %min3A_1046 : vector<16xi32>
      %jit3A_1083 = arith.constant 0xFF800000 : f32
      %broadcast_in_dim3A_1084 = vector.broadcast %jit3A_1083 : f32 to vector<16xf32>
      %select_n3A_1085 = arith.select %eq3A_1082, %broadcast_in_dim3A_1084, %select_n3A_712 : vector<16xi1>, vector<16xf32>
      %add3A_1086 = arith.constant 80 : i32
      %add3A_1087 = vector.broadcast %add3A_1086 : i32 to vector<16xi32>
      %add3A_1088 = arith.addi %iota3A, %add3A_1087 : vector<16xi32>
      %eq3A_1089 = arith.cmpi eq, %add3A_1088, %min3A_1046 : vector<16xi32>
      %jit3A_1090 = arith.constant 0xFF800000 : f32
      %broadcast_in_dim3A_1091 = vector.broadcast %jit3A_1090 : f32 to vector<16xf32>
      %select_n3A_1092 = arith.select %eq3A_1089, %broadcast_in_dim3A_1091, %select_n3A_719 : vector<16xi1>, vector<16xf32>
      %add3A_1093 = arith.constant 96 : i32
      %add3A_1094 = vector.broadcast %add3A_1093 : i32 to vector<16xi32>
      %add3A_1095 = arith.addi %iota3A, %add3A_1094 : vector<16xi32>
      %eq3A_1096 = arith.cmpi eq, %add3A_1095, %min3A_1046 : vector<16xi32>
      %jit3A_1097 = arith.constant 0xFF800000 : f32
      %broadcast_in_dim3A_1098 = vector.broadcast %jit3A_1097 : f32 to vector<16xf32>
      %select_n3A_1099 = arith.select %eq3A_1096, %broadcast_in_dim3A_1098, %select_n3A_726 : vector<16xi1>, vector<16xf32>
      %add3A_1100 = arith.constant 112 : i32
      %add3A_1101 = vector.broadcast %add3A_1100 : i32 to vector<16xi32>
      %add3A_1102 = arith.addi %iota3A, %add3A_1101 : vector<16xi32>
      %eq3A_1103 = arith.cmpi eq, %add3A_1102, %min3A_1046 : vector<16xi32>
      %jit3A_1104 = arith.constant 0xFF800000 : f32
      %broadcast_in_dim3A_1105 = vector.broadcast %jit3A_1104 : f32 to vector<16xf32>
      %select_n3A_1106 = arith.select %eq3A_1103, %broadcast_in_dim3A_1105, %select_n3A_733 : vector<16xi1>, vector<16xf32>
      %add3A_1107 = arith.constant 128 : i32
      %add3A_1108 = vector.broadcast %add3A_1107 : i32 to vector<16xi32>
      %add3A_1109 = arith.addi %iota3A, %add3A_1108 : vector<16xi32>
      %eq3A_1110 = arith.cmpi eq, %add3A_1109, %min3A_1046 : vector<16xi32>
      %jit3A_1111 = arith.constant 0xFF800000 : f32
      %broadcast_in_dim3A_1112 = vector.broadcast %jit3A_1111 : f32 to vector<16xf32>
      %select_n3A_1113 = arith.select %eq3A_1110, %broadcast_in_dim3A_1112, %select_n3A_740 : vector<16xi1>, vector<16xf32>
      %add3A_1114 = arith.constant 144 : i32
      %add3A_1115 = vector.broadcast %add3A_1114 : i32 to vector<16xi32>
      %add3A_1116 = arith.addi %iota3A, %add3A_1115 : vector<16xi32>
      %eq3A_1117 = arith.cmpi eq, %add3A_1116, %min3A_1046 : vector<16xi32>
      %jit3A_1118 = arith.constant 0xFF800000 : f32
      %broadcast_in_dim3A_1119 = vector.broadcast %jit3A_1118 : f32 to vector<16xf32>
      %select_n3A_1120 = arith.select %eq3A_1117, %broadcast_in_dim3A_1119, %select_n3A_747 : vector<16xi1>, vector<16xf32>
      %add3A_1121 = arith.constant 160 : i32
      %add3A_1122 = vector.broadcast %add3A_1121 : i32 to vector<16xi32>
      %add3A_1123 = arith.addi %iota3A, %add3A_1122 : vector<16xi32>
      %eq3A_1124 = arith.cmpi eq, %add3A_1123, %min3A_1046 : vector<16xi32>
      %jit3A_1125 = arith.constant 0xFF800000 : f32
      %broadcast_in_dim3A_1126 = vector.broadcast %jit3A_1125 : f32 to vector<16xf32>
      %select_n3A_1127 = arith.select %eq3A_1124, %broadcast_in_dim3A_1126, %select_n3A_754 : vector<16xi1>, vector<16xf32>
      %add3A_1128 = arith.constant 176 : i32
      %add3A_1129 = vector.broadcast %add3A_1128 : i32 to vector<16xi32>
      %add3A_1130 = arith.addi %iota3A, %add3A_1129 : vector<16xi32>
      %eq3A_1131 = arith.cmpi eq, %add3A_1130, %min3A_1046 : vector<16xi32>
      %jit3A_1132 = arith.constant 0xFF800000 : f32
      %broadcast_in_dim3A_1133 = vector.broadcast %jit3A_1132 : f32 to vector<16xf32>
      %select_n3A_1134 = arith.select %eq3A_1131, %broadcast_in_dim3A_1133, %select_n3A_761 : vector<16xi1>, vector<16xf32>
      %add3A_1135 = arith.constant 192 : i32
      %add3A_1136 = vector.broadcast %add3A_1135 : i32 to vector<16xi32>
      %add3A_1137 = arith.addi %iota3A, %add3A_1136 : vector<16xi32>
      %eq3A_1138 = arith.cmpi eq, %add3A_1137, %min3A_1046 : vector<16xi32>
      %jit3A_1139 = arith.constant 0xFF800000 : f32
      %broadcast_in_dim3A_1140 = vector.broadcast %jit3A_1139 : f32 to vector<16xf32>
      %select_n3A_1141 = arith.select %eq3A_1138, %broadcast_in_dim3A_1140, %select_n3A_768 : vector<16xi1>, vector<16xf32>
      %add3A_1142 = arith.constant 208 : i32
      %add3A_1143 = vector.broadcast %add3A_1142 : i32 to vector<16xi32>
      %add3A_1144 = arith.addi %iota3A, %add3A_1143 : vector<16xi32>
      %eq3A_1145 = arith.cmpi eq, %add3A_1144, %min3A_1046 : vector<16xi32>
      %jit3A_1146 = arith.constant 0xFF800000 : f32
      %broadcast_in_dim3A_1147 = vector.broadcast %jit3A_1146 : f32 to vector<16xf32>
      %select_n3A_1148 = arith.select %eq3A_1145, %broadcast_in_dim3A_1147, %select_n3A_775 : vector<16xi1>, vector<16xf32>
      %add3A_1149 = arith.constant 224 : i32
      %add3A_1150 = vector.broadcast %add3A_1149 : i32 to vector<16xi32>
      %add3A_1151 = arith.addi %iota3A, %add3A_1150 : vector<16xi32>
      %eq3A_1152 = arith.cmpi eq, %add3A_1151, %min3A_1046 : vector<16xi32>
      %jit3A_1153 = arith.constant 0xFF800000 : f32
      %broadcast_in_dim3A_1154 = vector.broadcast %jit3A_1153 : f32 to vector<16xf32>
      %select_n3A_1155 = arith.select %eq3A_1152, %broadcast_in_dim3A_1154, %select_n3A_782 : vector<16xi1>, vector<16xf32>
      %add3A_1156 = arith.constant 240 : i32
      %add3A_1157 = vector.broadcast %add3A_1156 : i32 to vector<16xi32>
      %add3A_1158 = arith.addi %iota3A, %add3A_1157 : vector<16xi32>
      %eq3A_1159 = arith.cmpi eq, %add3A_1158, %min3A_1046 : vector<16xi32>
      %jit3A_1160 = arith.constant 0xFF800000 : f32
      %broadcast_in_dim3A_1161 = vector.broadcast %jit3A_1160 : f32 to vector<16xf32>
      %select_n3A_1162 = arith.select %eq3A_1159, %broadcast_in_dim3A_1161, %select_n3A_789 : vector<16xi1>, vector<16xf32>
      %max3A_1163 = arith.maximumf %select_n3A_1057, %select_n3A_1064 : vector<16xf32>
      %max3A_1164 = arith.maximumf %max3A_1163, %select_n3A_1071 : vector<16xf32>
      %max3A_1165 = arith.maximumf %max3A_1164, %select_n3A_1078 : vector<16xf32>
      %max3A_1166 = arith.maximumf %max3A_1165, %select_n3A_1085 : vector<16xf32>
      %max3A_1167 = arith.maximumf %max3A_1166, %select_n3A_1092 : vector<16xf32>
      %max3A_1168 = arith.maximumf %max3A_1167, %select_n3A_1099 : vector<16xf32>
      %max3A_1169 = arith.maximumf %max3A_1168, %select_n3A_1106 : vector<16xf32>
      %max3A_1170 = arith.maximumf %max3A_1169, %select_n3A_1113 : vector<16xf32>
      %max3A_1171 = arith.maximumf %max3A_1170, %select_n3A_1120 : vector<16xf32>
      %max3A_1172 = arith.maximumf %max3A_1171, %select_n3A_1127 : vector<16xf32>
      %max3A_1173 = arith.maximumf %max3A_1172, %select_n3A_1134 : vector<16xf32>
      %max3A_1174 = arith.maximumf %max3A_1173, %select_n3A_1141 : vector<16xf32>
      %max3A_1175 = arith.maximumf %max3A_1174, %select_n3A_1148 : vector<16xf32>
      %max3A_1176 = arith.maximumf %max3A_1175, %select_n3A_1155 : vector<16xf32>
      %max3A_1177 = arith.maximumf %max3A_1176, %select_n3A_1162 : vector<16xf32>
      %xor3A_1178 = arith.constant 1 : i32
      %xor3A_1179 = vector.broadcast %xor3A_1178 : i32 to vector<16xi32>
      %xor3A_1180 = arith.xori %iota3A, %xor3A_1179 : vector<16xi32>
      %lt3A_1181 = arith.constant 0 : i32
      %lt3A_1182 = vector.broadcast %lt3A_1181 : i32 to vector<16xi32>
      %lt3A_1183 = arith.cmpi slt, %xor3A_1180, %lt3A_1182 : vector<16xi32>
      %add3A_1184 = arith.constant 16 : i32
      %add3A_1185 = vector.broadcast %add3A_1184 : i32 to vector<16xi32>
      %add3A_1186 = arith.addi %xor3A_1180, %add3A_1185 : vector<16xi32>
      %select_n3A_1187 = arith.select %lt3A_1183, %add3A_1186, %xor3A_1180 : vector<16xi1>, vector<16xi32>
      %broadcast_in_dim3A_1188 = vector.shape_cast %select_n3A_1187 : vector<16xi32> to vector<16x1xi32>
      %gather3A_1189 = vector.shape_cast %broadcast_in_dim3A_1188 : vector<16x1xi32> to vector<16xi32>
      %gather3A_1190 = tpu.dynamic_gather %max3A_1177[%gather3A_1189] in [0] : vector<16xf32>, vector<16xi32> -> vector<16xf32>
      %max3A_1191 = arith.maximumf %max3A_1177, %gather3A_1190 : vector<16xf32>
      %xor3A_1192 = arith.constant 2 : i32
      %xor3A_1193 = vector.broadcast %xor3A_1192 : i32 to vector<16xi32>
      %xor3A_1194 = arith.xori %iota3A, %xor3A_1193 : vector<16xi32>
      %lt3A_1195 = arith.constant 0 : i32
      %lt3A_1196 = vector.broadcast %lt3A_1195 : i32 to vector<16xi32>
      %lt3A_1197 = arith.cmpi slt, %xor3A_1194, %lt3A_1196 : vector<16xi32>
      %add3A_1198 = arith.constant 16 : i32
      %add3A_1199 = vector.broadcast %add3A_1198 : i32 to vector<16xi32>
      %add3A_1200 = arith.addi %xor3A_1194, %add3A_1199 : vector<16xi32>
      %select_n3A_1201 = arith.select %lt3A_1197, %add3A_1200, %xor3A_1194 : vector<16xi1>, vector<16xi32>
      %broadcast_in_dim3A_1202 = vector.shape_cast %select_n3A_1201 : vector<16xi32> to vector<16x1xi32>
      %gather3A_1203 = vector.shape_cast %broadcast_in_dim3A_1202 : vector<16x1xi32> to vector<16xi32>
      %gather3A_1204 = tpu.dynamic_gather %max3A_1191[%gather3A_1203] in [0] : vector<16xf32>, vector<16xi32> -> vector<16xf32>
      %max3A_1205 = arith.maximumf %max3A_1191, %gather3A_1204 : vector<16xf32>
      %xor3A_1206 = arith.constant 4 : i32
      %xor3A_1207 = vector.broadcast %xor3A_1206 : i32 to vector<16xi32>
      %xor3A_1208 = arith.xori %iota3A, %xor3A_1207 : vector<16xi32>
      %lt3A_1209 = arith.constant 0 : i32
      %lt3A_1210 = vector.broadcast %lt3A_1209 : i32 to vector<16xi32>
      %lt3A_1211 = arith.cmpi slt, %xor3A_1208, %lt3A_1210 : vector<16xi32>
      %add3A_1212 = arith.constant 16 : i32
      %add3A_1213 = vector.broadcast %add3A_1212 : i32 to vector<16xi32>
      %add3A_1214 = arith.addi %xor3A_1208, %add3A_1213 : vector<16xi32>
      %select_n3A_1215 = arith.select %lt3A_1211, %add3A_1214, %xor3A_1208 : vector<16xi1>, vector<16xi32>
      %broadcast_in_dim3A_1216 = vector.shape_cast %select_n3A_1215 : vector<16xi32> to vector<16x1xi32>
      %gather3A_1217 = vector.shape_cast %broadcast_in_dim3A_1216 : vector<16x1xi32> to vector<16xi32>
      %gather3A_1218 = tpu.dynamic_gather %max3A_1205[%gather3A_1217] in [0] : vector<16xf32>, vector<16xi32> -> vector<16xf32>
      %max3A_1219 = arith.maximumf %max3A_1205, %gather3A_1218 : vector<16xf32>
      %xor3A_1220 = arith.constant 8 : i32
      %xor3A_1221 = vector.broadcast %xor3A_1220 : i32 to vector<16xi32>
      %xor3A_1222 = arith.xori %iota3A, %xor3A_1221 : vector<16xi32>
      %lt3A_1223 = arith.constant 0 : i32
      %lt3A_1224 = vector.broadcast %lt3A_1223 : i32 to vector<16xi32>
      %lt3A_1225 = arith.cmpi slt, %xor3A_1222, %lt3A_1224 : vector<16xi32>
      %add3A_1226 = arith.constant 16 : i32
      %add3A_1227 = vector.broadcast %add3A_1226 : i32 to vector<16xi32>
      %add3A_1228 = arith.addi %xor3A_1222, %add3A_1227 : vector<16xi32>
      %select_n3A_1229 = arith.select %lt3A_1225, %add3A_1228, %xor3A_1222 : vector<16xi1>, vector<16xi32>
      %broadcast_in_dim3A_1230 = vector.shape_cast %select_n3A_1229 : vector<16xi32> to vector<16x1xi32>
      %gather3A_1231 = vector.shape_cast %broadcast_in_dim3A_1230 : vector<16x1xi32> to vector<16xi32>
      %gather3A_1232 = tpu.dynamic_gather %max3A_1219[%gather3A_1231] in [0] : vector<16xf32>, vector<16xi32> -> vector<16xf32>
      %max3A_1233 = arith.maximumf %max3A_1219, %gather3A_1232 : vector<16xf32>
      %broadcast_in_dim3A_1234 = arith.constant 256 : i32
      %broadcast_in_dim3A_1235 = vector.broadcast %broadcast_in_dim3A_1234 : i32 to vector<16xi32>
      %eq3A_1236 = arith.cmpf oeq, %select_n3A_1057, %max3A_1233 : vector<16xf32>
      %add3A_1237 = arith.constant 0 : i32
      %add3A_1238 = vector.broadcast %add3A_1237 : i32 to vector<16xi32>
      %add3A_1239 = arith.addi %iota3A, %add3A_1238 : vector<16xi32>
      %jit3A_1240 = arith.constant 256 : i32
      %broadcast_in_dim3A_1241 = vector.broadcast %jit3A_1240 : i32 to vector<16xi32>
      %select_n3A_1242 = arith.select %eq3A_1236, %add3A_1239, %broadcast_in_dim3A_1241 : vector<16xi1>, vector<16xi32>
      %min3A_1243 = arith.minsi %broadcast_in_dim3A_1235, %select_n3A_1242 : vector<16xi32>
      %eq3A_1244 = arith.cmpf oeq, %select_n3A_1064, %max3A_1233 : vector<16xf32>
      %add3A_1245 = arith.constant 16 : i32
      %add3A_1246 = vector.broadcast %add3A_1245 : i32 to vector<16xi32>
      %add3A_1247 = arith.addi %iota3A, %add3A_1246 : vector<16xi32>
      %jit3A_1248 = arith.constant 256 : i32
      %broadcast_in_dim3A_1249 = vector.broadcast %jit3A_1248 : i32 to vector<16xi32>
      %select_n3A_1250 = arith.select %eq3A_1244, %add3A_1247, %broadcast_in_dim3A_1249 : vector<16xi1>, vector<16xi32>
      %min3A_1251 = arith.minsi %min3A_1243, %select_n3A_1250 : vector<16xi32>
      %eq3A_1252 = arith.cmpf oeq, %select_n3A_1071, %max3A_1233 : vector<16xf32>
      %add3A_1253 = arith.constant 32 : i32
      %add3A_1254 = vector.broadcast %add3A_1253 : i32 to vector<16xi32>
      %add3A_1255 = arith.addi %iota3A, %add3A_1254 : vector<16xi32>
      %jit3A_1256 = arith.constant 256 : i32
      %broadcast_in_dim3A_1257 = vector.broadcast %jit3A_1256 : i32 to vector<16xi32>
      %select_n3A_1258 = arith.select %eq3A_1252, %add3A_1255, %broadcast_in_dim3A_1257 : vector<16xi1>, vector<16xi32>
      %min3A_1259 = arith.minsi %min3A_1251, %select_n3A_1258 : vector<16xi32>
      %eq3A_1260 = arith.cmpf oeq, %select_n3A_1078, %max3A_1233 : vector<16xf32>
      %add3A_1261 = arith.constant 48 : i32
      %add3A_1262 = vector.broadcast %add3A_1261 : i32 to vector<16xi32>
      %add3A_1263 = arith.addi %iota3A, %add3A_1262 : vector<16xi32>
      %jit3A_1264 = arith.constant 256 : i32
      %broadcast_in_dim3A_1265 = vector.broadcast %jit3A_1264 : i32 to vector<16xi32>
      %select_n3A_1266 = arith.select %eq3A_1260, %add3A_1263, %broadcast_in_dim3A_1265 : vector<16xi1>, vector<16xi32>
      %min3A_1267 = arith.minsi %min3A_1259, %select_n3A_1266 : vector<16xi32>
      %eq3A_1268 = arith.cmpf oeq, %select_n3A_1085, %max3A_1233 : vector<16xf32>
      %add3A_1269 = arith.constant 64 : i32
      %add3A_1270 = vector.broadcast %add3A_1269 : i32 to vector<16xi32>
      %add3A_1271 = arith.addi %iota3A, %add3A_1270 : vector<16xi32>
      %jit3A_1272 = arith.constant 256 : i32
      %broadcast_in_dim3A_1273 = vector.broadcast %jit3A_1272 : i32 to vector<16xi32>
      %select_n3A_1274 = arith.select %eq3A_1268, %add3A_1271, %broadcast_in_dim3A_1273 : vector<16xi1>, vector<16xi32>
      %min3A_1275 = arith.minsi %min3A_1267, %select_n3A_1274 : vector<16xi32>
      %eq3A_1276 = arith.cmpf oeq, %select_n3A_1092, %max3A_1233 : vector<16xf32>
      %add3A_1277 = arith.constant 80 : i32
      %add3A_1278 = vector.broadcast %add3A_1277 : i32 to vector<16xi32>
      %add3A_1279 = arith.addi %iota3A, %add3A_1278 : vector<16xi32>
      %jit3A_1280 = arith.constant 256 : i32
      %broadcast_in_dim3A_1281 = vector.broadcast %jit3A_1280 : i32 to vector<16xi32>
      %select_n3A_1282 = arith.select %eq3A_1276, %add3A_1279, %broadcast_in_dim3A_1281 : vector<16xi1>, vector<16xi32>
      %min3A_1283 = arith.minsi %min3A_1275, %select_n3A_1282 : vector<16xi32>
      %eq3A_1284 = arith.cmpf oeq, %select_n3A_1099, %max3A_1233 : vector<16xf32>
      %add3A_1285 = arith.constant 96 : i32
      %add3A_1286 = vector.broadcast %add3A_1285 : i32 to vector<16xi32>
      %add3A_1287 = arith.addi %iota3A, %add3A_1286 : vector<16xi32>
      %jit3A_1288 = arith.constant 256 : i32
      %broadcast_in_dim3A_1289 = vector.broadcast %jit3A_1288 : i32 to vector<16xi32>
      %select_n3A_1290 = arith.select %eq3A_1284, %add3A_1287, %broadcast_in_dim3A_1289 : vector<16xi1>, vector<16xi32>
      %min3A_1291 = arith.minsi %min3A_1283, %select_n3A_1290 : vector<16xi32>
      %eq3A_1292 = arith.cmpf oeq, %select_n3A_1106, %max3A_1233 : vector<16xf32>
      %add3A_1293 = arith.constant 112 : i32
      %add3A_1294 = vector.broadcast %add3A_1293 : i32 to vector<16xi32>
      %add3A_1295 = arith.addi %iota3A, %add3A_1294 : vector<16xi32>
      %jit3A_1296 = arith.constant 256 : i32
      %broadcast_in_dim3A_1297 = vector.broadcast %jit3A_1296 : i32 to vector<16xi32>
      %select_n3A_1298 = arith.select %eq3A_1292, %add3A_1295, %broadcast_in_dim3A_1297 : vector<16xi1>, vector<16xi32>
      %min3A_1299 = arith.minsi %min3A_1291, %select_n3A_1298 : vector<16xi32>
      %eq3A_1300 = arith.cmpf oeq, %select_n3A_1113, %max3A_1233 : vector<16xf32>
      %add3A_1301 = arith.constant 128 : i32
      %add3A_1302 = vector.broadcast %add3A_1301 : i32 to vector<16xi32>
      %add3A_1303 = arith.addi %iota3A, %add3A_1302 : vector<16xi32>
      %jit3A_1304 = arith.constant 256 : i32
      %broadcast_in_dim3A_1305 = vector.broadcast %jit3A_1304 : i32 to vector<16xi32>
      %select_n3A_1306 = arith.select %eq3A_1300, %add3A_1303, %broadcast_in_dim3A_1305 : vector<16xi1>, vector<16xi32>
      %min3A_1307 = arith.minsi %min3A_1299, %select_n3A_1306 : vector<16xi32>
      %eq3A_1308 = arith.cmpf oeq, %select_n3A_1120, %max3A_1233 : vector<16xf32>
      %add3A_1309 = arith.constant 144 : i32
      %add3A_1310 = vector.broadcast %add3A_1309 : i32 to vector<16xi32>
      %add3A_1311 = arith.addi %iota3A, %add3A_1310 : vector<16xi32>
      %jit3A_1312 = arith.constant 256 : i32
      %broadcast_in_dim3A_1313 = vector.broadcast %jit3A_1312 : i32 to vector<16xi32>
      %select_n3A_1314 = arith.select %eq3A_1308, %add3A_1311, %broadcast_in_dim3A_1313 : vector<16xi1>, vector<16xi32>
      %min3A_1315 = arith.minsi %min3A_1307, %select_n3A_1314 : vector<16xi32>
      %eq3A_1316 = arith.cmpf oeq, %select_n3A_1127, %max3A_1233 : vector<16xf32>
      %add3A_1317 = arith.constant 160 : i32
      %add3A_1318 = vector.broadcast %add3A_1317 : i32 to vector<16xi32>
      %add3A_1319 = arith.addi %iota3A, %add3A_1318 : vector<16xi32>
      %jit3A_1320 = arith.constant 256 : i32
      %broadcast_in_dim3A_1321 = vector.broadcast %jit3A_1320 : i32 to vector<16xi32>
      %select_n3A_1322 = arith.select %eq3A_1316, %add3A_1319, %broadcast_in_dim3A_1321 : vector<16xi1>, vector<16xi32>
      %min3A_1323 = arith.minsi %min3A_1315, %select_n3A_1322 : vector<16xi32>
      %eq3A_1324 = arith.cmpf oeq, %select_n3A_1134, %max3A_1233 : vector<16xf32>
      %add3A_1325 = arith.constant 176 : i32
      %add3A_1326 = vector.broadcast %add3A_1325 : i32 to vector<16xi32>
      %add3A_1327 = arith.addi %iota3A, %add3A_1326 : vector<16xi32>
      %jit3A_1328 = arith.constant 256 : i32
      %broadcast_in_dim3A_1329 = vector.broadcast %jit3A_1328 : i32 to vector<16xi32>
      %select_n3A_1330 = arith.select %eq3A_1324, %add3A_1327, %broadcast_in_dim3A_1329 : vector<16xi1>, vector<16xi32>
      %min3A_1331 = arith.minsi %min3A_1323, %select_n3A_1330 : vector<16xi32>
      %eq3A_1332 = arith.cmpf oeq, %select_n3A_1141, %max3A_1233 : vector<16xf32>
      %add3A_1333 = arith.constant 192 : i32
      %add3A_1334 = vector.broadcast %add3A_1333 : i32 to vector<16xi32>
      %add3A_1335 = arith.addi %iota3A, %add3A_1334 : vector<16xi32>
      %jit3A_1336 = arith.constant 256 : i32
      %broadcast_in_dim3A_1337 = vector.broadcast %jit3A_1336 : i32 to vector<16xi32>
      %select_n3A_1338 = arith.select %eq3A_1332, %add3A_1335, %broadcast_in_dim3A_1337 : vector<16xi1>, vector<16xi32>
      %min3A_1339 = arith.minsi %min3A_1331, %select_n3A_1338 : vector<16xi32>
      %eq3A_1340 = arith.cmpf oeq, %select_n3A_1148, %max3A_1233 : vector<16xf32>
      %add3A_1341 = arith.constant 208 : i32
      %add3A_1342 = vector.broadcast %add3A_1341 : i32 to vector<16xi32>
      %add3A_1343 = arith.addi %iota3A, %add3A_1342 : vector<16xi32>
      %jit3A_1344 = arith.constant 256 : i32
      %broadcast_in_dim3A_1345 = vector.broadcast %jit3A_1344 : i32 to vector<16xi32>
      %select_n3A_1346 = arith.select %eq3A_1340, %add3A_1343, %broadcast_in_dim3A_1345 : vector<16xi1>, vector<16xi32>
      %min3A_1347 = arith.minsi %min3A_1339, %select_n3A_1346 : vector<16xi32>
      %eq3A_1348 = arith.cmpf oeq, %select_n3A_1155, %max3A_1233 : vector<16xf32>
      %add3A_1349 = arith.constant 224 : i32
      %add3A_1350 = vector.broadcast %add3A_1349 : i32 to vector<16xi32>
      %add3A_1351 = arith.addi %iota3A, %add3A_1350 : vector<16xi32>
      %jit3A_1352 = arith.constant 256 : i32
      %broadcast_in_dim3A_1353 = vector.broadcast %jit3A_1352 : i32 to vector<16xi32>
      %select_n3A_1354 = arith.select %eq3A_1348, %add3A_1351, %broadcast_in_dim3A_1353 : vector<16xi1>, vector<16xi32>
      %min3A_1355 = arith.minsi %min3A_1347, %select_n3A_1354 : vector<16xi32>
      %eq3A_1356 = arith.cmpf oeq, %select_n3A_1162, %max3A_1233 : vector<16xf32>
      %add3A_1357 = arith.constant 240 : i32
      %add3A_1358 = vector.broadcast %add3A_1357 : i32 to vector<16xi32>
      %add3A_1359 = arith.addi %iota3A, %add3A_1358 : vector<16xi32>
      %jit3A_1360 = arith.constant 256 : i32
      %broadcast_in_dim3A_1361 = vector.broadcast %jit3A_1360 : i32 to vector<16xi32>
      %select_n3A_1362 = arith.select %eq3A_1356, %add3A_1359, %broadcast_in_dim3A_1361 : vector<16xi1>, vector<16xi32>
      %min3A_1363 = arith.minsi %min3A_1355, %select_n3A_1362 : vector<16xi32>
      %xor3A_1364 = arith.constant 1 : i32
      %xor3A_1365 = vector.broadcast %xor3A_1364 : i32 to vector<16xi32>
      %xor3A_1366 = arith.xori %iota3A, %xor3A_1365 : vector<16xi32>
      %lt3A_1367 = arith.constant 0 : i32
      %lt3A_1368 = vector.broadcast %lt3A_1367 : i32 to vector<16xi32>
      %lt3A_1369 = arith.cmpi slt, %xor3A_1366, %lt3A_1368 : vector<16xi32>
      %add3A_1370 = arith.constant 16 : i32
      %add3A_1371 = vector.broadcast %add3A_1370 : i32 to vector<16xi32>
      %add3A_1372 = arith.addi %xor3A_1366, %add3A_1371 : vector<16xi32>
      %select_n3A_1373 = arith.select %lt3A_1369, %add3A_1372, %xor3A_1366 : vector<16xi1>, vector<16xi32>
      %broadcast_in_dim3A_1374 = vector.shape_cast %select_n3A_1373 : vector<16xi32> to vector<16x1xi32>
      %gather3A_1375 = vector.shape_cast %broadcast_in_dim3A_1374 : vector<16x1xi32> to vector<16xi32>
      %gather3A_1376 = tpu.dynamic_gather %min3A_1363[%gather3A_1375] in [0] : vector<16xi32>, vector<16xi32> -> vector<16xi32>
      %min3A_1377 = arith.minsi %min3A_1363, %gather3A_1376 : vector<16xi32>
      %xor3A_1378 = arith.constant 2 : i32
      %xor3A_1379 = vector.broadcast %xor3A_1378 : i32 to vector<16xi32>
      %xor3A_1380 = arith.xori %iota3A, %xor3A_1379 : vector<16xi32>
      %lt3A_1381 = arith.constant 0 : i32
      %lt3A_1382 = vector.broadcast %lt3A_1381 : i32 to vector<16xi32>
      %lt3A_1383 = arith.cmpi slt, %xor3A_1380, %lt3A_1382 : vector<16xi32>
      %add3A_1384 = arith.constant 16 : i32
      %add3A_1385 = vector.broadcast %add3A_1384 : i32 to vector<16xi32>
      %add3A_1386 = arith.addi %xor3A_1380, %add3A_1385 : vector<16xi32>
      %select_n3A_1387 = arith.select %lt3A_1383, %add3A_1386, %xor3A_1380 : vector<16xi1>, vector<16xi32>
      %broadcast_in_dim3A_1388 = vector.shape_cast %select_n3A_1387 : vector<16xi32> to vector<16x1xi32>
      %gather3A_1389 = vector.shape_cast %broadcast_in_dim3A_1388 : vector<16x1xi32> to vector<16xi32>
      %gather3A_1390 = tpu.dynamic_gather %min3A_1377[%gather3A_1389] in [0] : vector<16xi32>, vector<16xi32> -> vector<16xi32>
      %min3A_1391 = arith.minsi %min3A_1377, %gather3A_1390 : vector<16xi32>
      %xor3A_1392 = arith.constant 4 : i32
      %xor3A_1393 = vector.broadcast %xor3A_1392 : i32 to vector<16xi32>
      %xor3A_1394 = arith.xori %iota3A, %xor3A_1393 : vector<16xi32>
      %lt3A_1395 = arith.constant 0 : i32
      %lt3A_1396 = vector.broadcast %lt3A_1395 : i32 to vector<16xi32>
      %lt3A_1397 = arith.cmpi slt, %xor3A_1394, %lt3A_1396 : vector<16xi32>
      %add3A_1398 = arith.constant 16 : i32
      %add3A_1399 = vector.broadcast %add3A_1398 : i32 to vector<16xi32>
      %add3A_1400 = arith.addi %xor3A_1394, %add3A_1399 : vector<16xi32>
      %select_n3A_1401 = arith.select %lt3A_1397, %add3A_1400, %xor3A_1394 : vector<16xi1>, vector<16xi32>
      %broadcast_in_dim3A_1402 = vector.shape_cast %select_n3A_1401 : vector<16xi32> to vector<16x1xi32>
      %gather3A_1403 = vector.shape_cast %broadcast_in_dim3A_1402 : vector<16x1xi32> to vector<16xi32>
      %gather3A_1404 = tpu.dynamic_gather %min3A_1391[%gather3A_1403] in [0] : vector<16xi32>, vector<16xi32> -> vector<16xi32>
      %min3A_1405 = arith.minsi %min3A_1391, %gather3A_1404 : vector<16xi32>
      %xor3A_1406 = arith.constant 8 : i32
      %xor3A_1407 = vector.broadcast %xor3A_1406 : i32 to vector<16xi32>
      %xor3A_1408 = arith.xori %iota3A, %xor3A_1407 : vector<16xi32>
      %lt3A_1409 = arith.constant 0 : i32
      %lt3A_1410 = vector.broadcast %lt3A_1409 : i32 to vector<16xi32>
      %lt3A_1411 = arith.cmpi slt, %xor3A_1408, %lt3A_1410 : vector<16xi32>
      %add3A_1412 = arith.constant 16 : i32
      %add3A_1413 = vector.broadcast %add3A_1412 : i32 to vector<16xi32>
      %add3A_1414 = arith.addi %xor3A_1408, %add3A_1413 : vector<16xi32>
      %select_n3A_1415 = arith.select %lt3A_1411, %add3A_1414, %xor3A_1408 : vector<16xi1>, vector<16xi32>
      %broadcast_in_dim3A_1416 = vector.shape_cast %select_n3A_1415 : vector<16xi32> to vector<16x1xi32>
      %gather3A_1417 = vector.shape_cast %broadcast_in_dim3A_1416 : vector<16x1xi32> to vector<16xi32>
      %gather3A_1418 = tpu.dynamic_gather %min3A_1405[%gather3A_1417] in [0] : vector<16xi32>, vector<16xi32> -> vector<16xi32>
      %min3A_1419 = arith.minsi %min3A_1405, %gather3A_1418 : vector<16xi32>
      %eq3A_1420 = arith.constant 3 : i32
      %eq3A_1421 = vector.broadcast %eq3A_1420 : i32 to vector<16xi32>
      %eq3A_1422 = arith.cmpi eq, %iota3A, %eq3A_1421 : vector<16xi32>
      %select_n3A_1423 = arith.select %eq3A_1422, %min3A_1419, %select_n3A_1050 : vector<16xi1>, vector<16xi32>
      %add3A_1424 = arith.constant 0 : i32
      %add3A_1425 = vector.broadcast %add3A_1424 : i32 to vector<16xi32>
      %add3A_1426 = arith.addi %iota3A, %add3A_1425 : vector<16xi32>
      %eq3A_1427 = arith.cmpi eq, %add3A_1426, %min3A_1419 : vector<16xi32>
      %jit3A_1428 = arith.constant 0xFF800000 : f32
      %broadcast_in_dim3A_1429 = vector.broadcast %jit3A_1428 : f32 to vector<16xf32>
      %select_n3A_1430 = arith.select %eq3A_1427, %broadcast_in_dim3A_1429, %select_n3A_1057 : vector<16xi1>, vector<16xf32>
      %add3A_1431 = arith.constant 16 : i32
      %add3A_1432 = vector.broadcast %add3A_1431 : i32 to vector<16xi32>
      %add3A_1433 = arith.addi %iota3A, %add3A_1432 : vector<16xi32>
      %eq3A_1434 = arith.cmpi eq, %add3A_1433, %min3A_1419 : vector<16xi32>
      %jit3A_1435 = arith.constant 0xFF800000 : f32
      %broadcast_in_dim3A_1436 = vector.broadcast %jit3A_1435 : f32 to vector<16xf32>
      %select_n3A_1437 = arith.select %eq3A_1434, %broadcast_in_dim3A_1436, %select_n3A_1064 : vector<16xi1>, vector<16xf32>
      %add3A_1438 = arith.constant 32 : i32
      %add3A_1439 = vector.broadcast %add3A_1438 : i32 to vector<16xi32>
      %add3A_1440 = arith.addi %iota3A, %add3A_1439 : vector<16xi32>
      %eq3A_1441 = arith.cmpi eq, %add3A_1440, %min3A_1419 : vector<16xi32>
      %jit3A_1442 = arith.constant 0xFF800000 : f32
      %broadcast_in_dim3A_1443 = vector.broadcast %jit3A_1442 : f32 to vector<16xf32>
      %select_n3A_1444 = arith.select %eq3A_1441, %broadcast_in_dim3A_1443, %select_n3A_1071 : vector<16xi1>, vector<16xf32>
      %add3A_1445 = arith.constant 48 : i32
      %add3A_1446 = vector.broadcast %add3A_1445 : i32 to vector<16xi32>
      %add3A_1447 = arith.addi %iota3A, %add3A_1446 : vector<16xi32>
      %eq3A_1448 = arith.cmpi eq, %add3A_1447, %min3A_1419 : vector<16xi32>
      %jit3A_1449 = arith.constant 0xFF800000 : f32
      %broadcast_in_dim3A_1450 = vector.broadcast %jit3A_1449 : f32 to vector<16xf32>
      %select_n3A_1451 = arith.select %eq3A_1448, %broadcast_in_dim3A_1450, %select_n3A_1078 : vector<16xi1>, vector<16xf32>
      %add3A_1452 = arith.constant 64 : i32
      %add3A_1453 = vector.broadcast %add3A_1452 : i32 to vector<16xi32>
      %add3A_1454 = arith.addi %iota3A, %add3A_1453 : vector<16xi32>
      %eq3A_1455 = arith.cmpi eq, %add3A_1454, %min3A_1419 : vector<16xi32>
      %jit3A_1456 = arith.constant 0xFF800000 : f32
      %broadcast_in_dim3A_1457 = vector.broadcast %jit3A_1456 : f32 to vector<16xf32>
      %select_n3A_1458 = arith.select %eq3A_1455, %broadcast_in_dim3A_1457, %select_n3A_1085 : vector<16xi1>, vector<16xf32>
      %add3A_1459 = arith.constant 80 : i32
      %add3A_1460 = vector.broadcast %add3A_1459 : i32 to vector<16xi32>
      %add3A_1461 = arith.addi %iota3A, %add3A_1460 : vector<16xi32>
      %eq3A_1462 = arith.cmpi eq, %add3A_1461, %min3A_1419 : vector<16xi32>
      %jit3A_1463 = arith.constant 0xFF800000 : f32
      %broadcast_in_dim3A_1464 = vector.broadcast %jit3A_1463 : f32 to vector<16xf32>
      %select_n3A_1465 = arith.select %eq3A_1462, %broadcast_in_dim3A_1464, %select_n3A_1092 : vector<16xi1>, vector<16xf32>
      %add3A_1466 = arith.constant 96 : i32
      %add3A_1467 = vector.broadcast %add3A_1466 : i32 to vector<16xi32>
      %add3A_1468 = arith.addi %iota3A, %add3A_1467 : vector<16xi32>
      %eq3A_1469 = arith.cmpi eq, %add3A_1468, %min3A_1419 : vector<16xi32>
      %jit3A_1470 = arith.constant 0xFF800000 : f32
      %broadcast_in_dim3A_1471 = vector.broadcast %jit3A_1470 : f32 to vector<16xf32>
      %select_n3A_1472 = arith.select %eq3A_1469, %broadcast_in_dim3A_1471, %select_n3A_1099 : vector<16xi1>, vector<16xf32>
      %add3A_1473 = arith.constant 112 : i32
      %add3A_1474 = vector.broadcast %add3A_1473 : i32 to vector<16xi32>
      %add3A_1475 = arith.addi %iota3A, %add3A_1474 : vector<16xi32>
      %eq3A_1476 = arith.cmpi eq, %add3A_1475, %min3A_1419 : vector<16xi32>
      %jit3A_1477 = arith.constant 0xFF800000 : f32
      %broadcast_in_dim3A_1478 = vector.broadcast %jit3A_1477 : f32 to vector<16xf32>
      %select_n3A_1479 = arith.select %eq3A_1476, %broadcast_in_dim3A_1478, %select_n3A_1106 : vector<16xi1>, vector<16xf32>
      %add3A_1480 = arith.constant 128 : i32
      %add3A_1481 = vector.broadcast %add3A_1480 : i32 to vector<16xi32>
      %add3A_1482 = arith.addi %iota3A, %add3A_1481 : vector<16xi32>
      %eq3A_1483 = arith.cmpi eq, %add3A_1482, %min3A_1419 : vector<16xi32>
      %jit3A_1484 = arith.constant 0xFF800000 : f32
      %broadcast_in_dim3A_1485 = vector.broadcast %jit3A_1484 : f32 to vector<16xf32>
      %select_n3A_1486 = arith.select %eq3A_1483, %broadcast_in_dim3A_1485, %select_n3A_1113 : vector<16xi1>, vector<16xf32>
      %add3A_1487 = arith.constant 144 : i32
      %add3A_1488 = vector.broadcast %add3A_1487 : i32 to vector<16xi32>
      %add3A_1489 = arith.addi %iota3A, %add3A_1488 : vector<16xi32>
      %eq3A_1490 = arith.cmpi eq, %add3A_1489, %min3A_1419 : vector<16xi32>
      %jit3A_1491 = arith.constant 0xFF800000 : f32
      %broadcast_in_dim3A_1492 = vector.broadcast %jit3A_1491 : f32 to vector<16xf32>
      %select_n3A_1493 = arith.select %eq3A_1490, %broadcast_in_dim3A_1492, %select_n3A_1120 : vector<16xi1>, vector<16xf32>
      %add3A_1494 = arith.constant 160 : i32
      %add3A_1495 = vector.broadcast %add3A_1494 : i32 to vector<16xi32>
      %add3A_1496 = arith.addi %iota3A, %add3A_1495 : vector<16xi32>
      %eq3A_1497 = arith.cmpi eq, %add3A_1496, %min3A_1419 : vector<16xi32>
      %jit3A_1498 = arith.constant 0xFF800000 : f32
      %broadcast_in_dim3A_1499 = vector.broadcast %jit3A_1498 : f32 to vector<16xf32>
      %select_n3A_1500 = arith.select %eq3A_1497, %broadcast_in_dim3A_1499, %select_n3A_1127 : vector<16xi1>, vector<16xf32>
      %add3A_1501 = arith.constant 176 : i32
      %add3A_1502 = vector.broadcast %add3A_1501 : i32 to vector<16xi32>
      %add3A_1503 = arith.addi %iota3A, %add3A_1502 : vector<16xi32>
      %eq3A_1504 = arith.cmpi eq, %add3A_1503, %min3A_1419 : vector<16xi32>
      %jit3A_1505 = arith.constant 0xFF800000 : f32
      %broadcast_in_dim3A_1506 = vector.broadcast %jit3A_1505 : f32 to vector<16xf32>
      %select_n3A_1507 = arith.select %eq3A_1504, %broadcast_in_dim3A_1506, %select_n3A_1134 : vector<16xi1>, vector<16xf32>
      %add3A_1508 = arith.constant 192 : i32
      %add3A_1509 = vector.broadcast %add3A_1508 : i32 to vector<16xi32>
      %add3A_1510 = arith.addi %iota3A, %add3A_1509 : vector<16xi32>
      %eq3A_1511 = arith.cmpi eq, %add3A_1510, %min3A_1419 : vector<16xi32>
      %jit3A_1512 = arith.constant 0xFF800000 : f32
      %broadcast_in_dim3A_1513 = vector.broadcast %jit3A_1512 : f32 to vector<16xf32>
      %select_n3A_1514 = arith.select %eq3A_1511, %broadcast_in_dim3A_1513, %select_n3A_1141 : vector<16xi1>, vector<16xf32>
      %add3A_1515 = arith.constant 208 : i32
      %add3A_1516 = vector.broadcast %add3A_1515 : i32 to vector<16xi32>
      %add3A_1517 = arith.addi %iota3A, %add3A_1516 : vector<16xi32>
      %eq3A_1518 = arith.cmpi eq, %add3A_1517, %min3A_1419 : vector<16xi32>
      %jit3A_1519 = arith.constant 0xFF800000 : f32
      %broadcast_in_dim3A_1520 = vector.broadcast %jit3A_1519 : f32 to vector<16xf32>
      %select_n3A_1521 = arith.select %eq3A_1518, %broadcast_in_dim3A_1520, %select_n3A_1148 : vector<16xi1>, vector<16xf32>
      %add3A_1522 = arith.constant 224 : i32
      %add3A_1523 = vector.broadcast %add3A_1522 : i32 to vector<16xi32>
      %add3A_1524 = arith.addi %iota3A, %add3A_1523 : vector<16xi32>
      %eq3A_1525 = arith.cmpi eq, %add3A_1524, %min3A_1419 : vector<16xi32>
      %jit3A_1526 = arith.constant 0xFF800000 : f32
      %broadcast_in_dim3A_1527 = vector.broadcast %jit3A_1526 : f32 to vector<16xf32>
      %select_n3A_1528 = arith.select %eq3A_1525, %broadcast_in_dim3A_1527, %select_n3A_1155 : vector<16xi1>, vector<16xf32>
      %add3A_1529 = arith.constant 240 : i32
      %add3A_1530 = vector.broadcast %add3A_1529 : i32 to vector<16xi32>
      %add3A_1531 = arith.addi %iota3A, %add3A_1530 : vector<16xi32>
      %eq3A_1532 = arith.cmpi eq, %add3A_1531, %min3A_1419 : vector<16xi32>
      %jit3A_1533 = arith.constant 0xFF800000 : f32
      %broadcast_in_dim3A_1534 = vector.broadcast %jit3A_1533 : f32 to vector<16xf32>
      %select_n3A_1535 = arith.select %eq3A_1532, %broadcast_in_dim3A_1534, %select_n3A_1162 : vector<16xi1>, vector<16xf32>
      %max3A_1536 = arith.maximumf %select_n3A_1430, %select_n3A_1437 : vector<16xf32>
      %max3A_1537 = arith.maximumf %max3A_1536, %select_n3A_1444 : vector<16xf32>
      %max3A_1538 = arith.maximumf %max3A_1537, %select_n3A_1451 : vector<16xf32>
      %max3A_1539 = arith.maximumf %max3A_1538, %select_n3A_1458 : vector<16xf32>
      %max3A_1540 = arith.maximumf %max3A_1539, %select_n3A_1465 : vector<16xf32>
      %max3A_1541 = arith.maximumf %max3A_1540, %select_n3A_1472 : vector<16xf32>
      %max3A_1542 = arith.maximumf %max3A_1541, %select_n3A_1479 : vector<16xf32>
      %max3A_1543 = arith.maximumf %max3A_1542, %select_n3A_1486 : vector<16xf32>
      %max3A_1544 = arith.maximumf %max3A_1543, %select_n3A_1493 : vector<16xf32>
      %max3A_1545 = arith.maximumf %max3A_1544, %select_n3A_1500 : vector<16xf32>
      %max3A_1546 = arith.maximumf %max3A_1545, %select_n3A_1507 : vector<16xf32>
      %max3A_1547 = arith.maximumf %max3A_1546, %select_n3A_1514 : vector<16xf32>
      %max3A_1548 = arith.maximumf %max3A_1547, %select_n3A_1521 : vector<16xf32>
      %max3A_1549 = arith.maximumf %max3A_1548, %select_n3A_1528 : vector<16xf32>
      %max3A_1550 = arith.maximumf %max3A_1549, %select_n3A_1535 : vector<16xf32>
      %xor3A_1551 = arith.constant 1 : i32
      %xor3A_1552 = vector.broadcast %xor3A_1551 : i32 to vector<16xi32>
      %xor3A_1553 = arith.xori %iota3A, %xor3A_1552 : vector<16xi32>
      %lt3A_1554 = arith.constant 0 : i32
      %lt3A_1555 = vector.broadcast %lt3A_1554 : i32 to vector<16xi32>
      %lt3A_1556 = arith.cmpi slt, %xor3A_1553, %lt3A_1555 : vector<16xi32>
      %add3A_1557 = arith.constant 16 : i32
      %add3A_1558 = vector.broadcast %add3A_1557 : i32 to vector<16xi32>
      %add3A_1559 = arith.addi %xor3A_1553, %add3A_1558 : vector<16xi32>
      %select_n3A_1560 = arith.select %lt3A_1556, %add3A_1559, %xor3A_1553 : vector<16xi1>, vector<16xi32>
      %broadcast_in_dim3A_1561 = vector.shape_cast %select_n3A_1560 : vector<16xi32> to vector<16x1xi32>
      %gather3A_1562 = vector.shape_cast %broadcast_in_dim3A_1561 : vector<16x1xi32> to vector<16xi32>
      %gather3A_1563 = tpu.dynamic_gather %max3A_1550[%gather3A_1562] in [0] : vector<16xf32>, vector<16xi32> -> vector<16xf32>
      %max3A_1564 = arith.maximumf %max3A_1550, %gather3A_1563 : vector<16xf32>
      %xor3A_1565 = arith.constant 2 : i32
      %xor3A_1566 = vector.broadcast %xor3A_1565 : i32 to vector<16xi32>
      %xor3A_1567 = arith.xori %iota3A, %xor3A_1566 : vector<16xi32>
      %lt3A_1568 = arith.constant 0 : i32
      %lt3A_1569 = vector.broadcast %lt3A_1568 : i32 to vector<16xi32>
      %lt3A_1570 = arith.cmpi slt, %xor3A_1567, %lt3A_1569 : vector<16xi32>
      %add3A_1571 = arith.constant 16 : i32
      %add3A_1572 = vector.broadcast %add3A_1571 : i32 to vector<16xi32>
      %add3A_1573 = arith.addi %xor3A_1567, %add3A_1572 : vector<16xi32>
      %select_n3A_1574 = arith.select %lt3A_1570, %add3A_1573, %xor3A_1567 : vector<16xi1>, vector<16xi32>
      %broadcast_in_dim3A_1575 = vector.shape_cast %select_n3A_1574 : vector<16xi32> to vector<16x1xi32>
      %gather3A_1576 = vector.shape_cast %broadcast_in_dim3A_1575 : vector<16x1xi32> to vector<16xi32>
      %gather3A_1577 = tpu.dynamic_gather %max3A_1564[%gather3A_1576] in [0] : vector<16xf32>, vector<16xi32> -> vector<16xf32>
      %max3A_1578 = arith.maximumf %max3A_1564, %gather3A_1577 : vector<16xf32>
      %xor3A_1579 = arith.constant 4 : i32
      %xor3A_1580 = vector.broadcast %xor3A_1579 : i32 to vector<16xi32>
      %xor3A_1581 = arith.xori %iota3A, %xor3A_1580 : vector<16xi32>
      %lt3A_1582 = arith.constant 0 : i32
      %lt3A_1583 = vector.broadcast %lt3A_1582 : i32 to vector<16xi32>
      %lt3A_1584 = arith.cmpi slt, %xor3A_1581, %lt3A_1583 : vector<16xi32>
      %add3A_1585 = arith.constant 16 : i32
      %add3A_1586 = vector.broadcast %add3A_1585 : i32 to vector<16xi32>
      %add3A_1587 = arith.addi %xor3A_1581, %add3A_1586 : vector<16xi32>
      %select_n3A_1588 = arith.select %lt3A_1584, %add3A_1587, %xor3A_1581 : vector<16xi1>, vector<16xi32>
      %broadcast_in_dim3A_1589 = vector.shape_cast %select_n3A_1588 : vector<16xi32> to vector<16x1xi32>
      %gather3A_1590 = vector.shape_cast %broadcast_in_dim3A_1589 : vector<16x1xi32> to vector<16xi32>
      %gather3A_1591 = tpu.dynamic_gather %max3A_1578[%gather3A_1590] in [0] : vector<16xf32>, vector<16xi32> -> vector<16xf32>
      %max3A_1592 = arith.maximumf %max3A_1578, %gather3A_1591 : vector<16xf32>
      %xor3A_1593 = arith.constant 8 : i32
      %xor3A_1594 = vector.broadcast %xor3A_1593 : i32 to vector<16xi32>
      %xor3A_1595 = arith.xori %iota3A, %xor3A_1594 : vector<16xi32>
      %lt3A_1596 = arith.constant 0 : i32
      %lt3A_1597 = vector.broadcast %lt3A_1596 : i32 to vector<16xi32>
      %lt3A_1598 = arith.cmpi slt, %xor3A_1595, %lt3A_1597 : vector<16xi32>
      %add3A_1599 = arith.constant 16 : i32
      %add3A_1600 = vector.broadcast %add3A_1599 : i32 to vector<16xi32>
      %add3A_1601 = arith.addi %xor3A_1595, %add3A_1600 : vector<16xi32>
      %select_n3A_1602 = arith.select %lt3A_1598, %add3A_1601, %xor3A_1595 : vector<16xi1>, vector<16xi32>
      %broadcast_in_dim3A_1603 = vector.shape_cast %select_n3A_1602 : vector<16xi32> to vector<16x1xi32>
      %gather3A_1604 = vector.shape_cast %broadcast_in_dim3A_1603 : vector<16x1xi32> to vector<16xi32>
      %gather3A_1605 = tpu.dynamic_gather %max3A_1592[%gather3A_1604] in [0] : vector<16xf32>, vector<16xi32> -> vector<16xf32>
      %max3A_1606 = arith.maximumf %max3A_1592, %gather3A_1605 : vector<16xf32>
      %broadcast_in_dim3A_1607 = arith.constant 256 : i32
      %broadcast_in_dim3A_1608 = vector.broadcast %broadcast_in_dim3A_1607 : i32 to vector<16xi32>
      %eq3A_1609 = arith.cmpf oeq, %select_n3A_1430, %max3A_1606 : vector<16xf32>
      %add3A_1610 = arith.constant 0 : i32
      %add3A_1611 = vector.broadcast %add3A_1610 : i32 to vector<16xi32>
      %add3A_1612 = arith.addi %iota3A, %add3A_1611 : vector<16xi32>
      %jit3A_1613 = arith.constant 256 : i32
      %broadcast_in_dim3A_1614 = vector.broadcast %jit3A_1613 : i32 to vector<16xi32>
      %select_n3A_1615 = arith.select %eq3A_1609, %add3A_1612, %broadcast_in_dim3A_1614 : vector<16xi1>, vector<16xi32>
      %min3A_1616 = arith.minsi %broadcast_in_dim3A_1608, %select_n3A_1615 : vector<16xi32>
      %eq3A_1617 = arith.cmpf oeq, %select_n3A_1437, %max3A_1606 : vector<16xf32>
      %add3A_1618 = arith.constant 16 : i32
      %add3A_1619 = vector.broadcast %add3A_1618 : i32 to vector<16xi32>
      %add3A_1620 = arith.addi %iota3A, %add3A_1619 : vector<16xi32>
      %jit3A_1621 = arith.constant 256 : i32
      %broadcast_in_dim3A_1622 = vector.broadcast %jit3A_1621 : i32 to vector<16xi32>
      %select_n3A_1623 = arith.select %eq3A_1617, %add3A_1620, %broadcast_in_dim3A_1622 : vector<16xi1>, vector<16xi32>
      %min3A_1624 = arith.minsi %min3A_1616, %select_n3A_1623 : vector<16xi32>
      %eq3A_1625 = arith.cmpf oeq, %select_n3A_1444, %max3A_1606 : vector<16xf32>
      %add3A_1626 = arith.constant 32 : i32
      %add3A_1627 = vector.broadcast %add3A_1626 : i32 to vector<16xi32>
      %add3A_1628 = arith.addi %iota3A, %add3A_1627 : vector<16xi32>
      %jit3A_1629 = arith.constant 256 : i32
      %broadcast_in_dim3A_1630 = vector.broadcast %jit3A_1629 : i32 to vector<16xi32>
      %select_n3A_1631 = arith.select %eq3A_1625, %add3A_1628, %broadcast_in_dim3A_1630 : vector<16xi1>, vector<16xi32>
      %min3A_1632 = arith.minsi %min3A_1624, %select_n3A_1631 : vector<16xi32>
      %eq3A_1633 = arith.cmpf oeq, %select_n3A_1451, %max3A_1606 : vector<16xf32>
      %add3A_1634 = arith.constant 48 : i32
      %add3A_1635 = vector.broadcast %add3A_1634 : i32 to vector<16xi32>
      %add3A_1636 = arith.addi %iota3A, %add3A_1635 : vector<16xi32>
      %jit3A_1637 = arith.constant 256 : i32
      %broadcast_in_dim3A_1638 = vector.broadcast %jit3A_1637 : i32 to vector<16xi32>
      %select_n3A_1639 = arith.select %eq3A_1633, %add3A_1636, %broadcast_in_dim3A_1638 : vector<16xi1>, vector<16xi32>
      %min3A_1640 = arith.minsi %min3A_1632, %select_n3A_1639 : vector<16xi32>
      %eq3A_1641 = arith.cmpf oeq, %select_n3A_1458, %max3A_1606 : vector<16xf32>
      %add3A_1642 = arith.constant 64 : i32
      %add3A_1643 = vector.broadcast %add3A_1642 : i32 to vector<16xi32>
      %add3A_1644 = arith.addi %iota3A, %add3A_1643 : vector<16xi32>
      %jit3A_1645 = arith.constant 256 : i32
      %broadcast_in_dim3A_1646 = vector.broadcast %jit3A_1645 : i32 to vector<16xi32>
      %select_n3A_1647 = arith.select %eq3A_1641, %add3A_1644, %broadcast_in_dim3A_1646 : vector<16xi1>, vector<16xi32>
      %min3A_1648 = arith.minsi %min3A_1640, %select_n3A_1647 : vector<16xi32>
      %eq3A_1649 = arith.cmpf oeq, %select_n3A_1465, %max3A_1606 : vector<16xf32>
      %add3A_1650 = arith.constant 80 : i32
      %add3A_1651 = vector.broadcast %add3A_1650 : i32 to vector<16xi32>
      %add3A_1652 = arith.addi %iota3A, %add3A_1651 : vector<16xi32>
      %jit3A_1653 = arith.constant 256 : i32
      %broadcast_in_dim3A_1654 = vector.broadcast %jit3A_1653 : i32 to vector<16xi32>
      %select_n3A_1655 = arith.select %eq3A_1649, %add3A_1652, %broadcast_in_dim3A_1654 : vector<16xi1>, vector<16xi32>
      %min3A_1656 = arith.minsi %min3A_1648, %select_n3A_1655 : vector<16xi32>
      %eq3A_1657 = arith.cmpf oeq, %select_n3A_1472, %max3A_1606 : vector<16xf32>
      %add3A_1658 = arith.constant 96 : i32
      %add3A_1659 = vector.broadcast %add3A_1658 : i32 to vector<16xi32>
      %add3A_1660 = arith.addi %iota3A, %add3A_1659 : vector<16xi32>
      %jit3A_1661 = arith.constant 256 : i32
      %broadcast_in_dim3A_1662 = vector.broadcast %jit3A_1661 : i32 to vector<16xi32>
      %select_n3A_1663 = arith.select %eq3A_1657, %add3A_1660, %broadcast_in_dim3A_1662 : vector<16xi1>, vector<16xi32>
      %min3A_1664 = arith.minsi %min3A_1656, %select_n3A_1663 : vector<16xi32>
      %eq3A_1665 = arith.cmpf oeq, %select_n3A_1479, %max3A_1606 : vector<16xf32>
      %add3A_1666 = arith.constant 112 : i32
      %add3A_1667 = vector.broadcast %add3A_1666 : i32 to vector<16xi32>
      %add3A_1668 = arith.addi %iota3A, %add3A_1667 : vector<16xi32>
      %jit3A_1669 = arith.constant 256 : i32
      %broadcast_in_dim3A_1670 = vector.broadcast %jit3A_1669 : i32 to vector<16xi32>
      %select_n3A_1671 = arith.select %eq3A_1665, %add3A_1668, %broadcast_in_dim3A_1670 : vector<16xi1>, vector<16xi32>
      %min3A_1672 = arith.minsi %min3A_1664, %select_n3A_1671 : vector<16xi32>
      %eq3A_1673 = arith.cmpf oeq, %select_n3A_1486, %max3A_1606 : vector<16xf32>
      %add3A_1674 = arith.constant 128 : i32
      %add3A_1675 = vector.broadcast %add3A_1674 : i32 to vector<16xi32>
      %add3A_1676 = arith.addi %iota3A, %add3A_1675 : vector<16xi32>
      %jit3A_1677 = arith.constant 256 : i32
      %broadcast_in_dim3A_1678 = vector.broadcast %jit3A_1677 : i32 to vector<16xi32>
      %select_n3A_1679 = arith.select %eq3A_1673, %add3A_1676, %broadcast_in_dim3A_1678 : vector<16xi1>, vector<16xi32>
      %min3A_1680 = arith.minsi %min3A_1672, %select_n3A_1679 : vector<16xi32>
      %eq3A_1681 = arith.cmpf oeq, %select_n3A_1493, %max3A_1606 : vector<16xf32>
      %add3A_1682 = arith.constant 144 : i32
      %add3A_1683 = vector.broadcast %add3A_1682 : i32 to vector<16xi32>
      %add3A_1684 = arith.addi %iota3A, %add3A_1683 : vector<16xi32>
      %jit3A_1685 = arith.constant 256 : i32
      %broadcast_in_dim3A_1686 = vector.broadcast %jit3A_1685 : i32 to vector<16xi32>
      %select_n3A_1687 = arith.select %eq3A_1681, %add3A_1684, %broadcast_in_dim3A_1686 : vector<16xi1>, vector<16xi32>
      %min3A_1688 = arith.minsi %min3A_1680, %select_n3A_1687 : vector<16xi32>
      %eq3A_1689 = arith.cmpf oeq, %select_n3A_1500, %max3A_1606 : vector<16xf32>
      %add3A_1690 = arith.constant 160 : i32
      %add3A_1691 = vector.broadcast %add3A_1690 : i32 to vector<16xi32>
      %add3A_1692 = arith.addi %iota3A, %add3A_1691 : vector<16xi32>
      %jit3A_1693 = arith.constant 256 : i32
      %broadcast_in_dim3A_1694 = vector.broadcast %jit3A_1693 : i32 to vector<16xi32>
      %select_n3A_1695 = arith.select %eq3A_1689, %add3A_1692, %broadcast_in_dim3A_1694 : vector<16xi1>, vector<16xi32>
      %min3A_1696 = arith.minsi %min3A_1688, %select_n3A_1695 : vector<16xi32>
      %eq3A_1697 = arith.cmpf oeq, %select_n3A_1507, %max3A_1606 : vector<16xf32>
      %add3A_1698 = arith.constant 176 : i32
      %add3A_1699 = vector.broadcast %add3A_1698 : i32 to vector<16xi32>
      %add3A_1700 = arith.addi %iota3A, %add3A_1699 : vector<16xi32>
      %jit3A_1701 = arith.constant 256 : i32
      %broadcast_in_dim3A_1702 = vector.broadcast %jit3A_1701 : i32 to vector<16xi32>
      %select_n3A_1703 = arith.select %eq3A_1697, %add3A_1700, %broadcast_in_dim3A_1702 : vector<16xi1>, vector<16xi32>
      %min3A_1704 = arith.minsi %min3A_1696, %select_n3A_1703 : vector<16xi32>
      %eq3A_1705 = arith.cmpf oeq, %select_n3A_1514, %max3A_1606 : vector<16xf32>
      %add3A_1706 = arith.constant 192 : i32
      %add3A_1707 = vector.broadcast %add3A_1706 : i32 to vector<16xi32>
      %add3A_1708 = arith.addi %iota3A, %add3A_1707 : vector<16xi32>
      %jit3A_1709 = arith.constant 256 : i32
      %broadcast_in_dim3A_1710 = vector.broadcast %jit3A_1709 : i32 to vector<16xi32>
      %select_n3A_1711 = arith.select %eq3A_1705, %add3A_1708, %broadcast_in_dim3A_1710 : vector<16xi1>, vector<16xi32>
      %min3A_1712 = arith.minsi %min3A_1704, %select_n3A_1711 : vector<16xi32>
      %eq3A_1713 = arith.cmpf oeq, %select_n3A_1521, %max3A_1606 : vector<16xf32>
      %add3A_1714 = arith.constant 208 : i32
      %add3A_1715 = vector.broadcast %add3A_1714 : i32 to vector<16xi32>
      %add3A_1716 = arith.addi %iota3A, %add3A_1715 : vector<16xi32>
      %jit3A_1717 = arith.constant 256 : i32
      %broadcast_in_dim3A_1718 = vector.broadcast %jit3A_1717 : i32 to vector<16xi32>
      %select_n3A_1719 = arith.select %eq3A_1713, %add3A_1716, %broadcast_in_dim3A_1718 : vector<16xi1>, vector<16xi32>
      %min3A_1720 = arith.minsi %min3A_1712, %select_n3A_1719 : vector<16xi32>
      %eq3A_1721 = arith.cmpf oeq, %select_n3A_1528, %max3A_1606 : vector<16xf32>
      %add3A_1722 = arith.constant 224 : i32
      %add3A_1723 = vector.broadcast %add3A_1722 : i32 to vector<16xi32>
      %add3A_1724 = arith.addi %iota3A, %add3A_1723 : vector<16xi32>
      %jit3A_1725 = arith.constant 256 : i32
      %broadcast_in_dim3A_1726 = vector.broadcast %jit3A_1725 : i32 to vector<16xi32>
      %select_n3A_1727 = arith.select %eq3A_1721, %add3A_1724, %broadcast_in_dim3A_1726 : vector<16xi1>, vector<16xi32>
      %min3A_1728 = arith.minsi %min3A_1720, %select_n3A_1727 : vector<16xi32>
      %eq3A_1729 = arith.cmpf oeq, %select_n3A_1535, %max3A_1606 : vector<16xf32>
      %add3A_1730 = arith.constant 240 : i32
      %add3A_1731 = vector.broadcast %add3A_1730 : i32 to vector<16xi32>
      %add3A_1732 = arith.addi %iota3A, %add3A_1731 : vector<16xi32>
      %jit3A_1733 = arith.constant 256 : i32
      %broadcast_in_dim3A_1734 = vector.broadcast %jit3A_1733 : i32 to vector<16xi32>
      %select_n3A_1735 = arith.select %eq3A_1729, %add3A_1732, %broadcast_in_dim3A_1734 : vector<16xi1>, vector<16xi32>
      %min3A_1736 = arith.minsi %min3A_1728, %select_n3A_1735 : vector<16xi32>
      %xor3A_1737 = arith.constant 1 : i32
      %xor3A_1738 = vector.broadcast %xor3A_1737 : i32 to vector<16xi32>
      %xor3A_1739 = arith.xori %iota3A, %xor3A_1738 : vector<16xi32>
      %lt3A_1740 = arith.constant 0 : i32
      %lt3A_1741 = vector.broadcast %lt3A_1740 : i32 to vector<16xi32>
      %lt3A_1742 = arith.cmpi slt, %xor3A_1739, %lt3A_1741 : vector<16xi32>
      %add3A_1743 = arith.constant 16 : i32
      %add3A_1744 = vector.broadcast %add3A_1743 : i32 to vector<16xi32>
      %add3A_1745 = arith.addi %xor3A_1739, %add3A_1744 : vector<16xi32>
      %select_n3A_1746 = arith.select %lt3A_1742, %add3A_1745, %xor3A_1739 : vector<16xi1>, vector<16xi32>
      %broadcast_in_dim3A_1747 = vector.shape_cast %select_n3A_1746 : vector<16xi32> to vector<16x1xi32>
      %gather3A_1748 = vector.shape_cast %broadcast_in_dim3A_1747 : vector<16x1xi32> to vector<16xi32>
      %gather3A_1749 = tpu.dynamic_gather %min3A_1736[%gather3A_1748] in [0] : vector<16xi32>, vector<16xi32> -> vector<16xi32>
      %min3A_1750 = arith.minsi %min3A_1736, %gather3A_1749 : vector<16xi32>
      %xor3A_1751 = arith.constant 2 : i32
      %xor3A_1752 = vector.broadcast %xor3A_1751 : i32 to vector<16xi32>
      %xor3A_1753 = arith.xori %iota3A, %xor3A_1752 : vector<16xi32>
      %lt3A_1754 = arith.constant 0 : i32
      %lt3A_1755 = vector.broadcast %lt3A_1754 : i32 to vector<16xi32>
      %lt3A_1756 = arith.cmpi slt, %xor3A_1753, %lt3A_1755 : vector<16xi32>
      %add3A_1757 = arith.constant 16 : i32
      %add3A_1758 = vector.broadcast %add3A_1757 : i32 to vector<16xi32>
      %add3A_1759 = arith.addi %xor3A_1753, %add3A_1758 : vector<16xi32>
      %select_n3A_1760 = arith.select %lt3A_1756, %add3A_1759, %xor3A_1753 : vector<16xi1>, vector<16xi32>
      %broadcast_in_dim3A_1761 = vector.shape_cast %select_n3A_1760 : vector<16xi32> to vector<16x1xi32>
      %gather3A_1762 = vector.shape_cast %broadcast_in_dim3A_1761 : vector<16x1xi32> to vector<16xi32>
      %gather3A_1763 = tpu.dynamic_gather %min3A_1750[%gather3A_1762] in [0] : vector<16xi32>, vector<16xi32> -> vector<16xi32>
      %min3A_1764 = arith.minsi %min3A_1750, %gather3A_1763 : vector<16xi32>
      %xor3A_1765 = arith.constant 4 : i32
      %xor3A_1766 = vector.broadcast %xor3A_1765 : i32 to vector<16xi32>
      %xor3A_1767 = arith.xori %iota3A, %xor3A_1766 : vector<16xi32>
      %lt3A_1768 = arith.constant 0 : i32
      %lt3A_1769 = vector.broadcast %lt3A_1768 : i32 to vector<16xi32>
      %lt3A_1770 = arith.cmpi slt, %xor3A_1767, %lt3A_1769 : vector<16xi32>
      %add3A_1771 = arith.constant 16 : i32
      %add3A_1772 = vector.broadcast %add3A_1771 : i32 to vector<16xi32>
      %add3A_1773 = arith.addi %xor3A_1767, %add3A_1772 : vector<16xi32>
      %select_n3A_1774 = arith.select %lt3A_1770, %add3A_1773, %xor3A_1767 : vector<16xi1>, vector<16xi32>
      %broadcast_in_dim3A_1775 = vector.shape_cast %select_n3A_1774 : vector<16xi32> to vector<16x1xi32>
      %gather3A_1776 = vector.shape_cast %broadcast_in_dim3A_1775 : vector<16x1xi32> to vector<16xi32>
      %gather3A_1777 = tpu.dynamic_gather %min3A_1764[%gather3A_1776] in [0] : vector<16xi32>, vector<16xi32> -> vector<16xi32>
      %min3A_1778 = arith.minsi %min3A_1764, %gather3A_1777 : vector<16xi32>
      %xor3A_1779 = arith.constant 8 : i32
      %xor3A_1780 = vector.broadcast %xor3A_1779 : i32 to vector<16xi32>
      %xor3A_1781 = arith.xori %iota3A, %xor3A_1780 : vector<16xi32>
      %lt3A_1782 = arith.constant 0 : i32
      %lt3A_1783 = vector.broadcast %lt3A_1782 : i32 to vector<16xi32>
      %lt3A_1784 = arith.cmpi slt, %xor3A_1781, %lt3A_1783 : vector<16xi32>
      %add3A_1785 = arith.constant 16 : i32
      %add3A_1786 = vector.broadcast %add3A_1785 : i32 to vector<16xi32>
      %add3A_1787 = arith.addi %xor3A_1781, %add3A_1786 : vector<16xi32>
      %select_n3A_1788 = arith.select %lt3A_1784, %add3A_1787, %xor3A_1781 : vector<16xi1>, vector<16xi32>
      %broadcast_in_dim3A_1789 = vector.shape_cast %select_n3A_1788 : vector<16xi32> to vector<16x1xi32>
      %gather3A_1790 = vector.shape_cast %broadcast_in_dim3A_1789 : vector<16x1xi32> to vector<16xi32>
      %gather3A_1791 = tpu.dynamic_gather %min3A_1778[%gather3A_1790] in [0] : vector<16xi32>, vector<16xi32> -> vector<16xi32>
      %min3A_1792 = arith.minsi %min3A_1778, %gather3A_1791 : vector<16xi32>
      %eq3A_1793 = arith.constant 4 : i32
      %eq3A_1794 = vector.broadcast %eq3A_1793 : i32 to vector<16xi32>
      %eq3A_1795 = arith.cmpi eq, %iota3A, %eq3A_1794 : vector<16xi32>
      %select_n3A_1796 = arith.select %eq3A_1795, %min3A_1792, %select_n3A_1423 : vector<16xi1>, vector<16xi32>
      %add3A_1797 = arith.constant 0 : i32
      %add3A_1798 = vector.broadcast %add3A_1797 : i32 to vector<16xi32>
      %add3A_1799 = arith.addi %iota3A, %add3A_1798 : vector<16xi32>
      %eq3A_1800 = arith.cmpi eq, %add3A_1799, %min3A_1792 : vector<16xi32>
      %jit3A_1801 = arith.constant 0xFF800000 : f32
      %broadcast_in_dim3A_1802 = vector.broadcast %jit3A_1801 : f32 to vector<16xf32>
      %select_n3A_1803 = arith.select %eq3A_1800, %broadcast_in_dim3A_1802, %select_n3A_1430 : vector<16xi1>, vector<16xf32>
      %add3A_1804 = arith.constant 16 : i32
      %add3A_1805 = vector.broadcast %add3A_1804 : i32 to vector<16xi32>
      %add3A_1806 = arith.addi %iota3A, %add3A_1805 : vector<16xi32>
      %eq3A_1807 = arith.cmpi eq, %add3A_1806, %min3A_1792 : vector<16xi32>
      %jit3A_1808 = arith.constant 0xFF800000 : f32
      %broadcast_in_dim3A_1809 = vector.broadcast %jit3A_1808 : f32 to vector<16xf32>
      %select_n3A_1810 = arith.select %eq3A_1807, %broadcast_in_dim3A_1809, %select_n3A_1437 : vector<16xi1>, vector<16xf32>
      %add3A_1811 = arith.constant 32 : i32
      %add3A_1812 = vector.broadcast %add3A_1811 : i32 to vector<16xi32>
      %add3A_1813 = arith.addi %iota3A, %add3A_1812 : vector<16xi32>
      %eq3A_1814 = arith.cmpi eq, %add3A_1813, %min3A_1792 : vector<16xi32>
      %jit3A_1815 = arith.constant 0xFF800000 : f32
      %broadcast_in_dim3A_1816 = vector.broadcast %jit3A_1815 : f32 to vector<16xf32>
      %select_n3A_1817 = arith.select %eq3A_1814, %broadcast_in_dim3A_1816, %select_n3A_1444 : vector<16xi1>, vector<16xf32>
      %add3A_1818 = arith.constant 48 : i32
      %add3A_1819 = vector.broadcast %add3A_1818 : i32 to vector<16xi32>
      %add3A_1820 = arith.addi %iota3A, %add3A_1819 : vector<16xi32>
      %eq3A_1821 = arith.cmpi eq, %add3A_1820, %min3A_1792 : vector<16xi32>
      %jit3A_1822 = arith.constant 0xFF800000 : f32
      %broadcast_in_dim3A_1823 = vector.broadcast %jit3A_1822 : f32 to vector<16xf32>
      %select_n3A_1824 = arith.select %eq3A_1821, %broadcast_in_dim3A_1823, %select_n3A_1451 : vector<16xi1>, vector<16xf32>
      %add3A_1825 = arith.constant 64 : i32
      %add3A_1826 = vector.broadcast %add3A_1825 : i32 to vector<16xi32>
      %add3A_1827 = arith.addi %iota3A, %add3A_1826 : vector<16xi32>
      %eq3A_1828 = arith.cmpi eq, %add3A_1827, %min3A_1792 : vector<16xi32>
      %jit3A_1829 = arith.constant 0xFF800000 : f32
      %broadcast_in_dim3A_1830 = vector.broadcast %jit3A_1829 : f32 to vector<16xf32>
      %select_n3A_1831 = arith.select %eq3A_1828, %broadcast_in_dim3A_1830, %select_n3A_1458 : vector<16xi1>, vector<16xf32>
      %add3A_1832 = arith.constant 80 : i32
      %add3A_1833 = vector.broadcast %add3A_1832 : i32 to vector<16xi32>
      %add3A_1834 = arith.addi %iota3A, %add3A_1833 : vector<16xi32>
      %eq3A_1835 = arith.cmpi eq, %add3A_1834, %min3A_1792 : vector<16xi32>
      %jit3A_1836 = arith.constant 0xFF800000 : f32
      %broadcast_in_dim3A_1837 = vector.broadcast %jit3A_1836 : f32 to vector<16xf32>
      %select_n3A_1838 = arith.select %eq3A_1835, %broadcast_in_dim3A_1837, %select_n3A_1465 : vector<16xi1>, vector<16xf32>
      %add3A_1839 = arith.constant 96 : i32
      %add3A_1840 = vector.broadcast %add3A_1839 : i32 to vector<16xi32>
      %add3A_1841 = arith.addi %iota3A, %add3A_1840 : vector<16xi32>
      %eq3A_1842 = arith.cmpi eq, %add3A_1841, %min3A_1792 : vector<16xi32>
      %jit3A_1843 = arith.constant 0xFF800000 : f32
      %broadcast_in_dim3A_1844 = vector.broadcast %jit3A_1843 : f32 to vector<16xf32>
      %select_n3A_1845 = arith.select %eq3A_1842, %broadcast_in_dim3A_1844, %select_n3A_1472 : vector<16xi1>, vector<16xf32>
      %add3A_1846 = arith.constant 112 : i32
      %add3A_1847 = vector.broadcast %add3A_1846 : i32 to vector<16xi32>
      %add3A_1848 = arith.addi %iota3A, %add3A_1847 : vector<16xi32>
      %eq3A_1849 = arith.cmpi eq, %add3A_1848, %min3A_1792 : vector<16xi32>
      %jit3A_1850 = arith.constant 0xFF800000 : f32
      %broadcast_in_dim3A_1851 = vector.broadcast %jit3A_1850 : f32 to vector<16xf32>
      %select_n3A_1852 = arith.select %eq3A_1849, %broadcast_in_dim3A_1851, %select_n3A_1479 : vector<16xi1>, vector<16xf32>
      %add3A_1853 = arith.constant 128 : i32
      %add3A_1854 = vector.broadcast %add3A_1853 : i32 to vector<16xi32>
      %add3A_1855 = arith.addi %iota3A, %add3A_1854 : vector<16xi32>
      %eq3A_1856 = arith.cmpi eq, %add3A_1855, %min3A_1792 : vector<16xi32>
      %jit3A_1857 = arith.constant 0xFF800000 : f32
      %broadcast_in_dim3A_1858 = vector.broadcast %jit3A_1857 : f32 to vector<16xf32>
      %select_n3A_1859 = arith.select %eq3A_1856, %broadcast_in_dim3A_1858, %select_n3A_1486 : vector<16xi1>, vector<16xf32>
      %add3A_1860 = arith.constant 144 : i32
      %add3A_1861 = vector.broadcast %add3A_1860 : i32 to vector<16xi32>
      %add3A_1862 = arith.addi %iota3A, %add3A_1861 : vector<16xi32>
      %eq3A_1863 = arith.cmpi eq, %add3A_1862, %min3A_1792 : vector<16xi32>
      %jit3A_1864 = arith.constant 0xFF800000 : f32
      %broadcast_in_dim3A_1865 = vector.broadcast %jit3A_1864 : f32 to vector<16xf32>
      %select_n3A_1866 = arith.select %eq3A_1863, %broadcast_in_dim3A_1865, %select_n3A_1493 : vector<16xi1>, vector<16xf32>
      %add3A_1867 = arith.constant 160 : i32
      %add3A_1868 = vector.broadcast %add3A_1867 : i32 to vector<16xi32>
      %add3A_1869 = arith.addi %iota3A, %add3A_1868 : vector<16xi32>
      %eq3A_1870 = arith.cmpi eq, %add3A_1869, %min3A_1792 : vector<16xi32>
      %jit3A_1871 = arith.constant 0xFF800000 : f32
      %broadcast_in_dim3A_1872 = vector.broadcast %jit3A_1871 : f32 to vector<16xf32>
      %select_n3A_1873 = arith.select %eq3A_1870, %broadcast_in_dim3A_1872, %select_n3A_1500 : vector<16xi1>, vector<16xf32>
      %add3A_1874 = arith.constant 176 : i32
      %add3A_1875 = vector.broadcast %add3A_1874 : i32 to vector<16xi32>
      %add3A_1876 = arith.addi %iota3A, %add3A_1875 : vector<16xi32>
      %eq3A_1877 = arith.cmpi eq, %add3A_1876, %min3A_1792 : vector<16xi32>
      %jit3A_1878 = arith.constant 0xFF800000 : f32
      %broadcast_in_dim3A_1879 = vector.broadcast %jit3A_1878 : f32 to vector<16xf32>
      %select_n3A_1880 = arith.select %eq3A_1877, %broadcast_in_dim3A_1879, %select_n3A_1507 : vector<16xi1>, vector<16xf32>
      %add3A_1881 = arith.constant 192 : i32
      %add3A_1882 = vector.broadcast %add3A_1881 : i32 to vector<16xi32>
      %add3A_1883 = arith.addi %iota3A, %add3A_1882 : vector<16xi32>
      %eq3A_1884 = arith.cmpi eq, %add3A_1883, %min3A_1792 : vector<16xi32>
      %jit3A_1885 = arith.constant 0xFF800000 : f32
      %broadcast_in_dim3A_1886 = vector.broadcast %jit3A_1885 : f32 to vector<16xf32>
      %select_n3A_1887 = arith.select %eq3A_1884, %broadcast_in_dim3A_1886, %select_n3A_1514 : vector<16xi1>, vector<16xf32>
      %add3A_1888 = arith.constant 208 : i32
      %add3A_1889 = vector.broadcast %add3A_1888 : i32 to vector<16xi32>
      %add3A_1890 = arith.addi %iota3A, %add3A_1889 : vector<16xi32>
      %eq3A_1891 = arith.cmpi eq, %add3A_1890, %min3A_1792 : vector<16xi32>
      %jit3A_1892 = arith.constant 0xFF800000 : f32
      %broadcast_in_dim3A_1893 = vector.broadcast %jit3A_1892 : f32 to vector<16xf32>
      %select_n3A_1894 = arith.select %eq3A_1891, %broadcast_in_dim3A_1893, %select_n3A_1521 : vector<16xi1>, vector<16xf32>
      %add3A_1895 = arith.constant 224 : i32
      %add3A_1896 = vector.broadcast %add3A_1895 : i32 to vector<16xi32>
      %add3A_1897 = arith.addi %iota3A, %add3A_1896 : vector<16xi32>
      %eq3A_1898 = arith.cmpi eq, %add3A_1897, %min3A_1792 : vector<16xi32>
      %jit3A_1899 = arith.constant 0xFF800000 : f32
      %broadcast_in_dim3A_1900 = vector.broadcast %jit3A_1899 : f32 to vector<16xf32>
      %select_n3A_1901 = arith.select %eq3A_1898, %broadcast_in_dim3A_1900, %select_n3A_1528 : vector<16xi1>, vector<16xf32>
      %add3A_1902 = arith.constant 240 : i32
      %add3A_1903 = vector.broadcast %add3A_1902 : i32 to vector<16xi32>
      %add3A_1904 = arith.addi %iota3A, %add3A_1903 : vector<16xi32>
      %eq3A_1905 = arith.cmpi eq, %add3A_1904, %min3A_1792 : vector<16xi32>
      %jit3A_1906 = arith.constant 0xFF800000 : f32
      %broadcast_in_dim3A_1907 = vector.broadcast %jit3A_1906 : f32 to vector<16xf32>
      %select_n3A_1908 = arith.select %eq3A_1905, %broadcast_in_dim3A_1907, %select_n3A_1535 : vector<16xi1>, vector<16xf32>
      %max3A_1909 = arith.maximumf %select_n3A_1803, %select_n3A_1810 : vector<16xf32>
      %max3A_1910 = arith.maximumf %max3A_1909, %select_n3A_1817 : vector<16xf32>
      %max3A_1911 = arith.maximumf %max3A_1910, %select_n3A_1824 : vector<16xf32>
      %max3A_1912 = arith.maximumf %max3A_1911, %select_n3A_1831 : vector<16xf32>
      %max3A_1913 = arith.maximumf %max3A_1912, %select_n3A_1838 : vector<16xf32>
      %max3A_1914 = arith.maximumf %max3A_1913, %select_n3A_1845 : vector<16xf32>
      %max3A_1915 = arith.maximumf %max3A_1914, %select_n3A_1852 : vector<16xf32>
      %max3A_1916 = arith.maximumf %max3A_1915, %select_n3A_1859 : vector<16xf32>
      %max3A_1917 = arith.maximumf %max3A_1916, %select_n3A_1866 : vector<16xf32>
      %max3A_1918 = arith.maximumf %max3A_1917, %select_n3A_1873 : vector<16xf32>
      %max3A_1919 = arith.maximumf %max3A_1918, %select_n3A_1880 : vector<16xf32>
      %max3A_1920 = arith.maximumf %max3A_1919, %select_n3A_1887 : vector<16xf32>
      %max3A_1921 = arith.maximumf %max3A_1920, %select_n3A_1894 : vector<16xf32>
      %max3A_1922 = arith.maximumf %max3A_1921, %select_n3A_1901 : vector<16xf32>
      %max3A_1923 = arith.maximumf %max3A_1922, %select_n3A_1908 : vector<16xf32>
      %xor3A_1924 = arith.constant 1 : i32
      %xor3A_1925 = vector.broadcast %xor3A_1924 : i32 to vector<16xi32>
      %xor3A_1926 = arith.xori %iota3A, %xor3A_1925 : vector<16xi32>
      %lt3A_1927 = arith.constant 0 : i32
      %lt3A_1928 = vector.broadcast %lt3A_1927 : i32 to vector<16xi32>
      %lt3A_1929 = arith.cmpi slt, %xor3A_1926, %lt3A_1928 : vector<16xi32>
      %add3A_1930 = arith.constant 16 : i32
      %add3A_1931 = vector.broadcast %add3A_1930 : i32 to vector<16xi32>
      %add3A_1932 = arith.addi %xor3A_1926, %add3A_1931 : vector<16xi32>
      %select_n3A_1933 = arith.select %lt3A_1929, %add3A_1932, %xor3A_1926 : vector<16xi1>, vector<16xi32>
      %broadcast_in_dim3A_1934 = vector.shape_cast %select_n3A_1933 : vector<16xi32> to vector<16x1xi32>
      %gather3A_1935 = vector.shape_cast %broadcast_in_dim3A_1934 : vector<16x1xi32> to vector<16xi32>
      %gather3A_1936 = tpu.dynamic_gather %max3A_1923[%gather3A_1935] in [0] : vector<16xf32>, vector<16xi32> -> vector<16xf32>
      %max3A_1937 = arith.maximumf %max3A_1923, %gather3A_1936 : vector<16xf32>
      %xor3A_1938 = arith.constant 2 : i32
      %xor3A_1939 = vector.broadcast %xor3A_1938 : i32 to vector<16xi32>
      %xor3A_1940 = arith.xori %iota3A, %xor3A_1939 : vector<16xi32>
      %lt3A_1941 = arith.constant 0 : i32
      %lt3A_1942 = vector.broadcast %lt3A_1941 : i32 to vector<16xi32>
      %lt3A_1943 = arith.cmpi slt, %xor3A_1940, %lt3A_1942 : vector<16xi32>
      %add3A_1944 = arith.constant 16 : i32
      %add3A_1945 = vector.broadcast %add3A_1944 : i32 to vector<16xi32>
      %add3A_1946 = arith.addi %xor3A_1940, %add3A_1945 : vector<16xi32>
      %select_n3A_1947 = arith.select %lt3A_1943, %add3A_1946, %xor3A_1940 : vector<16xi1>, vector<16xi32>
      %broadcast_in_dim3A_1948 = vector.shape_cast %select_n3A_1947 : vector<16xi32> to vector<16x1xi32>
      %gather3A_1949 = vector.shape_cast %broadcast_in_dim3A_1948 : vector<16x1xi32> to vector<16xi32>
      %gather3A_1950 = tpu.dynamic_gather %max3A_1937[%gather3A_1949] in [0] : vector<16xf32>, vector<16xi32> -> vector<16xf32>
      %max3A_1951 = arith.maximumf %max3A_1937, %gather3A_1950 : vector<16xf32>
      %xor3A_1952 = arith.constant 4 : i32
      %xor3A_1953 = vector.broadcast %xor3A_1952 : i32 to vector<16xi32>
      %xor3A_1954 = arith.xori %iota3A, %xor3A_1953 : vector<16xi32>
      %lt3A_1955 = arith.constant 0 : i32
      %lt3A_1956 = vector.broadcast %lt3A_1955 : i32 to vector<16xi32>
      %lt3A_1957 = arith.cmpi slt, %xor3A_1954, %lt3A_1956 : vector<16xi32>
      %add3A_1958 = arith.constant 16 : i32
      %add3A_1959 = vector.broadcast %add3A_1958 : i32 to vector<16xi32>
      %add3A_1960 = arith.addi %xor3A_1954, %add3A_1959 : vector<16xi32>
      %select_n3A_1961 = arith.select %lt3A_1957, %add3A_1960, %xor3A_1954 : vector<16xi1>, vector<16xi32>
      %broadcast_in_dim3A_1962 = vector.shape_cast %select_n3A_1961 : vector<16xi32> to vector<16x1xi32>
      %gather3A_1963 = vector.shape_cast %broadcast_in_dim3A_1962 : vector<16x1xi32> to vector<16xi32>
      %gather3A_1964 = tpu.dynamic_gather %max3A_1951[%gather3A_1963] in [0] : vector<16xf32>, vector<16xi32> -> vector<16xf32>
      %max3A_1965 = arith.maximumf %max3A_1951, %gather3A_1964 : vector<16xf32>
      %xor3A_1966 = arith.constant 8 : i32
      %xor3A_1967 = vector.broadcast %xor3A_1966 : i32 to vector<16xi32>
      %xor3A_1968 = arith.xori %iota3A, %xor3A_1967 : vector<16xi32>
      %lt3A_1969 = arith.constant 0 : i32
      %lt3A_1970 = vector.broadcast %lt3A_1969 : i32 to vector<16xi32>
      %lt3A_1971 = arith.cmpi slt, %xor3A_1968, %lt3A_1970 : vector<16xi32>
      %add3A_1972 = arith.constant 16 : i32
      %add3A_1973 = vector.broadcast %add3A_1972 : i32 to vector<16xi32>
      %add3A_1974 = arith.addi %xor3A_1968, %add3A_1973 : vector<16xi32>
      %select_n3A_1975 = arith.select %lt3A_1971, %add3A_1974, %xor3A_1968 : vector<16xi1>, vector<16xi32>
      %broadcast_in_dim3A_1976 = vector.shape_cast %select_n3A_1975 : vector<16xi32> to vector<16x1xi32>
      %gather3A_1977 = vector.shape_cast %broadcast_in_dim3A_1976 : vector<16x1xi32> to vector<16xi32>
      %gather3A_1978 = tpu.dynamic_gather %max3A_1965[%gather3A_1977] in [0] : vector<16xf32>, vector<16xi32> -> vector<16xf32>
      %max3A_1979 = arith.maximumf %max3A_1965, %gather3A_1978 : vector<16xf32>
      %broadcast_in_dim3A_1980 = arith.constant 256 : i32
      %broadcast_in_dim3A_1981 = vector.broadcast %broadcast_in_dim3A_1980 : i32 to vector<16xi32>
      %eq3A_1982 = arith.cmpf oeq, %select_n3A_1803, %max3A_1979 : vector<16xf32>
      %add3A_1983 = arith.constant 0 : i32
      %add3A_1984 = vector.broadcast %add3A_1983 : i32 to vector<16xi32>
      %add3A_1985 = arith.addi %iota3A, %add3A_1984 : vector<16xi32>
      %jit3A_1986 = arith.constant 256 : i32
      %broadcast_in_dim3A_1987 = vector.broadcast %jit3A_1986 : i32 to vector<16xi32>
      %select_n3A_1988 = arith.select %eq3A_1982, %add3A_1985, %broadcast_in_dim3A_1987 : vector<16xi1>, vector<16xi32>
      %min3A_1989 = arith.minsi %broadcast_in_dim3A_1981, %select_n3A_1988 : vector<16xi32>
      %eq3A_1990 = arith.cmpf oeq, %select_n3A_1810, %max3A_1979 : vector<16xf32>
      %add3A_1991 = arith.constant 16 : i32
      %add3A_1992 = vector.broadcast %add3A_1991 : i32 to vector<16xi32>
      %add3A_1993 = arith.addi %iota3A, %add3A_1992 : vector<16xi32>
      %jit3A_1994 = arith.constant 256 : i32
      %broadcast_in_dim3A_1995 = vector.broadcast %jit3A_1994 : i32 to vector<16xi32>
      %select_n3A_1996 = arith.select %eq3A_1990, %add3A_1993, %broadcast_in_dim3A_1995 : vector<16xi1>, vector<16xi32>
      %min3A_1997 = arith.minsi %min3A_1989, %select_n3A_1996 : vector<16xi32>
      %eq3A_1998 = arith.cmpf oeq, %select_n3A_1817, %max3A_1979 : vector<16xf32>
      %add3A_1999 = arith.constant 32 : i32
      %add3A_2000 = vector.broadcast %add3A_1999 : i32 to vector<16xi32>
      %add3A_2001 = arith.addi %iota3A, %add3A_2000 : vector<16xi32>
      %jit3A_2002 = arith.constant 256 : i32
      %broadcast_in_dim3A_2003 = vector.broadcast %jit3A_2002 : i32 to vector<16xi32>
      %select_n3A_2004 = arith.select %eq3A_1998, %add3A_2001, %broadcast_in_dim3A_2003 : vector<16xi1>, vector<16xi32>
      %min3A_2005 = arith.minsi %min3A_1997, %select_n3A_2004 : vector<16xi32>
      %eq3A_2006 = arith.cmpf oeq, %select_n3A_1824, %max3A_1979 : vector<16xf32>
      %add3A_2007 = arith.constant 48 : i32
      %add3A_2008 = vector.broadcast %add3A_2007 : i32 to vector<16xi32>
      %add3A_2009 = arith.addi %iota3A, %add3A_2008 : vector<16xi32>
      %jit3A_2010 = arith.constant 256 : i32
      %broadcast_in_dim3A_2011 = vector.broadcast %jit3A_2010 : i32 to vector<16xi32>
      %select_n3A_2012 = arith.select %eq3A_2006, %add3A_2009, %broadcast_in_dim3A_2011 : vector<16xi1>, vector<16xi32>
      %min3A_2013 = arith.minsi %min3A_2005, %select_n3A_2012 : vector<16xi32>
      %eq3A_2014 = arith.cmpf oeq, %select_n3A_1831, %max3A_1979 : vector<16xf32>
      %add3A_2015 = arith.constant 64 : i32
      %add3A_2016 = vector.broadcast %add3A_2015 : i32 to vector<16xi32>
      %add3A_2017 = arith.addi %iota3A, %add3A_2016 : vector<16xi32>
      %jit3A_2018 = arith.constant 256 : i32
      %broadcast_in_dim3A_2019 = vector.broadcast %jit3A_2018 : i32 to vector<16xi32>
      %select_n3A_2020 = arith.select %eq3A_2014, %add3A_2017, %broadcast_in_dim3A_2019 : vector<16xi1>, vector<16xi32>
      %min3A_2021 = arith.minsi %min3A_2013, %select_n3A_2020 : vector<16xi32>
      %eq3A_2022 = arith.cmpf oeq, %select_n3A_1838, %max3A_1979 : vector<16xf32>
      %add3A_2023 = arith.constant 80 : i32
      %add3A_2024 = vector.broadcast %add3A_2023 : i32 to vector<16xi32>
      %add3A_2025 = arith.addi %iota3A, %add3A_2024 : vector<16xi32>
      %jit3A_2026 = arith.constant 256 : i32
      %broadcast_in_dim3A_2027 = vector.broadcast %jit3A_2026 : i32 to vector<16xi32>
      %select_n3A_2028 = arith.select %eq3A_2022, %add3A_2025, %broadcast_in_dim3A_2027 : vector<16xi1>, vector<16xi32>
      %min3A_2029 = arith.minsi %min3A_2021, %select_n3A_2028 : vector<16xi32>
      %eq3A_2030 = arith.cmpf oeq, %select_n3A_1845, %max3A_1979 : vector<16xf32>
      %add3A_2031 = arith.constant 96 : i32
      %add3A_2032 = vector.broadcast %add3A_2031 : i32 to vector<16xi32>
      %add3A_2033 = arith.addi %iota3A, %add3A_2032 : vector<16xi32>
      %jit3A_2034 = arith.constant 256 : i32
      %broadcast_in_dim3A_2035 = vector.broadcast %jit3A_2034 : i32 to vector<16xi32>
      %select_n3A_2036 = arith.select %eq3A_2030, %add3A_2033, %broadcast_in_dim3A_2035 : vector<16xi1>, vector<16xi32>
      %min3A_2037 = arith.minsi %min3A_2029, %select_n3A_2036 : vector<16xi32>
      %eq3A_2038 = arith.cmpf oeq, %select_n3A_1852, %max3A_1979 : vector<16xf32>
      %add3A_2039 = arith.constant 112 : i32
      %add3A_2040 = vector.broadcast %add3A_2039 : i32 to vector<16xi32>
      %add3A_2041 = arith.addi %iota3A, %add3A_2040 : vector<16xi32>
      %jit3A_2042 = arith.constant 256 : i32
      %broadcast_in_dim3A_2043 = vector.broadcast %jit3A_2042 : i32 to vector<16xi32>
      %select_n3A_2044 = arith.select %eq3A_2038, %add3A_2041, %broadcast_in_dim3A_2043 : vector<16xi1>, vector<16xi32>
      %min3A_2045 = arith.minsi %min3A_2037, %select_n3A_2044 : vector<16xi32>
      %eq3A_2046 = arith.cmpf oeq, %select_n3A_1859, %max3A_1979 : vector<16xf32>
      %add3A_2047 = arith.constant 128 : i32
      %add3A_2048 = vector.broadcast %add3A_2047 : i32 to vector<16xi32>
      %add3A_2049 = arith.addi %iota3A, %add3A_2048 : vector<16xi32>
      %jit3A_2050 = arith.constant 256 : i32
      %broadcast_in_dim3A_2051 = vector.broadcast %jit3A_2050 : i32 to vector<16xi32>
      %select_n3A_2052 = arith.select %eq3A_2046, %add3A_2049, %broadcast_in_dim3A_2051 : vector<16xi1>, vector<16xi32>
      %min3A_2053 = arith.minsi %min3A_2045, %select_n3A_2052 : vector<16xi32>
      %eq3A_2054 = arith.cmpf oeq, %select_n3A_1866, %max3A_1979 : vector<16xf32>
      %add3A_2055 = arith.constant 144 : i32
      %add3A_2056 = vector.broadcast %add3A_2055 : i32 to vector<16xi32>
      %add3A_2057 = arith.addi %iota3A, %add3A_2056 : vector<16xi32>
      %jit3A_2058 = arith.constant 256 : i32
      %broadcast_in_dim3A_2059 = vector.broadcast %jit3A_2058 : i32 to vector<16xi32>
      %select_n3A_2060 = arith.select %eq3A_2054, %add3A_2057, %broadcast_in_dim3A_2059 : vector<16xi1>, vector<16xi32>
      %min3A_2061 = arith.minsi %min3A_2053, %select_n3A_2060 : vector<16xi32>
      %eq3A_2062 = arith.cmpf oeq, %select_n3A_1873, %max3A_1979 : vector<16xf32>
      %add3A_2063 = arith.constant 160 : i32
      %add3A_2064 = vector.broadcast %add3A_2063 : i32 to vector<16xi32>
      %add3A_2065 = arith.addi %iota3A, %add3A_2064 : vector<16xi32>
      %jit3A_2066 = arith.constant 256 : i32
      %broadcast_in_dim3A_2067 = vector.broadcast %jit3A_2066 : i32 to vector<16xi32>
      %select_n3A_2068 = arith.select %eq3A_2062, %add3A_2065, %broadcast_in_dim3A_2067 : vector<16xi1>, vector<16xi32>
      %min3A_2069 = arith.minsi %min3A_2061, %select_n3A_2068 : vector<16xi32>
      %eq3A_2070 = arith.cmpf oeq, %select_n3A_1880, %max3A_1979 : vector<16xf32>
      %add3A_2071 = arith.constant 176 : i32
      %add3A_2072 = vector.broadcast %add3A_2071 : i32 to vector<16xi32>
      %add3A_2073 = arith.addi %iota3A, %add3A_2072 : vector<16xi32>
      %jit3A_2074 = arith.constant 256 : i32
      %broadcast_in_dim3A_2075 = vector.broadcast %jit3A_2074 : i32 to vector<16xi32>
      %select_n3A_2076 = arith.select %eq3A_2070, %add3A_2073, %broadcast_in_dim3A_2075 : vector<16xi1>, vector<16xi32>
      %min3A_2077 = arith.minsi %min3A_2069, %select_n3A_2076 : vector<16xi32>
      %eq3A_2078 = arith.cmpf oeq, %select_n3A_1887, %max3A_1979 : vector<16xf32>
      %add3A_2079 = arith.constant 192 : i32
      %add3A_2080 = vector.broadcast %add3A_2079 : i32 to vector<16xi32>
      %add3A_2081 = arith.addi %iota3A, %add3A_2080 : vector<16xi32>
      %jit3A_2082 = arith.constant 256 : i32
      %broadcast_in_dim3A_2083 = vector.broadcast %jit3A_2082 : i32 to vector<16xi32>
      %select_n3A_2084 = arith.select %eq3A_2078, %add3A_2081, %broadcast_in_dim3A_2083 : vector<16xi1>, vector<16xi32>
      %min3A_2085 = arith.minsi %min3A_2077, %select_n3A_2084 : vector<16xi32>
      %eq3A_2086 = arith.cmpf oeq, %select_n3A_1894, %max3A_1979 : vector<16xf32>
      %add3A_2087 = arith.constant 208 : i32
      %add3A_2088 = vector.broadcast %add3A_2087 : i32 to vector<16xi32>
      %add3A_2089 = arith.addi %iota3A, %add3A_2088 : vector<16xi32>
      %jit3A_2090 = arith.constant 256 : i32
      %broadcast_in_dim3A_2091 = vector.broadcast %jit3A_2090 : i32 to vector<16xi32>
      %select_n3A_2092 = arith.select %eq3A_2086, %add3A_2089, %broadcast_in_dim3A_2091 : vector<16xi1>, vector<16xi32>
      %min3A_2093 = arith.minsi %min3A_2085, %select_n3A_2092 : vector<16xi32>
      %eq3A_2094 = arith.cmpf oeq, %select_n3A_1901, %max3A_1979 : vector<16xf32>
      %add3A_2095 = arith.constant 224 : i32
      %add3A_2096 = vector.broadcast %add3A_2095 : i32 to vector<16xi32>
      %add3A_2097 = arith.addi %iota3A, %add3A_2096 : vector<16xi32>
      %jit3A_2098 = arith.constant 256 : i32
      %broadcast_in_dim3A_2099 = vector.broadcast %jit3A_2098 : i32 to vector<16xi32>
      %select_n3A_2100 = arith.select %eq3A_2094, %add3A_2097, %broadcast_in_dim3A_2099 : vector<16xi1>, vector<16xi32>
      %min3A_2101 = arith.minsi %min3A_2093, %select_n3A_2100 : vector<16xi32>
      %eq3A_2102 = arith.cmpf oeq, %select_n3A_1908, %max3A_1979 : vector<16xf32>
      %add3A_2103 = arith.constant 240 : i32
      %add3A_2104 = vector.broadcast %add3A_2103 : i32 to vector<16xi32>
      %add3A_2105 = arith.addi %iota3A, %add3A_2104 : vector<16xi32>
      %jit3A_2106 = arith.constant 256 : i32
      %broadcast_in_dim3A_2107 = vector.broadcast %jit3A_2106 : i32 to vector<16xi32>
      %select_n3A_2108 = arith.select %eq3A_2102, %add3A_2105, %broadcast_in_dim3A_2107 : vector<16xi1>, vector<16xi32>
      %min3A_2109 = arith.minsi %min3A_2101, %select_n3A_2108 : vector<16xi32>
      %xor3A_2110 = arith.constant 1 : i32
      %xor3A_2111 = vector.broadcast %xor3A_2110 : i32 to vector<16xi32>
      %xor3A_2112 = arith.xori %iota3A, %xor3A_2111 : vector<16xi32>
      %lt3A_2113 = arith.constant 0 : i32
      %lt3A_2114 = vector.broadcast %lt3A_2113 : i32 to vector<16xi32>
      %lt3A_2115 = arith.cmpi slt, %xor3A_2112, %lt3A_2114 : vector<16xi32>
      %add3A_2116 = arith.constant 16 : i32
      %add3A_2117 = vector.broadcast %add3A_2116 : i32 to vector<16xi32>
      %add3A_2118 = arith.addi %xor3A_2112, %add3A_2117 : vector<16xi32>
      %select_n3A_2119 = arith.select %lt3A_2115, %add3A_2118, %xor3A_2112 : vector<16xi1>, vector<16xi32>
      %broadcast_in_dim3A_2120 = vector.shape_cast %select_n3A_2119 : vector<16xi32> to vector<16x1xi32>
      %gather3A_2121 = vector.shape_cast %broadcast_in_dim3A_2120 : vector<16x1xi32> to vector<16xi32>
      %gather3A_2122 = tpu.dynamic_gather %min3A_2109[%gather3A_2121] in [0] : vector<16xi32>, vector<16xi32> -> vector<16xi32>
      %min3A_2123 = arith.minsi %min3A_2109, %gather3A_2122 : vector<16xi32>
      %xor3A_2124 = arith.constant 2 : i32
      %xor3A_2125 = vector.broadcast %xor3A_2124 : i32 to vector<16xi32>
      %xor3A_2126 = arith.xori %iota3A, %xor3A_2125 : vector<16xi32>
      %lt3A_2127 = arith.constant 0 : i32
      %lt3A_2128 = vector.broadcast %lt3A_2127 : i32 to vector<16xi32>
      %lt3A_2129 = arith.cmpi slt, %xor3A_2126, %lt3A_2128 : vector<16xi32>
      %add3A_2130 = arith.constant 16 : i32
      %add3A_2131 = vector.broadcast %add3A_2130 : i32 to vector<16xi32>
      %add3A_2132 = arith.addi %xor3A_2126, %add3A_2131 : vector<16xi32>
      %select_n3A_2133 = arith.select %lt3A_2129, %add3A_2132, %xor3A_2126 : vector<16xi1>, vector<16xi32>
      %broadcast_in_dim3A_2134 = vector.shape_cast %select_n3A_2133 : vector<16xi32> to vector<16x1xi32>
      %gather3A_2135 = vector.shape_cast %broadcast_in_dim3A_2134 : vector<16x1xi32> to vector<16xi32>
      %gather3A_2136 = tpu.dynamic_gather %min3A_2123[%gather3A_2135] in [0] : vector<16xi32>, vector<16xi32> -> vector<16xi32>
      %min3A_2137 = arith.minsi %min3A_2123, %gather3A_2136 : vector<16xi32>
      %xor3A_2138 = arith.constant 4 : i32
      %xor3A_2139 = vector.broadcast %xor3A_2138 : i32 to vector<16xi32>
      %xor3A_2140 = arith.xori %iota3A, %xor3A_2139 : vector<16xi32>
      %lt3A_2141 = arith.constant 0 : i32
      %lt3A_2142 = vector.broadcast %lt3A_2141 : i32 to vector<16xi32>
      %lt3A_2143 = arith.cmpi slt, %xor3A_2140, %lt3A_2142 : vector<16xi32>
      %add3A_2144 = arith.constant 16 : i32
      %add3A_2145 = vector.broadcast %add3A_2144 : i32 to vector<16xi32>
      %add3A_2146 = arith.addi %xor3A_2140, %add3A_2145 : vector<16xi32>
      %select_n3A_2147 = arith.select %lt3A_2143, %add3A_2146, %xor3A_2140 : vector<16xi1>, vector<16xi32>
      %broadcast_in_dim3A_2148 = vector.shape_cast %select_n3A_2147 : vector<16xi32> to vector<16x1xi32>
      %gather3A_2149 = vector.shape_cast %broadcast_in_dim3A_2148 : vector<16x1xi32> to vector<16xi32>
      %gather3A_2150 = tpu.dynamic_gather %min3A_2137[%gather3A_2149] in [0] : vector<16xi32>, vector<16xi32> -> vector<16xi32>
      %min3A_2151 = arith.minsi %min3A_2137, %gather3A_2150 : vector<16xi32>
      %xor3A_2152 = arith.constant 8 : i32
      %xor3A_2153 = vector.broadcast %xor3A_2152 : i32 to vector<16xi32>
      %xor3A_2154 = arith.xori %iota3A, %xor3A_2153 : vector<16xi32>
      %lt3A_2155 = arith.constant 0 : i32
      %lt3A_2156 = vector.broadcast %lt3A_2155 : i32 to vector<16xi32>
      %lt3A_2157 = arith.cmpi slt, %xor3A_2154, %lt3A_2156 : vector<16xi32>
      %add3A_2158 = arith.constant 16 : i32
      %add3A_2159 = vector.broadcast %add3A_2158 : i32 to vector<16xi32>
      %add3A_2160 = arith.addi %xor3A_2154, %add3A_2159 : vector<16xi32>
      %select_n3A_2161 = arith.select %lt3A_2157, %add3A_2160, %xor3A_2154 : vector<16xi1>, vector<16xi32>
      %broadcast_in_dim3A_2162 = vector.shape_cast %select_n3A_2161 : vector<16xi32> to vector<16x1xi32>
      %gather3A_2163 = vector.shape_cast %broadcast_in_dim3A_2162 : vector<16x1xi32> to vector<16xi32>
      %gather3A_2164 = tpu.dynamic_gather %min3A_2151[%gather3A_2163] in [0] : vector<16xi32>, vector<16xi32> -> vector<16xi32>
      %min3A_2165 = arith.minsi %min3A_2151, %gather3A_2164 : vector<16xi32>
      %eq3A_2166 = arith.constant 5 : i32
      %eq3A_2167 = vector.broadcast %eq3A_2166 : i32 to vector<16xi32>
      %eq3A_2168 = arith.cmpi eq, %iota3A, %eq3A_2167 : vector<16xi32>
      %select_n3A_2169 = arith.select %eq3A_2168, %min3A_2165, %select_n3A_1796 : vector<16xi1>, vector<16xi32>
      %add3A_2170 = arith.constant 0 : i32
      %add3A_2171 = vector.broadcast %add3A_2170 : i32 to vector<16xi32>
      %add3A_2172 = arith.addi %iota3A, %add3A_2171 : vector<16xi32>
      %eq3A_2173 = arith.cmpi eq, %add3A_2172, %min3A_2165 : vector<16xi32>
      %jit3A_2174 = arith.constant 0xFF800000 : f32
      %broadcast_in_dim3A_2175 = vector.broadcast %jit3A_2174 : f32 to vector<16xf32>
      %select_n3A_2176 = arith.select %eq3A_2173, %broadcast_in_dim3A_2175, %select_n3A_1803 : vector<16xi1>, vector<16xf32>
      %add3A_2177 = arith.constant 16 : i32
      %add3A_2178 = vector.broadcast %add3A_2177 : i32 to vector<16xi32>
      %add3A_2179 = arith.addi %iota3A, %add3A_2178 : vector<16xi32>
      %eq3A_2180 = arith.cmpi eq, %add3A_2179, %min3A_2165 : vector<16xi32>
      %jit3A_2181 = arith.constant 0xFF800000 : f32
      %broadcast_in_dim3A_2182 = vector.broadcast %jit3A_2181 : f32 to vector<16xf32>
      %select_n3A_2183 = arith.select %eq3A_2180, %broadcast_in_dim3A_2182, %select_n3A_1810 : vector<16xi1>, vector<16xf32>
      %add3A_2184 = arith.constant 32 : i32
      %add3A_2185 = vector.broadcast %add3A_2184 : i32 to vector<16xi32>
      %add3A_2186 = arith.addi %iota3A, %add3A_2185 : vector<16xi32>
      %eq3A_2187 = arith.cmpi eq, %add3A_2186, %min3A_2165 : vector<16xi32>
      %jit3A_2188 = arith.constant 0xFF800000 : f32
      %broadcast_in_dim3A_2189 = vector.broadcast %jit3A_2188 : f32 to vector<16xf32>
      %select_n3A_2190 = arith.select %eq3A_2187, %broadcast_in_dim3A_2189, %select_n3A_1817 : vector<16xi1>, vector<16xf32>
      %add3A_2191 = arith.constant 48 : i32
      %add3A_2192 = vector.broadcast %add3A_2191 : i32 to vector<16xi32>
      %add3A_2193 = arith.addi %iota3A, %add3A_2192 : vector<16xi32>
      %eq3A_2194 = arith.cmpi eq, %add3A_2193, %min3A_2165 : vector<16xi32>
      %jit3A_2195 = arith.constant 0xFF800000 : f32
      %broadcast_in_dim3A_2196 = vector.broadcast %jit3A_2195 : f32 to vector<16xf32>
      %select_n3A_2197 = arith.select %eq3A_2194, %broadcast_in_dim3A_2196, %select_n3A_1824 : vector<16xi1>, vector<16xf32>
      %add3A_2198 = arith.constant 64 : i32
      %add3A_2199 = vector.broadcast %add3A_2198 : i32 to vector<16xi32>
      %add3A_2200 = arith.addi %iota3A, %add3A_2199 : vector<16xi32>
      %eq3A_2201 = arith.cmpi eq, %add3A_2200, %min3A_2165 : vector<16xi32>
      %jit3A_2202 = arith.constant 0xFF800000 : f32
      %broadcast_in_dim3A_2203 = vector.broadcast %jit3A_2202 : f32 to vector<16xf32>
      %select_n3A_2204 = arith.select %eq3A_2201, %broadcast_in_dim3A_2203, %select_n3A_1831 : vector<16xi1>, vector<16xf32>
      %add3A_2205 = arith.constant 80 : i32
      %add3A_2206 = vector.broadcast %add3A_2205 : i32 to vector<16xi32>
      %add3A_2207 = arith.addi %iota3A, %add3A_2206 : vector<16xi32>
      %eq3A_2208 = arith.cmpi eq, %add3A_2207, %min3A_2165 : vector<16xi32>
      %jit3A_2209 = arith.constant 0xFF800000 : f32
      %broadcast_in_dim3A_2210 = vector.broadcast %jit3A_2209 : f32 to vector<16xf32>
      %select_n3A_2211 = arith.select %eq3A_2208, %broadcast_in_dim3A_2210, %select_n3A_1838 : vector<16xi1>, vector<16xf32>
      %add3A_2212 = arith.constant 96 : i32
      %add3A_2213 = vector.broadcast %add3A_2212 : i32 to vector<16xi32>
      %add3A_2214 = arith.addi %iota3A, %add3A_2213 : vector<16xi32>
      %eq3A_2215 = arith.cmpi eq, %add3A_2214, %min3A_2165 : vector<16xi32>
      %jit3A_2216 = arith.constant 0xFF800000 : f32
      %broadcast_in_dim3A_2217 = vector.broadcast %jit3A_2216 : f32 to vector<16xf32>
      %select_n3A_2218 = arith.select %eq3A_2215, %broadcast_in_dim3A_2217, %select_n3A_1845 : vector<16xi1>, vector<16xf32>
      %add3A_2219 = arith.constant 112 : i32
      %add3A_2220 = vector.broadcast %add3A_2219 : i32 to vector<16xi32>
      %add3A_2221 = arith.addi %iota3A, %add3A_2220 : vector<16xi32>
      %eq3A_2222 = arith.cmpi eq, %add3A_2221, %min3A_2165 : vector<16xi32>
      %jit3A_2223 = arith.constant 0xFF800000 : f32
      %broadcast_in_dim3A_2224 = vector.broadcast %jit3A_2223 : f32 to vector<16xf32>
      %select_n3A_2225 = arith.select %eq3A_2222, %broadcast_in_dim3A_2224, %select_n3A_1852 : vector<16xi1>, vector<16xf32>
      %add3A_2226 = arith.constant 128 : i32
      %add3A_2227 = vector.broadcast %add3A_2226 : i32 to vector<16xi32>
      %add3A_2228 = arith.addi %iota3A, %add3A_2227 : vector<16xi32>
      %eq3A_2229 = arith.cmpi eq, %add3A_2228, %min3A_2165 : vector<16xi32>
      %jit3A_2230 = arith.constant 0xFF800000 : f32
      %broadcast_in_dim3A_2231 = vector.broadcast %jit3A_2230 : f32 to vector<16xf32>
      %select_n3A_2232 = arith.select %eq3A_2229, %broadcast_in_dim3A_2231, %select_n3A_1859 : vector<16xi1>, vector<16xf32>
      %add3A_2233 = arith.constant 144 : i32
      %add3A_2234 = vector.broadcast %add3A_2233 : i32 to vector<16xi32>
      %add3A_2235 = arith.addi %iota3A, %add3A_2234 : vector<16xi32>
      %eq3A_2236 = arith.cmpi eq, %add3A_2235, %min3A_2165 : vector<16xi32>
      %jit3A_2237 = arith.constant 0xFF800000 : f32
      %broadcast_in_dim3A_2238 = vector.broadcast %jit3A_2237 : f32 to vector<16xf32>
      %select_n3A_2239 = arith.select %eq3A_2236, %broadcast_in_dim3A_2238, %select_n3A_1866 : vector<16xi1>, vector<16xf32>
      %add3A_2240 = arith.constant 160 : i32
      %add3A_2241 = vector.broadcast %add3A_2240 : i32 to vector<16xi32>
      %add3A_2242 = arith.addi %iota3A, %add3A_2241 : vector<16xi32>
      %eq3A_2243 = arith.cmpi eq, %add3A_2242, %min3A_2165 : vector<16xi32>
      %jit3A_2244 = arith.constant 0xFF800000 : f32
      %broadcast_in_dim3A_2245 = vector.broadcast %jit3A_2244 : f32 to vector<16xf32>
      %select_n3A_2246 = arith.select %eq3A_2243, %broadcast_in_dim3A_2245, %select_n3A_1873 : vector<16xi1>, vector<16xf32>
      %add3A_2247 = arith.constant 176 : i32
      %add3A_2248 = vector.broadcast %add3A_2247 : i32 to vector<16xi32>
      %add3A_2249 = arith.addi %iota3A, %add3A_2248 : vector<16xi32>
      %eq3A_2250 = arith.cmpi eq, %add3A_2249, %min3A_2165 : vector<16xi32>
      %jit3A_2251 = arith.constant 0xFF800000 : f32
      %broadcast_in_dim3A_2252 = vector.broadcast %jit3A_2251 : f32 to vector<16xf32>
      %select_n3A_2253 = arith.select %eq3A_2250, %broadcast_in_dim3A_2252, %select_n3A_1880 : vector<16xi1>, vector<16xf32>
      %add3A_2254 = arith.constant 192 : i32
      %add3A_2255 = vector.broadcast %add3A_2254 : i32 to vector<16xi32>
      %add3A_2256 = arith.addi %iota3A, %add3A_2255 : vector<16xi32>
      %eq3A_2257 = arith.cmpi eq, %add3A_2256, %min3A_2165 : vector<16xi32>
      %jit3A_2258 = arith.constant 0xFF800000 : f32
      %broadcast_in_dim3A_2259 = vector.broadcast %jit3A_2258 : f32 to vector<16xf32>
      %select_n3A_2260 = arith.select %eq3A_2257, %broadcast_in_dim3A_2259, %select_n3A_1887 : vector<16xi1>, vector<16xf32>
      %add3A_2261 = arith.constant 208 : i32
      %add3A_2262 = vector.broadcast %add3A_2261 : i32 to vector<16xi32>
      %add3A_2263 = arith.addi %iota3A, %add3A_2262 : vector<16xi32>
      %eq3A_2264 = arith.cmpi eq, %add3A_2263, %min3A_2165 : vector<16xi32>
      %jit3A_2265 = arith.constant 0xFF800000 : f32
      %broadcast_in_dim3A_2266 = vector.broadcast %jit3A_2265 : f32 to vector<16xf32>
      %select_n3A_2267 = arith.select %eq3A_2264, %broadcast_in_dim3A_2266, %select_n3A_1894 : vector<16xi1>, vector<16xf32>
      %add3A_2268 = arith.constant 224 : i32
      %add3A_2269 = vector.broadcast %add3A_2268 : i32 to vector<16xi32>
      %add3A_2270 = arith.addi %iota3A, %add3A_2269 : vector<16xi32>
      %eq3A_2271 = arith.cmpi eq, %add3A_2270, %min3A_2165 : vector<16xi32>
      %jit3A_2272 = arith.constant 0xFF800000 : f32
      %broadcast_in_dim3A_2273 = vector.broadcast %jit3A_2272 : f32 to vector<16xf32>
      %select_n3A_2274 = arith.select %eq3A_2271, %broadcast_in_dim3A_2273, %select_n3A_1901 : vector<16xi1>, vector<16xf32>
      %add3A_2275 = arith.constant 240 : i32
      %add3A_2276 = vector.broadcast %add3A_2275 : i32 to vector<16xi32>
      %add3A_2277 = arith.addi %iota3A, %add3A_2276 : vector<16xi32>
      %eq3A_2278 = arith.cmpi eq, %add3A_2277, %min3A_2165 : vector<16xi32>
      %jit3A_2279 = arith.constant 0xFF800000 : f32
      %broadcast_in_dim3A_2280 = vector.broadcast %jit3A_2279 : f32 to vector<16xf32>
      %select_n3A_2281 = arith.select %eq3A_2278, %broadcast_in_dim3A_2280, %select_n3A_1908 : vector<16xi1>, vector<16xf32>
      %max3A_2282 = arith.maximumf %select_n3A_2176, %select_n3A_2183 : vector<16xf32>
      %max3A_2283 = arith.maximumf %max3A_2282, %select_n3A_2190 : vector<16xf32>
      %max3A_2284 = arith.maximumf %max3A_2283, %select_n3A_2197 : vector<16xf32>
      %max3A_2285 = arith.maximumf %max3A_2284, %select_n3A_2204 : vector<16xf32>
      %max3A_2286 = arith.maximumf %max3A_2285, %select_n3A_2211 : vector<16xf32>
      %max3A_2287 = arith.maximumf %max3A_2286, %select_n3A_2218 : vector<16xf32>
      %max3A_2288 = arith.maximumf %max3A_2287, %select_n3A_2225 : vector<16xf32>
      %max3A_2289 = arith.maximumf %max3A_2288, %select_n3A_2232 : vector<16xf32>
      %max3A_2290 = arith.maximumf %max3A_2289, %select_n3A_2239 : vector<16xf32>
      %max3A_2291 = arith.maximumf %max3A_2290, %select_n3A_2246 : vector<16xf32>
      %max3A_2292 = arith.maximumf %max3A_2291, %select_n3A_2253 : vector<16xf32>
      %max3A_2293 = arith.maximumf %max3A_2292, %select_n3A_2260 : vector<16xf32>
      %max3A_2294 = arith.maximumf %max3A_2293, %select_n3A_2267 : vector<16xf32>
      %max3A_2295 = arith.maximumf %max3A_2294, %select_n3A_2274 : vector<16xf32>
      %max3A_2296 = arith.maximumf %max3A_2295, %select_n3A_2281 : vector<16xf32>
      %xor3A_2297 = arith.constant 1 : i32
      %xor3A_2298 = vector.broadcast %xor3A_2297 : i32 to vector<16xi32>
      %xor3A_2299 = arith.xori %iota3A, %xor3A_2298 : vector<16xi32>
      %lt3A_2300 = arith.constant 0 : i32
      %lt3A_2301 = vector.broadcast %lt3A_2300 : i32 to vector<16xi32>
      %lt3A_2302 = arith.cmpi slt, %xor3A_2299, %lt3A_2301 : vector<16xi32>
      %add3A_2303 = arith.constant 16 : i32
      %add3A_2304 = vector.broadcast %add3A_2303 : i32 to vector<16xi32>
      %add3A_2305 = arith.addi %xor3A_2299, %add3A_2304 : vector<16xi32>
      %select_n3A_2306 = arith.select %lt3A_2302, %add3A_2305, %xor3A_2299 : vector<16xi1>, vector<16xi32>
      %broadcast_in_dim3A_2307 = vector.shape_cast %select_n3A_2306 : vector<16xi32> to vector<16x1xi32>
      %gather3A_2308 = vector.shape_cast %broadcast_in_dim3A_2307 : vector<16x1xi32> to vector<16xi32>
      %gather3A_2309 = tpu.dynamic_gather %max3A_2296[%gather3A_2308] in [0] : vector<16xf32>, vector<16xi32> -> vector<16xf32>
      %max3A_2310 = arith.maximumf %max3A_2296, %gather3A_2309 : vector<16xf32>
      %xor3A_2311 = arith.constant 2 : i32
      %xor3A_2312 = vector.broadcast %xor3A_2311 : i32 to vector<16xi32>
      %xor3A_2313 = arith.xori %iota3A, %xor3A_2312 : vector<16xi32>
      %lt3A_2314 = arith.constant 0 : i32
      %lt3A_2315 = vector.broadcast %lt3A_2314 : i32 to vector<16xi32>
      %lt3A_2316 = arith.cmpi slt, %xor3A_2313, %lt3A_2315 : vector<16xi32>
      %add3A_2317 = arith.constant 16 : i32
      %add3A_2318 = vector.broadcast %add3A_2317 : i32 to vector<16xi32>
      %add3A_2319 = arith.addi %xor3A_2313, %add3A_2318 : vector<16xi32>
      %select_n3A_2320 = arith.select %lt3A_2316, %add3A_2319, %xor3A_2313 : vector<16xi1>, vector<16xi32>
      %broadcast_in_dim3A_2321 = vector.shape_cast %select_n3A_2320 : vector<16xi32> to vector<16x1xi32>
      %gather3A_2322 = vector.shape_cast %broadcast_in_dim3A_2321 : vector<16x1xi32> to vector<16xi32>
      %gather3A_2323 = tpu.dynamic_gather %max3A_2310[%gather3A_2322] in [0] : vector<16xf32>, vector<16xi32> -> vector<16xf32>
      %max3A_2324 = arith.maximumf %max3A_2310, %gather3A_2323 : vector<16xf32>
      %xor3A_2325 = arith.constant 4 : i32
      %xor3A_2326 = vector.broadcast %xor3A_2325 : i32 to vector<16xi32>
      %xor3A_2327 = arith.xori %iota3A, %xor3A_2326 : vector<16xi32>
      %lt3A_2328 = arith.constant 0 : i32
      %lt3A_2329 = vector.broadcast %lt3A_2328 : i32 to vector<16xi32>
      %lt3A_2330 = arith.cmpi slt, %xor3A_2327, %lt3A_2329 : vector<16xi32>
      %add3A_2331 = arith.constant 16 : i32
      %add3A_2332 = vector.broadcast %add3A_2331 : i32 to vector<16xi32>
      %add3A_2333 = arith.addi %xor3A_2327, %add3A_2332 : vector<16xi32>
      %select_n3A_2334 = arith.select %lt3A_2330, %add3A_2333, %xor3A_2327 : vector<16xi1>, vector<16xi32>
      %broadcast_in_dim3A_2335 = vector.shape_cast %select_n3A_2334 : vector<16xi32> to vector<16x1xi32>
      %gather3A_2336 = vector.shape_cast %broadcast_in_dim3A_2335 : vector<16x1xi32> to vector<16xi32>
      %gather3A_2337 = tpu.dynamic_gather %max3A_2324[%gather3A_2336] in [0] : vector<16xf32>, vector<16xi32> -> vector<16xf32>
      %max3A_2338 = arith.maximumf %max3A_2324, %gather3A_2337 : vector<16xf32>
      %xor3A_2339 = arith.constant 8 : i32
      %xor3A_2340 = vector.broadcast %xor3A_2339 : i32 to vector<16xi32>
      %xor3A_2341 = arith.xori %iota3A, %xor3A_2340 : vector<16xi32>
      %lt3A_2342 = arith.constant 0 : i32
      %lt3A_2343 = vector.broadcast %lt3A_2342 : i32 to vector<16xi32>
      %lt3A_2344 = arith.cmpi slt, %xor3A_2341, %lt3A_2343 : vector<16xi32>
      %add3A_2345 = arith.constant 16 : i32
      %add3A_2346 = vector.broadcast %add3A_2345 : i32 to vector<16xi32>
      %add3A_2347 = arith.addi %xor3A_2341, %add3A_2346 : vector<16xi32>
      %select_n3A_2348 = arith.select %lt3A_2344, %add3A_2347, %xor3A_2341 : vector<16xi1>, vector<16xi32>
      %broadcast_in_dim3A_2349 = vector.shape_cast %select_n3A_2348 : vector<16xi32> to vector<16x1xi32>
      %gather3A_2350 = vector.shape_cast %broadcast_in_dim3A_2349 : vector<16x1xi32> to vector<16xi32>
      %gather3A_2351 = tpu.dynamic_gather %max3A_2338[%gather3A_2350] in [0] : vector<16xf32>, vector<16xi32> -> vector<16xf32>
      %max3A_2352 = arith.maximumf %max3A_2338, %gather3A_2351 : vector<16xf32>
      %broadcast_in_dim3A_2353 = arith.constant 256 : i32
      %broadcast_in_dim3A_2354 = vector.broadcast %broadcast_in_dim3A_2353 : i32 to vector<16xi32>
      %eq3A_2355 = arith.cmpf oeq, %select_n3A_2176, %max3A_2352 : vector<16xf32>
      %add3A_2356 = arith.constant 0 : i32
      %add3A_2357 = vector.broadcast %add3A_2356 : i32 to vector<16xi32>
      %add3A_2358 = arith.addi %iota3A, %add3A_2357 : vector<16xi32>
      %jit3A_2359 = arith.constant 256 : i32
      %broadcast_in_dim3A_2360 = vector.broadcast %jit3A_2359 : i32 to vector<16xi32>
      %select_n3A_2361 = arith.select %eq3A_2355, %add3A_2358, %broadcast_in_dim3A_2360 : vector<16xi1>, vector<16xi32>
      %min3A_2362 = arith.minsi %broadcast_in_dim3A_2354, %select_n3A_2361 : vector<16xi32>
      %eq3A_2363 = arith.cmpf oeq, %select_n3A_2183, %max3A_2352 : vector<16xf32>
      %add3A_2364 = arith.constant 16 : i32
      %add3A_2365 = vector.broadcast %add3A_2364 : i32 to vector<16xi32>
      %add3A_2366 = arith.addi %iota3A, %add3A_2365 : vector<16xi32>
      %jit3A_2367 = arith.constant 256 : i32
      %broadcast_in_dim3A_2368 = vector.broadcast %jit3A_2367 : i32 to vector<16xi32>
      %select_n3A_2369 = arith.select %eq3A_2363, %add3A_2366, %broadcast_in_dim3A_2368 : vector<16xi1>, vector<16xi32>
      %min3A_2370 = arith.minsi %min3A_2362, %select_n3A_2369 : vector<16xi32>
      %eq3A_2371 = arith.cmpf oeq, %select_n3A_2190, %max3A_2352 : vector<16xf32>
      %add3A_2372 = arith.constant 32 : i32
      %add3A_2373 = vector.broadcast %add3A_2372 : i32 to vector<16xi32>
      %add3A_2374 = arith.addi %iota3A, %add3A_2373 : vector<16xi32>
      %jit3A_2375 = arith.constant 256 : i32
      %broadcast_in_dim3A_2376 = vector.broadcast %jit3A_2375 : i32 to vector<16xi32>
      %select_n3A_2377 = arith.select %eq3A_2371, %add3A_2374, %broadcast_in_dim3A_2376 : vector<16xi1>, vector<16xi32>
      %min3A_2378 = arith.minsi %min3A_2370, %select_n3A_2377 : vector<16xi32>
      %eq3A_2379 = arith.cmpf oeq, %select_n3A_2197, %max3A_2352 : vector<16xf32>
      %add3A_2380 = arith.constant 48 : i32
      %add3A_2381 = vector.broadcast %add3A_2380 : i32 to vector<16xi32>
      %add3A_2382 = arith.addi %iota3A, %add3A_2381 : vector<16xi32>
      %jit3A_2383 = arith.constant 256 : i32
      %broadcast_in_dim3A_2384 = vector.broadcast %jit3A_2383 : i32 to vector<16xi32>
      %select_n3A_2385 = arith.select %eq3A_2379, %add3A_2382, %broadcast_in_dim3A_2384 : vector<16xi1>, vector<16xi32>
      %min3A_2386 = arith.minsi %min3A_2378, %select_n3A_2385 : vector<16xi32>
      %eq3A_2387 = arith.cmpf oeq, %select_n3A_2204, %max3A_2352 : vector<16xf32>
      %add3A_2388 = arith.constant 64 : i32
      %add3A_2389 = vector.broadcast %add3A_2388 : i32 to vector<16xi32>
      %add3A_2390 = arith.addi %iota3A, %add3A_2389 : vector<16xi32>
      %jit3A_2391 = arith.constant 256 : i32
      %broadcast_in_dim3A_2392 = vector.broadcast %jit3A_2391 : i32 to vector<16xi32>
      %select_n3A_2393 = arith.select %eq3A_2387, %add3A_2390, %broadcast_in_dim3A_2392 : vector<16xi1>, vector<16xi32>
      %min3A_2394 = arith.minsi %min3A_2386, %select_n3A_2393 : vector<16xi32>
      %eq3A_2395 = arith.cmpf oeq, %select_n3A_2211, %max3A_2352 : vector<16xf32>
      %add3A_2396 = arith.constant 80 : i32
      %add3A_2397 = vector.broadcast %add3A_2396 : i32 to vector<16xi32>
      %add3A_2398 = arith.addi %iota3A, %add3A_2397 : vector<16xi32>
      %jit3A_2399 = arith.constant 256 : i32
      %broadcast_in_dim3A_2400 = vector.broadcast %jit3A_2399 : i32 to vector<16xi32>
      %select_n3A_2401 = arith.select %eq3A_2395, %add3A_2398, %broadcast_in_dim3A_2400 : vector<16xi1>, vector<16xi32>
      %min3A_2402 = arith.minsi %min3A_2394, %select_n3A_2401 : vector<16xi32>
      %eq3A_2403 = arith.cmpf oeq, %select_n3A_2218, %max3A_2352 : vector<16xf32>
      %add3A_2404 = arith.constant 96 : i32
      %add3A_2405 = vector.broadcast %add3A_2404 : i32 to vector<16xi32>
      %add3A_2406 = arith.addi %iota3A, %add3A_2405 : vector<16xi32>
      %jit3A_2407 = arith.constant 256 : i32
      %broadcast_in_dim3A_2408 = vector.broadcast %jit3A_2407 : i32 to vector<16xi32>
      %select_n3A_2409 = arith.select %eq3A_2403, %add3A_2406, %broadcast_in_dim3A_2408 : vector<16xi1>, vector<16xi32>
      %min3A_2410 = arith.minsi %min3A_2402, %select_n3A_2409 : vector<16xi32>
      %eq3A_2411 = arith.cmpf oeq, %select_n3A_2225, %max3A_2352 : vector<16xf32>
      %add3A_2412 = arith.constant 112 : i32
      %add3A_2413 = vector.broadcast %add3A_2412 : i32 to vector<16xi32>
      %add3A_2414 = arith.addi %iota3A, %add3A_2413 : vector<16xi32>
      %jit3A_2415 = arith.constant 256 : i32
      %broadcast_in_dim3A_2416 = vector.broadcast %jit3A_2415 : i32 to vector<16xi32>
      %select_n3A_2417 = arith.select %eq3A_2411, %add3A_2414, %broadcast_in_dim3A_2416 : vector<16xi1>, vector<16xi32>
      %min3A_2418 = arith.minsi %min3A_2410, %select_n3A_2417 : vector<16xi32>
      %eq3A_2419 = arith.cmpf oeq, %select_n3A_2232, %max3A_2352 : vector<16xf32>
      %add3A_2420 = arith.constant 128 : i32
      %add3A_2421 = vector.broadcast %add3A_2420 : i32 to vector<16xi32>
      %add3A_2422 = arith.addi %iota3A, %add3A_2421 : vector<16xi32>
      %jit3A_2423 = arith.constant 256 : i32
      %broadcast_in_dim3A_2424 = vector.broadcast %jit3A_2423 : i32 to vector<16xi32>
      %select_n3A_2425 = arith.select %eq3A_2419, %add3A_2422, %broadcast_in_dim3A_2424 : vector<16xi1>, vector<16xi32>
      %min3A_2426 = arith.minsi %min3A_2418, %select_n3A_2425 : vector<16xi32>
      %eq3A_2427 = arith.cmpf oeq, %select_n3A_2239, %max3A_2352 : vector<16xf32>
      %add3A_2428 = arith.constant 144 : i32
      %add3A_2429 = vector.broadcast %add3A_2428 : i32 to vector<16xi32>
      %add3A_2430 = arith.addi %iota3A, %add3A_2429 : vector<16xi32>
      %jit3A_2431 = arith.constant 256 : i32
      %broadcast_in_dim3A_2432 = vector.broadcast %jit3A_2431 : i32 to vector<16xi32>
      %select_n3A_2433 = arith.select %eq3A_2427, %add3A_2430, %broadcast_in_dim3A_2432 : vector<16xi1>, vector<16xi32>
      %min3A_2434 = arith.minsi %min3A_2426, %select_n3A_2433 : vector<16xi32>
      %eq3A_2435 = arith.cmpf oeq, %select_n3A_2246, %max3A_2352 : vector<16xf32>
      %add3A_2436 = arith.constant 160 : i32
      %add3A_2437 = vector.broadcast %add3A_2436 : i32 to vector<16xi32>
      %add3A_2438 = arith.addi %iota3A, %add3A_2437 : vector<16xi32>
      %jit3A_2439 = arith.constant 256 : i32
      %broadcast_in_dim3A_2440 = vector.broadcast %jit3A_2439 : i32 to vector<16xi32>
      %select_n3A_2441 = arith.select %eq3A_2435, %add3A_2438, %broadcast_in_dim3A_2440 : vector<16xi1>, vector<16xi32>
      %min3A_2442 = arith.minsi %min3A_2434, %select_n3A_2441 : vector<16xi32>
      %eq3A_2443 = arith.cmpf oeq, %select_n3A_2253, %max3A_2352 : vector<16xf32>
      %add3A_2444 = arith.constant 176 : i32
      %add3A_2445 = vector.broadcast %add3A_2444 : i32 to vector<16xi32>
      %add3A_2446 = arith.addi %iota3A, %add3A_2445 : vector<16xi32>
      %jit3A_2447 = arith.constant 256 : i32
      %broadcast_in_dim3A_2448 = vector.broadcast %jit3A_2447 : i32 to vector<16xi32>
      %select_n3A_2449 = arith.select %eq3A_2443, %add3A_2446, %broadcast_in_dim3A_2448 : vector<16xi1>, vector<16xi32>
      %min3A_2450 = arith.minsi %min3A_2442, %select_n3A_2449 : vector<16xi32>
      %eq3A_2451 = arith.cmpf oeq, %select_n3A_2260, %max3A_2352 : vector<16xf32>
      %add3A_2452 = arith.constant 192 : i32
      %add3A_2453 = vector.broadcast %add3A_2452 : i32 to vector<16xi32>
      %add3A_2454 = arith.addi %iota3A, %add3A_2453 : vector<16xi32>
      %jit3A_2455 = arith.constant 256 : i32
      %broadcast_in_dim3A_2456 = vector.broadcast %jit3A_2455 : i32 to vector<16xi32>
      %select_n3A_2457 = arith.select %eq3A_2451, %add3A_2454, %broadcast_in_dim3A_2456 : vector<16xi1>, vector<16xi32>
      %min3A_2458 = arith.minsi %min3A_2450, %select_n3A_2457 : vector<16xi32>
      %eq3A_2459 = arith.cmpf oeq, %select_n3A_2267, %max3A_2352 : vector<16xf32>
      %add3A_2460 = arith.constant 208 : i32
      %add3A_2461 = vector.broadcast %add3A_2460 : i32 to vector<16xi32>
      %add3A_2462 = arith.addi %iota3A, %add3A_2461 : vector<16xi32>
      %jit3A_2463 = arith.constant 256 : i32
      %broadcast_in_dim3A_2464 = vector.broadcast %jit3A_2463 : i32 to vector<16xi32>
      %select_n3A_2465 = arith.select %eq3A_2459, %add3A_2462, %broadcast_in_dim3A_2464 : vector<16xi1>, vector<16xi32>
      %min3A_2466 = arith.minsi %min3A_2458, %select_n3A_2465 : vector<16xi32>
      %eq3A_2467 = arith.cmpf oeq, %select_n3A_2274, %max3A_2352 : vector<16xf32>
      %add3A_2468 = arith.constant 224 : i32
      %add3A_2469 = vector.broadcast %add3A_2468 : i32 to vector<16xi32>
      %add3A_2470 = arith.addi %iota3A, %add3A_2469 : vector<16xi32>
      %jit3A_2471 = arith.constant 256 : i32
      %broadcast_in_dim3A_2472 = vector.broadcast %jit3A_2471 : i32 to vector<16xi32>
      %select_n3A_2473 = arith.select %eq3A_2467, %add3A_2470, %broadcast_in_dim3A_2472 : vector<16xi1>, vector<16xi32>
      %min3A_2474 = arith.minsi %min3A_2466, %select_n3A_2473 : vector<16xi32>
      %eq3A_2475 = arith.cmpf oeq, %select_n3A_2281, %max3A_2352 : vector<16xf32>
      %add3A_2476 = arith.constant 240 : i32
      %add3A_2477 = vector.broadcast %add3A_2476 : i32 to vector<16xi32>
      %add3A_2478 = arith.addi %iota3A, %add3A_2477 : vector<16xi32>
      %jit3A_2479 = arith.constant 256 : i32
      %broadcast_in_dim3A_2480 = vector.broadcast %jit3A_2479 : i32 to vector<16xi32>
      %select_n3A_2481 = arith.select %eq3A_2475, %add3A_2478, %broadcast_in_dim3A_2480 : vector<16xi1>, vector<16xi32>
      %min3A_2482 = arith.minsi %min3A_2474, %select_n3A_2481 : vector<16xi32>
      %xor3A_2483 = arith.constant 1 : i32
      %xor3A_2484 = vector.broadcast %xor3A_2483 : i32 to vector<16xi32>
      %xor3A_2485 = arith.xori %iota3A, %xor3A_2484 : vector<16xi32>
      %lt3A_2486 = arith.constant 0 : i32
      %lt3A_2487 = vector.broadcast %lt3A_2486 : i32 to vector<16xi32>
      %lt3A_2488 = arith.cmpi slt, %xor3A_2485, %lt3A_2487 : vector<16xi32>
      %add3A_2489 = arith.constant 16 : i32
      %add3A_2490 = vector.broadcast %add3A_2489 : i32 to vector<16xi32>
      %add3A_2491 = arith.addi %xor3A_2485, %add3A_2490 : vector<16xi32>
      %select_n3A_2492 = arith.select %lt3A_2488, %add3A_2491, %xor3A_2485 : vector<16xi1>, vector<16xi32>
      %broadcast_in_dim3A_2493 = vector.shape_cast %select_n3A_2492 : vector<16xi32> to vector<16x1xi32>
      %gather3A_2494 = vector.shape_cast %broadcast_in_dim3A_2493 : vector<16x1xi32> to vector<16xi32>
      %gather3A_2495 = tpu.dynamic_gather %min3A_2482[%gather3A_2494] in [0] : vector<16xi32>, vector<16xi32> -> vector<16xi32>
      %min3A_2496 = arith.minsi %min3A_2482, %gather3A_2495 : vector<16xi32>
      %xor3A_2497 = arith.constant 2 : i32
      %xor3A_2498 = vector.broadcast %xor3A_2497 : i32 to vector<16xi32>
      %xor3A_2499 = arith.xori %iota3A, %xor3A_2498 : vector<16xi32>
      %lt3A_2500 = arith.constant 0 : i32
      %lt3A_2501 = vector.broadcast %lt3A_2500 : i32 to vector<16xi32>
      %lt3A_2502 = arith.cmpi slt, %xor3A_2499, %lt3A_2501 : vector<16xi32>
      %add3A_2503 = arith.constant 16 : i32
      %add3A_2504 = vector.broadcast %add3A_2503 : i32 to vector<16xi32>
      %add3A_2505 = arith.addi %xor3A_2499, %add3A_2504 : vector<16xi32>
      %select_n3A_2506 = arith.select %lt3A_2502, %add3A_2505, %xor3A_2499 : vector<16xi1>, vector<16xi32>
      %broadcast_in_dim3A_2507 = vector.shape_cast %select_n3A_2506 : vector<16xi32> to vector<16x1xi32>
      %gather3A_2508 = vector.shape_cast %broadcast_in_dim3A_2507 : vector<16x1xi32> to vector<16xi32>
      %gather3A_2509 = tpu.dynamic_gather %min3A_2496[%gather3A_2508] in [0] : vector<16xi32>, vector<16xi32> -> vector<16xi32>
      %min3A_2510 = arith.minsi %min3A_2496, %gather3A_2509 : vector<16xi32>
      %xor3A_2511 = arith.constant 4 : i32
      %xor3A_2512 = vector.broadcast %xor3A_2511 : i32 to vector<16xi32>
      %xor3A_2513 = arith.xori %iota3A, %xor3A_2512 : vector<16xi32>
      %lt3A_2514 = arith.constant 0 : i32
      %lt3A_2515 = vector.broadcast %lt3A_2514 : i32 to vector<16xi32>
      %lt3A_2516 = arith.cmpi slt, %xor3A_2513, %lt3A_2515 : vector<16xi32>
      %add3A_2517 = arith.constant 16 : i32
      %add3A_2518 = vector.broadcast %add3A_2517 : i32 to vector<16xi32>
      %add3A_2519 = arith.addi %xor3A_2513, %add3A_2518 : vector<16xi32>
      %select_n3A_2520 = arith.select %lt3A_2516, %add3A_2519, %xor3A_2513 : vector<16xi1>, vector<16xi32>
      %broadcast_in_dim3A_2521 = vector.shape_cast %select_n3A_2520 : vector<16xi32> to vector<16x1xi32>
      %gather3A_2522 = vector.shape_cast %broadcast_in_dim3A_2521 : vector<16x1xi32> to vector<16xi32>
      %gather3A_2523 = tpu.dynamic_gather %min3A_2510[%gather3A_2522] in [0] : vector<16xi32>, vector<16xi32> -> vector<16xi32>
      %min3A_2524 = arith.minsi %min3A_2510, %gather3A_2523 : vector<16xi32>
      %xor3A_2525 = arith.constant 8 : i32
      %xor3A_2526 = vector.broadcast %xor3A_2525 : i32 to vector<16xi32>
      %xor3A_2527 = arith.xori %iota3A, %xor3A_2526 : vector<16xi32>
      %lt3A_2528 = arith.constant 0 : i32
      %lt3A_2529 = vector.broadcast %lt3A_2528 : i32 to vector<16xi32>
      %lt3A_2530 = arith.cmpi slt, %xor3A_2527, %lt3A_2529 : vector<16xi32>
      %add3A_2531 = arith.constant 16 : i32
      %add3A_2532 = vector.broadcast %add3A_2531 : i32 to vector<16xi32>
      %add3A_2533 = arith.addi %xor3A_2527, %add3A_2532 : vector<16xi32>
      %select_n3A_2534 = arith.select %lt3A_2530, %add3A_2533, %xor3A_2527 : vector<16xi1>, vector<16xi32>
      %broadcast_in_dim3A_2535 = vector.shape_cast %select_n3A_2534 : vector<16xi32> to vector<16x1xi32>
      %gather3A_2536 = vector.shape_cast %broadcast_in_dim3A_2535 : vector<16x1xi32> to vector<16xi32>
      %gather3A_2537 = tpu.dynamic_gather %min3A_2524[%gather3A_2536] in [0] : vector<16xi32>, vector<16xi32> -> vector<16xi32>
      %min3A_2538 = arith.minsi %min3A_2524, %gather3A_2537 : vector<16xi32>
      %eq3A_2539 = arith.constant 6 : i32
      %eq3A_2540 = vector.broadcast %eq3A_2539 : i32 to vector<16xi32>
      %eq3A_2541 = arith.cmpi eq, %iota3A, %eq3A_2540 : vector<16xi32>
      %select_n3A_2542 = arith.select %eq3A_2541, %min3A_2538, %select_n3A_2169 : vector<16xi1>, vector<16xi32>
      %add3A_2543 = arith.constant 0 : i32
      %add3A_2544 = vector.broadcast %add3A_2543 : i32 to vector<16xi32>
      %add3A_2545 = arith.addi %iota3A, %add3A_2544 : vector<16xi32>
      %eq3A_2546 = arith.cmpi eq, %add3A_2545, %min3A_2538 : vector<16xi32>
      %jit3A_2547 = arith.constant 0xFF800000 : f32
      %broadcast_in_dim3A_2548 = vector.broadcast %jit3A_2547 : f32 to vector<16xf32>
      %select_n3A_2549 = arith.select %eq3A_2546, %broadcast_in_dim3A_2548, %select_n3A_2176 : vector<16xi1>, vector<16xf32>
      %add3A_2550 = arith.constant 16 : i32
      %add3A_2551 = vector.broadcast %add3A_2550 : i32 to vector<16xi32>
      %add3A_2552 = arith.addi %iota3A, %add3A_2551 : vector<16xi32>
      %eq3A_2553 = arith.cmpi eq, %add3A_2552, %min3A_2538 : vector<16xi32>
      %jit3A_2554 = arith.constant 0xFF800000 : f32
      %broadcast_in_dim3A_2555 = vector.broadcast %jit3A_2554 : f32 to vector<16xf32>
      %select_n3A_2556 = arith.select %eq3A_2553, %broadcast_in_dim3A_2555, %select_n3A_2183 : vector<16xi1>, vector<16xf32>
      %add3A_2557 = arith.constant 32 : i32
      %add3A_2558 = vector.broadcast %add3A_2557 : i32 to vector<16xi32>
      %add3A_2559 = arith.addi %iota3A, %add3A_2558 : vector<16xi32>
      %eq3A_2560 = arith.cmpi eq, %add3A_2559, %min3A_2538 : vector<16xi32>
      %jit3A_2561 = arith.constant 0xFF800000 : f32
      %broadcast_in_dim3A_2562 = vector.broadcast %jit3A_2561 : f32 to vector<16xf32>
      %select_n3A_2563 = arith.select %eq3A_2560, %broadcast_in_dim3A_2562, %select_n3A_2190 : vector<16xi1>, vector<16xf32>
      %add3A_2564 = arith.constant 48 : i32
      %add3A_2565 = vector.broadcast %add3A_2564 : i32 to vector<16xi32>
      %add3A_2566 = arith.addi %iota3A, %add3A_2565 : vector<16xi32>
      %eq3A_2567 = arith.cmpi eq, %add3A_2566, %min3A_2538 : vector<16xi32>
      %jit3A_2568 = arith.constant 0xFF800000 : f32
      %broadcast_in_dim3A_2569 = vector.broadcast %jit3A_2568 : f32 to vector<16xf32>
      %select_n3A_2570 = arith.select %eq3A_2567, %broadcast_in_dim3A_2569, %select_n3A_2197 : vector<16xi1>, vector<16xf32>
      %add3A_2571 = arith.constant 64 : i32
      %add3A_2572 = vector.broadcast %add3A_2571 : i32 to vector<16xi32>
      %add3A_2573 = arith.addi %iota3A, %add3A_2572 : vector<16xi32>
      %eq3A_2574 = arith.cmpi eq, %add3A_2573, %min3A_2538 : vector<16xi32>
      %jit3A_2575 = arith.constant 0xFF800000 : f32
      %broadcast_in_dim3A_2576 = vector.broadcast %jit3A_2575 : f32 to vector<16xf32>
      %select_n3A_2577 = arith.select %eq3A_2574, %broadcast_in_dim3A_2576, %select_n3A_2204 : vector<16xi1>, vector<16xf32>
      %add3A_2578 = arith.constant 80 : i32
      %add3A_2579 = vector.broadcast %add3A_2578 : i32 to vector<16xi32>
      %add3A_2580 = arith.addi %iota3A, %add3A_2579 : vector<16xi32>
      %eq3A_2581 = arith.cmpi eq, %add3A_2580, %min3A_2538 : vector<16xi32>
      %jit3A_2582 = arith.constant 0xFF800000 : f32
      %broadcast_in_dim3A_2583 = vector.broadcast %jit3A_2582 : f32 to vector<16xf32>
      %select_n3A_2584 = arith.select %eq3A_2581, %broadcast_in_dim3A_2583, %select_n3A_2211 : vector<16xi1>, vector<16xf32>
      %add3A_2585 = arith.constant 96 : i32
      %add3A_2586 = vector.broadcast %add3A_2585 : i32 to vector<16xi32>
      %add3A_2587 = arith.addi %iota3A, %add3A_2586 : vector<16xi32>
      %eq3A_2588 = arith.cmpi eq, %add3A_2587, %min3A_2538 : vector<16xi32>
      %jit3A_2589 = arith.constant 0xFF800000 : f32
      %broadcast_in_dim3A_2590 = vector.broadcast %jit3A_2589 : f32 to vector<16xf32>
      %select_n3A_2591 = arith.select %eq3A_2588, %broadcast_in_dim3A_2590, %select_n3A_2218 : vector<16xi1>, vector<16xf32>
      %add3A_2592 = arith.constant 112 : i32
      %add3A_2593 = vector.broadcast %add3A_2592 : i32 to vector<16xi32>
      %add3A_2594 = arith.addi %iota3A, %add3A_2593 : vector<16xi32>
      %eq3A_2595 = arith.cmpi eq, %add3A_2594, %min3A_2538 : vector<16xi32>
      %jit3A_2596 = arith.constant 0xFF800000 : f32
      %broadcast_in_dim3A_2597 = vector.broadcast %jit3A_2596 : f32 to vector<16xf32>
      %select_n3A_2598 = arith.select %eq3A_2595, %broadcast_in_dim3A_2597, %select_n3A_2225 : vector<16xi1>, vector<16xf32>
      %add3A_2599 = arith.constant 128 : i32
      %add3A_2600 = vector.broadcast %add3A_2599 : i32 to vector<16xi32>
      %add3A_2601 = arith.addi %iota3A, %add3A_2600 : vector<16xi32>
      %eq3A_2602 = arith.cmpi eq, %add3A_2601, %min3A_2538 : vector<16xi32>
      %jit3A_2603 = arith.constant 0xFF800000 : f32
      %broadcast_in_dim3A_2604 = vector.broadcast %jit3A_2603 : f32 to vector<16xf32>
      %select_n3A_2605 = arith.select %eq3A_2602, %broadcast_in_dim3A_2604, %select_n3A_2232 : vector<16xi1>, vector<16xf32>
      %add3A_2606 = arith.constant 144 : i32
      %add3A_2607 = vector.broadcast %add3A_2606 : i32 to vector<16xi32>
      %add3A_2608 = arith.addi %iota3A, %add3A_2607 : vector<16xi32>
      %eq3A_2609 = arith.cmpi eq, %add3A_2608, %min3A_2538 : vector<16xi32>
      %jit3A_2610 = arith.constant 0xFF800000 : f32
      %broadcast_in_dim3A_2611 = vector.broadcast %jit3A_2610 : f32 to vector<16xf32>
      %select_n3A_2612 = arith.select %eq3A_2609, %broadcast_in_dim3A_2611, %select_n3A_2239 : vector<16xi1>, vector<16xf32>
      %add3A_2613 = arith.constant 160 : i32
      %add3A_2614 = vector.broadcast %add3A_2613 : i32 to vector<16xi32>
      %add3A_2615 = arith.addi %iota3A, %add3A_2614 : vector<16xi32>
      %eq3A_2616 = arith.cmpi eq, %add3A_2615, %min3A_2538 : vector<16xi32>
      %jit3A_2617 = arith.constant 0xFF800000 : f32
      %broadcast_in_dim3A_2618 = vector.broadcast %jit3A_2617 : f32 to vector<16xf32>
      %select_n3A_2619 = arith.select %eq3A_2616, %broadcast_in_dim3A_2618, %select_n3A_2246 : vector<16xi1>, vector<16xf32>
      %add3A_2620 = arith.constant 176 : i32
      %add3A_2621 = vector.broadcast %add3A_2620 : i32 to vector<16xi32>
      %add3A_2622 = arith.addi %iota3A, %add3A_2621 : vector<16xi32>
      %eq3A_2623 = arith.cmpi eq, %add3A_2622, %min3A_2538 : vector<16xi32>
      %jit3A_2624 = arith.constant 0xFF800000 : f32
      %broadcast_in_dim3A_2625 = vector.broadcast %jit3A_2624 : f32 to vector<16xf32>
      %select_n3A_2626 = arith.select %eq3A_2623, %broadcast_in_dim3A_2625, %select_n3A_2253 : vector<16xi1>, vector<16xf32>
      %add3A_2627 = arith.constant 192 : i32
      %add3A_2628 = vector.broadcast %add3A_2627 : i32 to vector<16xi32>
      %add3A_2629 = arith.addi %iota3A, %add3A_2628 : vector<16xi32>
      %eq3A_2630 = arith.cmpi eq, %add3A_2629, %min3A_2538 : vector<16xi32>
      %jit3A_2631 = arith.constant 0xFF800000 : f32
      %broadcast_in_dim3A_2632 = vector.broadcast %jit3A_2631 : f32 to vector<16xf32>
      %select_n3A_2633 = arith.select %eq3A_2630, %broadcast_in_dim3A_2632, %select_n3A_2260 : vector<16xi1>, vector<16xf32>
      %add3A_2634 = arith.constant 208 : i32
      %add3A_2635 = vector.broadcast %add3A_2634 : i32 to vector<16xi32>
      %add3A_2636 = arith.addi %iota3A, %add3A_2635 : vector<16xi32>
      %eq3A_2637 = arith.cmpi eq, %add3A_2636, %min3A_2538 : vector<16xi32>
      %jit3A_2638 = arith.constant 0xFF800000 : f32
      %broadcast_in_dim3A_2639 = vector.broadcast %jit3A_2638 : f32 to vector<16xf32>
      %select_n3A_2640 = arith.select %eq3A_2637, %broadcast_in_dim3A_2639, %select_n3A_2267 : vector<16xi1>, vector<16xf32>
      %add3A_2641 = arith.constant 224 : i32
      %add3A_2642 = vector.broadcast %add3A_2641 : i32 to vector<16xi32>
      %add3A_2643 = arith.addi %iota3A, %add3A_2642 : vector<16xi32>
      %eq3A_2644 = arith.cmpi eq, %add3A_2643, %min3A_2538 : vector<16xi32>
      %jit3A_2645 = arith.constant 0xFF800000 : f32
      %broadcast_in_dim3A_2646 = vector.broadcast %jit3A_2645 : f32 to vector<16xf32>
      %select_n3A_2647 = arith.select %eq3A_2644, %broadcast_in_dim3A_2646, %select_n3A_2274 : vector<16xi1>, vector<16xf32>
      %add3A_2648 = arith.constant 240 : i32
      %add3A_2649 = vector.broadcast %add3A_2648 : i32 to vector<16xi32>
      %add3A_2650 = arith.addi %iota3A, %add3A_2649 : vector<16xi32>
      %eq3A_2651 = arith.cmpi eq, %add3A_2650, %min3A_2538 : vector<16xi32>
      %jit3A_2652 = arith.constant 0xFF800000 : f32
      %broadcast_in_dim3A_2653 = vector.broadcast %jit3A_2652 : f32 to vector<16xf32>
      %select_n3A_2654 = arith.select %eq3A_2651, %broadcast_in_dim3A_2653, %select_n3A_2281 : vector<16xi1>, vector<16xf32>
      %max3A_2655 = arith.maximumf %select_n3A_2549, %select_n3A_2556 : vector<16xf32>
      %max3A_2656 = arith.maximumf %max3A_2655, %select_n3A_2563 : vector<16xf32>
      %max3A_2657 = arith.maximumf %max3A_2656, %select_n3A_2570 : vector<16xf32>
      %max3A_2658 = arith.maximumf %max3A_2657, %select_n3A_2577 : vector<16xf32>
      %max3A_2659 = arith.maximumf %max3A_2658, %select_n3A_2584 : vector<16xf32>
      %max3A_2660 = arith.maximumf %max3A_2659, %select_n3A_2591 : vector<16xf32>
      %max3A_2661 = arith.maximumf %max3A_2660, %select_n3A_2598 : vector<16xf32>
      %max3A_2662 = arith.maximumf %max3A_2661, %select_n3A_2605 : vector<16xf32>
      %max3A_2663 = arith.maximumf %max3A_2662, %select_n3A_2612 : vector<16xf32>
      %max3A_2664 = arith.maximumf %max3A_2663, %select_n3A_2619 : vector<16xf32>
      %max3A_2665 = arith.maximumf %max3A_2664, %select_n3A_2626 : vector<16xf32>
      %max3A_2666 = arith.maximumf %max3A_2665, %select_n3A_2633 : vector<16xf32>
      %max3A_2667 = arith.maximumf %max3A_2666, %select_n3A_2640 : vector<16xf32>
      %max3A_2668 = arith.maximumf %max3A_2667, %select_n3A_2647 : vector<16xf32>
      %max3A_2669 = arith.maximumf %max3A_2668, %select_n3A_2654 : vector<16xf32>
      %xor3A_2670 = arith.constant 1 : i32
      %xor3A_2671 = vector.broadcast %xor3A_2670 : i32 to vector<16xi32>
      %xor3A_2672 = arith.xori %iota3A, %xor3A_2671 : vector<16xi32>
      %lt3A_2673 = arith.constant 0 : i32
      %lt3A_2674 = vector.broadcast %lt3A_2673 : i32 to vector<16xi32>
      %lt3A_2675 = arith.cmpi slt, %xor3A_2672, %lt3A_2674 : vector<16xi32>
      %add3A_2676 = arith.constant 16 : i32
      %add3A_2677 = vector.broadcast %add3A_2676 : i32 to vector<16xi32>
      %add3A_2678 = arith.addi %xor3A_2672, %add3A_2677 : vector<16xi32>
      %select_n3A_2679 = arith.select %lt3A_2675, %add3A_2678, %xor3A_2672 : vector<16xi1>, vector<16xi32>
      %broadcast_in_dim3A_2680 = vector.shape_cast %select_n3A_2679 : vector<16xi32> to vector<16x1xi32>
      %gather3A_2681 = vector.shape_cast %broadcast_in_dim3A_2680 : vector<16x1xi32> to vector<16xi32>
      %gather3A_2682 = tpu.dynamic_gather %max3A_2669[%gather3A_2681] in [0] : vector<16xf32>, vector<16xi32> -> vector<16xf32>
      %max3A_2683 = arith.maximumf %max3A_2669, %gather3A_2682 : vector<16xf32>
      %xor3A_2684 = arith.constant 2 : i32
      %xor3A_2685 = vector.broadcast %xor3A_2684 : i32 to vector<16xi32>
      %xor3A_2686 = arith.xori %iota3A, %xor3A_2685 : vector<16xi32>
      %lt3A_2687 = arith.constant 0 : i32
      %lt3A_2688 = vector.broadcast %lt3A_2687 : i32 to vector<16xi32>
      %lt3A_2689 = arith.cmpi slt, %xor3A_2686, %lt3A_2688 : vector<16xi32>
      %add3A_2690 = arith.constant 16 : i32
      %add3A_2691 = vector.broadcast %add3A_2690 : i32 to vector<16xi32>
      %add3A_2692 = arith.addi %xor3A_2686, %add3A_2691 : vector<16xi32>
      %select_n3A_2693 = arith.select %lt3A_2689, %add3A_2692, %xor3A_2686 : vector<16xi1>, vector<16xi32>
      %broadcast_in_dim3A_2694 = vector.shape_cast %select_n3A_2693 : vector<16xi32> to vector<16x1xi32>
      %gather3A_2695 = vector.shape_cast %broadcast_in_dim3A_2694 : vector<16x1xi32> to vector<16xi32>
      %gather3A_2696 = tpu.dynamic_gather %max3A_2683[%gather3A_2695] in [0] : vector<16xf32>, vector<16xi32> -> vector<16xf32>
      %max3A_2697 = arith.maximumf %max3A_2683, %gather3A_2696 : vector<16xf32>
      %xor3A_2698 = arith.constant 4 : i32
      %xor3A_2699 = vector.broadcast %xor3A_2698 : i32 to vector<16xi32>
      %xor3A_2700 = arith.xori %iota3A, %xor3A_2699 : vector<16xi32>
      %lt3A_2701 = arith.constant 0 : i32
      %lt3A_2702 = vector.broadcast %lt3A_2701 : i32 to vector<16xi32>
      %lt3A_2703 = arith.cmpi slt, %xor3A_2700, %lt3A_2702 : vector<16xi32>
      %add3A_2704 = arith.constant 16 : i32
      %add3A_2705 = vector.broadcast %add3A_2704 : i32 to vector<16xi32>
      %add3A_2706 = arith.addi %xor3A_2700, %add3A_2705 : vector<16xi32>
      %select_n3A_2707 = arith.select %lt3A_2703, %add3A_2706, %xor3A_2700 : vector<16xi1>, vector<16xi32>
      %broadcast_in_dim3A_2708 = vector.shape_cast %select_n3A_2707 : vector<16xi32> to vector<16x1xi32>
      %gather3A_2709 = vector.shape_cast %broadcast_in_dim3A_2708 : vector<16x1xi32> to vector<16xi32>
      %gather3A_2710 = tpu.dynamic_gather %max3A_2697[%gather3A_2709] in [0] : vector<16xf32>, vector<16xi32> -> vector<16xf32>
      %max3A_2711 = arith.maximumf %max3A_2697, %gather3A_2710 : vector<16xf32>
      %xor3A_2712 = arith.constant 8 : i32
      %xor3A_2713 = vector.broadcast %xor3A_2712 : i32 to vector<16xi32>
      %xor3A_2714 = arith.xori %iota3A, %xor3A_2713 : vector<16xi32>
      %lt3A_2715 = arith.constant 0 : i32
      %lt3A_2716 = vector.broadcast %lt3A_2715 : i32 to vector<16xi32>
      %lt3A_2717 = arith.cmpi slt, %xor3A_2714, %lt3A_2716 : vector<16xi32>
      %add3A_2718 = arith.constant 16 : i32
      %add3A_2719 = vector.broadcast %add3A_2718 : i32 to vector<16xi32>
      %add3A_2720 = arith.addi %xor3A_2714, %add3A_2719 : vector<16xi32>
      %select_n3A_2721 = arith.select %lt3A_2717, %add3A_2720, %xor3A_2714 : vector<16xi1>, vector<16xi32>
      %broadcast_in_dim3A_2722 = vector.shape_cast %select_n3A_2721 : vector<16xi32> to vector<16x1xi32>
      %gather3A_2723 = vector.shape_cast %broadcast_in_dim3A_2722 : vector<16x1xi32> to vector<16xi32>
      %gather3A_2724 = tpu.dynamic_gather %max3A_2711[%gather3A_2723] in [0] : vector<16xf32>, vector<16xi32> -> vector<16xf32>
      %max3A_2725 = arith.maximumf %max3A_2711, %gather3A_2724 : vector<16xf32>
      %broadcast_in_dim3A_2726 = arith.constant 256 : i32
      %broadcast_in_dim3A_2727 = vector.broadcast %broadcast_in_dim3A_2726 : i32 to vector<16xi32>
      %eq3A_2728 = arith.cmpf oeq, %select_n3A_2549, %max3A_2725 : vector<16xf32>
      %add3A_2729 = arith.constant 0 : i32
      %add3A_2730 = vector.broadcast %add3A_2729 : i32 to vector<16xi32>
      %add3A_2731 = arith.addi %iota3A, %add3A_2730 : vector<16xi32>
      %jit3A_2732 = arith.constant 256 : i32
      %broadcast_in_dim3A_2733 = vector.broadcast %jit3A_2732 : i32 to vector<16xi32>
      %select_n3A_2734 = arith.select %eq3A_2728, %add3A_2731, %broadcast_in_dim3A_2733 : vector<16xi1>, vector<16xi32>
      %min3A_2735 = arith.minsi %broadcast_in_dim3A_2727, %select_n3A_2734 : vector<16xi32>
      %eq3A_2736 = arith.cmpf oeq, %select_n3A_2556, %max3A_2725 : vector<16xf32>
      %add3A_2737 = arith.constant 16 : i32
      %add3A_2738 = vector.broadcast %add3A_2737 : i32 to vector<16xi32>
      %add3A_2739 = arith.addi %iota3A, %add3A_2738 : vector<16xi32>
      %jit3A_2740 = arith.constant 256 : i32
      %broadcast_in_dim3A_2741 = vector.broadcast %jit3A_2740 : i32 to vector<16xi32>
      %select_n3A_2742 = arith.select %eq3A_2736, %add3A_2739, %broadcast_in_dim3A_2741 : vector<16xi1>, vector<16xi32>
      %min3A_2743 = arith.minsi %min3A_2735, %select_n3A_2742 : vector<16xi32>
      %eq3A_2744 = arith.cmpf oeq, %select_n3A_2563, %max3A_2725 : vector<16xf32>
      %add3A_2745 = arith.constant 32 : i32
      %add3A_2746 = vector.broadcast %add3A_2745 : i32 to vector<16xi32>
      %add3A_2747 = arith.addi %iota3A, %add3A_2746 : vector<16xi32>
      %jit3A_2748 = arith.constant 256 : i32
      %broadcast_in_dim3A_2749 = vector.broadcast %jit3A_2748 : i32 to vector<16xi32>
      %select_n3A_2750 = arith.select %eq3A_2744, %add3A_2747, %broadcast_in_dim3A_2749 : vector<16xi1>, vector<16xi32>
      %min3A_2751 = arith.minsi %min3A_2743, %select_n3A_2750 : vector<16xi32>
      %eq3A_2752 = arith.cmpf oeq, %select_n3A_2570, %max3A_2725 : vector<16xf32>
      %add3A_2753 = arith.constant 48 : i32
      %add3A_2754 = vector.broadcast %add3A_2753 : i32 to vector<16xi32>
      %add3A_2755 = arith.addi %iota3A, %add3A_2754 : vector<16xi32>
      %jit3A_2756 = arith.constant 256 : i32
      %broadcast_in_dim3A_2757 = vector.broadcast %jit3A_2756 : i32 to vector<16xi32>
      %select_n3A_2758 = arith.select %eq3A_2752, %add3A_2755, %broadcast_in_dim3A_2757 : vector<16xi1>, vector<16xi32>
      %min3A_2759 = arith.minsi %min3A_2751, %select_n3A_2758 : vector<16xi32>
      %eq3A_2760 = arith.cmpf oeq, %select_n3A_2577, %max3A_2725 : vector<16xf32>
      %add3A_2761 = arith.constant 64 : i32
      %add3A_2762 = vector.broadcast %add3A_2761 : i32 to vector<16xi32>
      %add3A_2763 = arith.addi %iota3A, %add3A_2762 : vector<16xi32>
      %jit3A_2764 = arith.constant 256 : i32
      %broadcast_in_dim3A_2765 = vector.broadcast %jit3A_2764 : i32 to vector<16xi32>
      %select_n3A_2766 = arith.select %eq3A_2760, %add3A_2763, %broadcast_in_dim3A_2765 : vector<16xi1>, vector<16xi32>
      %min3A_2767 = arith.minsi %min3A_2759, %select_n3A_2766 : vector<16xi32>
      %eq3A_2768 = arith.cmpf oeq, %select_n3A_2584, %max3A_2725 : vector<16xf32>
      %add3A_2769 = arith.constant 80 : i32
      %add3A_2770 = vector.broadcast %add3A_2769 : i32 to vector<16xi32>
      %add3A_2771 = arith.addi %iota3A, %add3A_2770 : vector<16xi32>
      %jit3A_2772 = arith.constant 256 : i32
      %broadcast_in_dim3A_2773 = vector.broadcast %jit3A_2772 : i32 to vector<16xi32>
      %select_n3A_2774 = arith.select %eq3A_2768, %add3A_2771, %broadcast_in_dim3A_2773 : vector<16xi1>, vector<16xi32>
      %min3A_2775 = arith.minsi %min3A_2767, %select_n3A_2774 : vector<16xi32>
      %eq3A_2776 = arith.cmpf oeq, %select_n3A_2591, %max3A_2725 : vector<16xf32>
      %add3A_2777 = arith.constant 96 : i32
      %add3A_2778 = vector.broadcast %add3A_2777 : i32 to vector<16xi32>
      %add3A_2779 = arith.addi %iota3A, %add3A_2778 : vector<16xi32>
      %jit3A_2780 = arith.constant 256 : i32
      %broadcast_in_dim3A_2781 = vector.broadcast %jit3A_2780 : i32 to vector<16xi32>
      %select_n3A_2782 = arith.select %eq3A_2776, %add3A_2779, %broadcast_in_dim3A_2781 : vector<16xi1>, vector<16xi32>
      %min3A_2783 = arith.minsi %min3A_2775, %select_n3A_2782 : vector<16xi32>
      %eq3A_2784 = arith.cmpf oeq, %select_n3A_2598, %max3A_2725 : vector<16xf32>
      %add3A_2785 = arith.constant 112 : i32
      %add3A_2786 = vector.broadcast %add3A_2785 : i32 to vector<16xi32>
      %add3A_2787 = arith.addi %iota3A, %add3A_2786 : vector<16xi32>
      %jit3A_2788 = arith.constant 256 : i32
      %broadcast_in_dim3A_2789 = vector.broadcast %jit3A_2788 : i32 to vector<16xi32>
      %select_n3A_2790 = arith.select %eq3A_2784, %add3A_2787, %broadcast_in_dim3A_2789 : vector<16xi1>, vector<16xi32>
      %min3A_2791 = arith.minsi %min3A_2783, %select_n3A_2790 : vector<16xi32>
      %eq3A_2792 = arith.cmpf oeq, %select_n3A_2605, %max3A_2725 : vector<16xf32>
      %add3A_2793 = arith.constant 128 : i32
      %add3A_2794 = vector.broadcast %add3A_2793 : i32 to vector<16xi32>
      %add3A_2795 = arith.addi %iota3A, %add3A_2794 : vector<16xi32>
      %jit3A_2796 = arith.constant 256 : i32
      %broadcast_in_dim3A_2797 = vector.broadcast %jit3A_2796 : i32 to vector<16xi32>
      %select_n3A_2798 = arith.select %eq3A_2792, %add3A_2795, %broadcast_in_dim3A_2797 : vector<16xi1>, vector<16xi32>
      %min3A_2799 = arith.minsi %min3A_2791, %select_n3A_2798 : vector<16xi32>
      %eq3A_2800 = arith.cmpf oeq, %select_n3A_2612, %max3A_2725 : vector<16xf32>
      %add3A_2801 = arith.constant 144 : i32
      %add3A_2802 = vector.broadcast %add3A_2801 : i32 to vector<16xi32>
      %add3A_2803 = arith.addi %iota3A, %add3A_2802 : vector<16xi32>
      %jit3A_2804 = arith.constant 256 : i32
      %broadcast_in_dim3A_2805 = vector.broadcast %jit3A_2804 : i32 to vector<16xi32>
      %select_n3A_2806 = arith.select %eq3A_2800, %add3A_2803, %broadcast_in_dim3A_2805 : vector<16xi1>, vector<16xi32>
      %min3A_2807 = arith.minsi %min3A_2799, %select_n3A_2806 : vector<16xi32>
      %eq3A_2808 = arith.cmpf oeq, %select_n3A_2619, %max3A_2725 : vector<16xf32>
      %add3A_2809 = arith.constant 160 : i32
      %add3A_2810 = vector.broadcast %add3A_2809 : i32 to vector<16xi32>
      %add3A_2811 = arith.addi %iota3A, %add3A_2810 : vector<16xi32>
      %jit3A_2812 = arith.constant 256 : i32
      %broadcast_in_dim3A_2813 = vector.broadcast %jit3A_2812 : i32 to vector<16xi32>
      %select_n3A_2814 = arith.select %eq3A_2808, %add3A_2811, %broadcast_in_dim3A_2813 : vector<16xi1>, vector<16xi32>
      %min3A_2815 = arith.minsi %min3A_2807, %select_n3A_2814 : vector<16xi32>
      %eq3A_2816 = arith.cmpf oeq, %select_n3A_2626, %max3A_2725 : vector<16xf32>
      %add3A_2817 = arith.constant 176 : i32
      %add3A_2818 = vector.broadcast %add3A_2817 : i32 to vector<16xi32>
      %add3A_2819 = arith.addi %iota3A, %add3A_2818 : vector<16xi32>
      %jit3A_2820 = arith.constant 256 : i32
      %broadcast_in_dim3A_2821 = vector.broadcast %jit3A_2820 : i32 to vector<16xi32>
      %select_n3A_2822 = arith.select %eq3A_2816, %add3A_2819, %broadcast_in_dim3A_2821 : vector<16xi1>, vector<16xi32>
      %min3A_2823 = arith.minsi %min3A_2815, %select_n3A_2822 : vector<16xi32>
      %eq3A_2824 = arith.cmpf oeq, %select_n3A_2633, %max3A_2725 : vector<16xf32>
      %add3A_2825 = arith.constant 192 : i32
      %add3A_2826 = vector.broadcast %add3A_2825 : i32 to vector<16xi32>
      %add3A_2827 = arith.addi %iota3A, %add3A_2826 : vector<16xi32>
      %jit3A_2828 = arith.constant 256 : i32
      %broadcast_in_dim3A_2829 = vector.broadcast %jit3A_2828 : i32 to vector<16xi32>
      %select_n3A_2830 = arith.select %eq3A_2824, %add3A_2827, %broadcast_in_dim3A_2829 : vector<16xi1>, vector<16xi32>
      %min3A_2831 = arith.minsi %min3A_2823, %select_n3A_2830 : vector<16xi32>
      %eq3A_2832 = arith.cmpf oeq, %select_n3A_2640, %max3A_2725 : vector<16xf32>
      %add3A_2833 = arith.constant 208 : i32
      %add3A_2834 = vector.broadcast %add3A_2833 : i32 to vector<16xi32>
      %add3A_2835 = arith.addi %iota3A, %add3A_2834 : vector<16xi32>
      %jit3A_2836 = arith.constant 256 : i32
      %broadcast_in_dim3A_2837 = vector.broadcast %jit3A_2836 : i32 to vector<16xi32>
      %select_n3A_2838 = arith.select %eq3A_2832, %add3A_2835, %broadcast_in_dim3A_2837 : vector<16xi1>, vector<16xi32>
      %min3A_2839 = arith.minsi %min3A_2831, %select_n3A_2838 : vector<16xi32>
      %eq3A_2840 = arith.cmpf oeq, %select_n3A_2647, %max3A_2725 : vector<16xf32>
      %add3A_2841 = arith.constant 224 : i32
      %add3A_2842 = vector.broadcast %add3A_2841 : i32 to vector<16xi32>
      %add3A_2843 = arith.addi %iota3A, %add3A_2842 : vector<16xi32>
      %jit3A_2844 = arith.constant 256 : i32
      %broadcast_in_dim3A_2845 = vector.broadcast %jit3A_2844 : i32 to vector<16xi32>
      %select_n3A_2846 = arith.select %eq3A_2840, %add3A_2843, %broadcast_in_dim3A_2845 : vector<16xi1>, vector<16xi32>
      %min3A_2847 = arith.minsi %min3A_2839, %select_n3A_2846 : vector<16xi32>
      %eq3A_2848 = arith.cmpf oeq, %select_n3A_2654, %max3A_2725 : vector<16xf32>
      %add3A_2849 = arith.constant 240 : i32
      %add3A_2850 = vector.broadcast %add3A_2849 : i32 to vector<16xi32>
      %add3A_2851 = arith.addi %iota3A, %add3A_2850 : vector<16xi32>
      %jit3A_2852 = arith.constant 256 : i32
      %broadcast_in_dim3A_2853 = vector.broadcast %jit3A_2852 : i32 to vector<16xi32>
      %select_n3A_2854 = arith.select %eq3A_2848, %add3A_2851, %broadcast_in_dim3A_2853 : vector<16xi1>, vector<16xi32>
      %min3A_2855 = arith.minsi %min3A_2847, %select_n3A_2854 : vector<16xi32>
      %xor3A_2856 = arith.constant 1 : i32
      %xor3A_2857 = vector.broadcast %xor3A_2856 : i32 to vector<16xi32>
      %xor3A_2858 = arith.xori %iota3A, %xor3A_2857 : vector<16xi32>
      %lt3A_2859 = arith.constant 0 : i32
      %lt3A_2860 = vector.broadcast %lt3A_2859 : i32 to vector<16xi32>
      %lt3A_2861 = arith.cmpi slt, %xor3A_2858, %lt3A_2860 : vector<16xi32>
      %add3A_2862 = arith.constant 16 : i32
      %add3A_2863 = vector.broadcast %add3A_2862 : i32 to vector<16xi32>
      %add3A_2864 = arith.addi %xor3A_2858, %add3A_2863 : vector<16xi32>
      %select_n3A_2865 = arith.select %lt3A_2861, %add3A_2864, %xor3A_2858 : vector<16xi1>, vector<16xi32>
      %broadcast_in_dim3A_2866 = vector.shape_cast %select_n3A_2865 : vector<16xi32> to vector<16x1xi32>
      %gather3A_2867 = vector.shape_cast %broadcast_in_dim3A_2866 : vector<16x1xi32> to vector<16xi32>
      %gather3A_2868 = tpu.dynamic_gather %min3A_2855[%gather3A_2867] in [0] : vector<16xi32>, vector<16xi32> -> vector<16xi32>
      %min3A_2869 = arith.minsi %min3A_2855, %gather3A_2868 : vector<16xi32>
      %xor3A_2870 = arith.constant 2 : i32
      %xor3A_2871 = vector.broadcast %xor3A_2870 : i32 to vector<16xi32>
      %xor3A_2872 = arith.xori %iota3A, %xor3A_2871 : vector<16xi32>
      %lt3A_2873 = arith.constant 0 : i32
      %lt3A_2874 = vector.broadcast %lt3A_2873 : i32 to vector<16xi32>
      %lt3A_2875 = arith.cmpi slt, %xor3A_2872, %lt3A_2874 : vector<16xi32>
      %add3A_2876 = arith.constant 16 : i32
      %add3A_2877 = vector.broadcast %add3A_2876 : i32 to vector<16xi32>
      %add3A_2878 = arith.addi %xor3A_2872, %add3A_2877 : vector<16xi32>
      %select_n3A_2879 = arith.select %lt3A_2875, %add3A_2878, %xor3A_2872 : vector<16xi1>, vector<16xi32>
      %broadcast_in_dim3A_2880 = vector.shape_cast %select_n3A_2879 : vector<16xi32> to vector<16x1xi32>
      %gather3A_2881 = vector.shape_cast %broadcast_in_dim3A_2880 : vector<16x1xi32> to vector<16xi32>
      %gather3A_2882 = tpu.dynamic_gather %min3A_2869[%gather3A_2881] in [0] : vector<16xi32>, vector<16xi32> -> vector<16xi32>
      %min3A_2883 = arith.minsi %min3A_2869, %gather3A_2882 : vector<16xi32>
      %xor3A_2884 = arith.constant 4 : i32
      %xor3A_2885 = vector.broadcast %xor3A_2884 : i32 to vector<16xi32>
      %xor3A_2886 = arith.xori %iota3A, %xor3A_2885 : vector<16xi32>
      %lt3A_2887 = arith.constant 0 : i32
      %lt3A_2888 = vector.broadcast %lt3A_2887 : i32 to vector<16xi32>
      %lt3A_2889 = arith.cmpi slt, %xor3A_2886, %lt3A_2888 : vector<16xi32>
      %add3A_2890 = arith.constant 16 : i32
      %add3A_2891 = vector.broadcast %add3A_2890 : i32 to vector<16xi32>
      %add3A_2892 = arith.addi %xor3A_2886, %add3A_2891 : vector<16xi32>
      %select_n3A_2893 = arith.select %lt3A_2889, %add3A_2892, %xor3A_2886 : vector<16xi1>, vector<16xi32>
      %broadcast_in_dim3A_2894 = vector.shape_cast %select_n3A_2893 : vector<16xi32> to vector<16x1xi32>
      %gather3A_2895 = vector.shape_cast %broadcast_in_dim3A_2894 : vector<16x1xi32> to vector<16xi32>
      %gather3A_2896 = tpu.dynamic_gather %min3A_2883[%gather3A_2895] in [0] : vector<16xi32>, vector<16xi32> -> vector<16xi32>
      %min3A_2897 = arith.minsi %min3A_2883, %gather3A_2896 : vector<16xi32>
      %xor3A_2898 = arith.constant 8 : i32
      %xor3A_2899 = vector.broadcast %xor3A_2898 : i32 to vector<16xi32>
      %xor3A_2900 = arith.xori %iota3A, %xor3A_2899 : vector<16xi32>
      %lt3A_2901 = arith.constant 0 : i32
      %lt3A_2902 = vector.broadcast %lt3A_2901 : i32 to vector<16xi32>
      %lt3A_2903 = arith.cmpi slt, %xor3A_2900, %lt3A_2902 : vector<16xi32>
      %add3A_2904 = arith.constant 16 : i32
      %add3A_2905 = vector.broadcast %add3A_2904 : i32 to vector<16xi32>
      %add3A_2906 = arith.addi %xor3A_2900, %add3A_2905 : vector<16xi32>
      %select_n3A_2907 = arith.select %lt3A_2903, %add3A_2906, %xor3A_2900 : vector<16xi1>, vector<16xi32>
      %broadcast_in_dim3A_2908 = vector.shape_cast %select_n3A_2907 : vector<16xi32> to vector<16x1xi32>
      %gather3A_2909 = vector.shape_cast %broadcast_in_dim3A_2908 : vector<16x1xi32> to vector<16xi32>
      %gather3A_2910 = tpu.dynamic_gather %min3A_2897[%gather3A_2909] in [0] : vector<16xi32>, vector<16xi32> -> vector<16xi32>
      %min3A_2911 = arith.minsi %min3A_2897, %gather3A_2910 : vector<16xi32>
      %eq3A_2912 = arith.constant 7 : i32
      %eq3A_2913 = vector.broadcast %eq3A_2912 : i32 to vector<16xi32>
      %eq3A_2914 = arith.cmpi eq, %iota3A, %eq3A_2913 : vector<16xi32>
      %select_n3A_2915 = arith.select %eq3A_2914, %min3A_2911, %select_n3A_2542 : vector<16xi1>, vector<16xi32>
      %add3A_2916 = arith.constant 0 : i32
      %add3A_2917 = vector.broadcast %add3A_2916 : i32 to vector<16xi32>
      %add3A_2918 = arith.addi %iota3A, %add3A_2917 : vector<16xi32>
      %eq3A_2919 = arith.cmpi eq, %add3A_2918, %min3A_2911 : vector<16xi32>
      %jit3A_2920 = arith.constant 0xFF800000 : f32
      %broadcast_in_dim3A_2921 = vector.broadcast %jit3A_2920 : f32 to vector<16xf32>
      %select_n3A_2922 = arith.select %eq3A_2919, %broadcast_in_dim3A_2921, %select_n3A_2549 : vector<16xi1>, vector<16xf32>
      %add3A_2923 = arith.constant 16 : i32
      %add3A_2924 = vector.broadcast %add3A_2923 : i32 to vector<16xi32>
      %add3A_2925 = arith.addi %iota3A, %add3A_2924 : vector<16xi32>
      %eq3A_2926 = arith.cmpi eq, %add3A_2925, %min3A_2911 : vector<16xi32>
      %jit3A_2927 = arith.constant 0xFF800000 : f32
      %broadcast_in_dim3A_2928 = vector.broadcast %jit3A_2927 : f32 to vector<16xf32>
      %select_n3A_2929 = arith.select %eq3A_2926, %broadcast_in_dim3A_2928, %select_n3A_2556 : vector<16xi1>, vector<16xf32>
      %add3A_2930 = arith.constant 32 : i32
      %add3A_2931 = vector.broadcast %add3A_2930 : i32 to vector<16xi32>
      %add3A_2932 = arith.addi %iota3A, %add3A_2931 : vector<16xi32>
      %eq3A_2933 = arith.cmpi eq, %add3A_2932, %min3A_2911 : vector<16xi32>
      %jit3A_2934 = arith.constant 0xFF800000 : f32
      %broadcast_in_dim3A_2935 = vector.broadcast %jit3A_2934 : f32 to vector<16xf32>
      %select_n3A_2936 = arith.select %eq3A_2933, %broadcast_in_dim3A_2935, %select_n3A_2563 : vector<16xi1>, vector<16xf32>
      %add3A_2937 = arith.constant 48 : i32
      %add3A_2938 = vector.broadcast %add3A_2937 : i32 to vector<16xi32>
      %add3A_2939 = arith.addi %iota3A, %add3A_2938 : vector<16xi32>
      %eq3A_2940 = arith.cmpi eq, %add3A_2939, %min3A_2911 : vector<16xi32>
      %jit3A_2941 = arith.constant 0xFF800000 : f32
      %broadcast_in_dim3A_2942 = vector.broadcast %jit3A_2941 : f32 to vector<16xf32>
      %select_n3A_2943 = arith.select %eq3A_2940, %broadcast_in_dim3A_2942, %select_n3A_2570 : vector<16xi1>, vector<16xf32>
      %add3A_2944 = arith.constant 64 : i32
      %add3A_2945 = vector.broadcast %add3A_2944 : i32 to vector<16xi32>
      %add3A_2946 = arith.addi %iota3A, %add3A_2945 : vector<16xi32>
      %eq3A_2947 = arith.cmpi eq, %add3A_2946, %min3A_2911 : vector<16xi32>
      %jit3A_2948 = arith.constant 0xFF800000 : f32
      %broadcast_in_dim3A_2949 = vector.broadcast %jit3A_2948 : f32 to vector<16xf32>
      %select_n3A_2950 = arith.select %eq3A_2947, %broadcast_in_dim3A_2949, %select_n3A_2577 : vector<16xi1>, vector<16xf32>
      %add3A_2951 = arith.constant 80 : i32
      %add3A_2952 = vector.broadcast %add3A_2951 : i32 to vector<16xi32>
      %add3A_2953 = arith.addi %iota3A, %add3A_2952 : vector<16xi32>
      %eq3A_2954 = arith.cmpi eq, %add3A_2953, %min3A_2911 : vector<16xi32>
      %jit3A_2955 = arith.constant 0xFF800000 : f32
      %broadcast_in_dim3A_2956 = vector.broadcast %jit3A_2955 : f32 to vector<16xf32>
      %select_n3A_2957 = arith.select %eq3A_2954, %broadcast_in_dim3A_2956, %select_n3A_2584 : vector<16xi1>, vector<16xf32>
      %add3A_2958 = arith.constant 96 : i32
      %add3A_2959 = vector.broadcast %add3A_2958 : i32 to vector<16xi32>
      %add3A_2960 = arith.addi %iota3A, %add3A_2959 : vector<16xi32>
      %eq3A_2961 = arith.cmpi eq, %add3A_2960, %min3A_2911 : vector<16xi32>
      %jit3A_2962 = arith.constant 0xFF800000 : f32
      %broadcast_in_dim3A_2963 = vector.broadcast %jit3A_2962 : f32 to vector<16xf32>
      %select_n3A_2964 = arith.select %eq3A_2961, %broadcast_in_dim3A_2963, %select_n3A_2591 : vector<16xi1>, vector<16xf32>
      %add3A_2965 = arith.constant 112 : i32
      %add3A_2966 = vector.broadcast %add3A_2965 : i32 to vector<16xi32>
      %add3A_2967 = arith.addi %iota3A, %add3A_2966 : vector<16xi32>
      %eq3A_2968 = arith.cmpi eq, %add3A_2967, %min3A_2911 : vector<16xi32>
      %jit3A_2969 = arith.constant 0xFF800000 : f32
      %broadcast_in_dim3A_2970 = vector.broadcast %jit3A_2969 : f32 to vector<16xf32>
      %select_n3A_2971 = arith.select %eq3A_2968, %broadcast_in_dim3A_2970, %select_n3A_2598 : vector<16xi1>, vector<16xf32>
      %add3A_2972 = arith.constant 128 : i32
      %add3A_2973 = vector.broadcast %add3A_2972 : i32 to vector<16xi32>
      %add3A_2974 = arith.addi %iota3A, %add3A_2973 : vector<16xi32>
      %eq3A_2975 = arith.cmpi eq, %add3A_2974, %min3A_2911 : vector<16xi32>
      %jit3A_2976 = arith.constant 0xFF800000 : f32
      %broadcast_in_dim3A_2977 = vector.broadcast %jit3A_2976 : f32 to vector<16xf32>
      %select_n3A_2978 = arith.select %eq3A_2975, %broadcast_in_dim3A_2977, %select_n3A_2605 : vector<16xi1>, vector<16xf32>
      %add3A_2979 = arith.constant 144 : i32
      %add3A_2980 = vector.broadcast %add3A_2979 : i32 to vector<16xi32>
      %add3A_2981 = arith.addi %iota3A, %add3A_2980 : vector<16xi32>
      %eq3A_2982 = arith.cmpi eq, %add3A_2981, %min3A_2911 : vector<16xi32>
      %jit3A_2983 = arith.constant 0xFF800000 : f32
      %broadcast_in_dim3A_2984 = vector.broadcast %jit3A_2983 : f32 to vector<16xf32>
      %select_n3A_2985 = arith.select %eq3A_2982, %broadcast_in_dim3A_2984, %select_n3A_2612 : vector<16xi1>, vector<16xf32>
      %add3A_2986 = arith.constant 160 : i32
      %add3A_2987 = vector.broadcast %add3A_2986 : i32 to vector<16xi32>
      %add3A_2988 = arith.addi %iota3A, %add3A_2987 : vector<16xi32>
      %eq3A_2989 = arith.cmpi eq, %add3A_2988, %min3A_2911 : vector<16xi32>
      %jit3A_2990 = arith.constant 0xFF800000 : f32
      %broadcast_in_dim3A_2991 = vector.broadcast %jit3A_2990 : f32 to vector<16xf32>
      %select_n3A_2992 = arith.select %eq3A_2989, %broadcast_in_dim3A_2991, %select_n3A_2619 : vector<16xi1>, vector<16xf32>
      %add3A_2993 = arith.constant 176 : i32
      %add3A_2994 = vector.broadcast %add3A_2993 : i32 to vector<16xi32>
      %add3A_2995 = arith.addi %iota3A, %add3A_2994 : vector<16xi32>
      %eq3A_2996 = arith.cmpi eq, %add3A_2995, %min3A_2911 : vector<16xi32>
      %jit3A_2997 = arith.constant 0xFF800000 : f32
      %broadcast_in_dim3A_2998 = vector.broadcast %jit3A_2997 : f32 to vector<16xf32>
      %select_n3A_2999 = arith.select %eq3A_2996, %broadcast_in_dim3A_2998, %select_n3A_2626 : vector<16xi1>, vector<16xf32>
      %add3A_3000 = arith.constant 192 : i32
      %add3A_3001 = vector.broadcast %add3A_3000 : i32 to vector<16xi32>
      %add3A_3002 = arith.addi %iota3A, %add3A_3001 : vector<16xi32>
      %eq3A_3003 = arith.cmpi eq, %add3A_3002, %min3A_2911 : vector<16xi32>
      %jit3A_3004 = arith.constant 0xFF800000 : f32
      %broadcast_in_dim3A_3005 = vector.broadcast %jit3A_3004 : f32 to vector<16xf32>
      %select_n3A_3006 = arith.select %eq3A_3003, %broadcast_in_dim3A_3005, %select_n3A_2633 : vector<16xi1>, vector<16xf32>
      %add3A_3007 = arith.constant 208 : i32
      %add3A_3008 = vector.broadcast %add3A_3007 : i32 to vector<16xi32>
      %add3A_3009 = arith.addi %iota3A, %add3A_3008 : vector<16xi32>
      %eq3A_3010 = arith.cmpi eq, %add3A_3009, %min3A_2911 : vector<16xi32>
      %jit3A_3011 = arith.constant 0xFF800000 : f32
      %broadcast_in_dim3A_3012 = vector.broadcast %jit3A_3011 : f32 to vector<16xf32>
      %select_n3A_3013 = arith.select %eq3A_3010, %broadcast_in_dim3A_3012, %select_n3A_2640 : vector<16xi1>, vector<16xf32>
      %add3A_3014 = arith.constant 224 : i32
      %add3A_3015 = vector.broadcast %add3A_3014 : i32 to vector<16xi32>
      %add3A_3016 = arith.addi %iota3A, %add3A_3015 : vector<16xi32>
      %eq3A_3017 = arith.cmpi eq, %add3A_3016, %min3A_2911 : vector<16xi32>
      %jit3A_3018 = arith.constant 0xFF800000 : f32
      %broadcast_in_dim3A_3019 = vector.broadcast %jit3A_3018 : f32 to vector<16xf32>
      %select_n3A_3020 = arith.select %eq3A_3017, %broadcast_in_dim3A_3019, %select_n3A_2647 : vector<16xi1>, vector<16xf32>
      %add3A_3021 = arith.constant 240 : i32
      %add3A_3022 = vector.broadcast %add3A_3021 : i32 to vector<16xi32>
      %add3A_3023 = arith.addi %iota3A, %add3A_3022 : vector<16xi32>
      %eq3A_3024 = arith.cmpi eq, %add3A_3023, %min3A_2911 : vector<16xi32>
      %jit3A_3025 = arith.constant 0xFF800000 : f32
      %broadcast_in_dim3A_3026 = vector.broadcast %jit3A_3025 : f32 to vector<16xf32>
      %select_n3A_3027 = arith.select %eq3A_3024, %broadcast_in_dim3A_3026, %select_n3A_2654 : vector<16xi1>, vector<16xf32>
      %swap3A = arith.constant 0 : index
      %swap3A_3028 = tpu.vector_load %arg6[%swap3A] {strides = array<i32>} : memref<16xi32, #tpu.memory_space<vmem>>, vector<16xi32>,
      %swap3A_3029 = vector.shape_cast %swap3A_3028 : vector<16xi32> to vector<16xi32>
      %swap3A_3030 = vector.shape_cast %select_n3A_2915 : vector<16xi32> to vector<16xi32>
      tpu.vector_store %arg6[%swap3A], %swap3A_3030 {strides = array<i32>} : memref<16xi32, #tpu.memory_space<vmem>>, vector<16xi32>,
      %dma_start3A = arith.constant 0 : i32
      %dma_start3A_3031 = arith.constant 0 : i32
      %dma_start3A_3032 = tpu.memref_slice %arg3[%dma_start3A, %dma_start3A_3031] : memref<256x1024xf32, #tpu.memory_space<hbm>> -> memref<256x1024xf32, #tpu.memory_space<hbm>>
      tpu.enqueue_indirect_dma source(%dma_start3A_3032 : memref<256x1024xf32, #tpu.memory_space<hbm>>) target(%arg7 : memref<16x1024xf32, #tpu.memory_space<vmem>>) offsets(%arg6 : memref<16xi32, #tpu.memory_space<vmem>>) semaphore(%arg8 : memref<!tpu.dma_semaphore, #tpu.memory_space<semaphore_mem>>)
      %dma_wait3A = arith.constant 0 : i32
      %dma_wait3A_3033 = arith.constant 0 : i32
      %dma_wait3A_3034 = tpu.memref_slice %arg3[%dma_wait3A, %dma_wait3A_3033] : memref<256x1024xf32, #tpu.memory_space<hbm>> -> memref<256x1024xf32, #tpu.memory_space<hbm>>
      tpu.wait_indirect_dma semaphore(%arg8 : memref<!tpu.dma_semaphore, #tpu.memory_space<semaphore_mem>>) src(%dma_wait3A_3034 : memref<256x1024xf32, #tpu.memory_space<hbm>>) dst(%arg7 : memref<16x1024xf32, #tpu.memory_space<vmem>>)
      %mul3A = arith.constant 8 : i32
      %mul3A_3035 = arith.muli %arg0, %mul3A : i32
      "tpu.region"() ({
        %run_scoped3A = tpu.sem_alloc : memref<!tpu.dma_semaphore, #tpu.memory_space<semaphore_mem>>
        %dma_start3A_3036 = arith.constant 0 : i32
        %dma_start3A_3037 = arith.constant 0 : i32
        %dma_start3A_3038 = tpu.memref_slice %arg7[%dma_start3A_3036, %dma_start3A_3037] : memref<16x1024xf32, #tpu.memory_space<vmem>> -> memref<8x1024xf32, #tpu.memory_space<vmem>>
        %dma_start3A_3039 = arith.constant 0 : i32
        %dma_start3A_3040 = tpu.memref_slice %arg4[%mul3A_3035, %dma_start3A_3039] : memref<16x1024xf32, #tpu.memory_space<hbm>> -> memref<8x1024xf32, #tpu.memory_space<hbm>>
        %dma_start3A_3041 = arith.constant 0 : i32
        %dma_start3A_3042 = tpu.memref_slice %arg4[%mul3A_3035, %dma_start3A_3041] : memref<16x1024xf32, #tpu.memory_space<hbm>> -> memref<8x1024xf32, #tpu.memory_space<hbm>>
        %dma_start3A_3043 = arith.constant 0 : i32
        %dma_start3A_3044 = arith.constant 0 : i32
        %dma_start3A_3045 = tpu.memref_slice %arg7[%dma_start3A_3043, %dma_start3A_3044] : memref<16x1024xf32, #tpu.memory_space<vmem>> -> memref<8x1024xf32, #tpu.memory_space<vmem>>
        tpu.enqueue_dma source(%dma_start3A_3045 : memref<8x1024xf32, #tpu.memory_space<vmem>>) target(%dma_start3A_3042 : memref<8x1024xf32, #tpu.memory_space<hbm>>) target_semaphore(%run_scoped3A : memref<!tpu.dma_semaphore, #tpu.memory_space<semaphore_mem>>)
        %dma_wait3A_3046 = arith.constant 0 : i32
        %dma_wait3A_3047 = arith.constant 0 : i32
        %dma_wait3A_3048 = tpu.memref_slice %arg7[%dma_wait3A_3046, %dma_wait3A_3047] : memref<16x1024xf32, #tpu.memory_space<vmem>> -> memref<8x1024xf32, #tpu.memory_space<vmem>>
        %dma_wait3A_3049 = arith.constant 0 : i32
        %dma_wait3A_3050 = tpu.memref_slice %arg4[%mul3A_3035, %dma_wait3A_3049] : memref<16x1024xf32, #tpu.memory_space<hbm>> -> memref<8x1024xf32, #tpu.memory_space<hbm>>
        %dma_wait3A_3051 = arith.constant 0 : i32
        %dma_wait3A_3052 = tpu.memref_slice %arg4[%mul3A_3035, %dma_wait3A_3051] : memref<16x1024xf32, #tpu.memory_space<hbm>> -> memref<8x1024xf32, #tpu.memory_space<hbm>>
        %dma_wait3A_3053 = arith.constant 0 : i32
        %dma_wait3A_3054 = arith.constant 0 : i32
        %dma_wait3A_3055 = tpu.memref_slice %arg7[%dma_wait3A_3053, %dma_wait3A_3054] : memref<16x1024xf32, #tpu.memory_space<vmem>> -> memref<8x1024xf32, #tpu.memory_space<vmem>>
        tpu.wait_dma2 semaphore(%run_scoped3A : memref<!tpu.dma_semaphore, #tpu.memory_space<semaphore_mem>>) src(%dma_wait3A_3055 : memref<8x1024xf32, #tpu.memory_space<vmem>>) dst(%dma_wait3A_3052 : memref<8x1024xf32, #tpu.memory_space<hbm>>)
        tpu.yield
      }) : () -> ()
    } else {
    }
    return
  }
}

module attributes {stable_mosaic.version = 14 : i64} {
  func.func @_sim_kernel(%arg0: memref<2x768xf32, #tpu.memory_space<vmem>>, %arg1: memref<2x1024xf32, #tpu.memory_space<vmem>>, %arg2: memref<1024x768xf32, #tpu.memory_space<vmem>>, %arg3: memref<1x1024xf32, #tpu.memory_space<vmem>>, %arg4: memref<1024x1024xf32, #tpu.memory_space<vmem>>, %arg5: memref<1x1024xf32, #tpu.memory_space<vmem>>, %arg6: memref<1x1024xf32, #tpu.memory_space<vmem>>, %arg7: memref<1x1024xf32, #tpu.memory_space<vmem>>, %arg8: memref<256x1024xf32, #tpu.memory_space<vmem>>, %arg9: memref<2x256xf32, #tpu.memory_space<vmem>>) attributes {dimension_semantics = [], scalar_prefetch = 0 : i64, scratch_operands = 0 : i64, tpu.core_type = #tpu.core_type<tc>} {
    %get3A = arith.constant 0 : index
    %get3A_0 = arith.constant 0 : index
    %get3A_1 = vector.load %arg0[%get3A, %get3A_0] : memref<2x768xf32, #tpu.memory_space<vmem>>, vector<2x768xf32>
    %get3A_2 = arith.constant 0 : index
    %get3A_3 = arith.constant 0 : index
    %get3A_4 = vector.load %arg2[%get3A_2, %get3A_3] : memref<1024x768xf32, #tpu.memory_space<vmem>>, vector<1024x768xf32>
    %dot_general3A = arith.constant dense<0.000000e+00> : vector<2x1024xf32>
    %dot_general3A_5 = tpu.matmul %get3A_1, %get3A_4, %dot_general3A {dimension_numbers = #tpu.dot_dimension_numbers<[1], [1], [0], [0], [0, 0, 1, 0], [], []>, precision = #tpu.contract_precision<fp32>, transpose_lhs_hint = false} : vector<2x768xf32>, vector<1024x768xf32>, vector<2x1024xf32> -> vector<2x1024xf32>
    %get3A_6 = arith.constant 0 : index
    %get3A_7 = arith.constant 0 : index
    %get3A_8 = vector.load %arg1[%get3A_6, %get3A_7] : memref<2x1024xf32, #tpu.memory_space<vmem>>, vector<2x1024xf32>
    %get3A_9 = arith.constant 0 : index
    %get3A_10 = arith.constant 0 : index
    %get3A_11 = vector.load %arg4[%get3A_9, %get3A_10] : memref<1024x1024xf32, #tpu.memory_space<vmem>>, vector<1024x1024xf32>
    %dot_general3A_12 = arith.constant dense<0.000000e+00> : vector<2x1024xf32>
    %dot_general3A_13 = tpu.matmul %get3A_8, %get3A_11, %dot_general3A_12 {dimension_numbers = #tpu.dot_dimension_numbers<[1], [1], [0], [0], [0, 0, 1, 0], [], []>, precision = #tpu.contract_precision<fp32>, transpose_lhs_hint = false} : vector<2x1024xf32>, vector<1024x1024xf32>, vector<2x1024xf32> -> vector<2x1024xf32>
    %add3A = arith.addf %dot_general3A_5, %dot_general3A_13 : vector<2x1024xf32>
    %get3A_14 = arith.constant 0 : index
    %get3A_15 = arith.constant 0 : index
    %get3A_16 = vector.load %arg3[%get3A_14, %get3A_15] : memref<1x1024xf32, #tpu.memory_space<vmem>>, vector<1x1024xf32>
    %add3A_17 = vector.broadcast %get3A_16 : vector<1x1024xf32> to vector<2x1024xf32>
    %add3A_18 = arith.addf %add3A, %add3A_17 : vector<2x1024xf32>
    %get3A_19 = arith.constant 0 : index
    %get3A_20 = arith.constant 0 : index
    %get3A_21 = vector.load %arg5[%get3A_19, %get3A_20] : memref<1x1024xf32, #tpu.memory_space<vmem>>, vector<1x1024xf32>
    %add3A_22 = vector.broadcast %get3A_21 : vector<1x1024xf32> to vector<2x1024xf32>
    %add3A_23 = arith.addf %add3A_18, %add3A_22 : vector<2x1024xf32>
    %reduce_sum3A = arith.constant dense<0.000000e+00> : vector<2xf32>
    %reduce_sum3A_24 = vector.multi_reduction <add>, %add3A_23, %reduce_sum3A [1] : vector<2x1024xf32> to vector<2xf32>
    %broadcast_in_dim3A = vector.shape_cast %reduce_sum3A_24 : vector<2xf32> to vector<2x1xf32>
    %div3A = arith.constant 1.024000e+03 : f32
    %div3A_25 = vector.broadcast %div3A : f32 to vector<2x1xf32>
    %div3A_26 = arith.divf %broadcast_in_dim3A, %div3A_25 : vector<2x1xf32>
    %sub3A = vector.broadcast %div3A_26 : vector<2x1xf32> to vector<2x1024xf32>
    %sub3A_27 = arith.subf %add3A_23, %sub3A : vector<2x1024xf32>
    %square3A = arith.mulf %sub3A_27, %sub3A_27 : vector<2x1024xf32>
    %reduce_sum3A_28 = arith.constant dense<0.000000e+00> : vector<2xf32>
    %reduce_sum3A_29 = vector.multi_reduction <add>, %square3A, %reduce_sum3A_28 [1] : vector<2x1024xf32> to vector<2xf32>
    %broadcast_in_dim3A_30 = vector.shape_cast %reduce_sum3A_29 : vector<2xf32> to vector<2x1xf32>
    %div3A_31 = arith.constant 1.024000e+03 : f32
    %div3A_32 = vector.broadcast %div3A_31 : f32 to vector<2x1xf32>
    %div3A_33 = arith.divf %broadcast_in_dim3A_30, %div3A_32 : vector<2x1xf32>
    %sub3A_34 = vector.broadcast %div3A_26 : vector<2x1xf32> to vector<2x1024xf32>
    %sub3A_35 = arith.subf %add3A_23, %sub3A_34 : vector<2x1024xf32>
    %add3A_36 = arith.constant 9.99999974E-6 : f32
    %add3A_37 = vector.broadcast %add3A_36 : f32 to vector<2x1xf32>
    %add3A_38 = arith.addf %div3A_33, %add3A_37 : vector<2x1xf32>
    %rsqrt3A = math.rsqrt %add3A_38 : vector<2x1xf32>
    %mul3A = vector.broadcast %rsqrt3A : vector<2x1xf32> to vector<2x1024xf32>
    %mul3A_39 = arith.mulf %sub3A_35, %mul3A : vector<2x1024xf32>
    %get3A_40 = arith.constant 0 : index
    %get3A_41 = arith.constant 0 : index
    %get3A_42 = vector.load %arg6[%get3A_40, %get3A_41] : memref<1x1024xf32, #tpu.memory_space<vmem>>, vector<1x1024xf32>
    %mul3A_43 = vector.broadcast %get3A_42 : vector<1x1024xf32> to vector<2x1024xf32>
    %mul3A_44 = arith.mulf %mul3A_39, %mul3A_43 : vector<2x1024xf32>
    %get3A_45 = arith.constant 0 : index
    %get3A_46 = arith.constant 0 : index
    %get3A_47 = vector.load %arg7[%get3A_45, %get3A_46] : memref<1x1024xf32, #tpu.memory_space<vmem>>, vector<1x1024xf32>
    %add3A_48 = vector.broadcast %get3A_47 : vector<1x1024xf32> to vector<2x1024xf32>
    %add3A_49 = arith.addf %mul3A_44, %add3A_48 : vector<2x1024xf32>
    %mul3A_50 = arith.mulf %add3A_49, %add3A_49 : vector<2x1024xf32>
    %reduce_sum3A_51 = arith.constant dense<0.000000e+00> : vector<2xf32>
    %reduce_sum3A_52 = vector.multi_reduction <add>, %mul3A_50, %reduce_sum3A_51 [1] : vector<2x1024xf32> to vector<2xf32>
    %broadcast_in_dim3A_53 = vector.shape_cast %reduce_sum3A_52 : vector<2xf32> to vector<2x1xf32>
    %sqrt3A = math.sqrt %broadcast_in_dim3A_53 : vector<2x1xf32>
    %max3A = arith.constant 9.99999993E-9 : f32
    %max3A_54 = vector.broadcast %max3A : f32 to vector<2x1xf32>
    %max3A_55 = arith.maximumf %sqrt3A, %max3A_54 : vector<2x1xf32>
    %div3A_56 = vector.broadcast %max3A_55 : vector<2x1xf32> to vector<2x1024xf32>
    %div3A_57 = arith.divf %add3A_49, %div3A_56 : vector<2x1024xf32>
    %get3A_58 = arith.constant 0 : index
    %get3A_59 = arith.constant 0 : index
    %get3A_60 = vector.load %arg8[%get3A_58, %get3A_59] : memref<256x1024xf32, #tpu.memory_space<vmem>>, vector<256x1024xf32>
    %mul3A_61 = arith.mulf %get3A_60, %get3A_60 : vector<256x1024xf32>
    %reduce_sum3A_62 = arith.constant dense<0.000000e+00> : vector<256xf32>
    %reduce_sum3A_63 = vector.multi_reduction <add>, %mul3A_61, %reduce_sum3A_62 [1] : vector<256x1024xf32> to vector<256xf32>
    %broadcast_in_dim3A_64 = vector.shape_cast %reduce_sum3A_63 : vector<256xf32> to vector<256x1xf32>
    %sqrt3A_65 = math.sqrt %broadcast_in_dim3A_64 : vector<256x1xf32>
    %max3A_66 = arith.constant 9.99999993E-9 : f32
    %max3A_67 = vector.broadcast %max3A_66 : f32 to vector<256x1xf32>
    %max3A_68 = arith.maximumf %sqrt3A_65, %max3A_67 : vector<256x1xf32>
    %div3A_69 = vector.broadcast %max3A_68 : vector<256x1xf32> to vector<256x1024xf32>
    %div3A_70 = arith.divf %get3A_60, %div3A_69 : vector<256x1024xf32>
    %dot_general3A_71 = arith.constant dense<0.000000e+00> : vector<2x256xf32>
    %dot_general3A_72 = tpu.matmul %div3A_57, %div3A_70, %dot_general3A_71 {dimension_numbers = #tpu.dot_dimension_numbers<[1], [1], [0], [0], [0, 0, 1, 0], [], []>, precision = #tpu.contract_precision<fp32>, transpose_lhs_hint = false} : vector<2x1024xf32>, vector<256x1024xf32>, vector<2x256xf32> -> vector<2x256xf32>
    %swap3A = arith.constant 0 : index
    %swap3A_73 = arith.constant 0 : index
    %swap3A_74 = vector.load %arg9[%swap3A, %swap3A_73] : memref<2x256xf32, #tpu.memory_space<vmem>>, vector<2x256xf32>
    tpu.vector_store %arg9[%swap3A, %swap3A_73], %dot_general3A_72 {strides = array<i32>} : memref<2x256xf32, #tpu.memory_space<vmem>>, vector<2x256xf32>,
    return
  }
}

module attributes {stable_mosaic.version = 14 : i64} {
  func.func @_main_kernel(%arg0: i32, %arg1: i32, %arg2: memref<16x1024xf32, #tpu.memory_space<vmem>>, %arg3: memref<1x1024xf32, #tpu.memory_space<vmem>>, %arg4: memref<1x1024xf32, #tpu.memory_space<vmem>>, %arg5: memref<1x1024xf32, #tpu.memory_space<vmem>>, %arg6: memref<1024x1024xf32, #tpu.memory_space<hbm>>, %arg7: memref<1024x1024xf32, #tpu.memory_space<hbm>>, %arg8: memref<1024x1024xf32, #tpu.memory_space<hbm>>, %arg9: memref<1024x1024xf32, #tpu.memory_space<hbm>>, %arg10: memref<1x512x1024xf32, #tpu.memory_space<vmem>>, %arg11: memref<1x1024xf32, #tpu.memory_space<vmem>>, %arg12: memref<1x1024xf32, #tpu.memory_space<vmem>>, %arg13: memref<1x1024xf32, #tpu.memory_space<vmem>>, %arg14: memref<1x512x1024xf32, #tpu.memory_space<vmem>>, %arg15: memref<2x1024x128xf32, #tpu.memory_space<vmem>>, %arg16: memref<2x1x128xf32, #tpu.memory_space<vmem>>, %arg17: memref<2x128x1024xf32, #tpu.memory_space<vmem>>, %arg18: memref<1024x1024xf32, #tpu.memory_space<vmem>>, %arg19: memref<1024x1024xf32, #tpu.memory_space<vmem>>, %arg20: memref<1024x1024xf32, #tpu.memory_space<vmem>>, %arg21: memref<1024x1024xf32, #tpu.memory_space<vmem>>, %arg22: memref<!tpu.dma_semaphore, #tpu.memory_space<semaphore_mem>>, %arg23: memref<!tpu.dma_semaphore, #tpu.memory_space<semaphore_mem>>, %arg24: memref<!tpu.dma_semaphore, #tpu.memory_space<semaphore_mem>>, %arg25: memref<!tpu.dma_semaphore, #tpu.memory_space<semaphore_mem>>) attributes {dimension_semantics = [#tpu.dimension_semantics<arbitrary>, #tpu.dimension_semantics<arbitrary>], iteration_bounds = array<i64: 2, 4>, scalar_prefetch = 0 : i64, scratch_operands = 11 : i64, tpu.core_type = #tpu.core_type<tc>, window_params = [{pipeline_mode = #tpu.pipeline_mode<synchronous>, transform_indices = @transform_0, window_bounds = array<i64: 16, 1024>}, {pipeline_mode = #tpu.pipeline_mode<synchronous>, transform_indices = @transform_1, window_bounds = array<i64: 1, 1024>}, {pipeline_mode = #tpu.pipeline_mode<synchronous>, transform_indices = @transform_2, window_bounds = array<i64: 1, 1024>}, {pipeline_mode = #tpu.pipeline_mode<synchronous>, transform_indices = @transform_3, window_bounds = array<i64: 1, 1024>}, {}, {}, {}, {}, {transform_indices = @transform_8, window_bounds = array<i64: 1, 512, 1024>}, {pipeline_mode = #tpu.pipeline_mode<synchronous>, transform_indices = @transform_9, window_bounds = array<i64: 1, 1024>}, {pipeline_mode = #tpu.pipeline_mode<synchronous>, transform_indices = @transform_10, window_bounds = array<i64: 1, 1024>}, {pipeline_mode = #tpu.pipeline_mode<synchronous>, transform_indices = @transform_11, window_bounds = array<i64: 1, 1024>}, {transform_indices = @transform_12, window_bounds = array<i64: 1, 512, 1024>}]} {
    %eq3A = arith.constant 0 : i32
    %eq3A_0 = arith.cmpi eq, %arg0, %eq3A : i32
    %eq3A_1 = arith.constant 0 : i32
    %eq3A_2 = arith.cmpi eq, %arg1, %eq3A_1 : i32
    %and3A = arith.andi %eq3A_0, %eq3A_2 : i1
    %convert_element_type3A = arith.extui %and3A : i1 to i32
    %cond3A = arith.constant 0 : i32
    %cond3A_3 = arith.cmpi ne, %convert_element_type3A, %cond3A : i32
    scf.if %cond3A_3 {
      tpu.enqueue_dma source(%arg6 : memref<1024x1024xf32, #tpu.memory_space<hbm>>) target(%arg18 : memref<1024x1024xf32, #tpu.memory_space<vmem>>) target_semaphore(%arg22 : memref<!tpu.dma_semaphore, #tpu.memory_space<semaphore_mem>>)
      tpu.enqueue_dma source(%arg7 : memref<1024x1024xf32, #tpu.memory_space<hbm>>) target(%arg19 : memref<1024x1024xf32, #tpu.memory_space<vmem>>) target_semaphore(%arg23 : memref<!tpu.dma_semaphore, #tpu.memory_space<semaphore_mem>>)
      tpu.enqueue_dma source(%arg8 : memref<1024x1024xf32, #tpu.memory_space<hbm>>) target(%arg20 : memref<1024x1024xf32, #tpu.memory_space<vmem>>) target_semaphore(%arg24 : memref<!tpu.dma_semaphore, #tpu.memory_space<semaphore_mem>>)
      tpu.enqueue_dma source(%arg9 : memref<1024x1024xf32, #tpu.memory_space<hbm>>) target(%arg21 : memref<1024x1024xf32, #tpu.memory_space<vmem>>) target_semaphore(%arg25 : memref<!tpu.dma_semaphore, #tpu.memory_space<semaphore_mem>>)
      %get3A_132 = arith.constant 0 : index
      %get3A_133 = arith.constant 0 : index
      %get3A_134 = vector.load %arg2[%get3A_132, %get3A_133] : memref<16x1024xf32, #tpu.memory_space<vmem>>, vector<16x1024xf32>
      tpu.wait_dma2 semaphore(%arg22 : memref<!tpu.dma_semaphore, #tpu.memory_space<semaphore_mem>>) src(%arg6 : memref<1024x1024xf32, #tpu.memory_space<hbm>>) dst(%arg18 : memref<1024x1024xf32, #tpu.memory_space<vmem>>)
      %get3A_135 = arith.constant 0 : index
      %get3A_136 = arith.constant 0 : index
      %get3A_137 = vector.load %arg18[%get3A_135, %get3A_136] : memref<1024x1024xf32, #tpu.memory_space<vmem>>, vector<1024x1024xf32>
      %dot_general3A_138 = arith.constant dense<0.000000e+00> : vector<16x1024xf32>
      %dot_general3A_139 = tpu.matmul %get3A_134, %get3A_137, %dot_general3A_138 {dimension_numbers = #tpu.dot_dimension_numbers<[1], [1], [0], [0], [0, 0, 1, 0], [], []>, transpose_lhs_hint = false} : vector<16x1024xf32>, vector<1024x1024xf32>, vector<16x1024xf32> -> vector<16x1024xf32>
      %get3A_140 = arith.constant 0 : index
      %get3A_141 = arith.constant 0 : index
      %get3A_142 = vector.load %arg3[%get3A_140, %get3A_141] : memref<1x1024xf32, #tpu.memory_space<vmem>>, vector<1x1024xf32>
      %add3A_143 = vector.broadcast %get3A_142 : vector<1x1024xf32> to vector<16x1024xf32>
      %add3A_144 = arith.addf %dot_general3A_139, %add3A_143 : vector<16x1024xf32>
      tpu.wait_dma2 semaphore(%arg23 : memref<!tpu.dma_semaphore, #tpu.memory_space<semaphore_mem>>) src(%arg7 : memref<1024x1024xf32, #tpu.memory_space<hbm>>) dst(%arg19 : memref<1024x1024xf32, #tpu.memory_space<vmem>>)
      %get3A_145 = arith.constant 0 : index
      %get3A_146 = arith.constant 0 : index
      %get3A_147 = vector.load %arg19[%get3A_145, %get3A_146] : memref<1024x1024xf32, #tpu.memory_space<vmem>>, vector<1024x1024xf32>
      %dot_general3A_148 = arith.constant dense<0.000000e+00> : vector<16x1024xf32>
      %dot_general3A_149 = tpu.matmul %get3A_134, %get3A_147, %dot_general3A_148 {dimension_numbers = #tpu.dot_dimension_numbers<[1], [1], [0], [0], [0, 0, 1, 0], [], []>, transpose_lhs_hint = false} : vector<16x1024xf32>, vector<1024x1024xf32>, vector<16x1024xf32> -> vector<16x1024xf32>
      %get3A_150 = arith.constant 0 : index
      %get3A_151 = arith.constant 0 : index
      %get3A_152 = vector.load %arg4[%get3A_150, %get3A_151] : memref<1x1024xf32, #tpu.memory_space<vmem>>, vector<1x1024xf32>
      %add3A_153 = vector.broadcast %get3A_152 : vector<1x1024xf32> to vector<16x1024xf32>
      %add3A_154 = arith.addf %dot_general3A_149, %add3A_153 : vector<16x1024xf32>
      tpu.wait_dma2 semaphore(%arg24 : memref<!tpu.dma_semaphore, #tpu.memory_space<semaphore_mem>>) src(%arg8 : memref<1024x1024xf32, #tpu.memory_space<hbm>>) dst(%arg20 : memref<1024x1024xf32, #tpu.memory_space<vmem>>)
      tpu.wait_dma2 semaphore(%arg25 : memref<!tpu.dma_semaphore, #tpu.memory_space<semaphore_mem>>) src(%arg9 : memref<1024x1024xf32, #tpu.memory_space<hbm>>) dst(%arg21 : memref<1024x1024xf32, #tpu.memory_space<vmem>>)
      %iota3A_155 = tpu.iota {dimensions = array<i32: 0>} : vector<128x1024xi32>
      %jit3A_156 = arith.constant 8 : i32
      %div3A_157 = vector.broadcast %jit3A_156 : i32 to vector<128x1024xi32>
      %div3A_158 = arith.divsi %iota3A_155, %div3A_157 : vector<128x1024xi32>
      %sign3A_159 = arith.constant 0 : i32
      %sign3A_160 = vector.broadcast %sign3A_159 : i32 to vector<128x1024xi32>
      %sign3A_161 = arith.cmpi sgt, %iota3A_155, %sign3A_160 : vector<128x1024xi32>
      %sign3A_162 = arith.extui %sign3A_161 : vector<128x1024xi1> to vector<128x1024xi32>
      %sign3A_163 = arith.constant 0 : i32
      %sign3A_164 = vector.broadcast %sign3A_163 : i32 to vector<128x1024xi32>
      %sign3A_165 = arith.cmpi slt, %iota3A_155, %sign3A_164 : vector<128x1024xi32>
      %sign3A_166 = arith.extui %sign3A_165 : vector<128x1024xi1> to vector<128x1024xi32>
      %sign3A_167 = arith.subi %sign3A_162, %sign3A_166 : vector<128x1024xi32>
      %sign3A_168 = arith.constant 0 : i32
      %sign3A_169 = arith.cmpi sgt, %jit3A_156, %sign3A_168 : i32
      %sign3A_170 = arith.extui %sign3A_169 : i1 to i32
      %sign3A_171 = arith.constant 0 : i32
      %sign3A_172 = arith.cmpi slt, %jit3A_156, %sign3A_171 : i32
      %sign3A_173 = arith.extui %sign3A_172 : i1 to i32
      %sign3A_174 = arith.subi %sign3A_170, %sign3A_173 : i32
      %ne3A_175 = vector.broadcast %sign3A_174 : i32 to vector<128x1024xi32>
      %ne3A_176 = arith.cmpi ne, %sign3A_167, %ne3A_175 : vector<128x1024xi32>
      %rem3A_177 = vector.broadcast %jit3A_156 : i32 to vector<128x1024xi32>
      %rem3A_178 = arith.remsi %iota3A_155, %rem3A_177 : vector<128x1024xi32>
      %ne3A_179 = arith.constant 0 : i32
      %ne3A_180 = vector.broadcast %ne3A_179 : i32 to vector<128x1024xi32>
      %ne3A_181 = arith.cmpi ne, %rem3A_178, %ne3A_180 : vector<128x1024xi32>
      %and3A_182 = arith.andi %ne3A_176, %ne3A_181 : vector<128x1024xi1>
      %sub3A_183 = arith.constant 1 : i32
      %sub3A_184 = vector.broadcast %sub3A_183 : i32 to vector<128x1024xi32>
      %sub3A_185 = arith.subi %div3A_158, %sub3A_184 : vector<128x1024xi32>
      %select_n3A_186 = arith.select %and3A_182, %sub3A_185, %div3A_158 : vector<128x1024xi1>, vector<128x1024xi32>
      %iota3A_187 = tpu.iota {dimensions = array<i32: 1>} : vector<128x1024xi32>
      %jit3A_188 = arith.constant 64 : i32
      %div3A_189 = vector.broadcast %jit3A_188 : i32 to vector<128x1024xi32>
      %div3A_190 = arith.divsi %iota3A_187, %div3A_189 : vector<128x1024xi32>
      %sign3A_191 = arith.constant 0 : i32
      %sign3A_192 = vector.broadcast %sign3A_191 : i32 to vector<128x1024xi32>
      %sign3A_193 = arith.cmpi sgt, %iota3A_187, %sign3A_192 : vector<128x1024xi32>
      %sign3A_194 = arith.extui %sign3A_193 : vector<128x1024xi1> to vector<128x1024xi32>
      %sign3A_195 = arith.constant 0 : i32
      %sign3A_196 = vector.broadcast %sign3A_195 : i32 to vector<128x1024xi32>
      %sign3A_197 = arith.cmpi slt, %iota3A_187, %sign3A_196 : vector<128x1024xi32>
      %sign3A_198 = arith.extui %sign3A_197 : vector<128x1024xi1> to vector<128x1024xi32>
      %sign3A_199 = arith.subi %sign3A_194, %sign3A_198 : vector<128x1024xi32>
      %sign3A_200 = arith.constant 0 : i32
      %sign3A_201 = arith.cmpi sgt, %jit3A_188, %sign3A_200 : i32
      %sign3A_202 = arith.extui %sign3A_201 : i1 to i32
      %sign3A_203 = arith.constant 0 : i32
      %sign3A_204 = arith.cmpi slt, %jit3A_188, %sign3A_203 : i32
      %sign3A_205 = arith.extui %sign3A_204 : i1 to i32
      %sign3A_206 = arith.subi %sign3A_202, %sign3A_205 : i32
      %ne3A_207 = vector.broadcast %sign3A_206 : i32 to vector<128x1024xi32>
      %ne3A_208 = arith.cmpi ne, %sign3A_199, %ne3A_207 : vector<128x1024xi32>
      %rem3A_209 = vector.broadcast %jit3A_188 : i32 to vector<128x1024xi32>
      %rem3A_210 = arith.remsi %iota3A_187, %rem3A_209 : vector<128x1024xi32>
      %ne3A_211 = arith.constant 0 : i32
      %ne3A_212 = vector.broadcast %ne3A_211 : i32 to vector<128x1024xi32>
      %ne3A_213 = arith.cmpi ne, %rem3A_210, %ne3A_212 : vector<128x1024xi32>
      %and3A_214 = arith.andi %ne3A_208, %ne3A_213 : vector<128x1024xi1>
      %sub3A_215 = arith.constant 1 : i32
      %sub3A_216 = vector.broadcast %sub3A_215 : i32 to vector<128x1024xi32>
      %sub3A_217 = arith.subi %div3A_190, %sub3A_216 : vector<128x1024xi32>
      %select_n3A_218 = arith.select %and3A_214, %sub3A_217, %div3A_190 : vector<128x1024xi1>, vector<128x1024xi32>
      %eq3A_219 = arith.cmpi eq, %select_n3A_186, %select_n3A_218 : vector<128x1024xi32>
      %convert_element_type3A_220 = arith.extui %eq3A_219 : vector<128x1024xi1> to vector<128x1024xi32>
      %convert_element_type3A_221 = arith.sitofp %convert_element_type3A_220 : vector<128x1024xi32> to vector<128x1024xf32>
      %iota3A_222 = tpu.iota {dimensions = array<i32: 0>} : vector<128x16xi32>
      %iota3A_223 = tpu.iota {dimensions = array<i32: 1>} : vector<128x16xi32>
      %jit3A_224 = arith.constant 8 : i32
      %eq3A_225 = arith.constant 0 : i32
      %eq3A_226 = arith.cmpi eq, %jit3A_224, %eq3A_225 : i32
      %jit3A_227 = arith.constant 1 : i32
      %select_n3A_228 = arith.select %eq3A_226, %jit3A_227, %jit3A_224 : i32
      %rem3A_229 = vector.broadcast %select_n3A_228 : i32 to vector<128x16xi32>
      %rem3A_230 = arith.remsi %iota3A_222, %rem3A_229 : vector<128x16xi32>
      %ne3A_231 = arith.constant 0 : i32
      %ne3A_232 = vector.broadcast %ne3A_231 : i32 to vector<128x16xi32>
      %ne3A_233 = arith.cmpi ne, %rem3A_230, %ne3A_232 : vector<128x16xi32>
      %lt3A = arith.constant 0 : i32
      %lt3A_234 = vector.broadcast %lt3A : i32 to vector<128x16xi32>
      %lt3A_235 = arith.cmpi slt, %rem3A_230, %lt3A_234 : vector<128x16xi32>
      %lt3A_236 = arith.constant 0 : i32
      %lt3A_237 = arith.cmpi slt, %select_n3A_228, %lt3A_236 : i32
      %ne3A_238 = vector.broadcast %lt3A_237 : i1 to vector<128x16xi1>
      %ne3A_239 = vector.broadcast %ne3A_238 : vector<128x16xi1> to vector<128x16xi1>
      %ne3A_240 = arith.xori %lt3A_235, %ne3A_239 : vector<128x16xi1>
      %and3A_241 = arith.andi %ne3A_240, %ne3A_233 : vector<128x16xi1>
      %add3A_242 = vector.broadcast %select_n3A_228 : i32 to vector<128x16xi32>
      %add3A_243 = arith.addi %rem3A_230, %add3A_242 : vector<128x16xi32>
      %select_n3A_244 = arith.select %and3A_241, %add3A_243, %rem3A_230 : vector<128x16xi1>, vector<128x16xi32>
      %add3A_245 = arith.constant 0 : i32
      %add3A_246 = vector.broadcast %add3A_245 : i32 to vector<128x16xi32>
      %add3A_247 = arith.addi %add3A_246, %select_n3A_244 : vector<128x16xi32>
      %eq3A_248 = arith.cmpi eq, %iota3A_223, %add3A_247 : vector<128x16xi32>
      %convert_element_type3A_249 = arith.extui %eq3A_248 : vector<128x16xi1> to vector<128x16xi32>
      %convert_element_type3A_250 = arith.sitofp %convert_element_type3A_249 : vector<128x16xi32> to vector<128x16xf32>
      %dot_general3A_251 = arith.constant dense<0.000000e+00> : vector<128x1024xf32>
      %dot_general3A_252 = tpu.matmul %convert_element_type3A_250, %add3A_144, %dot_general3A_251 {dimension_numbers = #tpu.dot_dimension_numbers<[1], [0], [0], [1], [0, 0, 1, 1], [], []>, transpose_lhs_hint = false} : vector<128x16xf32>, vector<16x1024xf32>, vector<128x1024xf32> -> vector<128x1024xf32>
      %mul3A_253 = arith.mulf %dot_general3A_252, %convert_element_type3A_221 : vector<128x1024xf32>
      %dot_general3A_254 = arith.constant dense<0.000000e+00> : vector<128x1024xf32>
      %dot_general3A_255 = tpu.matmul %convert_element_type3A_250, %add3A_154, %dot_general3A_254 {dimension_numbers = #tpu.dot_dimension_numbers<[1], [0], [0], [1], [0, 0, 1, 1], [], []>, transpose_lhs_hint = false} : vector<128x16xf32>, vector<16x1024xf32>, vector<128x1024xf32> -> vector<128x1024xf32>
      %mul3A_256 = arith.mulf %dot_general3A_255, %convert_element_type3A_221 : vector<128x1024xf32>
      %get3A_257 = arith.constant 0 : index
      %get3A_258 = arith.constant 0 : index
      %get3A_259 = vector.load %arg20[%get3A_257, %get3A_258] : memref<1024x1024xf32, #tpu.memory_space<vmem>>, vector<1024x1024xf32>
      %dot_general3A_260 = arith.constant dense<0.000000e+00> : vector<1024x128xf32>
      %dot_general3A_261 = tpu.matmul %get3A_259, %mul3A_253, %dot_general3A_260 {dimension_numbers = #tpu.dot_dimension_numbers<[0], [1], [1], [0], [0, 1, 1, 0], [], []>, transpose_lhs_hint = false} : vector<1024x1024xf32>, vector<128x1024xf32>, vector<1024x128xf32> -> vector<1024x128xf32>
      %mul3A_262 = arith.constant 1.250000e-01 : f32
      %mul3A_263 = vector.broadcast %mul3A_262 : f32 to vector<1024x128xf32>
      %mul3A_264 = arith.mulf %mul3A_263, %dot_general3A_261 : vector<1024x128xf32>
      %swap3A_265 = arith.constant 0 : index
      %swap3A_266 = arith.constant 0 : index
      %swap3A_267 = arith.constant 0 : index
      %swap3A_268 = vector.load %arg15[%swap3A_265, %swap3A_266, %swap3A_267] : memref<2x1024x128xf32, #tpu.memory_space<vmem>>, vector<1x1024x128xf32>
      %swap3A_269 = vector.shape_cast %swap3A_268 : vector<1x1024x128xf32> to vector<1024x128xf32>
      %swap3A_270 = vector.shape_cast %mul3A_264 : vector<1024x128xf32> to vector<1x1024x128xf32>
      tpu.vector_store %arg15[%swap3A_265, %swap3A_266, %swap3A_267], %swap3A_270 {strides = array<i32>} : memref<2x1024x128xf32, #tpu.memory_space<vmem>>, vector<1x1024x128xf32>,
      %get3A_271 = arith.constant 0 : index
      %get3A_272 = arith.constant 0 : index
      %get3A_273 = vector.load %arg5[%get3A_271, %get3A_272] : memref<1x1024xf32, #tpu.memory_space<vmem>>, vector<1x1024xf32>
      %dot_general3A_274 = arith.constant dense<0.000000e+00> : vector<1x128xf32>
      %dot_general3A_275 = tpu.matmul %get3A_273, %mul3A_253, %dot_general3A_274 {dimension_numbers = #tpu.dot_dimension_numbers<[1], [1], [0], [0], [0, 0, 1, 0], [], []>, transpose_lhs_hint = false} : vector<1x1024xf32>, vector<128x1024xf32>, vector<1x128xf32> -> vector<1x128xf32>
      %mul3A_276 = arith.constant 1.250000e-01 : f32
      %mul3A_277 = vector.broadcast %mul3A_276 : f32 to vector<1x128xf32>
      %mul3A_278 = arith.mulf %mul3A_277, %dot_general3A_275 : vector<1x128xf32>
      %swap3A_279 = arith.constant 0 : index
      %swap3A_280 = arith.constant 0 : index
      %swap3A_281 = arith.constant 0 : index
      %swap3A_282 = vector.load %arg16[%swap3A_279, %swap3A_280, %swap3A_281] : memref<2x1x128xf32, #tpu.memory_space<vmem>>, vector<1x1x128xf32>
      %swap3A_283 = vector.shape_cast %swap3A_282 : vector<1x1x128xf32> to vector<1x128xf32>
      %swap3A_284 = vector.shape_cast %mul3A_278 : vector<1x128xf32> to vector<1x1x128xf32>
      tpu.vector_store %arg16[%swap3A_279, %swap3A_280, %swap3A_281], %swap3A_284 {strides = array<i32>} : memref<2x1x128xf32, #tpu.memory_space<vmem>>, vector<1x1x128xf32>,
      %get3A_285 = arith.constant 0 : index
      %get3A_286 = arith.constant 0 : index
      %get3A_287 = vector.load %arg21[%get3A_285, %get3A_286] : memref<1024x1024xf32, #tpu.memory_space<vmem>>, vector<1024x1024xf32>
      %dot_general3A_288 = arith.constant dense<0.000000e+00> : vector<128x1024xf32>
      %dot_general3A_289 = tpu.matmul %mul3A_256, %get3A_287, %dot_general3A_288 {dimension_numbers = #tpu.dot_dimension_numbers<[1], [1], [0], [0], [0, 0, 1, 0], [], []>, transpose_lhs_hint = false} : vector<128x1024xf32>, vector<1024x1024xf32>, vector<128x1024xf32> -> vector<128x1024xf32>
      %swap3A_290 = arith.constant 0 : index
      %swap3A_291 = arith.constant 0 : index
      %swap3A_292 = arith.constant 0 : index
      %swap3A_293 = vector.load %arg17[%swap3A_290, %swap3A_291, %swap3A_292] : memref<2x128x1024xf32, #tpu.memory_space<vmem>>, vector<1x128x1024xf32>
      %swap3A_294 = vector.shape_cast %swap3A_293 : vector<1x128x1024xf32> to vector<128x1024xf32>
      %swap3A_295 = vector.shape_cast %dot_general3A_289 : vector<128x1024xf32> to vector<1x128x1024xf32>
      tpu.vector_store %arg17[%swap3A_290, %swap3A_291, %swap3A_292], %swap3A_295 {strides = array<i32>} : memref<2x128x1024xf32, #tpu.memory_space<vmem>>, vector<1x128x1024xf32>,
      %jit3A_296 = arith.constant 8 : i32
      %eq3A_297 = arith.constant 0 : i32
      %eq3A_298 = arith.cmpi eq, %jit3A_296, %eq3A_297 : i32
      %jit3A_299 = arith.constant 1 : i32
      %select_n3A_300 = arith.select %eq3A_298, %jit3A_299, %jit3A_296 : i32
      %rem3A_301 = vector.broadcast %select_n3A_300 : i32 to vector<128x16xi32>
      %rem3A_302 = arith.remsi %iota3A_222, %rem3A_301 : vector<128x16xi32>
      %ne3A_303 = arith.constant 0 : i32
      %ne3A_304 = vector.broadcast %ne3A_303 : i32 to vector<128x16xi32>
      %ne3A_305 = arith.cmpi ne, %rem3A_302, %ne3A_304 : vector<128x16xi32>
      %lt3A_306 = arith.constant 0 : i32
      %lt3A_307 = vector.broadcast %lt3A_306 : i32 to vector<128x16xi32>
      %lt3A_308 = arith.cmpi slt, %rem3A_302, %lt3A_307 : vector<128x16xi32>
      %lt3A_309 = arith.constant 0 : i32
      %lt3A_310 = arith.cmpi slt, %select_n3A_300, %lt3A_309 : i32
      %ne3A_311 = vector.broadcast %lt3A_310 : i1 to vector<128x16xi1>
      %ne3A_312 = vector.broadcast %ne3A_311 : vector<128x16xi1> to vector<128x16xi1>
      %ne3A_313 = arith.xori %lt3A_308, %ne3A_312 : vector<128x16xi1>
      %and3A_314 = arith.andi %ne3A_313, %ne3A_305 : vector<128x16xi1>
      %add3A_315 = vector.broadcast %select_n3A_300 : i32 to vector<128x16xi32>
      %add3A_316 = arith.addi %rem3A_302, %add3A_315 : vector<128x16xi32>
      %select_n3A_317 = arith.select %and3A_314, %add3A_316, %rem3A_302 : vector<128x16xi1>, vector<128x16xi32>
      %add3A_318 = arith.constant 8 : i32
      %add3A_319 = vector.broadcast %add3A_318 : i32 to vector<128x16xi32>
      %add3A_320 = arith.addi %add3A_319, %select_n3A_317 : vector<128x16xi32>
      %eq3A_321 = arith.cmpi eq, %iota3A_223, %add3A_320 : vector<128x16xi32>
      %convert_element_type3A_322 = arith.extui %eq3A_321 : vector<128x16xi1> to vector<128x16xi32>
      %convert_element_type3A_323 = arith.sitofp %convert_element_type3A_322 : vector<128x16xi32> to vector<128x16xf32>
      %dot_general3A_324 = arith.constant dense<0.000000e+00> : vector<128x1024xf32>
      %dot_general3A_325 = tpu.matmul %convert_element_type3A_323, %add3A_144, %dot_general3A_324 {dimension_numbers = #tpu.dot_dimension_numbers<[1], [0], [0], [1], [0, 0, 1, 1], [], []>, transpose_lhs_hint = false} : vector<128x16xf32>, vector<16x1024xf32>, vector<128x1024xf32> -> vector<128x1024xf32>
      %mul3A_326 = arith.mulf %dot_general3A_325, %convert_element_type3A_221 : vector<128x1024xf32>
      %dot_general3A_327 = arith.constant dense<0.000000e+00> : vector<128x1024xf32>
      %dot_general3A_328 = tpu.matmul %convert_element_type3A_323, %add3A_154, %dot_general3A_327 {dimension_numbers = #tpu.dot_dimension_numbers<[1], [0], [0], [1], [0, 0, 1, 1], [], []>, transpose_lhs_hint = false} : vector<128x16xf32>, vector<16x1024xf32>, vector<128x1024xf32> -> vector<128x1024xf32>
      %mul3A_329 = arith.mulf %dot_general3A_328, %convert_element_type3A_221 : vector<128x1024xf32>
      %get3A_330 = arith.constant 0 : index
      %get3A_331 = arith.constant 0 : index
      %get3A_332 = vector.load %arg20[%get3A_330, %get3A_331] : memref<1024x1024xf32, #tpu.memory_space<vmem>>, vector<1024x1024xf32>
      %dot_general3A_333 = arith.constant dense<0.000000e+00> : vector<1024x128xf32>
      %dot_general3A_334 = tpu.matmul %get3A_332, %mul3A_326, %dot_general3A_333 {dimension_numbers = #tpu.dot_dimension_numbers<[0], [1], [1], [0], [0, 1, 1, 0], [], []>, transpose_lhs_hint = false} : vector<1024x1024xf32>, vector<128x1024xf32>, vector<1024x128xf32> -> vector<1024x128xf32>
      %mul3A_335 = arith.constant 1.250000e-01 : f32
      %mul3A_336 = vector.broadcast %mul3A_335 : f32 to vector<1024x128xf32>
      %mul3A_337 = arith.mulf %mul3A_336, %dot_general3A_334 : vector<1024x128xf32>
      %swap3A_338 = arith.constant 1 : index
      %swap3A_339 = arith.constant 0 : index
      %swap3A_340 = arith.constant 0 : index
      %swap3A_341 = vector.load %arg15[%swap3A_338, %swap3A_339, %swap3A_340] : memref<2x1024x128xf32, #tpu.memory_space<vmem>>, vector<1x1024x128xf32>
      %swap3A_342 = vector.shape_cast %swap3A_341 : vector<1x1024x128xf32> to vector<1024x128xf32>
      %swap3A_343 = vector.shape_cast %mul3A_337 : vector<1024x128xf32> to vector<1x1024x128xf32>
      tpu.vector_store %arg15[%swap3A_338, %swap3A_339, %swap3A_340], %swap3A_343 {strides = array<i32>} : memref<2x1024x128xf32, #tpu.memory_space<vmem>>, vector<1x1024x128xf32>,
      %get3A_344 = arith.constant 0 : index
      %get3A_345 = arith.constant 0 : index
      %get3A_346 = vector.load %arg5[%get3A_344, %get3A_345] : memref<1x1024xf32, #tpu.memory_space<vmem>>, vector<1x1024xf32>
      %dot_general3A_347 = arith.constant dense<0.000000e+00> : vector<1x128xf32>
      %dot_general3A_348 = tpu.matmul %get3A_346, %mul3A_326, %dot_general3A_347 {dimension_numbers = #tpu.dot_dimension_numbers<[1], [1], [0], [0], [0, 0, 1, 0], [], []>, transpose_lhs_hint = false} : vector<1x1024xf32>, vector<128x1024xf32>, vector<1x128xf32> -> vector<1x128xf32>
      %mul3A_349 = arith.constant 1.250000e-01 : f32
      %mul3A_350 = vector.broadcast %mul3A_349 : f32 to vector<1x128xf32>
      %mul3A_351 = arith.mulf %mul3A_350, %dot_general3A_348 : vector<1x128xf32>
      %swap3A_352 = arith.constant 1 : index
      %swap3A_353 = arith.constant 0 : index
      %swap3A_354 = arith.constant 0 : index
      %swap3A_355 = vector.load %arg16[%swap3A_352, %swap3A_353, %swap3A_354] : memref<2x1x128xf32, #tpu.memory_space<vmem>>, vector<1x1x128xf32>
      %swap3A_356 = vector.shape_cast %swap3A_355 : vector<1x1x128xf32> to vector<1x128xf32>
      %swap3A_357 = vector.shape_cast %mul3A_351 : vector<1x128xf32> to vector<1x1x128xf32>
      tpu.vector_store %arg16[%swap3A_352, %swap3A_353, %swap3A_354], %swap3A_357 {strides = array<i32>} : memref<2x1x128xf32, #tpu.memory_space<vmem>>, vector<1x1x128xf32>,
      %get3A_358 = arith.constant 0 : index
      %get3A_359 = arith.constant 0 : index
      %get3A_360 = vector.load %arg21[%get3A_358, %get3A_359] : memref<1024x1024xf32, #tpu.memory_space<vmem>>, vector<1024x1024xf32>
      %dot_general3A_361 = arith.constant dense<0.000000e+00> : vector<128x1024xf32>
      %dot_general3A_362 = tpu.matmul %mul3A_329, %get3A_360, %dot_general3A_361 {dimension_numbers = #tpu.dot_dimension_numbers<[1], [1], [0], [0], [0, 0, 1, 0], [], []>, transpose_lhs_hint = false} : vector<128x1024xf32>, vector<1024x1024xf32>, vector<128x1024xf32> -> vector<128x1024xf32>
      %swap3A_363 = arith.constant 1 : index
      %swap3A_364 = arith.constant 0 : index
      %swap3A_365 = arith.constant 0 : index
      %swap3A_366 = vector.load %arg17[%swap3A_363, %swap3A_364, %swap3A_365] : memref<2x128x1024xf32, #tpu.memory_space<vmem>>, vector<1x128x1024xf32>
      %swap3A_367 = vector.shape_cast %swap3A_366 : vector<1x128x1024xf32> to vector<128x1024xf32>
      %swap3A_368 = vector.shape_cast %dot_general3A_362 : vector<128x1024xf32> to vector<1x128x1024xf32>
      tpu.vector_store %arg17[%swap3A_363, %swap3A_364, %swap3A_365], %swap3A_368 {strides = array<i32>} : memref<2x128x1024xf32, #tpu.memory_space<vmem>>, vector<1x128x1024xf32>,
    } else {
    }
    %get3A = arith.constant 0 : index
    %get3A_4 = arith.constant 0 : index
    %get3A_5 = arith.constant 0 : index
    %get3A_6 = vector.load %arg10[%get3A, %get3A_4, %get3A_5] : memref<1x512x1024xf32, #tpu.memory_space<vmem>>, vector<1x512x1024xf32>
    %get3A_7 = vector.shape_cast %get3A_6 : vector<1x512x1024xf32> to vector<512x1024xf32>
    %get3A_8 = arith.index_cast %arg0 : i32 to index
    %get3A_9 = arith.constant 0 : index
    %get3A_10 = arith.constant 0 : index
    %get3A_11 = vector.load %arg15[%get3A_8, %get3A_9, %get3A_10] : memref<2x1024x128xf32, #tpu.memory_space<vmem>>, vector<1x1024x128xf32>
    %get3A_12 = vector.shape_cast %get3A_11 : vector<1x1024x128xf32> to vector<1024x128xf32>
    %dot_general3A = arith.constant dense<0.000000e+00> : vector<512x128xf32>
    %dot_general3A_13 = tpu.matmul %get3A_7, %get3A_12, %dot_general3A {dimension_numbers = #tpu.dot_dimension_numbers<[1], [0], [0], [1], [0, 0, 1, 1], [], []>, transpose_lhs_hint = false} : vector<512x1024xf32>, vector<1024x128xf32>, vector<512x128xf32> -> vector<512x128xf32>
    %get3A_14 = arith.index_cast %arg0 : i32 to index
    %get3A_15 = arith.constant 0 : index
    %get3A_16 = arith.constant 0 : index
    %get3A_17 = vector.load %arg16[%get3A_14, %get3A_15, %get3A_16] : memref<2x1x128xf32, #tpu.memory_space<vmem>>, vector<1x1x128xf32>
    %get3A_18 = vector.shape_cast %get3A_17 : vector<1x1x128xf32> to vector<1x128xf32>
    %add3A = vector.broadcast %get3A_18 : vector<1x128xf32> to vector<512x128xf32>
    %add3A_19 = arith.addf %dot_general3A_13, %add3A : vector<512x128xf32>
    %reduce_max3A = arith.constant dense<0xFF800000> : vector<512xf32>
    %reduce_max3A_20 = vector.multi_reduction <maximumf>, %add3A_19, %reduce_max3A [1] : vector<512x128xf32> to vector<512xf32>
    %broadcast_in_dim3A = vector.shape_cast %reduce_max3A_20 : vector<512xf32> to vector<512x1xf32>
    %sub3A = vector.broadcast %broadcast_in_dim3A : vector<512x1xf32> to vector<512x128xf32>
    %sub3A_21 = arith.subf %add3A_19, %sub3A : vector<512x128xf32>
    %exp3A = math.exp %sub3A_21 : vector<512x128xf32>
    %iota3A = tpu.iota {dimensions = array<i32: 0>} : vector<128x128xi32>
    %jit3A = arith.constant 8 : i32
    %div3A = vector.broadcast %jit3A : i32 to vector<128x128xi32>
    %div3A_22 = arith.divsi %iota3A, %div3A : vector<128x128xi32>
    %sign3A = arith.constant 0 : i32
    %sign3A_23 = vector.broadcast %sign3A : i32 to vector<128x128xi32>
    %sign3A_24 = arith.cmpi sgt, %iota3A, %sign3A_23 : vector<128x128xi32>
    %sign3A_25 = arith.extui %sign3A_24 : vector<128x128xi1> to vector<128x128xi32>
    %sign3A_26 = arith.constant 0 : i32
    %sign3A_27 = vector.broadcast %sign3A_26 : i32 to vector<128x128xi32>
    %sign3A_28 = arith.cmpi slt, %iota3A, %sign3A_27 : vector<128x128xi32>
    %sign3A_29 = arith.extui %sign3A_28 : vector<128x128xi1> to vector<128x128xi32>
    %sign3A_30 = arith.subi %sign3A_25, %sign3A_29 : vector<128x128xi32>
    %sign3A_31 = arith.constant 0 : i32
    %sign3A_32 = arith.cmpi sgt, %jit3A, %sign3A_31 : i32
    %sign3A_33 = arith.extui %sign3A_32 : i1 to i32
    %sign3A_34 = arith.constant 0 : i32
    %sign3A_35 = arith.cmpi slt, %jit3A, %sign3A_34 : i32
    %sign3A_36 = arith.extui %sign3A_35 : i1 to i32
    %sign3A_37 = arith.subi %sign3A_33, %sign3A_36 : i32
    %ne3A = vector.broadcast %sign3A_37 : i32 to vector<128x128xi32>
    %ne3A_38 = arith.cmpi ne, %sign3A_30, %ne3A : vector<128x128xi32>
    %rem3A = vector.broadcast %jit3A : i32 to vector<128x128xi32>
    %rem3A_39 = arith.remsi %iota3A, %rem3A : vector<128x128xi32>
    %ne3A_40 = arith.constant 0 : i32
    %ne3A_41 = vector.broadcast %ne3A_40 : i32 to vector<128x128xi32>
    %ne3A_42 = arith.cmpi ne, %rem3A_39, %ne3A_41 : vector<128x128xi32>
    %and3A_43 = arith.andi %ne3A_38, %ne3A_42 : vector<128x128xi1>
    %sub3A_44 = arith.constant 1 : i32
    %sub3A_45 = vector.broadcast %sub3A_44 : i32 to vector<128x128xi32>
    %sub3A_46 = arith.subi %div3A_22, %sub3A_45 : vector<128x128xi32>
    %select_n3A = arith.select %and3A_43, %sub3A_46, %div3A_22 : vector<128x128xi1>, vector<128x128xi32>
    %iota3A_47 = tpu.iota {dimensions = array<i32: 1>} : vector<128x128xi32>
    %jit3A_48 = arith.constant 8 : i32
    %div3A_49 = vector.broadcast %jit3A_48 : i32 to vector<128x128xi32>
    %div3A_50 = arith.divsi %iota3A_47, %div3A_49 : vector<128x128xi32>
    %sign3A_51 = arith.constant 0 : i32
    %sign3A_52 = vector.broadcast %sign3A_51 : i32 to vector<128x128xi32>
    %sign3A_53 = arith.cmpi sgt, %iota3A_47, %sign3A_52 : vector<128x128xi32>
    %sign3A_54 = arith.extui %sign3A_53 : vector<128x128xi1> to vector<128x128xi32>
    %sign3A_55 = arith.constant 0 : i32
    %sign3A_56 = vector.broadcast %sign3A_55 : i32 to vector<128x128xi32>
    %sign3A_57 = arith.cmpi slt, %iota3A_47, %sign3A_56 : vector<128x128xi32>
    %sign3A_58 = arith.extui %sign3A_57 : vector<128x128xi1> to vector<128x128xi32>
    %sign3A_59 = arith.subi %sign3A_54, %sign3A_58 : vector<128x128xi32>
    %sign3A_60 = arith.constant 0 : i32
    %sign3A_61 = arith.cmpi sgt, %jit3A_48, %sign3A_60 : i32
    %sign3A_62 = arith.extui %sign3A_61 : i1 to i32
    %sign3A_63 = arith.constant 0 : i32
    %sign3A_64 = arith.cmpi slt, %jit3A_48, %sign3A_63 : i32
    %sign3A_65 = arith.extui %sign3A_64 : i1 to i32
    %sign3A_66 = arith.subi %sign3A_62, %sign3A_65 : i32
    %ne3A_67 = vector.broadcast %sign3A_66 : i32 to vector<128x128xi32>
    %ne3A_68 = arith.cmpi ne, %sign3A_59, %ne3A_67 : vector<128x128xi32>
    %rem3A_69 = vector.broadcast %jit3A_48 : i32 to vector<128x128xi32>
    %rem3A_70 = arith.remsi %iota3A_47, %rem3A_69 : vector<128x128xi32>
    %ne3A_71 = arith.constant 0 : i32
    %ne3A_72 = vector.broadcast %ne3A_71 : i32 to vector<128x128xi32>
    %ne3A_73 = arith.cmpi ne, %rem3A_70, %ne3A_72 : vector<128x128xi32>
    %and3A_74 = arith.andi %ne3A_68, %ne3A_73 : vector<128x128xi1>
    %sub3A_75 = arith.constant 1 : i32
    %sub3A_76 = vector.broadcast %sub3A_75 : i32 to vector<128x128xi32>
    %sub3A_77 = arith.subi %div3A_50, %sub3A_76 : vector<128x128xi32>
    %select_n3A_78 = arith.select %and3A_74, %sub3A_77, %div3A_50 : vector<128x128xi1>, vector<128x128xi32>
    %eq3A_79 = arith.cmpi eq, %select_n3A, %select_n3A_78 : vector<128x128xi32>
    %convert_element_type3A_80 = arith.extui %eq3A_79 : vector<128x128xi1> to vector<128x128xi32>
    %convert_element_type3A_81 = arith.sitofp %convert_element_type3A_80 : vector<128x128xi32> to vector<128x128xf32>
    %dot_general3A_82 = arith.constant dense<0.000000e+00> : vector<512x128xf32>
    %dot_general3A_83 = tpu.matmul %exp3A, %convert_element_type3A_81, %dot_general3A_82 {dimension_numbers = #tpu.dot_dimension_numbers<[1], [0], [0], [1], [0, 0, 1, 1], [], []>, transpose_lhs_hint = false} : vector<512x128xf32>, vector<128x128xf32>, vector<512x128xf32> -> vector<512x128xf32>
    %div3A_84 = arith.divf %exp3A, %dot_general3A_83 : vector<512x128xf32>
    %get3A_85 = arith.index_cast %arg0 : i32 to index
    %get3A_86 = arith.constant 0 : index
    %get3A_87 = arith.constant 0 : index
    %get3A_88 = vector.load %arg17[%get3A_85, %get3A_86, %get3A_87] : memref<2x128x1024xf32, #tpu.memory_space<vmem>>, vector<1x128x1024xf32>
    %get3A_89 = vector.shape_cast %get3A_88 : vector<1x128x1024xf32> to vector<128x1024xf32>
    %dot_general3A_90 = arith.constant dense<0.000000e+00> : vector<512x1024xf32>
    %dot_general3A_91 = tpu.matmul %div3A_84, %get3A_89, %dot_general3A_90 {dimension_numbers = #tpu.dot_dimension_numbers<[1], [0], [0], [1], [0, 0, 1, 1], [], []>, transpose_lhs_hint = false} : vector<512x128xf32>, vector<128x1024xf32>, vector<512x1024xf32> -> vector<512x1024xf32>
    %get3A_92 = arith.constant 0 : index
    %get3A_93 = arith.constant 0 : index
    %get3A_94 = vector.load %arg11[%get3A_92, %get3A_93] : memref<1x1024xf32, #tpu.memory_space<vmem>>, vector<1x1024xf32>
    %add3A_95 = vector.broadcast %get3A_94 : vector<1x1024xf32> to vector<512x1024xf32>
    %add3A_96 = arith.addf %dot_general3A_91, %add3A_95 : vector<512x1024xf32>
    %add3A_97 = arith.addf %get3A_7, %add3A_96 : vector<512x1024xf32>
    %reduce_sum3A = arith.constant dense<0.000000e+00> : vector<512xf32>
    %reduce_sum3A_98 = vector.multi_reduction <add>, %add3A_97, %reduce_sum3A [1] : vector<512x1024xf32> to vector<512xf32>
    %broadcast_in_dim3A_99 = vector.shape_cast %reduce_sum3A_98 : vector<512xf32> to vector<512x1xf32>
    %div3A_100 = arith.constant 1.024000e+03 : f32
    %div3A_101 = vector.broadcast %div3A_100 : f32 to vector<512x1xf32>
    %div3A_102 = arith.divf %broadcast_in_dim3A_99, %div3A_101 : vector<512x1xf32>
    %sub3A_103 = vector.broadcast %div3A_102 : vector<512x1xf32> to vector<512x1024xf32>
    %sub3A_104 = arith.subf %add3A_97, %sub3A_103 : vector<512x1024xf32>
    %square3A = arith.mulf %sub3A_104, %sub3A_104 : vector<512x1024xf32>
    %reduce_sum3A_105 = arith.constant dense<0.000000e+00> : vector<512xf32>
    %reduce_sum3A_106 = vector.multi_reduction <add>, %square3A, %reduce_sum3A_105 [1] : vector<512x1024xf32> to vector<512xf32>
    %broadcast_in_dim3A_107 = vector.shape_cast %reduce_sum3A_106 : vector<512xf32> to vector<512x1xf32>
    %div3A_108 = arith.constant 1.024000e+03 : f32
    %div3A_109 = vector.broadcast %div3A_108 : f32 to vector<512x1xf32>
    %div3A_110 = arith.divf %broadcast_in_dim3A_107, %div3A_109 : vector<512x1xf32>
    %sub3A_111 = vector.broadcast %div3A_102 : vector<512x1xf32> to vector<512x1024xf32>
    %sub3A_112 = arith.subf %add3A_97, %sub3A_111 : vector<512x1024xf32>
    %add3A_113 = arith.constant 9.99999974E-6 : f32
    %add3A_114 = vector.broadcast %add3A_113 : f32 to vector<512x1xf32>
    %add3A_115 = arith.addf %div3A_110, %add3A_114 : vector<512x1xf32>
    %rsqrt3A = math.rsqrt %add3A_115 : vector<512x1xf32>
    %mul3A = vector.broadcast %rsqrt3A : vector<512x1xf32> to vector<512x1024xf32>
    %mul3A_116 = arith.mulf %sub3A_112, %mul3A : vector<512x1024xf32>
    %get3A_117 = arith.constant 0 : index
    %get3A_118 = arith.constant 0 : index
    %get3A_119 = vector.load %arg12[%get3A_117, %get3A_118] : memref<1x1024xf32, #tpu.memory_space<vmem>>, vector<1x1024xf32>
    %mul3A_120 = vector.broadcast %get3A_119 : vector<1x1024xf32> to vector<512x1024xf32>
    %mul3A_121 = arith.mulf %mul3A_116, %mul3A_120 : vector<512x1024xf32>
    %get3A_122 = arith.constant 0 : index
    %get3A_123 = arith.constant 0 : index
    %get3A_124 = vector.load %arg13[%get3A_122, %get3A_123] : memref<1x1024xf32, #tpu.memory_space<vmem>>, vector<1x1024xf32>
    %add3A_125 = vector.broadcast %get3A_124 : vector<1x1024xf32> to vector<512x1024xf32>
    %add3A_126 = arith.addf %mul3A_121, %add3A_125 : vector<512x1024xf32>
    %swap3A = arith.constant 0 : index
    %swap3A_127 = arith.constant 0 : index
    %swap3A_128 = arith.constant 0 : index
    %swap3A_129 = vector.load %arg14[%swap3A, %swap3A_127, %swap3A_128] : memref<1x512x1024xf32, #tpu.memory_space<vmem>>, vector<1x512x1024xf32>
    %swap3A_130 = vector.shape_cast %swap3A_129 : vector<1x512x1024xf32> to vector<512x1024xf32>
    %swap3A_131 = vector.shape_cast %add3A_126 : vector<512x1024xf32> to vector<1x512x1024xf32>
    tpu.vector_store %arg14[%swap3A, %swap3A_127, %swap3A_128], %swap3A_131 {strides = array<i32>} : memref<1x512x1024xf32, #tpu.memory_space<vmem>>, vector<1x512x1024xf32>,
    return
  }
  func.func @transform_0(%arg0: i32, %arg1: i32) -> (i32, i32) {
    %c0_i32 = arith.constant 0 : i32
    %c0_i32_0 = arith.constant 0 : i32
    %c0_i32_1 = arith.constant 0 : i32
    return %c0_i32, %c0_i32_0 : i32, i32
  }
  func.func @transform_1(%arg0: i32, %arg1: i32) -> (i32, i32) {
    %c0_i32 = arith.constant 0 : i32
    %c0_i32_0 = arith.constant 0 : i32
    %c0_i32_1 = arith.constant 0 : i32
    return %c0_i32, %c0_i32_0 : i32, i32
  }
  func.func @transform_2(%arg0: i32, %arg1: i32) -> (i32, i32) {
    %c0_i32 = arith.constant 0 : i32
    %c0_i32_0 = arith.constant 0 : i32
    %c0_i32_1 = arith.constant 0 : i32
    return %c0_i32, %c0_i32_0 : i32, i32
  }
  func.func @transform_3(%arg0: i32, %arg1: i32) -> (i32, i32) {
    %c0_i32 = arith.constant 0 : i32
    %c0_i32_0 = arith.constant 0 : i32
    %c0_i32_1 = arith.constant 0 : i32
    return %c0_i32, %c0_i32_0 : i32, i32
  }
  func.func @transform_8(%arg0: i32, %arg1: i32) -> (i32, i32, i32) {
    %c0_i32 = arith.constant 0 : i32
    %c0_i32_0 = arith.constant 0 : i32
    return %arg0, %arg1, %c0_i32 : i32, i32, i32
  }
  func.func @transform_9(%arg0: i32, %arg1: i32) -> (i32, i32) {
    %c0_i32 = arith.constant 0 : i32
    %c0_i32_0 = arith.constant 0 : i32
    %c0_i32_1 = arith.constant 0 : i32
    return %c0_i32, %c0_i32_0 : i32, i32
  }
  func.func @transform_10(%arg0: i32, %arg1: i32) -> (i32, i32) {
    %c0_i32 = arith.constant 0 : i32
    %c0_i32_0 = arith.constant 0 : i32
    %c0_i32_1 = arith.constant 0 : i32
    return %c0_i32, %c0_i32_0 : i32, i32
  }
  func.func @transform_11(%arg0: i32, %arg1: i32) -> (i32, i32) {
    %c0_i32 = arith.constant 0 : i32
    %c0_i32_0 = arith.constant 0 : i32
    %c0_i32_1 = arith.constant 0 : i32
    return %c0_i32, %c0_i32_0 : i32, i32
  }
  func.func @transform_12(%arg0: i32, %arg1: i32) -> (i32, i32, i32) {
    %c0_i32 = arith.constant 0 : i32
    %c0_i32_0 = arith.constant 0 : i32
    return %arg0, %arg1, %c0_i32 : i32, i32, i32
  }
}

</mosaic_0001>

<sc_bundles>
// kernel: kernel.5.cloned.1.call-start
scs
__scs_entry_jumppad:
0x0: {  	(pc) =	sbr.rel $0x88, $3  }
0x1: {  	(tag) =	ssettag $0x0;
	lr =	simm.s32 $0x1  }
0x2: {  	[smem:$0x3F8C] =	sst lr;
	_ =	strace $0xD0000000  }
0x3: {  	_ = 	snop  }
0x4: {  	_ = 	snop  }
0x5: {  	_ = 	snop  }
0x6: {  	_ = 	snop  }
0x7: {  	_ = 	snop  }
__scs_overlays_trampoline_lowered:
0x8: {  	[smem:$0x3F9B] =	sst s0  }
0x9: {  	[smem:$0x3F9C] =	sst s1  }
0xa: {  	[smem:$0x3F9D] =	sst s2  }
0xb: {  	[smem:$0x3F9E] =	sst s3  }
0xc: {  	[smem:$0x3F9F] =	sst s4  }
0xd: {  	[smem:$0x3FA0] =	sst s5  }
0xe: {  	[smem:$0x3FA1] =	sst s6  }
0xf: {  	[smem:$0x3FA2] =	sst s7  }
0x10: {  	[smem:$0x3FA3] =	sst s8  }
0x11: {  	[smem:$0x3FA4] =	sst s9;
	s0 =	simm.s32 @!p0 $0x0  }
0x12: {  	s1 =	sld [smem:$0x3F8A];
	s0 =	simm.s32 @p0 $0x1  }
0x13: {  	[smem:$0x3FA5] =	sst s0;
	s0 =	simm.s32 @!p1 $0x0  }
0x14: {  	s2 =	sld [smem:$0x3F89];
	s0 =	simm.s32 @p1 $0x1  }
0x15: {  	[smem:$0x3FA6] =	sst s0;
	s0 =	simm.s32 @!p2 $0x0  }
0x16: {  	s3 =	sld [smem:$0x3FDB];
	s0 =	simm.s32 @p2 $0x1  }
0x17: {  	s4 =	simm.s32 $0x1BF5;
	[smem:$0x3FA8] =	sst s0  }
0x18: {  	s0 =	sld [smem:$0x3F8B];
	_ =	swait.ge [sflag:s4], $0x0  }
0x19: {  	s7 =	sld [smem:$0x3F8C]  }
0x1a: {  	s8 =	sadd.s32 $0xFFFFE003, lr  }
0x1b: {  	s9 =	sadd.s32 $0xFFFFFEF7, lr;
	s5 =	simm.s32 $0xFFFFFFFF;
	p2 =	slt.u32 s8, $0xFFFFF086  }
0x1c: {  	p1 =	slt.u32 s9, $0xF7A;
	s5 =	simm.s32 @!p2 $0x0  }
0x1d: {  	s5 =	simm.s32 @p1 $0x1;
	p0 =	seq.s32 s7, s2  }
0x1e: {  	s7 =	smul.u32 @!p0 $0xF7A, s2;
	p2 =	seq.s32 @!p0 s5, $0x0  }
0x1f: {  	s9 =	smul.u32 $0xF7A, s1;
	s8 =	simm.s32 @!p0 $0x1BF5;
	p2 =	por !p2, p0  }
0x20: {  	[sflag:s8] =	ssyncset.s32 @!p0 $0xFFFFF086;
	s6 =	sadd.s32 @!p0 s3, s7;
	s7 =	simm.s32 @!p0 $0x108  }
0x21: {  	s3 =	sadd.s32 s3, s9;
	s6 =	sadd.s32 @!p0 $0x88, s6;
	s7 =	simm.s32 @p2 $0x1082  }
0x22: {  	[simem:s7], [sflag:s8] =	dma.local @!p0 [hbm:s6], $0xF7A  }
0x23: {  	s9 =	sor.u32 $0xD0000000, s2;
	s6 =	simm.s32 $0x108;
	_ =	swait.ge @!p0 [sflag:s8], $0x0  }
0x24: {  	s3 =	sadd.s32 $0x88, s3;
	s6 =	simm.s32 @!p1 $0x1082;
	[sflag:s4] =	ssyncset.s32 $0xFFFFF086  }
0x25: {  	[simem:s6], [sflag:s4] =	dma.local [hbm:s3], $0xF7A  }
0x26: {  	[smem:$0x3F8C] =	sst s1;
	(tag) =	ssettag s2;
	_ =	strace s9  }
0x27: {  	s1 =	sld [smem:$0x3F9C]  }
0x28: {  	s2 =	sld [smem:$0x3F9D]  }
0x29: {  	s4 =	sld [smem:$0x3F9F]  }
0x2a: {  	p0 =	seq.s32 s5, $0x0;
	s5 =	sld [smem:$0x3FA0]  }
0x2b: {  	s6 =	sld [smem:$0x3FA1]  }
0x2c: {  	s7 =	sld [smem:$0x3FA2]  }
0x2d: {  	s3 =	simm.s32 $0x108;
	s8 =	sld [smem:$0x3FA3]  }
0x2e: {  	s3 =	simm.s32 @!p0 $0x1082;
	s9 =	sld [smem:$0x3FA4]  }
0x2f: {  	lr =	sadd.s32 s0, s3;
	s0 =	sld [smem:$0x3F9B]  }
0x30: {  	s3 =	sld [smem:$0x3F9E]  }
0x31: {  	[smem:$0x3FA7] =	sst s10  }
0x32: {  	s10 =	sld [smem:$0x3FA5];
	_ =	sdelay $0x3  }
0x33: {  	p0 =	seq.s32 s10, $0x1;
	s10 =	sld [smem:$0x3FA7];
	_ =	sdelay $0x3  }
0x34: {  	[smem:$0x3FA7] =	sst s10  }
0x35: {  	s10 =	sld [smem:$0x3FA6];
	_ =	sdelay $0x3  }
0x36: {  	p1 =	seq.s32 s10, $0x1;
	s10 =	sld [smem:$0x3FA7];
	_ =	sdelay $0x3  }
0x37: {  	[smem:$0x3FA7] =	sst s10  }
0x38: {  	s10 =	sld [smem:$0x3FA8]  }
0x39: {  	_ = 	snop;
	(pc) =	sbr.ind lr, $3  }
0x3a: {  	_ = 	snop  }
0x3b: {  	_ = 	snop  }
0x3c: {  	p2 =	seq.s32 s10, $0x1;
	s10 =	sld [smem:$0x3FA7]  }
0x3d: {  	_ =	shalt  }
0x3e: {  	_ =	shalt  }
0x3f: {  	_ =	shalt  }
0x40: {  	_ =	shalt  }
0x41: {  	_ =	shalt  }
0x42: {  	_ =	shalt  }
0x43: {  	_ =	shalt  }
0x44: {  	_ =	shalt  }
0x45: {  	_ =	shalt  }
0x46: {  	_ =	shalt  }
0x47: {  	_ =	shalt  }
0x48: {  	_ =	shalt  }
0x49: {  	_ =	shalt  }
0x4a: {  	_ =	shalt  }
0x4b: {  	_ =	shalt  }
0x4c: {  	_ =	shalt  }
0x4d: {  	_ =	shalt  }
0x4e: {  	_ =	shalt  }
0x4f: {  	_ =	shalt  }
0x50: {  	_ =	shalt  }
0x51: {  	_ =	shalt  }
0x52: {  	_ =	shalt  }
0x53: {  	_ =	shalt  }
0x54: {  	_ =	shalt  }
0x55: {  	_ =	shalt  }
0x56: {  	_ =	shalt  }
0x57: {  	_ =	shalt  }
0x58: {  	_ =	shalt  }
0x59: {  	_ =	shalt  }
0x5a: {  	_ =	shalt  }
0x5b: {  	_ =	shalt  }
0x5c: {  	_ =	shalt  }
0x5d: {  	_ =	shalt  }
0x5e: {  	_ =	shalt  }
0x5f: {  	_ =	shalt  }
0x60: {  	_ =	shalt  }
0x61: {  	_ =	shalt  }
0x62: {  	_ =	shalt  }
0x63: {  	_ =	shalt  }
0x64: {  	_ =	shalt  }
0x65: {  	_ =	shalt  }
0x66: {  	_ =	shalt  }
0x67: {  	_ =	shalt  }
0x68: {  	_ =	shalt  }
0x69: {  	_ =	shalt  }
0x6a: {  	_ =	shalt  }
0x6b: {  	_ =	shalt  }
0x6c: {  	_ =	shalt  }
0x6d: {  	_ =	shalt  }
0x6e: {  	_ =	shalt  }
0x6f: {  	_ =	shalt  }
0x70: {  	_ =	shalt  }
0x71: {  	_ =	shalt  }
0x72: {  	_ =	shalt  }
0x73: {  	_ =	shalt  }
0x74: {  	_ =	shalt  }
0x75: {  	_ =	shalt  }
0x76: {  	_ =	shalt  }
0x77: {  	_ =	shalt  }
0x78: {  	_ =	shalt  }
0x79: {  	_ =	shalt  }
0x7a: {  	_ =	shalt  }
0x7b: {  	_ =	shalt  }
0x7c: {  	_ =	shalt  }
0x7d: {  	_ =	shalt  }
0x7e: {  	_ =	shalt  }
0x7f: {  	_ =	shalt  }
0x80: {  	_ =	shalt  }
0x81: {  	_ =	shalt  }
0x82: {  	_ =	shalt  }
0x83: {  	_ =	shalt  }
0x84: {  	_ =	shalt  }
0x85: {  	_ =	shalt  }
0x86: {  	_ =	shalt  }
0x87: {  	_ =	shalt  }
.Lfunc_end0:
.L_simem_size_0:
called_computation_lowered:
.L_overlay_start_0:
0x88: {  	s2 =	sld [smem:$0x3FD9]  }
0x89: {  	s3 =	sld [smem:$0x3FFE];
	_ =	sdelay $0x1  }
0x8a: {  	s1 =	srdreg.scid  }
0x8b: {  	s0 =	sand.u32 $0x1, s1  }
0x8c: {  	s17 =	sshll.u32 s0, $0xA;
	s2 =	sadd.s32 s3, s2  }
0x8d: {  	s2 =	sadd.s32 s2, s17  }
0x8e: {  	[smem:$0x3FB3] =	sst s2  }
0x8f: {  	_ = 	snop  }
0x90: {  	s2 =	sld [smem:$0x3FC7]  }
0x91: {  	s18 =	sld [smem:$0x3FD0];
	(tm) =	ssettm $0x1  }
0x92: {  	s4 =	sld [smem:$0x3FFB];
	_ =	sdelay $0x3  }
0x93: {  	_ =	strace s4  }
0x94: {  	s4 =	sld [smem:$0x3FFC];
	_ =	sdelay $0x3  }
0x95: {  	_ =	strace s4  }
0x96: {  	s4 =	sld [smem:$0x3FFD];
	_ =	sdelay $0x3  }
0x97: {  	_ =	strace s4  }
0x98: {  	_ =	strace $0x8FFFFFFF  }
0x99: {  	s19 =	sld [smem:$0x3FDB];
	_ =	sdelay $0x1  }
0x9a: {  	s5 =	simm.s32 $_scs_section_size  }
0x9b: {  	s6 =	simm.s32 $_size__tile_overlayer_lowered;
	s7 =	simm.s32 $_tile_overlayer_lowered  }
0x9c: {  	s22 =	simm.s32 $0x1BFF;
	s21 =	sshll.u32 s7, $0x1;
	s4 =	sadd.s32 s5, s19  }
0x9d: {  	s8 =	simm.s32 $0x0;
	s20 =	sshll.u32 s6, $0x1;
	s6 =	sadd.s32 s21, s4  }
0x9e: {  	[timem:s8], [sflag:s22] =	dma.local [hbm:s6], s20  }
0x9f: {  	_ =	swait.ge [sflag:s22], s20  }
0xa0: {  	s5 =	ssub.s32 $0x0, s20;
	[sflag:s22] =	ssyncset.done $0x0  }
0xa1: {  	[sflag:s22] =	ssyncadd.s32 s5;
	_ =	sdelay $0x1  }
0xa2: {  	s23 =	simm.s32 $0x1B8B  }
0xa3: {  	_ =	swait.ge [sflag:s23], $0x1  }
0xa4: {  	[sflag:s23] =	ssyncset.done $0x0  }
0xa5: {  	s25 =	simm.s32 $0x1B8E;
	s24 =	sld [smem:$0x3FFE];
	[sflag:s23] =	ssyncadd.s32 $0xFFFFFFFF  }
0xa6: {  	s26 =	simm.s32 $execute0_lowered;
	[smem:$0x3FD2] =	sst s25  }
0xa7: {  	s6 =	sshll.u32 s26, $0x1;
	_ =	strace $0x80000046;
	[dreg:$0x1] =	wrdreg $0xFFFFFFFF  }
0xa8: {  	s28 =	simm.s32 $_size_execute0_lowered;
	s4 =	sadd.s32 s4, s6;
	[dreg:$0x0] =	wrdreg $0x0  }
0xa9: {  	s6 =	sshll.u32 s28, $0x1;
	[dreg:$0x2] =	wrdreg s4  }
0xaa: {  	[dreg:$0x3] =	wrdreg s6  }
0xab: {  	[dreg:$0x4] =	wrdreg $0xC0  }
0xac: {  	_ =	task [dreg:s8], $0x5FFFF  }
0xad: {  	[dreg:$0x1] =	wrdreg $0xFFFFFFFF  }
0xae: {  	[dreg:$0x0] =	wrdreg $0x60  }
0xaf: {  	[dreg:$0x2] =	wrdreg s24  }
0xb0: {  	[dreg:$0x3] =	wrdreg s2  }
0xb1: {  	[dreg:$0x4] =	wrdreg s18  }
0xb2: {  	[dreg:$0x5] =	wrdreg $0x9  }
0xb3: {  	_ =	task.clear_ibuf [dreg:s8], $0x6FFFF;
	_ =	strace $0x90000046  }
0xb4: {  	s29 =	simm.s32 $0x9;
	_ =	strace $0x80000048  }
0xb5: {  	_ =	swait.ge [sflag:s29], $0x1  }
0xb6: {  	[sflag:s29] =	ssyncadd.s32 $0xFFFFFFFF  }
0xb7: {  	_ =	strace $0x90000048  }
0xb8: {  	_ =	sfence  }
0xb9: {  	s30 =	sld [smem:$0x0];
	_ =	sdelay $0x2  }
0xba: {  	s31 =	sshll.u32 s1, $0xD;
	s1 =	sshrl.u32 s1, $0x2  }
0xbb: {  	s3 =	sand.u32 $0x4000, s31;
	s1 =	sadd.s32 s1, s30  }
0xbc: {  	s0 =	sor.u32 s3, s0;
	s1 =	sshll.u32 s1, $0x11  }
0xbd: {  	s0 =	sor.u32 s1, s0  }
0xbe: {  	s0 =	sadd.s32 $0x8F2B, s0  }
0xbf: {  	[sflag:s0] =	ssyncadd.remote.s32 $0x1  }
0xc0: {  	_ =	sfence.sel $0xFFFF  }
0xc1: {  	[dreg:$0x0] =	wrdreg $0xFFFFFFFF;
	(pc) =	sbr.abs _section_cstart, $3  }
0xc2: {  	[dreg:$0x1] =	wrdreg $0xFFFFFFFF  }
0xc3: {  	_ =	task.clear_ibuf [dreg:s8], $0x2FFFF;
	_ =	strace $0x9FFFFFFF  }
0xc4: {  	(tm) =	ssettm $0x7FFFFFFF  }
0xc5: {  	_ =	shalt  }
tec
execute0_lowered:
.L_overlay_start_1:
0x0: {  	(tag) =	ssettag $0x1  }
0x1: {  	s4 =	stileid.u32  }
0x2: {  	p0 =	sne.s32 s4, $0x0  }
.Ltmp0:
0x3: {  	s3 =	rddreg [dreg:$0x0];
	(pc) =	sbr.rel @p0 .LBB2_3-.Ltmp0, $4  }
0x4: {  	s1 =	rddreg [dreg:$0x1]  }
0x5: {  	s6 =	rddreg [dreg:$0x2];
	s2 =	simm.s32 $0x0  }
0x6: {  	[smem:$0x7FF] =	sst s2  }
0x7: {  	s0 =	rddreg [dreg:$0x3];
	_ =	strace $0x80000047  }
0x8: {  	v0 =	vimm.s32 $0xEFCDAB89  }
0x9: {  	v1 =	vimm.s32 $0x67452301;
	v2 =	vimm.s32 $0xDCFE98BA;
	v3 =	vimm.s32 $0xBA98FEDC  }
0xa: {  	v4 =	vimm.s32 $0x32107654;
	v0 =	vunpack.c.l.s4.s8 v0;
	v1 =	vunpack.c.l.s4.s8 v1  }
0xb: {  	v5 =	vimm.s32 $0xFEDCBA98;
	v6 =	vimm.s32 $0x76543210;
	vm0 =	vmmov $0x1  }
0xc: {  	v2 =	vunpack.c.l.s4.s8 v2;
	v0 =	vunpack.c.0.s8.s32 v0;
	v1 =	vunpack.c.0.s8.s32 v1  }
0xd: {  	vm1 =	vcmask $0x320;
	vm2 =	vcmask $0x720;
	vm3 =	vcmask $0xB20  }
0xe: {  	v0 =	vcombine.low v1, v0;
	v1 =	vunpack.c.0.s8.s32 v2;
	v2 =	vimm.s32 $0x54761032  }
0xf: {  	v3 =	vunpack.c.l.s4.s8 v3;
	v4 =	vunpack.c.l.s4.s8 v4;
	v2 =	vunpack.c.l.s4.s8 v2  }
0x10: {  	vm4 =	vcmask $0xF20;
	vm5 =	vcmask $0x1320;
	v5 =	vunpack.c.l.s4.s8 v5  }
0x11: {  	v3 =	vunpack.c.0.s8.s32 v3;
	v4 =	vunpack.c.0.s8.s32 v4;
	v2 =	vunpack.c.0.s8.s32 v2  }
0x12: {  	vm6 =	vcmask $0x1720;
	vm7 =	vcmask $0x1B20;
	v6 =	vunpack.c.l.s4.s8 v6  }
0x13: {  	v3 =	vcombine.low v4, v3;
	v1 =	vcombine.low v2, v1;
	v2 =	vunpack.c.0.s8.s32 v5  }
0x14: {  	s4 =	srdreg.scid;
	s8 =	sadd.s32 $0x2E00, s3;
	vm8 =	vmmov $0xffff;
	v4 =	vunpack.c.0.s8.s32 v6;
	v0 =	vand.u32 $0xF, v0  }
0x15: {  	s3 =	sadd.s32 $0x100, s1;
	s5 =	sadd.s32 $0x300, s1;
	s12 =	simm.s32 $0x180;
	v3 =	vand.u32 $0xF, v3;
	v5 =	vand.u32 $0xF, v2;
	v2 =	vlaneseq.u32  }
0x16: {  	s13 =	simm.s32 $0x980;
	s14 =	simm.s32 $0x1180;
	s15 =	simm.s32 $0x1980;
	v1 =	vand.u32 $0xF, v1;
	v4 =	vcombine.low v5, v4;
	v5 =	vor.u32 $0xF0, v2  }
0x17: {  	s16 =	simm.s32 $0x2180;
	s17 =	simm.s32 $0x2980;
	s18 =	simm.s32 $0x3180;
	v6 =	vor.u32 $0xE0, v2;
	v7 =	vor.u32 $0xD0, v2;
	v8 =	vor.u32 $0xC0, v2  }
0x18: {  	s19 =	simm.s32 $0x3980;
	s20 =	simm.s32 $0x1;
	s7 =	sand.u32 $0x1, s4;
	v9 =	vor.u32 $0xB0, v2;
	v10 =	vor.u32 $0xA0, v2;
	v11 =	vor.u32 $0x90, v2  }
0x19: {  	s4 =	sadd.s32 $0x200, s1;
	s9 =	ssub.s32 $0x2, s7;
	s11 =	sshll.u32 s7, $0xA;
	v12 =	vor.u32 $0x80, v2;
	v13 =	vor.u32 $0x70, v2;
	v14 =	vor.u32 $0x60, v2  }
0x1a: {  	s7 =	sshll.u32 s7, $0x4;
	s10 =	sshrl.u32 s9, $0x1;
	s6 =	sadd.s32 s6, s11;
	v15 =	vor.u32 $0x50, v2;
	v16 =	vor.u32 $0x40, v2;
	v17 =	vor.u32 $0x30, v2  }
0x1b: {  	s7 =	sadd.s32 s8, s7;
	s11 =	simm.s32 $0x2;
	s9 =	ssub.s32 s9, s10;
	v18 =	vor.u32 $0x20, v2;
	v19 =	vor.u32 $0x10, v2;
	v21 =	vshrl.u32 v2, $0x3  }
0x1c: {  	s10 =	simm.s32 $0x100;
	s8 =	smax.u32 s9, $0x1;
	s9 =	simm.s32 $0x80;
	v20 =	vand.u32 $0x7, v2;
	v22 =	vor.u32 $0x8, v2;
	v21 =	vmul.u32 $0x8, v21  }
.LBB2_2:
0x1d: {  	[tilespmem:s2], [sflag:$0x2] =	stream.strided.gather [hbm4b:s7+s9], $0x100, s10, s9, $0x38;
	[tilespmem:$0x4180] =	vst v63  }
0x1e: {  	_ =	swait.ge [sflag:s11], $0x100  }
0x1f: {  	[sflag:s11] =	ssyncset.done $0x0  }
0x20: {  	[sflag:s11] =	ssyncadd.s32 $0xFFFFFF00  }
0x21: {  	v24 =	vld [tilespmem:$0x0]  }
0x22: {  	v25 =	vld [tilespmem:$0x10]  }
0x23: {  	v26 =	vld [tilespmem:$0x20]  }
0x24: {  	v27 =	vld [tilespmem:$0x30]  }
0x25: {  	v28 =	vld [tilespmem:$0x40]  }
0x26: {  	v29 =	vld [tilespmem:$0x50]  }
0x27: {  	v30 =	vld [tilespmem:$0x60];
	v23 =	vmax.f32 v24, v25  }
0x28: {  	v31 =	vld [tilespmem:$0x70];
	v23 =	vmax.f32 v23, v26  }
0x29: {  	v32 =	vld [tilespmem:$0x80];
	v23 =	vmax.f32 v23, v27  }
0x2a: {  	v33 =	vld [tilespmem:$0x90];
	v23 =	vmax.f32 v23, v28  }
0x2b: {  	v34 =	vld [tilespmem:$0xA0];
	v23 =	vmax.f32 v23, v29  }
0x2c: {  	v35 =	vld [tilespmem:$0xB0];
	v23 =	vmax.f32 v23, v30  }
0x2d: {  	v36 =	vld [tilespmem:$0xC0];
	v23 =	vmax.f32 v23, v31  }
0x2e: {  	v37 =	vld [tilespmem:$0xD0];
	v23 =	vmax.f32 v23, v32  }
0x2f: {  	v38 =	vld [tilespmem:$0xE0];
	v23 =	vmax.f32 v23, v33  }
0x30: {  	v39 =	vld [tilespmem:$0xF0];
	v23 =	vmax.f32 v23, v34  }
0x31: {  	v23 =	vmax.f32 v23, v35  }
0x32: {  	v23 =	vmax.f32 v23, v36  }
0x33: {  	v23 =	vmax.f32 v23, v37  }
0x34: {  	v23 =	vmax.f32 v23, v38  }
0x35: {  	v23 =	vmax.f32 v23, v39  }
0x36: {  	v40 =	vperm.xlane v23, v0;
	_ =	sdelay $0x1  }
0x37: {  	v23 =	vmax.f32 v23, v40  }
0x38: {  	v40 =	vperm.xlane v23, v1;
	_ =	sdelay $0x1  }
0x39: {  	v23 =	vmax.f32 v23, v40  }
0x3a: {  	v40 =	vperm.xlane v23, v3;
	_ =	sdelay $0x1  }
0x3b: {  	v23 =	vmax.f32 v23, v40  }
0x3c: {  	v40 =	vperm.xlane v23, v4;
	_ =	sdelay $0x1  }
0x3d: {  	v23 =	vmax.f32 v23, v40  }
0x3e: {  	vm9 =	veq.f32 v39, v23  }
0x3f: {  	vm10 =	veq.f32 v38, v23;
	v48 =	vnsel vm9, $0x100, v5  }
0x40: {  	vm9 =	veq.f32 v37, v23;
	v40 =	vsel vm10, v6, v48  }
0x41: {  	vm10 =	veq.f32 v36, v23;
	v40 =	vsel vm9, v7, v40  }
0x42: {  	vm9 =	veq.f32 v35, v23;
	v40 =	vsel vm10, v8, v40  }
0x43: {  	vm10 =	veq.f32 v34, v23;
	v40 =	vsel vm9, v9, v40  }
0x44: {  	vm9 =	veq.f32 v33, v23;
	v40 =	vsel vm10, v10, v40  }
0x45: {  	vm10 =	veq.f32 v32, v23;
	v40 =	vsel vm9, v11, v40  }
0x46: {  	vm9 =	veq.f32 v31, v23;
	v40 =	vsel vm10, v12, v40  }
0x47: {  	vm10 =	veq.f32 v30, v23;
	v40 =	vsel vm9, v13, v40  }
0x48: {  	vm9 =	veq.f32 v29, v23;
	v40 =	vsel vm10, v14, v40  }
0x49: {  	vm10 =	veq.f32 v28, v23;
	v40 =	vsel vm9, v15, v40  }
0x4a: {  	vm9 =	veq.f32 v27, v23;
	v40 =	vsel vm10, v16, v40  }
0x4b: {  	vm10 =	veq.f32 v26, v23;
	v40 =	vsel vm9, v17, v40  }
0x4c: {  	vm9 =	veq.f32 v25, v23;
	v40 =	vsel vm10, v18, v40  }
0x4d: {  	vm10 =	veq.f32 v24, v23;
	v23 =	vsel vm9, v19, v40  }
0x4e: {  	v23 =	vsel vm10, v2, v23  }
0x4f: {  	v49 =	vperm.xlane v23, v0;
	_ =	sdelay $0x1  }
0x50: {  	vm9 =	vlt.s32 v23, v49  }
0x51: {  	v23 =	vsel vm9, v23, v49  }
0x52: {  	v40 =	vperm.xlane v23, v1;
	_ =	sdelay $0x1  }
0x53: {  	vm9 =	vlt.s32 v23, v40  }
0x54: {  	v23 =	vsel vm9, v23, v40  }
0x55: {  	v40 =	vperm.xlane v23, v3;
	_ =	sdelay $0x1  }
0x56: {  	vm9 =	vlt.s32 v23, v40  }
0x57: {  	v23 =	vsel vm9, v23, v40  }
0x58: {  	v40 =	vperm.xlane v23, v4;
	_ =	sdelay $0x1  }
0x59: {  	vm9 =	vlt.s32 v23, v40  }
0x5a: {  	v23 =	vsel vm9, v23, v40  }
0x5b: {  	vm9 =	veq.s32 v23, v2;
	vm10 =	veq.s32 v23, v19  }
0x5c: {  	v50 =	vsel vm9, $0xFF800000, v24;
	v25 =	vsel vm10, $0xFF800000, v25;
	vm9 =	veq.s32 v23, v18  }
0x5d: {  	v26 =	vsel vm9, $0xFF800000, v26;
	vm9 =	veq.s32 v23, v17;
	v24 =	vmax.f32 v50, v25  }
0x5e: {  	v27 =	vsel vm9, $0xFF800000, v27;
	vm9 =	veq.s32 v23, v16;
	v24 =	vmax.f32 v24, v26  }
0x5f: {  	v28 =	vsel vm9, $0xFF800000, v28;
	vm9 =	veq.s32 v23, v15;
	v24 =	vmax.f32 v24, v27  }
0x60: {  	v29 =	vsel vm9, $0xFF800000, v29;
	vm9 =	veq.s32 v23, v14;
	v24 =	vmax.f32 v24, v28  }
0x61: {  	v30 =	vsel vm9, $0xFF800000, v30;
	vm9 =	veq.s32 v23, v13;
	v24 =	vmax.f32 v24, v29  }
0x62: {  	v31 =	vsel vm9, $0xFF800000, v31;
	vm9 =	veq.s32 v23, v12;
	v24 =	vmax.f32 v24, v30  }
0x63: {  	v32 =	vsel vm9, $0xFF800000, v32;
	vm9 =	veq.s32 v23, v11;
	v24 =	vmax.f32 v24, v31  }
0x64: {  	v33 =	vsel vm9, $0xFF800000, v33;
	vm9 =	veq.s32 v23, v10;
	v24 =	vmax.f32 v24, v32  }
0x65: {  	v34 =	vsel vm9, $0xFF800000, v34;
	vm9 =	veq.s32 v23, v9;
	v24 =	vmax.f32 v24, v33  }
0x66: {  	v35 =	vsel vm9, $0xFF800000, v35;
	vm9 =	veq.s32 v23, v8;
	v24 =	vmax.f32 v24, v34  }
0x67: {  	v36 =	vsel vm9, $0xFF800000, v36;
	vm9 =	veq.s32 v23, v7;
	v24 =	vmax.f32 v24, v35  }
0x68: {  	v37 =	vsel vm9, $0xFF800000, v37;
	vm9 =	veq.s32 v23, v6;
	v24 =	vmax.f32 v24, v36  }
0x69: {  	v38 =	vsel vm9, $0xFF800000, v38;
	vm9 =	veq.s32 v23, v5;
	v24 =	vmax.f32 v24, v37  }
0x6a: {  	v39 =	vsel vm9, $0xFF800000, v39;
	v24 =	vmax.f32 v24, v38  }
0x6b: {  	v24 =	vmax.f32 v24, v39  }
0x6c: {  	v41 =	vperm.xlane v24, v0;
	_ =	sdelay $0x1  }
0x6d: {  	v24 =	vmax.f32 v24, v41  }
0x6e: {  	v41 =	vperm.xlane v24, v1;
	_ =	sdelay $0x1  }
0x6f: {  	v24 =	vmax.f32 v24, v41  }
0x70: {  	v41 =	vperm.xlane v24, v3;
	_ =	sdelay $0x1  }
0x71: {  	v24 =	vmax.f32 v24, v41  }
0x72: {  	v41 =	vperm.xlane v24, v4;
	_ =	sdelay $0x1  }
0x73: {  	v24 =	vmax.f32 v24, v41  }
0x74: {  	vm9 =	veq.f32 v39, v24  }
0x75: {  	vm10 =	veq.f32 v38, v24;
	v51 =	vnsel vm9, $0x100, v5  }
0x76: {  	vm9 =	veq.f32 v37, v24;
	v41 =	vsel vm10, v6, v51  }
0x77: {  	vm10 =	veq.f32 v36, v24;
	v41 =	vsel vm9, v7, v41  }
0x78: {  	vm9 =	veq.f32 v35, v24;
	v41 =	vsel vm10, v8, v41  }
0x79: {  	vm10 =	veq.f32 v34, v24;
	v41 =	vsel vm9, v9, v41  }
0x7a: {  	vm9 =	veq.f32 v33, v24;
	v41 =	vsel vm10, v10, v41  }
0x7b: {  	vm10 =	veq.f32 v32, v24;
	v41 =	vsel vm9, v11, v41  }
0x7c: {  	vm9 =	veq.f32 v31, v24;
	v41 =	vsel vm10, v12, v41  }
0x7d: {  	vm10 =	veq.f32 v30, v24;
	v41 =	vsel vm9, v13, v41  }
0x7e: {  	vm9 =	veq.f32 v29, v24;
	v41 =	vsel vm10, v14, v41  }
0x7f: {  	vm10 =	veq.f32 v28, v24;
	v41 =	vsel vm9, v15, v41  }
0x80: {  	vm9 =	veq.f32 v27, v24;
	v41 =	vsel vm10, v16, v41  }
0x81: {  	vm10 =	veq.f32 v26, v24;
	v41 =	vsel vm9, v17, v41  }
0x82: {  	vm9 =	veq.f32 v25, v24;
	v41 =	vsel vm10, v18, v41  }
0x83: {  	vm10 =	veq.f32 v50, v24;
	v52 =	vsel vm9, v19, v41  }
0x84: {  	v24 =	vsel vm10, v2, v52  }
0x85: {  	v53 =	vperm.xlane v24, v0;
	_ =	sdelay $0x1  }
0x86: {  	vm9 =	vlt.s32 v24, v53  }
0x87: {  	v24 =	vsel vm9, v24, v53  }
0x88: {  	v41 =	vperm.xlane v24, v1;
	_ =	sdelay $0x1  }
0x89: {  	vm9 =	vlt.s32 v24, v41  }
0x8a: {  	v24 =	vsel vm9, v24, v41  }
0x8b: {  	v41 =	vperm.xlane v24, v3;
	_ =	sdelay $0x1  }
0x8c: {  	vm9 =	vlt.s32 v24, v41  }
0x8d: {  	v24 =	vsel vm9, v24, v41  }
0x8e: {  	v41 =	vperm.xlane v24, v4;
	_ =	sdelay $0x1  }
0x8f: {  	vm9 =	vlt.s32 v24, v41  }
0x90: {  	v24 =	vsel vm9, v24, v41  }
0x91: {  	vm9 =	veq.s32 v24, v2;
	vm10 =	veq.s32 v24, v19  }
0x92: {  	v40 =	vsel vm9, $0xFF800000, v50;
	v54 =	vsel vm10, $0xFF800000, v25;
	vm9 =	veq.s32 v24, v18  }
0x93: {  	v26 =	vsel vm9, $0xFF800000, v26;
	vm9 =	veq.s32 v24, v17;
	v25 =	vmax.f32 v40, v54  }
0x94: {  	v27 =	vsel vm9, $0xFF800000, v27;
	vm9 =	veq.s32 v24, v16;
	v25 =	vmax.f32 v25, v26  }
0x95: {  	v28 =	vsel vm9, $0xFF800000, v28;
	vm9 =	veq.s32 v24, v15;
	v25 =	vmax.f32 v25, v27  }
0x96: {  	v29 =	vsel vm9, $0xFF800000, v29;
	vm9 =	veq.s32 v24, v14;
	v25 =	vmax.f32 v25, v28  }
0x97: {  	v30 =	vsel vm9, $0xFF800000, v30;
	vm9 =	veq.s32 v24, v13;
	v25 =	vmax.f32 v25, v29  }
0x98: {  	v31 =	vsel vm9, $0xFF800000, v31;
	vm9 =	veq.s32 v24, v12;
	v25 =	vmax.f32 v25, v30  }
0x99: {  	v32 =	vsel vm9, $0xFF800000, v32;
	vm9 =	veq.s32 v24, v11;
	v25 =	vmax.f32 v25, v31  }
0x9a: {  	v33 =	vsel vm9, $0xFF800000, v33;
	vm9 =	veq.s32 v24, v10;
	v25 =	vmax.f32 v25, v32  }
0x9b: {  	v34 =	vsel vm9, $0xFF800000, v34;
	vm9 =	veq.s32 v24, v9;
	v25 =	vmax.f32 v25, v33  }
0x9c: {  	v35 =	vsel vm9, $0xFF800000, v35;
	vm9 =	veq.s32 v24, v8;
	v25 =	vmax.f32 v25, v34  }
0x9d: {  	v36 =	vsel vm9, $0xFF800000, v36;
	vm9 =	veq.s32 v24, v7;
	v25 =	vmax.f32 v25, v35  }
0x9e: {  	v37 =	vsel vm9, $0xFF800000, v37;
	vm9 =	veq.s32 v24, v6;
	v25 =	vmax.f32 v25, v36  }
0x9f: {  	v38 =	vsel vm9, $0xFF800000, v38;
	vm9 =	veq.s32 v24, v5;
	v25 =	vmax.f32 v25, v37  }
0xa0: {  	v39 =	vsel vm9, $0xFF800000, v39;
	v25 =	vmax.f32 v25, v38  }
0xa1: {  	v25 =	vmax.f32 v25, v39  }
0xa2: {  	v42 =	vperm.xlane v25, v0;
	_ =	sdelay $0x1  }
0xa3: {  	v25 =	vmax.f32 v25, v42  }
0xa4: {  	v42 =	vperm.xlane v25, v1;
	_ =	sdelay $0x1  }
0xa5: {  	v25 =	vmax.f32 v25, v42  }
0xa6: {  	v42 =	vperm.xlane v25, v3;
	_ =	sdelay $0x1  }
0xa7: {  	v25 =	vmax.f32 v25, v42  }
0xa8: {  	v42 =	vperm.xlane v25, v4;
	_ =	sdelay $0x1  }
0xa9: {  	v25 =	vmax.f32 v25, v42  }
0xaa: {  	vm9 =	veq.f32 v39, v25  }
0xab: {  	vm10 =	veq.f32 v38, v25;
	v55 =	vnsel vm9, $0x100, v5  }
0xac: {  	vm9 =	veq.f32 v37, v25;
	v42 =	vsel vm10, v6, v55  }
0xad: {  	vm10 =	veq.f32 v36, v25;
	v42 =	vsel vm9, v7, v42  }
0xae: {  	vm9 =	veq.f32 v35, v25;
	v42 =	vsel vm10, v8, v42  }
0xaf: {  	vm10 =	veq.f32 v34, v25;
	v42 =	vsel vm9, v9, v42  }
0xb0: {  	vm9 =	veq.f32 v33, v25;
	v42 =	vsel vm10, v10, v42  }
0xb1: {  	vm10 =	veq.f32 v32, v25;
	v42 =	vsel vm9, v11, v42  }
0xb2: {  	vm9 =	veq.f32 v31, v25;
	v42 =	vsel vm10, v12, v42  }
0xb3: {  	vm10 =	veq.f32 v30, v25;
	v42 =	vsel vm9, v13, v42  }
0xb4: {  	vm9 =	veq.f32 v29, v25;
	v42 =	vsel vm10, v14, v42  }
0xb5: {  	vm10 =	veq.f32 v28, v25;
	v42 =	vsel vm9, v15, v42  }
0xb6: {  	vm9 =	veq.f32 v27, v25;
	v42 =	vsel vm10, v16, v42  }
0xb7: {  	vm10 =	veq.f32 v26, v25;
	v42 =	vsel vm9, v17, v42  }
0xb8: {  	vm9 =	veq.f32 v54, v25;
	v42 =	vsel vm10, v18, v42  }
0xb9: {  	vm10 =	veq.f32 v40, v25;
	v56 =	vsel vm9, v19, v42  }
0xba: {  	v25 =	vsel vm10, v2, v56  }
0xbb: {  	v57 =	vperm.xlane v25, v0;
	_ =	sdelay $0x1  }
0xbc: {  	vm9 =	vlt.s32 v25, v57  }
0xbd: {  	v25 =	vsel vm9, v25, v57  }
0xbe: {  	v42 =	vperm.xlane v25, v1;
	_ =	sdelay $0x1  }
0xbf: {  	vm9 =	vlt.s32 v25, v42  }
0xc0: {  	v25 =	vsel vm9, v25, v42  }
0xc1: {  	v42 =	vperm.xlane v25, v3;
	_ =	sdelay $0x1  }
0xc2: {  	vm9 =	vlt.s32 v25, v42  }
0xc3: {  	v25 =	vsel vm9, v25, v42  }
0xc4: {  	v42 =	vperm.xlane v25, v4;
	_ =	sdelay $0x1  }
0xc5: {  	vm9 =	vlt.s32 v25, v42  }
0xc6: {  	v25 =	vsel vm9, v25, v42  }
0xc7: {  	vm9 =	veq.s32 v25, v2;
	vm10 =	veq.s32 v25, v19  }
0xc8: {  	v40 =	vsel vm9, $0xFF800000, v40;
	v41 =	vsel vm10, $0xFF800000, v54;
	vm9 =	veq.s32 v25, v18  }
0xc9: {  	v58 =	vsel vm9, $0xFF800000, v26;
	vm9 =	veq.s32 v25, v17;
	v59 =	vmax.f32 v40, v41  }
0xca: {  	v27 =	vsel vm9, $0xFF800000, v27;
	vm9 =	veq.s32 v25, v16;
	v26 =	vmax.f32 v59, v58  }
0xcb: {  	v28 =	vsel vm9, $0xFF800000, v28;
	vm9 =	veq.s32 v25, v15;
	v26 =	vmax.f32 v26, v27  }
0xcc: {  	v29 =	vsel vm9, $0xFF800000, v29;
	vm9 =	veq.s32 v25, v14;
	v26 =	vmax.f32 v26, v28  }
0xcd: {  	v30 =	vsel vm9, $0xFF800000, v30;
	vm9 =	veq.s32 v25, v13;
	v26 =	vmax.f32 v26, v29  }
0xce: {  	v31 =	vsel vm9, $0xFF800000, v31;
	vm9 =	veq.s32 v25, v12;
	v26 =	vmax.f32 v26, v30  }
0xcf: {  	v32 =	vsel vm9, $0xFF800000, v32;
	vm9 =	veq.s32 v25, v11;
	v26 =	vmax.f32 v26, v31  }
0xd0: {  	v33 =	vsel vm9, $0xFF800000, v33;
	vm9 =	veq.s32 v25, v10;
	v26 =	vmax.f32 v26, v32  }
0xd1: {  	v34 =	vsel vm9, $0xFF800000, v34;
	vm9 =	veq.s32 v25, v9;
	v26 =	vmax.f32 v26, v33  }
0xd2: {  	v35 =	vsel vm9, $0xFF800000, v35;
	vm9 =	veq.s32 v25, v8;
	v26 =	vmax.f32 v26, v34  }
0xd3: {  	v36 =	vsel vm9, $0xFF800000, v36;
	vm9 =	veq.s32 v25, v7;
	v26 =	vmax.f32 v26, v35  }
0xd4: {  	v37 =	vsel vm9, $0xFF800000, v37;
	vm9 =	veq.s32 v25, v6;
	v26 =	vmax.f32 v26, v36  }
0xd5: {  	v38 =	vsel vm9, $0xFF800000, v38;
	vm9 =	veq.s32 v25, v5;
	v26 =	vmax.f32 v26, v37  }
0xd6: {  	v39 =	vsel vm9, $0xFF800000, v39;
	v26 =	vmax.f32 v26, v38  }
0xd7: {  	v26 =	vmax.f32 v26, v39  }
0xd8: {  	v43 =	vperm.xlane v26, v0;
	_ =	sdelay $0x1  }
0xd9: {  	v26 =	vmax.f32 v26, v43  }
0xda: {  	v43 =	vperm.xlane v26, v1;
	_ =	sdelay $0x1  }
0xdb: {  	v26 =	vmax.f32 v26, v43  }
0xdc: {  	v43 =	vperm.xlane v26, v3;
	_ =	sdelay $0x1  }
0xdd: {  	v26 =	vmax.f32 v26, v43  }
0xde: {  	v43 =	vperm.xlane v26, v4;
	_ =	sdelay $0x1  }
0xdf: {  	v26 =	vmax.f32 v26, v43  }
0xe0: {  	vm9 =	veq.f32 v39, v26  }
0xe1: {  	vm10 =	veq.f32 v38, v26;
	v60 =	vnsel vm9, $0x100, v5  }
0xe2: {  	vm9 =	veq.f32 v37, v26;
	v43 =	vsel vm10, v6, v60  }
0xe3: {  	vm10 =	veq.f32 v36, v26;
	v43 =	vsel vm9, v7, v43  }
0xe4: {  	vm9 =	veq.f32 v35, v26;
	v43 =	vsel vm10, v8, v43  }
0xe5: {  	vm10 =	veq.f32 v34, v26;
	v43 =	vsel vm9, v9, v43  }
0xe6: {  	vm9 =	veq.f32 v33, v26;
	v43 =	vsel vm10, v10, v43  }
0xe7: {  	vm10 =	veq.f32 v32, v26;
	v43 =	vsel vm9, v11, v43  }
0xe8: {  	vm9 =	veq.f32 v31, v26;
	v43 =	vsel vm10, v12, v43  }
0xe9: {  	vm10 =	veq.f32 v30, v26;
	v43 =	vsel vm9, v13, v43  }
0xea: {  	vm9 =	veq.f32 v29, v26;
	v43 =	vsel vm10, v14, v43  }
0xeb: {  	vm10 =	veq.f32 v28, v26;
	v43 =	vsel vm9, v15, v43  }
0xec: {  	vm9 =	veq.f32 v27, v26;
	v43 =	vsel vm10, v16, v43  }
0xed: {  	vm10 =	veq.f32 v58, v26;
	v43 =	vsel vm9, v17, v43  }
0xee: {  	vm9 =	veq.f32 v41, v26;
	v43 =	vsel vm10, v18, v43  }
0xef: {  	vm10 =	veq.f32 v40, v26;
	v61 =	vsel vm9, v19, v43  }
0xf0: {  	v26 =	vsel vm10, v2, v61  }
0xf1: {  	v62 =	vperm.xlane v26, v0;
	_ =	sdelay $0x1  }
0xf2: {  	vm9 =	vlt.s32 v26, v62  }
0xf3: {  	v26 =	vsel vm9, v26, v62  }
0xf4: {  	v43 =	vperm.xlane v26, v1;
	_ =	sdelay $0x1  }
0xf5: {  	vm9 =	vlt.s32 v26, v43  }
0xf6: {  	v26 =	vsel vm9, v26, v43  }
0xf7: {  	v43 =	vperm.xlane v26, v3;
	_ =	sdelay $0x1  }
0xf8: {  	vm9 =	vlt.s32 v26, v43  }
0xf9: {  	v26 =	vsel vm9, v26, v43  }
0xfa: {  	v43 =	vperm.xlane v26, v4;
	_ =	sdelay $0x1  }
0xfb: {  	vm9 =	vlt.s32 v26, v43  }
0xfc: {  	v26 =	vsel vm9, v26, v43  }
0xfd: {  	vm9 =	veq.s32 v26, v2;
	vm10 =	veq.s32 v26, v19  }
0xfe: {  	v40 =	vsel vm9, $0xFF800000, v40;
	v41 =	vsel vm10, $0xFF800000, v41;
	vm9 =	veq.s32 v26, v18  }
0xff: {  	v42 =	vsel vm9, $0xFF800000, v58;
	vm9 =	veq.s32 v26, v17;
	v63 =	vmax.f32 v40, v41  }
0x100: {  	v44 =	vsel vm9, $0xFF800000, v27;
	vm9 =	veq.s32 v26, v16;
	v43 =	vmax.f32 v63, v42  }
0x101: {  	v28 =	vsel vm9, $0xFF800000, v28;
	vm9 =	veq.s32 v26, v15;
	v27 =	vmax.f32 v43, v44  }
0x102: {  	v29 =	vsel vm9, $0xFF800000, v29;
	vm9 =	veq.s32 v26, v14;
	v27 =	vmax.f32 v27, v28  }
0x103: {  	v30 =	vsel vm9, $0xFF800000, v30;
	vm9 =	veq.s32 v26, v13;
	v27 =	vmax.f32 v27, v29  }
0x104: {  	v31 =	vsel vm9, $0xFF800000, v31;
	vm9 =	veq.s32 v26, v12;
	v27 =	vmax.f32 v27, v30  }
0x105: {  	v32 =	vsel vm9, $0xFF800000, v32;
	vm9 =	veq.s32 v26, v11;
	v27 =	vmax.f32 v27, v31  }
0x106: {  	v33 =	vsel vm9, $0xFF800000, v33;
	vm9 =	veq.s32 v26, v10;
	v27 =	vmax.f32 v27, v32  }
0x107: {  	v34 =	vsel vm9, $0xFF800000, v34;
	vm9 =	veq.s32 v26, v9;
	v27 =	vmax.f32 v27, v33  }
0x108: {  	v35 =	vsel vm9, $0xFF800000, v35;
	vm9 =	veq.s32 v26, v8;
	v27 =	vmax.f32 v27, v34  }
0x109: {  	v36 =	vsel vm9, $0xFF800000, v36;
	vm9 =	veq.s32 v26, v7;
	v27 =	vmax.f32 v27, v35  }
0x10a: {  	v37 =	vsel vm9, $0xFF800000, v37;
	vm9 =	veq.s32 v26, v6;
	v27 =	vmax.f32 v27, v36  }
0x10b: {  	v38 =	vsel vm9, $0xFF800000, v38;
	vm9 =	veq.s32 v26, v5;
	v27 =	vmax.f32 v27, v37  }
0x10c: {  	v39 =	vsel vm9, $0xFF800000, v39;
	v27 =	vmax.f32 v27, v38  }
0x10d: {  	v27 =	vmax.f32 v27, v39  }
0x10e: {  	v45 =	vperm.xlane v27, v0;
	_ =	sdelay $0x1  }
0x10f: {  	v27 =	vmax.f32 v27, v45  }
0x110: {  	v43 =	vperm.xlane v27, v1;
	_ =	sdelay $0x1  }
0x111: {  	v27 =	vmax.f32 v27, v43  }
0x112: {  	v43 =	vperm.xlane v27, v3;
	_ =	sdelay $0x1  }
0x113: {  	v27 =	vmax.f32 v27, v43  }
0x114: {  	v43 =	vperm.xlane v27, v4;
	_ =	sdelay $0x1  }
0x115: {  	v27 =	vmax.f32 v27, v43  }
0x116: {  	vm9 =	veq.f32 v39, v27  }
0x117: {  	vm10 =	veq.f32 v38, v27;
	v46 =	vnsel vm9, $0x100, v5  }
0x118: {  	vm9 =	veq.f32 v37, v27;
	v43 =	vsel vm10, v6, v46  }
0x119: {  	vm10 =	veq.f32 v36, v27;
	v43 =	vsel vm9, v7, v43  }
0x11a: {  	vm9 =	veq.f32 v35, v27;
	v43 =	vsel vm10, v8, v43  }
0x11b: {  	vm10 =	veq.f32 v34, v27;
	v43 =	vsel vm9, v9, v43  }
0x11c: {  	vm9 =	veq.f32 v33, v27;
	v43 =	vsel vm10, v10, v43  }
0x11d: {  	vm10 =	veq.f32 v32, v27;
	v43 =	vsel vm9, v11, v43  }
0x11e: {  	vm9 =	veq.f32 v31, v27;
	v43 =	vsel vm10, v12, v43  }
0x11f: {  	vm10 =	veq.f32 v30, v27;
	v43 =	vsel vm9, v13, v43  }
0x120: {  	vm9 =	veq.f32 v29, v27;
	v43 =	vsel vm10, v14, v43  }
0x121: {  	vm10 =	veq.f32 v28, v27;
	v43 =	vsel vm9, v15, v43  }
0x122: {  	vm9 =	veq.f32 v44, v27;
	v43 =	vsel vm10, v16, v43  }
0x123: {  	vm10 =	veq.f32 v42, v27;
	v43 =	vsel vm9, v17, v43  }
0x124: {  	vm9 =	veq.f32 v41, v27;
	v43 =	vsel vm10, v18, v43  }
0x125: {  	vm10 =	veq.f32 v40, v27;
	v47 =	vsel vm9, v19, v43  }
0x126: {  	v27 =	vsel vm10, v2, v47  }
0x127: {  	v48 =	vperm.xlane v27, v0;
	_ =	sdelay $0x1  }
0x128: {  	vm9 =	vlt.s32 v27, v48  }
0x129: {  	v27 =	vsel vm9, v27, v48  }
0x12a: {  	v43 =	vperm.xlane v27, v1;
	_ =	sdelay $0x1  }
0x12b: {  	vm9 =	vlt.s32 v27, v43  }
0x12c: {  	v27 =	vsel vm9, v27, v43  }
0x12d: {  	v43 =	vperm.xlane v27, v3;
	_ =	sdelay $0x1  }
0x12e: {  	vm9 =	vlt.s32 v27, v43  }
0x12f: {  	v27 =	vsel vm9, v27, v43  }
0x130: {  	v43 =	vperm.xlane v27, v4;
	_ =	sdelay $0x1  }
0x131: {  	vm9 =	vlt.s32 v27, v43  }
0x132: {  	v27 =	vsel vm9, v27, v43  }
0x133: {  	vm9 =	veq.s32 v27, v2;
	vm10 =	veq.s32 v27, v19  }
0x134: {  	v40 =	vsel vm9, $0xFF800000, v40;
	v41 =	vsel vm10, $0xFF800000, v41;
	vm9 =	veq.s32 v27, v18  }
0x135: {  	v42 =	vsel vm9, $0xFF800000, v42;
	vm9 =	veq.s32 v27, v17;
	v49 =	vmax.f32 v40, v41  }
0x136: {  	v44 =	vsel vm9, $0xFF800000, v44;
	vm9 =	veq.s32 v27, v16;
	v43 =	vmax.f32 v49, v42  }
0x137: {  	v45 =	vsel vm9, $0xFF800000, v28;
	vm9 =	veq.s32 v27, v15;
	v50 =	vmax.f32 v43, v44  }
0x138: {  	v29 =	vsel vm9, $0xFF800000, v29;
	vm9 =	veq.s32 v27, v14;
	v28 =	vmax.f32 v50, v45  }
0x139: {  	v30 =	vsel vm9, $0xFF800000, v30;
	vm9 =	veq.s32 v27, v13;
	v28 =	vmax.f32 v28, v29  }
0x13a: {  	v31 =	vsel vm9, $0xFF800000, v31;
	vm9 =	veq.s32 v27, v12;
	v28 =	vmax.f32 v28, v30  }
0x13b: {  	v32 =	vsel vm9, $0xFF800000, v32;
	vm9 =	veq.s32 v27, v11;
	v28 =	vmax.f32 v28, v31  }
0x13c: {  	v33 =	vsel vm9, $0xFF800000, v33;
	vm9 =	veq.s32 v27, v10;
	v28 =	vmax.f32 v28, v32  }
0x13d: {  	v34 =	vsel vm9, $0xFF800000, v34;
	vm9 =	veq.s32 v27, v9;
	v28 =	vmax.f32 v28, v33  }
0x13e: {  	v35 =	vsel vm9, $0xFF800000, v35;
	vm9 =	veq.s32 v27, v8;
	v28 =	vmax.f32 v28, v34  }
0x13f: {  	v36 =	vsel vm9, $0xFF800000, v36;
	vm9 =	veq.s32 v27, v7;
	v28 =	vmax.f32 v28, v35  }
0x140: {  	v37 =	vsel vm9, $0xFF800000, v37;
	vm9 =	veq.s32 v27, v6;
	v28 =	vmax.f32 v28, v36  }
0x141: {  	v38 =	vsel vm9, $0xFF800000, v38;
	vm9 =	veq.s32 v27, v5;
	v28 =	vmax.f32 v28, v37  }
0x142: {  	v39 =	vsel vm9, $0xFF800000, v39;
	v28 =	vmax.f32 v28, v38  }
0x143: {  	v28 =	vmax.f32 v28, v39  }
0x144: {  	v51 =	vperm.xlane v28, v0;
	_ =	sdelay $0x1  }
0x145: {  	v28 =	vmax.f32 v28, v51  }
0x146: {  	v43 =	vperm.xlane v28, v1;
	_ =	sdelay $0x1  }
0x147: {  	v28 =	vmax.f32 v28, v43  }
0x148: {  	v43 =	vperm.xlane v28, v3;
	_ =	sdelay $0x1  }
0x149: {  	v28 =	vmax.f32 v28, v43  }
0x14a: {  	v43 =	vperm.xlane v28, v4;
	_ =	sdelay $0x1  }
0x14b: {  	v28 =	vmax.f32 v28, v43  }
0x14c: {  	vm9 =	veq.f32 v39, v28  }
0x14d: {  	vm10 =	veq.f32 v38, v28;
	v52 =	vnsel vm9, $0x100, v5  }
0x14e: {  	vm9 =	veq.f32 v37, v28;
	v43 =	vsel vm10, v6, v52  }
0x14f: {  	vm10 =	veq.f32 v36, v28;
	v43 =	vsel vm9, v7, v43  }
0x150: {  	vm9 =	veq.f32 v35, v28;
	v43 =	vsel vm10, v8, v43  }
0x151: {  	vm10 =	veq.f32 v34, v28;
	v43 =	vsel vm9, v9, v43  }
0x152: {  	vm9 =	veq.f32 v33, v28;
	v43 =	vsel vm10, v10, v43  }
0x153: {  	vm10 =	veq.f32 v32, v28;
	v43 =	vsel vm9, v11, v43  }
0x154: {  	vm9 =	veq.f32 v31, v28;
	v43 =	vsel vm10, v12, v43  }
0x155: {  	vm10 =	veq.f32 v30, v28;
	v43 =	vsel vm9, v13, v43  }
0x156: {  	vm9 =	veq.f32 v29, v28;
	v43 =	vsel vm10, v14, v43  }
0x157: {  	vm10 =	veq.f32 v45, v28;
	v43 =	vsel vm9, v15, v43  }
0x158: {  	vm9 =	veq.f32 v44, v28;
	v43 =	vsel vm10, v16, v43  }
0x159: {  	vm10 =	veq.f32 v42, v28;
	v43 =	vsel vm9, v17, v43  }
0x15a: {  	vm9 =	veq.f32 v41, v28;
	v43 =	vsel vm10, v18, v43  }
0x15b: {  	vm10 =	veq.f32 v40, v28;
	v53 =	vsel vm9, v19, v43  }
0x15c: {  	v28 =	vsel vm10, v2, v53  }
0x15d: {  	v54 =	vperm.xlane v28, v0;
	_ =	sdelay $0x1  }
0x15e: {  	vm9 =	vlt.s32 v28, v54  }
0x15f: {  	v28 =	vsel vm9, v28, v54  }
0x160: {  	v43 =	vperm.xlane v28, v1;
	_ =	sdelay $0x1  }
0x161: {  	vm9 =	vlt.s32 v28, v43  }
0x162: {  	v28 =	vsel vm9, v28, v43  }
0x163: {  	v43 =	vperm.xlane v28, v3;
	_ =	sdelay $0x1  }
0x164: {  	vm9 =	vlt.s32 v28, v43  }
0x165: {  	v28 =	vsel vm9, v28, v43  }
0x166: {  	v43 =	vperm.xlane v28, v4;
	_ =	sdelay $0x1  }
0x167: {  	vm9 =	vlt.s32 v28, v43  }
0x168: {  	v28 =	vsel vm9, v28, v43  }
0x169: {  	vm9 =	veq.s32 v28, v2;
	vm10 =	veq.s32 v28, v19  }
0x16a: {  	v40 =	vsel vm9, $0xFF800000, v40;
	v41 =	vsel vm10, $0xFF800000, v41;
	vm9 =	veq.s32 v28, v18  }
0x16b: {  	v42 =	vsel vm9, $0xFF800000, v42;
	vm9 =	veq.s32 v28, v17;
	v55 =	vmax.f32 v40, v41  }
0x16c: {  	v44 =	vsel vm9, $0xFF800000, v44;
	vm9 =	veq.s32 v28, v16;
	v43 =	vmax.f32 v55, v42  }
0x16d: {  	v45 =	vsel vm9, $0xFF800000, v45;
	vm9 =	veq.s32 v28, v15;
	v43 =	vmax.f32 v43, v44  }
0x16e: {  	v29 =	vsel vm9, $0xFF800000, v29;
	vm9 =	veq.s32 v28, v14;
	v43 =	vmax.f32 v43, v45  }
0x16f: {  	v30 =	vsel vm9, $0xFF800000, v30;
	vm9 =	veq.s32 v28, v13;
	v43 =	vmax.f32 v43, v29  }
0x170: {  	v31 =	vsel vm9, $0xFF800000, v31;
	vm9 =	veq.s32 v28, v12;
	v43 =	vmax.f32 v43, v30  }
0x171: {  	v32 =	vsel vm9, $0xFF800000, v32;
	vm9 =	veq.s32 v28, v11;
	v43 =	vmax.f32 v43, v31  }
0x172: {  	v33 =	vsel vm9, $0xFF800000, v33;
	vm9 =	veq.s32 v28, v10;
	v43 =	vmax.f32 v43, v32  }
0x173: {  	v34 =	vsel vm9, $0xFF800000, v34;
	vm9 =	veq.s32 v28, v9;
	v43 =	vmax.f32 v43, v33  }
0x174: {  	v35 =	vsel vm9, $0xFF800000, v35;
	vm9 =	veq.s32 v28, v8;
	v43 =	vmax.f32 v43, v34  }
0x175: {  	v36 =	vsel vm9, $0xFF800000, v36;
	vm9 =	veq.s32 v28, v7;
	v43 =	vmax.f32 v43, v35  }
0x176: {  	v37 =	vsel vm9, $0xFF800000, v37;
	vm9 =	veq.s32 v28, v6;
	v43 =	vmax.f32 v43, v36  }
0x177: {  	v38 =	vsel vm9, $0xFF800000, v38;
	vm9 =	veq.s32 v28, v5;
	v43 =	vmax.f32 v43, v37  }
0x178: {  	v39 =	vsel vm9, $0xFF800000, v39;
	v43 =	vmax.f32 v43, v38  }
0x179: {  	v43 =	vmax.f32 v43, v39  }
0x17a: {  	v46 =	vperm.xlane v43, v0;
	_ =	sdelay $0x1  }
0x17b: {  	v43 =	vmax.f32 v43, v46  }
0x17c: {  	v46 =	vperm.xlane v43, v1;
	_ =	sdelay $0x1  }
0x17d: {  	v43 =	vmax.f32 v43, v46  }
0x17e: {  	v46 =	vperm.xlane v43, v3;
	_ =	sdelay $0x1  }
0x17f: {  	v43 =	vmax.f32 v43, v46  }
0x180: {  	v46 =	vperm.xlane v43, v4;
	_ =	sdelay $0x1  }
0x181: {  	v43 =	vmax.f32 v43, v46  }
0x182: {  	vm9 =	veq.f32 v39, v43  }
0x183: {  	vm10 =	veq.f32 v38, v43;
	v56 =	vnsel vm9, $0x100, v5  }
0x184: {  	vm9 =	veq.f32 v37, v43;
	v46 =	vsel vm10, v6, v56  }
0x185: {  	vm10 =	veq.f32 v36, v43;
	v46 =	vsel vm9, v7, v46  }
0x186: {  	vm9 =	veq.f32 v35, v43;
	v46 =	vsel vm10, v8, v46  }
0x187: {  	vm10 =	veq.f32 v34, v43;
	v46 =	vsel vm9, v9, v46  }
0x188: {  	vm9 =	veq.f32 v33, v43;
	v46 =	vsel vm10, v10, v46  }
0x189: {  	vm10 =	veq.f32 v32, v43;
	v46 =	vsel vm9, v11, v46  }
0x18a: {  	vm9 =	veq.f32 v31, v43;
	v46 =	vsel vm10, v12, v46  }
0x18b: {  	vm10 =	veq.f32 v30, v43;
	v46 =	vsel vm9, v13, v46  }
0x18c: {  	vm9 =	veq.f32 v29, v43;
	v46 =	vsel vm10, v14, v46  }
0x18d: {  	vm10 =	veq.f32 v45, v43;
	v46 =	vsel vm9, v15, v46  }
0x18e: {  	vm9 =	veq.f32 v44, v43;
	v46 =	vsel vm10, v16, v46  }
0x18f: {  	vm10 =	veq.f32 v42, v43;
	v46 =	vsel vm9, v17, v46  }
0x190: {  	vm9 =	veq.f32 v41, v43;
	v46 =	vsel vm10, v18, v46  }
0x191: {  	vm10 =	veq.f32 v40, v43;
	v57 =	vsel vm9, v19, v46  }
0x192: {  	v43 =	vsel vm10, v2, v57  }
0x193: {  	v58 =	vperm.xlane v43, v0;
	_ =	sdelay $0x1  }
0x194: {  	vm9 =	vlt.s32 v43, v58  }
0x195: {  	v43 =	vsel vm9, v43, v58  }
0x196: {  	v46 =	vperm.xlane v43, v1;
	_ =	sdelay $0x1  }
0x197: {  	vm9 =	vlt.s32 v43, v46  }
0x198: {  	v43 =	vsel vm9, v43, v46  }
0x199: {  	v46 =	vperm.xlane v43, v3;
	_ =	sdelay $0x1  }
0x19a: {  	vm9 =	vlt.s32 v43, v46  }
0x19b: {  	v43 =	vsel vm9, v43, v46  }
0x19c: {  	v46 =	vperm.xlane v43, v4;
	_ =	sdelay $0x1  }
0x19d: {  	vm9 =	vlt.s32 v43, v46  }
0x19e: {  	v43 =	vsel vm9, v43, v46  }
0x19f: {  	vm9 =	veq.s32 v43, v2;
	vm10 =	veq.s32 v43, v19  }
0x1a0: {  	v40 =	vsel vm9, $0xFF800000, v40;
	v41 =	vsel vm10, $0xFF800000, v41;
	vm9 =	veq.s32 v43, v18  }
0x1a1: {  	v42 =	vsel vm9, $0xFF800000, v42;
	vm9 =	veq.s32 v43, v17;
	v59 =	vmax.f32 v40, v41  }
0x1a2: {  	v44 =	vsel vm9, $0xFF800000, v44;
	vm9 =	veq.s32 v43, v16;
	v46 =	vmax.f32 v59, v42  }
0x1a3: {  	v45 =	vsel vm9, $0xFF800000, v45;
	vm9 =	veq.s32 v43, v15;
	v46 =	vmax.f32 v46, v44  }
0x1a4: {  	v29 =	vsel vm9, $0xFF800000, v29;
	vm9 =	veq.s32 v43, v14;
	v46 =	vmax.f32 v46, v45  }
0x1a5: {  	v30 =	vsel vm9, $0xFF800000, v30;
	vm9 =	veq.s32 v43, v13;
	v46 =	vmax.f32 v46, v29  }
0x1a6: {  	v31 =	vsel vm9, $0xFF800000, v31;
	vm9 =	veq.s32 v43, v12;
	v46 =	vmax.f32 v46, v30  }
0x1a7: {  	v32 =	vsel vm9, $0xFF800000, v32;
	vm9 =	veq.s32 v43, v11;
	v46 =	vmax.f32 v46, v31  }
0x1a8: {  	v33 =	vsel vm9, $0xFF800000, v33;
	vm9 =	veq.s32 v43, v10;
	v46 =	vmax.f32 v46, v32  }
0x1a9: {  	v34 =	vsel vm9, $0xFF800000, v34;
	vm9 =	veq.s32 v43, v9;
	v46 =	vmax.f32 v46, v33  }
0x1aa: {  	v35 =	vsel vm9, $0xFF800000, v35;
	vm9 =	veq.s32 v43, v8;
	v46 =	vmax.f32 v46, v34  }
0x1ab: {  	v36 =	vsel vm9, $0xFF800000, v36;
	vm9 =	veq.s32 v43, v7;
	v46 =	vmax.f32 v46, v35  }
0x1ac: {  	v37 =	vsel vm9, $0xFF800000, v37;
	vm9 =	veq.s32 v43, v6;
	v46 =	vmax.f32 v46, v36  }
0x1ad: {  	v38 =	vsel vm9, $0xFF800000, v38;
	vm9 =	veq.s32 v43, v5;
	v46 =	vmax.f32 v46, v37  }
0x1ae: {  	v39 =	vsel vm9, $0xFF800000, v39;
	v46 =	vmax.f32 v46, v38  }
0x1af: {  	v46 =	vmax.f32 v46, v39  }
0x1b0: {  	v47 =	vperm.xlane v46, v0;
	_ =	sdelay $0x1  }
0x1b1: {  	v46 =	vmax.f32 v46, v47  }
0x1b2: {  	v47 =	vperm.xlane v46, v1;
	_ =	sdelay $0x1  }
0x1b3: {  	v46 =	vmax.f32 v46, v47  }
0x1b4: {  	v47 =	vperm.xlane v46, v3;
	_ =	sdelay $0x1  }
0x1b5: {  	v46 =	vmax.f32 v46, v47  }
0x1b6: {  	v47 =	vperm.xlane v46, v4;
	_ =	sdelay $0x1  }
0x1b7: {  	v46 =	vmax.f32 v46, v47  }
0x1b8: {  	vm9 =	veq.f32 v39, v46  }
0x1b9: {  	v39 =	vnsel vm9, $0x100, v5;
	vm9 =	veq.f32 v38, v46  }
0x1ba: {  	v38 =	vsel vm9, v6, v39;
	vm9 =	veq.f32 v37, v46  }
0x1bb: {  	v37 =	vsel vm9, v7, v38;
	vm9 =	veq.f32 v36, v46  }
0x1bc: {  	v36 =	vsel vm9, v8, v37;
	vm9 =	veq.f32 v35, v46  }
0x1bd: {  	v35 =	vsel vm9, v9, v36;
	vm9 =	veq.f32 v34, v46  }
0x1be: {  	v34 =	vsel vm9, v10, v35;
	vm9 =	veq.f32 v33, v46  }
0x1bf: {  	v33 =	vsel vm9, v11, v34;
	vm9 =	veq.f32 v32, v46  }
0x1c0: {  	v32 =	vsel vm9, v12, v33;
	vm9 =	veq.f32 v31, v46  }
0x1c1: {  	v31 =	vsel vm9, v13, v32;
	vm9 =	veq.f32 v30, v46  }
0x1c2: {  	v30 =	vsel vm9, v14, v31;
	vm9 =	veq.f32 v29, v46  }
0x1c3: {  	v29 =	vsel vm9, v15, v30;
	vm9 =	veq.f32 v45, v46  }
0x1c4: {  	v29 =	vsel vm9, v16, v29;
	vm9 =	veq.f32 v44, v46  }
0x1c5: {  	v29 =	vsel vm9, v17, v29;
	vm9 =	veq.f32 v42, v46  }
0x1c6: {  	v29 =	vsel vm9, v18, v29;
	vm9 =	veq.f32 v41, v46  }
0x1c7: {  	v29 =	vsel vm9, v19, v29;
	vm9 =	veq.f32 v40, v46  }
0x1c8: {  	v29 =	vsel vm9, v2, v29  }
0x1c9: {  	v60 =	vperm.xlane v29, v0;
	_ =	sdelay $0x1  }
0x1ca: {  	vm9 =	vlt.s32 v29, v60  }
0x1cb: {  	v29 =	vsel vm9, v29, v60  }
0x1cc: {  	v30 =	vperm.xlane v29, v1;
	_ =	sdelay $0x1  }
0x1cd: {  	vm9 =	vlt.s32 v29, v30  }
0x1ce: {  	v29 =	vsel vm9, v29, v30  }
0x1cf: {  	v30 =	vperm.xlane v29, v3  }
0x1d0: {  	v23 =	vnsel vm0, $0x0, v23  }
0x1d1: {  	v23 =	vsel vm1, v23, v24;
	vm9 =	vlt.s32 v29, v30  }
0x1d2: {  	v23 =	vsel vm2, v23, v25;
	v61 =	vsel vm9, v29, v30  }
0x1d3: {  	v23 =	vsel vm3, v23, v26;
	v62 =	vperm.xlane v61, v4  }
0x1d4: {  	v23 =	vsel vm4, v23, v27  }
0x1d5: {  	v23 =	vsel vm5, v23, v28;
	vm9 =	vlt.s32 v61, v62  }
0x1d6: {  	v23 =	vsel vm6, v23, v43;
	v24 =	vsel vm9, v61, v62  }
0x1d7: {  	v23 =	vsel vm7, v23, v24  }
0x1d8: {  	v24 =	vshll.u32 v23, $0x3  }
0x1d9: {  	v63 =	vand.u32 $0x7, v23;
	v24 =	vand.u32 $0xFFFFFFC0, v24  }
0x1da: {  	v24 =	vor.u32 v63, v24  }
0x1db: {  	v25 =	vperm.xlane v24, v20;
	_ =	sdelay $0x1  }
0x1dc: {  	v25 =	vadd.s32 v21, v25;
	_ =	sdelay $0x3  }
0x1dd: {  	[tilespmem:$0x100] =	vst v23  }
0x1de: {  	[tilespmem:s12], [sflag:$0x1] =	stream.indirect_vreg.gather [hbm4b:s1+s2], $0x80, v25, vm8, $0xb8;
	[tilespmem:$0x4180] =	vst v63  }
0x1df: {  	v23 =	vperm.xlane v24, v22  }
0x1e0: {  	[tilespmem:s13], [sflag:$0x1] =	stream.indirect_vreg.gather [hbm4b:s3+s2], $0x80, v25, vm8, $0xb8;
	[tilespmem:$0x4180] =	vst v63  }
0x1e1: {  	v23 =	vadd.s32 v21, v23  }
0x1e2: {  	[tilespmem:s14], [sflag:$0x1] =	stream.indirect_vreg.gather [hbm4b:s4+s2], $0x80, v25, vm8, $0xb8;
	[tilespmem:$0x4180] =	vst v63  }
0x1e3: {  	_ = 	snop  }
0x1e4: {  	[tilespmem:s15], [sflag:$0x1] =	stream.indirect_vreg.gather [hbm4b:s5+s2], $0x80, v25, vm8, $0xb8;
	[tilespmem:$0x4180] =	vst v63  }
0x1e5: {  	_ = 	snop  }
0x1e6: {  	[tilespmem:s16], [sflag:$0x1] =	stream.indirect_vreg.gather [hbm4b:s1+s2], $0x80, v23, vm8, $0xb8;
	[tilespmem:$0x4180] =	vst v63  }
0x1e7: {  	_ = 	snop  }
0x1e8: {  	[tilespmem:s17], [sflag:$0x1] =	stream.indirect_vreg.gather [hbm4b:s3+s2], $0x80, v23, vm8, $0xb8;
	[tilespmem:$0x4180] =	vst v63  }
0x1e9: {  	_ = 	snop  }
0x1ea: {  	[tilespmem:s18], [sflag:$0x1] =	stream.indirect_vreg.gather [hbm4b:s4+s2], $0x80, v23, vm8, $0xb8;
	[tilespmem:$0x4180] =	vst v63  }
0x1eb: {  	_ = 	snop  }
0x1ec: {  	[tilespmem:s19], [sflag:$0x1] =	stream.indirect_vreg.gather [hbm4b:s5+s2], $0x80, v23, vm8, $0xb8;
	[tilespmem:$0x4180] =	vst v63  }
0x1ed: {  	_ =	swait.ge [sflag:s20], $0x4000  }
0x1ee: {  	p1 =	sne.s32 s8, $0x1;
	[sflag:s20] =	ssyncset.done $0x0  }
.Ltmp1:
0x1ef: {  	[sflag:s20] =	ssyncadd.s32 $0xFFFFC000;
	(pc) =	sbr.rel @p1 .LBB2_2-.Ltmp1, $4  }
0x1f0: {  	[hbm4b:s6+s2] =	stream.linear.scatter [tilespmem:s12], [sflag:$0x2], $0x2000, $0x38;
	[tilespmem:$0x4180] =	vst v63  }
0x1f1: {  	_ =	swait.ge [sflag:s11], $0x2000  }
0x1f2: {  	[sflag:s11] =	ssyncset.done $0x0  }
0x1f3: {  	s8 =	sadd.s32 $0xFFFFFFFF, s8;
	[sflag:s11] =	ssyncadd.s32 $0xFFFFE000  }
.LBB2_3:
0x1f4: {  	_ =	sfence.sel $0x180000  }
0x1f5: {  	[bflag:$0x0] =	sbarrier.arrive $0xFFFF  }
0x1f6: {  	_ =	strace $0x90000047  }
0x1f7: {  	s0 =	sadd.s32 @!p0 $0x100000, s0;
	[bflag:$0x2] =	sbarrier.arrive $0xFFFF  }
0x1f8: {  	[sflag:s0] =	ssyncadd.tile.s32 @!p0 $0x1;
	_ =	shalt  }
.Lfunc_end2:
_tile_overlayer_lowered:
.L_overlay_start_2:
0x1f9: {  	(tag) =	ssettag $0x2  }
0x1fa: {  	s0 =	rddreg [dreg:$0x0];
	s2 =	stileid.u32  }
0x1fb: {  	s1 =	rddreg [dreg:$0x1];
	p0 =	sne.s32 s2, $0x0  }
0x1fc: {  	s3 =	rddreg [dreg:$0x2];
	[bflag:$0x3] =	sbarrier.arrive $0xFFFF;
	s2 =	simm.s32 @!p0 $0x1C02  }
0x1fd: {  	[timem:s3], [sflag:s2] =	dma.local @!p0 [hbm:s0], s1  }
0x1fe: {  	s0 =	simm.s32 @!p0 $0x2  }
0x1ff: {  	_ =	swait.ge @!p0 [sflag:s0], s1  }
0x200: {  	s1 =	ssub.s32 @!p0 $0x0, s1;
	[sflag:s0] =	ssyncset.done @!p0 $0x0  }
0x201: {  	[sflag:s0] =	ssyncadd.s32 @!p0 s1  }
0x202: {  	[bflag:$0x3] =	sbarrier.arrive $0xFFFF  }
0x203: {  	_ =	shalt  }

</sc_bundles>
